<compile_context>
chip_gen: v7x
topology: tpu7x:2x2x1
jax: 0.10.2.dev20260603
libtpu: 0.0.44.dev20260713+nightly
codegen_flags: <defaults>
</compile_context>

<pallas_src>
import functools

import jax
import jax.numpy as jnp
from jax import lax
from jax.experimental import pallas as pl
from jax.experimental.pallas import tpu as pltpu
from jax.experimental.pallas import tpu_sc as plsc

B = 8
N = 32768
K = 2048
C = 128
L = 16
NCORE = 2
NSUB = 16
MEMBERS = 4
NPER = N // MEMBERS
NCHUNK = NPER // L
IDX_CHUNKS = K // 128
CPS = C // (32 // B)

def _lanes():
    return lax.iota(jnp.int32, L)


def _ext_f32(v, lane):
    return v[lane]


def _fps_body(x_hbm, y_hbm, z_hbm, p0_hbm,
              idx_hbm, nx_hbm, ny_hbm, nz_hbm,
              x_v, y_v, z_v, d_v, p0_v, stage_v, gath_v,
              idxb_v, nxb_v, nyb_v, nzb_v, shared):
    core = lax.axis_index("c")
    sub = lax.axis_index("s")
    batch = core * (NSUB // MEMBERS) + sub // MEMBERS
    member = sub % MEMBERS
    gbase = (sub // MEMBERS) * MEMBERS
    base = member * NPER

    pltpu.sync_copy(x_hbm.at[batch, pl.ds(base, NPER)], x_v)
    pltpu.sync_copy(y_hbm.at[batch, pl.ds(base, NPER)], y_v)
    pltpu.sync_copy(z_hbm.at[batch, pl.ds(base, NPER)], z_v)
    pltpu.sync_copy(p0_hbm.at[batch], p0_v)

    inf_v = jnp.full((L,), jnp.inf, dtype=jnp.float32)

    def init_chunk(i, _):
        d_v[pl.ds(i * L, L)] = inf_v
        return 0

    lax.fori_loop(0, NCHUNK, init_chunk, 0)

    p0 = p0_v[...]
    px0 = _ext_f32(p0, 0)
    py0 = _ext_f32(p0, 1)
    pz0 = _ext_f32(p0, 2)

    lane = _lanes()
    acc0_i = jnp.zeros((L,), dtype=jnp.int32)
    acc0_x = jnp.where(lane == 0, px0, 0.0)
    acc0_y = jnp.where(lane == 0, py0, 0.0)
    acc0_z = jnp.where(lane == 0, pz0, 0.0)

    UNROLL = 8

    def step(s, carry):
        px, py, pz, acc_i, acc_x, acc_y, acc_z = carry

        def chunk(i, accs):
            outs = []
            for u in range(UNROLL):
                mv, mi = accs[2 * u], accs[2 * u + 1]
                sl = pl.ds((i + u) * L, L)
                dx = x_v[sl] - px
                dy = y_v[sl] - py
                dz = z_v[sl] - pz
                dist = dx * dx + dy * dy + dz * dz
                dn = jnp.minimum(d_v[sl], dist)
                d_v[sl] = dn
                idxs = (i + u) * L + _lanes()
                sel = dn > mv
                outs.append(jnp.where(sel, dn, mv))
                outs.append(jnp.where(sel, idxs, mi))
            return tuple(outs)

        init = (jnp.full((L,), -jnp.inf, dtype=jnp.float32),
                jnp.zeros((L,), dtype=jnp.int32)) * UNROLL
        accs = plsc.parallel_loop(0, NCHUNK, UNROLL, unroll=1,
                                  carry=init)(chunk)

        maxv, maxi = accs[0], accs[1]
        for u in range(1, UNROLL):
            cv, cidx = accs[2 * u], accs[2 * u + 1]
            take = (cv > maxv) | ((cv == maxv) & (cidx < maxi))
            maxv = jnp.where(take, cv, maxv)
            maxi = jnp.where(take, cidx, maxi)

        m = jnp.max(maxv)
        li = jnp.min(jnp.where(maxv == m, maxi, jnp.int32(2147483647)))
        gidx = base + li
        liv = jnp.full((L,), li, dtype=jnp.int32)
        cx = plsc.load_gather(x_v, [liv])[0]
        cy = plsc.load_gather(y_v, [liv])[0]
        cz = plsc.load_gather(z_v, [liv])[0]

        lane = _lanes()
        sv = jnp.where(
            lane == 0, m,
            jnp.where(lane == 1, gidx.astype(jnp.float32),
                      jnp.where(lane == 2, cx,
                                jnp.where(lane == 3, cy,
                                          jnp.where(lane == 4, cz,
                                                    jnp.float32(0.0))))))
        stage_v[...] = sv
        parity = lax.rem(s, 2)
        pltpu.sync_copy(stage_v, shared.at[parity, sub])
        plsc.subcore_barrier()
        pltpu.sync_copy(shared.at[parity, pl.ds(gbase, MEMBERS)], gath_v)

        best = gath_v[0, :]
        for k in range(1, MEMBERS):
            cand = gath_v[k, :]
            bd = _ext_f32(best, 0)
            cd = _ext_f32(cand, 0)
            bi = _ext_f32(best, 1)
            ci = _ext_f32(cand, 1)
            take = (cd > bd) | ((cd == bd) & (ci < bi))
            best = jnp.where(take, cand, best)

        wi = _ext_f32(best, 1).astype(jnp.int32)
        wx = _ext_f32(best, 2)
        wy = _ext_f32(best, 3)
        wz = _ext_f32(best, 4)

        lpos = lax.rem(s, L)
        acc_i = jnp.where(lane == lpos, wi, acc_i)
        acc_x = jnp.where(lane == lpos, wx, acc_x)
        acc_y = jnp.where(lane == lpos, wy, acc_y)
        acc_z = jnp.where(lane == lpos, wz, acc_z)

        @pl.when(jnp.logical_and(member == 0, lpos == L - 1))
        def _():
            cbase = (s // L) * L
            idxb_v[pl.ds(cbase, L)] = acc_i
            nxb_v[pl.ds(cbase, L)] = acc_x
            nyb_v[pl.ds(cbase, L)] = acc_y
            nzb_v[pl.ds(cbase, L)] = acc_z

        return (wx, wy, wz, acc_i, acc_x, acc_y, acc_z)

    lax.fori_loop(1, K, step,
                  (px0, py0, pz0, acc0_i, acc0_x, acc0_y, acc0_z))

    @pl.when(member == 0)
    def _():
        pltpu.sync_copy(idxb_v, idx_hbm.at[batch])
        pltpu.sync_copy(nxb_v, nx_hbm.at[batch])
        pltpu.sync_copy(nyb_v, ny_hbm.at[batch])
        pltpu.sync_copy(nzb_v, nz_hbm.at[batch])


def _gather_body(f_hbm, idx_hbm, out_hbm,
                 idx_v, rbase_v, lsel_v, rows_v, orow_v, sem):
    core = lax.axis_index("c")
    sub = lax.axis_index("s")
    w = core * NSUB + sub
    batch = w // (32 // B)
    cbase = (w % (32 // B)) * CPS

    pltpu.sync_copy(idx_hbm.at[batch], idx_v)

    for j in range(IDX_CHUNKS):
        for l in range(8):
            v = idx_v[pl.ds(j * 128 + l * L, L)]
            rbase_v[j, pl.ds(l * L, L)] = lax.shift_right_logical(v, 4)
            lsel_v[pl.ds(j * 128 + l * L, L)] = lax.bitwise_and(v, 15)

    def chan(ci, _):
        c = cbase + ci
        table = f_hbm.at[batch, c]
        copies = [
            pltpu.async_copy(table.at[rbase_v.at[j]],
                             rows_v.at[pl.ds(j * 128, 128)], sem)
            for j in range(IDX_CHUNKS)
        ]
        for cp in copies:
            cp.wait()

        def extract(k, _):
            rowv = k * L + _lanes()
            lanev = lsel_v[pl.ds(k * L, L)]
            orow_v[pl.ds(k * L, L)] = plsc.load_gather(rows_v, [rowv, lanev])
            return 0

        lax.fori_loop(0, K // L, extract, 0)
        pltpu.sync_copy(orow_v, out_hbm.at[batch, c])
        return 0

    lax.fori_loop(0, CPS, chan, 0)


@jax.jit
def kernel(points_xyz, features):
    mesh = plsc.VectorSubcoreMesh(
        core_axis_name="c", subcore_axis_name="s",
        num_cores=NCORE, num_subcores=NSUB)

    x = points_xyz[:, :, 0]
    y = points_xyz[:, :, 1]
    z = points_xyz[:, :, 2]
    p0 = jnp.pad(points_xyz[:, 0, :], ((0, 0), (0, L - 3)))

    fps = pl.kernel(
        _fps_body,
        out_type=(
            jax.ShapeDtypeStruct((B, K), jnp.int32),
            jax.ShapeDtypeStruct((B, K), jnp.float32),
            jax.ShapeDtypeStruct((B, K), jnp.float32),
            jax.ShapeDtypeStruct((B, K), jnp.float32),
        ),
        mesh=mesh,
        scratch_types=[
            pltpu.VMEM((NPER,), jnp.float32),
            pltpu.VMEM((NPER,), jnp.float32),
            pltpu.VMEM((NPER,), jnp.float32),
            pltpu.VMEM((NPER,), jnp.float32),
            pltpu.VMEM((L,), jnp.float32),
            pltpu.VMEM((L,), jnp.float32),
            pltpu.VMEM((MEMBERS, L), jnp.float32),
            pltpu.VMEM((K,), jnp.int32),
            pltpu.VMEM((K,), jnp.float32),
            pltpu.VMEM((K,), jnp.float32),
            pltpu.VMEM((K,), jnp.float32),
            pltpu.VMEM_SHARED((2, NSUB, L), jnp.float32),
        ],
        compiler_params=pltpu.CompilerParams(
            needs_layout_passes=False, use_tc_tiling_on_sc=False),
        name="fps_sc",
    )
    indices, nx, ny, nz = fps(x, y, z, p0)

    f4 = features.reshape(B, C, K, L)
    gather = pl.kernel(
        _gather_body,
        out_type=jax.ShapeDtypeStruct((B, C, K), jnp.float32),
        mesh=mesh,
        scratch_types=[
            pltpu.VMEM((K,), jnp.int32),
            pltpu.VMEM((IDX_CHUNKS, 128), jnp.int32),
            pltpu.VMEM((K,), jnp.int32),
            pltpu.VMEM((K, L), jnp.float32),
            pltpu.VMEM((K,), jnp.float32),
            pltpu.SemaphoreType.DMA,
        ],
        compiler_params=pltpu.CompilerParams(
            needs_layout_passes=False, use_tc_tiling_on_sc=False),
        name="feat_gather_sc",
    )
    new_fea = gather(f4, indices)

    new_xyz = jnp.stack([nx, ny, nz], axis=-1)
    return new_xyz, new_fea, indices

# --- scband reference (transcript-rebuilt; emitter-appended) ---
"""Pipeline reference for scband-sample-and-gather-54219667144938 (READ-ONLY COPY).

The authoritative reference and input builder live on the scoring server;
editing this copy changes nothing except your own understanding.
"""

import jax, jax.numpy as jnp
import numpy as np

NUM_POINT = 2048


def setup_inputs(seed: int = 0) -> dict:
    key = jax.random.key(seed)
    k1, k2 = jax.random.split(key)
    points_xyz = jax.random.normal(k1, (8, 32768, 3), dtype=jnp.float32)
    features = jax.random.normal(k2, (8, 128, 32768), dtype=jnp.float32)
    return {"points_xyz": points_xyz, "features": features}


def _farthest_point_sampling(xyz, K):
    # Faithful to pytorch3d.ops.sample_farthest_points with random_start_point=False
    # (deterministic start at index 0).
    B, N, _ = xyz.shape
    first = jnp.zeros((B,), dtype=jnp.int32)
    idxs0 = jnp.zeros((B, K), dtype=jnp.int32).at[:, 0].set(first)
    dists0 = jnp.full((B, N), jnp.inf, dtype=jnp.float32)

    def body(i, state):
        dists, idxs, last = state
        last_idx = jnp.broadcast_to(last[:, None, None], (B, 1, 3))
        last_pt = jnp.take_along_axis(xyz, last_idx, axis=1)  # (B, 1, 3)
        d = jnp.sum((xyz - last_pt) ** 2, axis=-1)  # (B, N)
        dists = jnp.minimum(dists, d)
        nxt = jnp.argmax(dists, axis=-1).astype(jnp.int32)  # (B,)
        idxs = idxs.at[:, i].set(nxt)
        return (dists, idxs, nxt)

    _, idxs, _ = jax.lax.fori_loop(1, K, body, (dists0, idxs0, first))
    return idxs


def reference(points_xyz, features):
    """SampleAndGather.fps_t3d:
      new_xyz, indices = sample_farthest_points(points_xyz, K=num_point)
      new_fea = masked_gather(features.transpose(1,2), indices).transpose(1,2)
    Returns (new_xyz: (B,S,3), new_fea: (B,C,S), indices: (B,S)).
    """
    B, N, _ = points_xyz.shape
    indices = _farthest_point_sampling(points_xyz, NUM_POINT)  # (B, S)
    new_xyz = jnp.take_along_axis(
        points_xyz, jnp.broadcast_to(indices[:, :, None], (B, NUM_POINT, 3)), axis=1
    )  # (B, S, 3)
    C = features.shape[1]
    new_fea = jnp.take_along_axis(
        features, jnp.broadcast_to(indices[:, None, :], (B, C, NUM_POINT)), axis=2
    )  # (B, C, S)
    return new_xyz, new_fea, indices

if __name__ == "__main__":
    import jax
    _d = setup_inputs()
    print(jax.jit(kernel)(*tuple(_d.values())))

</pallas_src>

<mosaic_0001>
#map = affine_map<(d0, d1) -> (0, 0)>
module attributes {stable_mosaic.version = 14 : i64} {
  func.func @fps_sc(%arg0: i32, %arg1: i32, %arg2: memref<8x32768xf32, #tpu.memory_space<hbm>>, %arg3: memref<8x32768xf32, #tpu.memory_space<hbm>>, %arg4: memref<8x32768xf32, #tpu.memory_space<hbm>>, %arg5: memref<8x16xf32, #tpu.memory_space<hbm>>, %arg6: memref<8x2048xi32, #tpu.memory_space<hbm>>, %arg7: memref<8x2048xf32, #tpu.memory_space<hbm>>, %arg8: memref<8x2048xf32, #tpu.memory_space<hbm>>, %arg9: memref<8x2048xf32, #tpu.memory_space<hbm>>, %arg10: memref<8192xf32, #tpu.memory_space<vmem>>, %arg11: memref<8192xf32, #tpu.memory_space<vmem>>, %arg12: memref<8192xf32, #tpu.memory_space<vmem>>, %arg13: memref<8192xf32, #tpu.memory_space<vmem>>, %arg14: memref<16xf32, #tpu.memory_space<vmem>>, %arg15: memref<16xf32, #tpu.memory_space<vmem>>, %arg16: memref<4x16xf32, #tpu.memory_space<vmem>>, %arg17: memref<2048xi32, #tpu.memory_space<vmem>>, %arg18: memref<2048xf32, #tpu.memory_space<vmem>>, %arg19: memref<2048xf32, #tpu.memory_space<vmem>>, %arg20: memref<2048xf32, #tpu.memory_space<vmem>>, %arg21: memref<2x16x16xf32, #tpu.memory_space<vmem_shared>>) attributes {dimension_semantics = [#tpu.dimension_semantics<core_parallel>, #tpu.dimension_semantics<subcore_parallel>], iteration_bounds = array<i64: 2, 16>, scalar_prefetch = 0 : i64, scratch_operands = 12 : i64, tpu.core_type = #tpu.core_type<sc_vector_subcore>, window_params = [{transform_indices = #map}, {transform_indices = #map}, {transform_indices = #map}, {transform_indices = #map}, {transform_indices = #map}, {transform_indices = #map}, {transform_indices = #map}, {transform_indices = #map}]} {
    %mul3A = arith.constant 4 : i32
    %mul3A_0 = arith.muli %arg0, %mul3A : i32
    %jit3A = arith.constant 4 : i32
    %div3A = arith.divsi %arg1, %jit3A : i32
    %sign3A = arith.constant 0 : i32
    %sign3A_1 = arith.cmpi sgt, %arg1, %sign3A : i32
    %sign3A_2 = arith.extui %sign3A_1 : i1 to i32
    %sign3A_3 = arith.constant 0 : i32
    %sign3A_4 = arith.cmpi slt, %arg1, %sign3A_3 : i32
    %sign3A_5 = arith.extui %sign3A_4 : i1 to i32
    %sign3A_6 = arith.subi %sign3A_2, %sign3A_5 : i32
    %sign3A_7 = arith.constant 0 : i32
    %sign3A_8 = arith.cmpi sgt, %jit3A, %sign3A_7 : i32
    %sign3A_9 = arith.extui %sign3A_8 : i1 to i32
    %sign3A_10 = arith.constant 0 : i32
    %sign3A_11 = arith.cmpi slt, %jit3A, %sign3A_10 : i32
    %sign3A_12 = arith.extui %sign3A_11 : i1 to i32
    %sign3A_13 = arith.subi %sign3A_9, %sign3A_12 : i32
    %ne3A = arith.cmpi ne, %sign3A_6, %sign3A_13 : i32
    %rem3A = arith.remsi %arg1, %jit3A : i32
    %ne3A_14 = arith.constant 0 : i32
    %ne3A_15 = arith.cmpi ne, %rem3A, %ne3A_14 : i32
    %and3A = arith.andi %ne3A, %ne3A_15 : i1
    %sub3A = arith.constant 1 : i32
    %sub3A_16 = arith.subi %div3A, %sub3A : i32
    %select_n3A = arith.select %and3A, %sub3A_16, %div3A : i32
    %add3A = arith.addi %mul3A_0, %select_n3A : i32
    %jit3A_17 = arith.constant 4 : i32
    %eq3A = arith.constant 0 : i32
    %eq3A_18 = arith.cmpi eq, %jit3A_17, %eq3A : i32
    %jit3A_19 = arith.constant 1 : i32
    %select_n3A_20 = arith.select %eq3A_18, %jit3A_19, %jit3A_17 : i32
    %rem3A_21 = arith.remsi %arg1, %select_n3A_20 : i32
    %ne3A_22 = arith.constant 0 : i32
    %ne3A_23 = arith.cmpi ne, %rem3A_21, %ne3A_22 : i32
    %lt3A = arith.constant 0 : i32
    %lt3A_24 = arith.cmpi slt, %rem3A_21, %lt3A : i32
    %lt3A_25 = arith.constant 0 : i32
    %lt3A_26 = arith.cmpi slt, %select_n3A_20, %lt3A_25 : i32
    %ne3A_27 = arith.xori %lt3A_24, %lt3A_26 : i1
    %and3A_28 = arith.andi %ne3A_27, %ne3A_23 : i1
    %add3A_29 = arith.addi %rem3A_21, %select_n3A_20 : i32
    %select_n3A_30 = arith.select %and3A_28, %add3A_29, %rem3A_21 : i32
    %jit3A_31 = arith.constant 4 : i32
    %div3A_32 = arith.divsi %arg1, %jit3A_31 : i32
    %sign3A_33 = arith.constant 0 : i32
    %sign3A_34 = arith.cmpi sgt, %arg1, %sign3A_33 : i32
    %sign3A_35 = arith.extui %sign3A_34 : i1 to i32
    %sign3A_36 = arith.constant 0 : i32
    %sign3A_37 = arith.cmpi slt, %arg1, %sign3A_36 : i32
    %sign3A_38 = arith.extui %sign3A_37 : i1 to i32
    %sign3A_39 = arith.subi %sign3A_35, %sign3A_38 : i32
    %sign3A_40 = arith.constant 0 : i32
    %sign3A_41 = arith.cmpi sgt, %jit3A_31, %sign3A_40 : i32
    %sign3A_42 = arith.extui %sign3A_41 : i1 to i32
    %sign3A_43 = arith.constant 0 : i32
    %sign3A_44 = arith.cmpi slt, %jit3A_31, %sign3A_43 : i32
    %sign3A_45 = arith.extui %sign3A_44 : i1 to i32
    %sign3A_46 = arith.subi %sign3A_42, %sign3A_45 : i32
    %ne3A_47 = arith.cmpi ne, %sign3A_39, %sign3A_46 : i32
    %rem3A_48 = arith.remsi %arg1, %jit3A_31 : i32
    %ne3A_49 = arith.constant 0 : i32
    %ne3A_50 = arith.cmpi ne, %rem3A_48, %ne3A_49 : i32
    %and3A_51 = arith.andi %ne3A_47, %ne3A_50 : i1
    %sub3A_52 = arith.constant 1 : i32
    %sub3A_53 = arith.subi %div3A_32, %sub3A_52 : i32
    %select_n3A_54 = arith.select %and3A_51, %sub3A_53, %div3A_32 : i32
    %mul3A_55 = arith.constant 4 : i32
    %mul3A_56 = arith.muli %select_n3A_54, %mul3A_55 : i32
    %mul3A_57 = arith.constant 8192 : i32
    %mul3A_58 = arith.muli %select_n3A_30, %mul3A_57 : i32
    "tpu.region"() ({
      %run_scoped3A = tpu.sem_alloc : memref<!tpu.dma_semaphore, #tpu.memory_space<semaphore_mem>>
      %dma_start3A = tpu.memref_slice %arg2[%add3A, %mul3A_58] : memref<8x32768xf32, #tpu.memory_space<hbm>> -> memref<1x8192xf32, #tpu.memory_space<hbm>>
      %dma_start3A_103 = tpu.memref_squeeze %dma_start3A : memref<1x8192xf32, #tpu.memory_space<hbm>> -> memref<8192xf32, #tpu.memory_space<hbm>>
      %dma_start3A_104 = tpu.memref_slice %arg2[%add3A, %mul3A_58] : memref<8x32768xf32, #tpu.memory_space<hbm>> -> memref<1x8192xf32, #tpu.memory_space<hbm>>
      %dma_start3A_105 = tpu.memref_squeeze %dma_start3A_104 : memref<1x8192xf32, #tpu.memory_space<hbm>> -> memref<8192xf32, #tpu.memory_space<hbm>>
      tpu.enqueue_dma source(%dma_start3A_105 : memref<8192xf32, #tpu.memory_space<hbm>>) target(%arg10 : memref<8192xf32, #tpu.memory_space<vmem>>) target_semaphore(%run_scoped3A : memref<!tpu.dma_semaphore, #tpu.memory_space<semaphore_mem>>)
      %dma_wait3A = tpu.memref_slice %arg2[%add3A, %mul3A_58] : memref<8x32768xf32, #tpu.memory_space<hbm>> -> memref<1x8192xf32, #tpu.memory_space<hbm>>
      %dma_wait3A_106 = tpu.memref_squeeze %dma_wait3A : memref<1x8192xf32, #tpu.memory_space<hbm>> -> memref<8192xf32, #tpu.memory_space<hbm>>
      %dma_wait3A_107 = tpu.memref_slice %arg2[%add3A, %mul3A_58] : memref<8x32768xf32, #tpu.memory_space<hbm>> -> memref<1x8192xf32, #tpu.memory_space<hbm>>
      %dma_wait3A_108 = tpu.memref_squeeze %dma_wait3A_107 : memref<1x8192xf32, #tpu.memory_space<hbm>> -> memref<8192xf32, #tpu.memory_space<hbm>>
      tpu.wait_dma2 semaphore(%run_scoped3A : memref<!tpu.dma_semaphore, #tpu.memory_space<semaphore_mem>>) src(%dma_wait3A_108 : memref<8192xf32, #tpu.memory_space<hbm>>) dst(%arg10 : memref<8192xf32, #tpu.memory_space<vmem>>)
      tpu.yield
    }) : () -> ()
    "tpu.region"() ({
      %run_scoped3A = tpu.sem_alloc : memref<!tpu.dma_semaphore, #tpu.memory_space<semaphore_mem>>
      %dma_start3A = tpu.memref_slice %arg3[%add3A, %mul3A_58] : memref<8x32768xf32, #tpu.memory_space<hbm>> -> memref<1x8192xf32, #tpu.memory_space<hbm>>
      %dma_start3A_103 = tpu.memref_squeeze %dma_start3A : memref<1x8192xf32, #tpu.memory_space<hbm>> -> memref<8192xf32, #tpu.memory_space<hbm>>
      %dma_start3A_104 = tpu.memref_slice %arg3[%add3A, %mul3A_58] : memref<8x32768xf32, #tpu.memory_space<hbm>> -> memref<1x8192xf32, #tpu.memory_space<hbm>>
      %dma_start3A_105 = tpu.memref_squeeze %dma_start3A_104 : memref<1x8192xf32, #tpu.memory_space<hbm>> -> memref<8192xf32, #tpu.memory_space<hbm>>
      tpu.enqueue_dma source(%dma_start3A_105 : memref<8192xf32, #tpu.memory_space<hbm>>) target(%arg11 : memref<8192xf32, #tpu.memory_space<vmem>>) target_semaphore(%run_scoped3A : memref<!tpu.dma_semaphore, #tpu.memory_space<semaphore_mem>>)
      %dma_wait3A = tpu.memref_slice %arg3[%add3A, %mul3A_58] : memref<8x32768xf32, #tpu.memory_space<hbm>> -> memref<1x8192xf32, #tpu.memory_space<hbm>>
      %dma_wait3A_106 = tpu.memref_squeeze %dma_wait3A : memref<1x8192xf32, #tpu.memory_space<hbm>> -> memref<8192xf32, #tpu.memory_space<hbm>>
      %dma_wait3A_107 = tpu.memref_slice %arg3[%add3A, %mul3A_58] : memref<8x32768xf32, #tpu.memory_space<hbm>> -> memref<1x8192xf32, #tpu.memory_space<hbm>>
      %dma_wait3A_108 = tpu.memref_squeeze %dma_wait3A_107 : memref<1x8192xf32, #tpu.memory_space<hbm>> -> memref<8192xf32, #tpu.memory_space<hbm>>
      tpu.wait_dma2 semaphore(%run_scoped3A : memref<!tpu.dma_semaphore, #tpu.memory_space<semaphore_mem>>) src(%dma_wait3A_108 : memref<8192xf32, #tpu.memory_space<hbm>>) dst(%arg11 : memref<8192xf32, #tpu.memory_space<vmem>>)
      tpu.yield
    }) : () -> ()
    "tpu.region"() ({
      %run_scoped3A = tpu.sem_alloc : memref<!tpu.dma_semaphore, #tpu.memory_space<semaphore_mem>>
      %dma_start3A = tpu.memref_slice %arg4[%add3A, %mul3A_58] : memref<8x32768xf32, #tpu.memory_space<hbm>> -> memref<1x8192xf32, #tpu.memory_space<hbm>>
      %dma_start3A_103 = tpu.memref_squeeze %dma_start3A : memref<1x8192xf32, #tpu.memory_space<hbm>> -> memref<8192xf32, #tpu.memory_space<hbm>>
      %dma_start3A_104 = tpu.memref_slice %arg4[%add3A, %mul3A_58] : memref<8x32768xf32, #tpu.memory_space<hbm>> -> memref<1x8192xf32, #tpu.memory_space<hbm>>
      %dma_start3A_105 = tpu.memref_squeeze %dma_start3A_104 : memref<1x8192xf32, #tpu.memory_space<hbm>> -> memref<8192xf32, #tpu.memory_space<hbm>>
      tpu.enqueue_dma source(%dma_start3A_105 : memref<8192xf32, #tpu.memory_space<hbm>>) target(%arg12 : memref<8192xf32, #tpu.memory_space<vmem>>) target_semaphore(%run_scoped3A : memref<!tpu.dma_semaphore, #tpu.memory_space<semaphore_mem>>)
      %dma_wait3A = tpu.memref_slice %arg4[%add3A, %mul3A_58] : memref<8x32768xf32, #tpu.memory_space<hbm>> -> memref<1x8192xf32, #tpu.memory_space<hbm>>
      %dma_wait3A_106 = tpu.memref_squeeze %dma_wait3A : memref<1x8192xf32, #tpu.memory_space<hbm>> -> memref<8192xf32, #tpu.memory_space<hbm>>
      %dma_wait3A_107 = tpu.memref_slice %arg4[%add3A, %mul3A_58] : memref<8x32768xf32, #tpu.memory_space<hbm>> -> memref<1x8192xf32, #tpu.memory_space<hbm>>
      %dma_wait3A_108 = tpu.memref_squeeze %dma_wait3A_107 : memref<1x8192xf32, #tpu.memory_space<hbm>> -> memref<8192xf32, #tpu.memory_space<hbm>>
      tpu.wait_dma2 semaphore(%run_scoped3A : memref<!tpu.dma_semaphore, #tpu.memory_space<semaphore_mem>>) src(%dma_wait3A_108 : memref<8192xf32, #tpu.memory_space<hbm>>) dst(%arg12 : memref<8192xf32, #tpu.memory_space<vmem>>)
      tpu.yield
    }) : () -> ()
    "tpu.region"() ({
      %run_scoped3A = tpu.sem_alloc : memref<!tpu.dma_semaphore, #tpu.memory_space<semaphore_mem>>
      %dma_start3A = arith.constant 0 : i32
      %dma_start3A_103 = tpu.memref_slice %arg5[%add3A, %dma_start3A] : memref<8x16xf32, #tpu.memory_space<hbm>> -> memref<1x16xf32, #tpu.memory_space<hbm>>
      %dma_start3A_104 = tpu.memref_squeeze %dma_start3A_103 : memref<1x16xf32, #tpu.memory_space<hbm>> -> memref<16xf32, #tpu.memory_space<hbm>>
      %dma_start3A_105 = arith.constant 0 : i32
      %dma_start3A_106 = tpu.memref_slice %arg5[%add3A, %dma_start3A_105] : memref<8x16xf32, #tpu.memory_space<hbm>> -> memref<1x16xf32, #tpu.memory_space<hbm>>
      %dma_start3A_107 = tpu.memref_squeeze %dma_start3A_106 : memref<1x16xf32, #tpu.memory_space<hbm>> -> memref<16xf32, #tpu.memory_space<hbm>>
      tpu.enqueue_dma source(%dma_start3A_107 : memref<16xf32, #tpu.memory_space<hbm>>) target(%arg14 : memref<16xf32, #tpu.memory_space<vmem>>) target_semaphore(%run_scoped3A : memref<!tpu.dma_semaphore, #tpu.memory_space<semaphore_mem>>)
      %dma_wait3A = arith.constant 0 : i32
      %dma_wait3A_108 = tpu.memref_slice %arg5[%add3A, %dma_wait3A] : memref<8x16xf32, #tpu.memory_space<hbm>> -> memref<1x16xf32, #tpu.memory_space<hbm>>
      %dma_wait3A_109 = tpu.memref_squeeze %dma_wait3A_108 : memref<1x16xf32, #tpu.memory_space<hbm>> -> memref<16xf32, #tpu.memory_space<hbm>>
      %dma_wait3A_110 = arith.constant 0 : i32
      %dma_wait3A_111 = tpu.memref_slice %arg5[%add3A, %dma_wait3A_110] : memref<8x16xf32, #tpu.memory_space<hbm>> -> memref<1x16xf32, #tpu.memory_space<hbm>>
      %dma_wait3A_112 = tpu.memref_squeeze %dma_wait3A_111 : memref<1x16xf32, #tpu.memory_space<hbm>> -> memref<16xf32, #tpu.memory_space<hbm>>
      tpu.wait_dma2 semaphore(%run_scoped3A : memref<!tpu.dma_semaphore, #tpu.memory_space<semaphore_mem>>) src(%dma_wait3A_112 : memref<16xf32, #tpu.memory_space<hbm>>) dst(%arg14 : memref<16xf32, #tpu.memory_space<vmem>>)
      tpu.yield
    }) : () -> ()
    %broadcast_in_dim3A = arith.constant 0x7F800000 : f32
    %broadcast_in_dim3A_59 = vector.broadcast %broadcast_in_dim3A : f32 to vector<16xf32>
    %scan3A = arith.constant 0 : i32
    %scan3A_60 = arith.constant 0 : i32
    %scan3A_61 = arith.constant 512 : i32
    %scan3A_62 = arith.addi %scan3A_60, %scan3A_61 : i32
    %scan3A_63 = arith.constant 1 : i32
    %scan3A_64 = scf.for %scan3A_103 = %scan3A_60 to %scan3A_62 step %scan3A_63 iter_args(%scan3A_104 = %scan3A) -> (i32)  : i32 {
      %mul3A_105 = arith.constant 16 : i32
      %mul3A_106 = arith.muli %scan3A_103, %mul3A_105 : i32
      %swap3A = arith.index_cast %mul3A_106 : i32 to index
      %swap3A_107 = tpu.vector_load %arg13[%swap3A] {strides = array<i32>} : memref<8192xf32, #tpu.memory_space<vmem>>, vector<16xf32>,
      tpu.vector_store %arg13[%swap3A], %broadcast_in_dim3A_59 {strides = array<i32>} : memref<8192xf32, #tpu.memory_space<vmem>>, vector<16xf32>,
      %scan3A_108 = arith.constant 0 : i32
      scf.yield %scan3A_108 : i32
    }
    %scan3A_65 = arith.constant 512 : i32
    %get3A = arith.constant 0 : index
    %get3A_66 = tpu.vector_load %arg14[%get3A] {strides = array<i32>} : memref<16xf32, #tpu.memory_space<vmem>>, vector<16xf32>,
    %slice3A = vector.extract_strided_slice %get3A_66 {offsets = [0], sizes = [1], strides = [1]} : vector<16xf32> to vector<1xf32>
    %squeeze3A = vector.extract %slice3A[0] : f32 from vector<1xf32>
    %slice3A_67 = vector.extract_strided_slice %get3A_66 {offsets = [1], sizes = [1], strides = [1]} : vector<16xf32> to vector<1xf32>
    %squeeze3A_68 = vector.extract %slice3A_67[0] : f32 from vector<1xf32>
    %slice3A_69 = vector.extract_strided_slice %get3A_66 {offsets = [2], sizes = [1], strides = [1]} : vector<16xf32> to vector<1xf32>
    %squeeze3A_70 = vector.extract %slice3A_69[0] : f32 from vector<1xf32>
    %iota3A = tpu.iota {dimensions = array<i32: 0>} : vector<16xi32>
    %broadcast_in_dim3A_71 = arith.constant 0 : i32
    %broadcast_in_dim3A_72 = vector.broadcast %broadcast_in_dim3A_71 : i32 to vector<16xi32>
    %eq3A_73 = arith.constant 0 : i32
    %eq3A_74 = vector.broadcast %eq3A_73 : i32 to vector<16xi32>
    %eq3A_75 = arith.cmpi eq, %iota3A, %eq3A_74 : vector<16xi32>
    %jit3A_76 = arith.constant 0.000000e+00 : f32
    %broadcast_in_dim3A_77 = vector.broadcast %squeeze3A : f32 to vector<16xf32>
    %broadcast_in_dim3A_78 = vector.broadcast %jit3A_76 : f32 to vector<16xf32>
    %select_n3A_79 = arith.select %eq3A_75, %broadcast_in_dim3A_77, %broadcast_in_dim3A_78 : vector<16xi1>, vector<16xf32>
    %eq3A_80 = arith.constant 0 : i32
    %eq3A_81 = vector.broadcast %eq3A_80 : i32 to vector<16xi32>
    %eq3A_82 = arith.cmpi eq, %iota3A, %eq3A_81 : vector<16xi32>
    %jit3A_83 = arith.constant 0.000000e+00 : f32
    %broadcast_in_dim3A_84 = vector.broadcast %squeeze3A_68 : f32 to vector<16xf32>
    %broadcast_in_dim3A_85 = vector.broadcast %jit3A_83 : f32 to vector<16xf32>
    %select_n3A_86 = arith.select %eq3A_82, %broadcast_in_dim3A_84, %broadcast_in_dim3A_85 : vector<16xi1>, vector<16xf32>
    %eq3A_87 = arith.constant 0 : i32
    %eq3A_88 = vector.broadcast %eq3A_87 : i32 to vector<16xi32>
    %eq3A_89 = arith.cmpi eq, %iota3A, %eq3A_88 : vector<16xi32>
    %jit3A_90 = arith.constant 0.000000e+00 : f32
    %broadcast_in_dim3A_91 = vector.broadcast %squeeze3A_70 : f32 to vector<16xf32>
    %broadcast_in_dim3A_92 = vector.broadcast %jit3A_90 : f32 to vector<16xf32>
    %select_n3A_93 = arith.select %eq3A_89, %broadcast_in_dim3A_91, %broadcast_in_dim3A_92 : vector<16xi1>, vector<16xf32>
    %scan3A_94 = arith.constant 1 : i32
    %scan3A_95 = arith.constant 2047 : i32
    %scan3A_96 = arith.addi %scan3A_94, %scan3A_95 : i32
    %scan3A_97 = arith.constant 1 : i32
    %scan3A_98:7 = scf.for %scan3A_103 = %scan3A_94 to %scan3A_96 step %scan3A_97 iter_args(%scan3A_104 = %squeeze3A, %scan3A_105 = %squeeze3A_68, %scan3A_106 = %squeeze3A_70, %scan3A_107 = %broadcast_in_dim3A_72, %scan3A_108 = %select_n3A_79, %scan3A_109 = %select_n3A_86, %scan3A_110 = %select_n3A_93) -> (f32, f32, f32, vector<16xi32>, vector<16xf32>, vector<16xf32>, vector<16xf32>)  : i32 {
      %broadcast_in_dim3A_111 = arith.constant 0xFF800000 : f32
      %broadcast_in_dim3A_112 = vector.broadcast %broadcast_in_dim3A_111 : f32 to vector<16xf32>
      %broadcast_in_dim3A_113 = arith.constant 0 : i32
      %broadcast_in_dim3A_114 = vector.broadcast %broadcast_in_dim3A_113 : i32 to vector<16xi32>
      %parallel_loop3A = arith.constant 0 : i32
      %parallel_loop3A_115 = arith.constant 512 : i32
      %parallel_loop3A_116 = arith.constant 8 : i32
      %parallel_loop3A_117:16 = scf.for %parallel_loop3A_315 = %parallel_loop3A to %parallel_loop3A_115 step %parallel_loop3A_116 iter_args(%parallel_loop3A_316 = %broadcast_in_dim3A_112, %parallel_loop3A_317 = %broadcast_in_dim3A_114, %parallel_loop3A_318 = %broadcast_in_dim3A_112, %parallel_loop3A_319 = %broadcast_in_dim3A_114, %parallel_loop3A_320 = %broadcast_in_dim3A_112, %parallel_loop3A_321 = %broadcast_in_dim3A_114, %parallel_loop3A_322 = %broadcast_in_dim3A_112, %parallel_loop3A_323 = %broadcast_in_dim3A_114, %parallel_loop3A_324 = %broadcast_in_dim3A_112, %parallel_loop3A_325 = %broadcast_in_dim3A_114, %parallel_loop3A_326 = %broadcast_in_dim3A_112, %parallel_loop3A_327 = %broadcast_in_dim3A_114, %parallel_loop3A_328 = %broadcast_in_dim3A_112, %parallel_loop3A_329 = %broadcast_in_dim3A_114, %parallel_loop3A_330 = %broadcast_in_dim3A_112, %parallel_loop3A_331 = %broadcast_in_dim3A_114) -> (vector<16xf32>, vector<16xi32>, vector<16xf32>, vector<16xi32>, vector<16xf32>, vector<16xi32>, vector<16xf32>, vector<16xi32>, vector<16xf32>, vector<16xi32>, vector<16xf32>, vector<16xi32>, vector<16xf32>, vector<16xi32>, vector<16xf32>, vector<16xi32>)  : i32 {
        %parallel_loop3A_332 = arith.constant 0 : i32
        %parallel_loop3A_333 = arith.addi %parallel_loop3A_315, %parallel_loop3A_332 : i32
        %parallel_loop3A_334 = arith.constant 16 : i32
        %parallel_loop3A_335 = arith.muli %parallel_loop3A_333, %parallel_loop3A_334 : i32
        %parallel_loop3A_336 = arith.index_cast %parallel_loop3A_335 : i32 to index
        %parallel_loop3A_337 = tpu.vector_load %arg10[%parallel_loop3A_336] {strides = array<i32>} : memref<8192xf32, #tpu.memory_space<vmem>>, vector<16xf32>,
        %parallel_loop3A_338 = vector.broadcast %scan3A_104 : f32 to vector<16xf32>
        %parallel_loop3A_339 = arith.subf %parallel_loop3A_337, %parallel_loop3A_338 : vector<16xf32>
        %parallel_loop3A_340 = arith.index_cast %parallel_loop3A_335 : i32 to index
        %parallel_loop3A_341 = tpu.vector_load %arg11[%parallel_loop3A_340] {strides = array<i32>} : memref<8192xf32, #tpu.memory_space<vmem>>, vector<16xf32>,
        %parallel_loop3A_342 = vector.broadcast %scan3A_105 : f32 to vector<16xf32>
        %parallel_loop3A_343 = arith.subf %parallel_loop3A_341, %parallel_loop3A_342 : vector<16xf32>
        %parallel_loop3A_344 = arith.index_cast %parallel_loop3A_335 : i32 to index
        %parallel_loop3A_345 = tpu.vector_load %arg12[%parallel_loop3A_344] {strides = array<i32>} : memref<8192xf32, #tpu.memory_space<vmem>>, vector<16xf32>,
        %parallel_loop3A_346 = vector.broadcast %scan3A_106 : f32 to vector<16xf32>
        %parallel_loop3A_347 = arith.subf %parallel_loop3A_345, %parallel_loop3A_346 : vector<16xf32>
        %parallel_loop3A_348 = arith.mulf %parallel_loop3A_339, %parallel_loop3A_339 : vector<16xf32>
        %parallel_loop3A_349 = arith.mulf %parallel_loop3A_343, %parallel_loop3A_343 : vector<16xf32>
        %parallel_loop3A_350 = arith.addf %parallel_loop3A_348, %parallel_loop3A_349 : vector<16xf32>
        %parallel_loop3A_351 = arith.mulf %parallel_loop3A_347, %parallel_loop3A_347 : vector<16xf32>
        %parallel_loop3A_352 = arith.addf %parallel_loop3A_350, %parallel_loop3A_351 : vector<16xf32>
        %parallel_loop3A_353 = arith.index_cast %parallel_loop3A_335 : i32 to index
        %parallel_loop3A_354 = tpu.vector_load %arg13[%parallel_loop3A_353] {strides = array<i32>} : memref<8192xf32, #tpu.memory_space<vmem>>, vector<16xf32>,
        %parallel_loop3A_355 = arith.minimumf %parallel_loop3A_354, %parallel_loop3A_352 : vector<16xf32>
        %parallel_loop3A_356 = arith.index_cast %parallel_loop3A_335 : i32 to index
        %parallel_loop3A_357 = tpu.vector_load %arg13[%parallel_loop3A_356] {strides = array<i32>} : memref<8192xf32, #tpu.memory_space<vmem>>, vector<16xf32>,
        tpu.vector_store %arg13[%parallel_loop3A_356], %parallel_loop3A_355 {strides = array<i32>} : memref<8192xf32, #tpu.memory_space<vmem>>, vector<16xf32>,
        %parallel_loop3A_358 = arith.constant 0 : i32
        %parallel_loop3A_359 = arith.addi %parallel_loop3A_315, %parallel_loop3A_358 : i32
        %parallel_loop3A_360 = arith.constant 16 : i32
        %parallel_loop3A_361 = arith.muli %parallel_loop3A_359, %parallel_loop3A_360 : i32
        %parallel_loop3A_362 = tpu.iota {dimensions = array<i32: 0>} : vector<16xi32>
        %parallel_loop3A_363 = vector.broadcast %parallel_loop3A_361 : i32 to vector<16xi32>
        %parallel_loop3A_364 = arith.addi %parallel_loop3A_363, %parallel_loop3A_362 : vector<16xi32>
        %parallel_loop3A_365 = arith.cmpf ogt, %parallel_loop3A_355, %parallel_loop3A_316 : vector<16xf32>
        %parallel_loop3A_366 = arith.select %parallel_loop3A_365, %parallel_loop3A_355, %parallel_loop3A_316 : vector<16xi1>, vector<16xf32>
        %parallel_loop3A_367 = arith.select %parallel_loop3A_365, %parallel_loop3A_364, %parallel_loop3A_317 : vector<16xi1>, vector<16xi32>
        %parallel_loop3A_368 = arith.constant 1 : i32
        %parallel_loop3A_369 = arith.addi %parallel_loop3A_315, %parallel_loop3A_368 : i32
        %parallel_loop3A_370 = arith.constant 16 : i32
        %parallel_loop3A_371 = arith.muli %parallel_loop3A_369, %parallel_loop3A_370 : i32
        %parallel_loop3A_372 = arith.index_cast %parallel_loop3A_371 : i32 to index
        %parallel_loop3A_373 = tpu.vector_load %arg10[%parallel_loop3A_372] {strides = array<i32>} : memref<8192xf32, #tpu.memory_space<vmem>>, vector<16xf32>,
        %parallel_loop3A_374 = vector.broadcast %scan3A_104 : f32 to vector<16xf32>
        %parallel_loop3A_375 = arith.subf %parallel_loop3A_373, %parallel_loop3A_374 : vector<16xf32>
        %parallel_loop3A_376 = arith.index_cast %parallel_loop3A_371 : i32 to index
        %parallel_loop3A_377 = tpu.vector_load %arg11[%parallel_loop3A_376] {strides = array<i32>} : memref<8192xf32, #tpu.memory_space<vmem>>, vector<16xf32>,
        %parallel_loop3A_378 = vector.broadcast %scan3A_105 : f32 to vector<16xf32>
        %parallel_loop3A_379 = arith.subf %parallel_loop3A_377, %parallel_loop3A_378 : vector<16xf32>
        %parallel_loop3A_380 = arith.index_cast %parallel_loop3A_371 : i32 to index
        %parallel_loop3A_381 = tpu.vector_load %arg12[%parallel_loop3A_380] {strides = array<i32>} : memref<8192xf32, #tpu.memory_space<vmem>>, vector<16xf32>,
        %parallel_loop3A_382 = vector.broadcast %scan3A_106 : f32 to vector<16xf32>
        %parallel_loop3A_383 = arith.subf %parallel_loop3A_381, %parallel_loop3A_382 : vector<16xf32>
        %parallel_loop3A_384 = arith.mulf %parallel_loop3A_375, %parallel_loop3A_375 : vector<16xf32>
        %parallel_loop3A_385 = arith.mulf %parallel_loop3A_379, %parallel_loop3A_379 : vector<16xf32>
        %parallel_loop3A_386 = arith.addf %parallel_loop3A_384, %parallel_loop3A_385 : vector<16xf32>
        %parallel_loop3A_387 = arith.mulf %parallel_loop3A_383, %parallel_loop3A_383 : vector<16xf32>
        %parallel_loop3A_388 = arith.addf %parallel_loop3A_386, %parallel_loop3A_387 : vector<16xf32>
        %parallel_loop3A_389 = arith.index_cast %parallel_loop3A_371 : i32 to index
        %parallel_loop3A_390 = tpu.vector_load %arg13[%parallel_loop3A_389] {strides = array<i32>} : memref<8192xf32, #tpu.memory_space<vmem>>, vector<16xf32>,
        %parallel_loop3A_391 = arith.minimumf %parallel_loop3A_390, %parallel_loop3A_388 : vector<16xf32>
        %parallel_loop3A_392 = arith.index_cast %parallel_loop3A_371 : i32 to index
        %parallel_loop3A_393 = tpu.vector_load %arg13[%parallel_loop3A_392] {strides = array<i32>} : memref<8192xf32, #tpu.memory_space<vmem>>, vector<16xf32>,
        tpu.vector_store %arg13[%parallel_loop3A_392], %parallel_loop3A_391 {strides = array<i32>} : memref<8192xf32, #tpu.memory_space<vmem>>, vector<16xf32>,
        %parallel_loop3A_394 = arith.constant 1 : i32
        %parallel_loop3A_395 = arith.addi %parallel_loop3A_315, %parallel_loop3A_394 : i32
        %parallel_loop3A_396 = arith.constant 16 : i32
        %parallel_loop3A_397 = arith.muli %parallel_loop3A_395, %parallel_loop3A_396 : i32
        %parallel_loop3A_398 = tpu.iota {dimensions = array<i32: 0>} : vector<16xi32>
        %parallel_loop3A_399 = vector.broadcast %parallel_loop3A_397 : i32 to vector<16xi32>
        %parallel_loop3A_400 = arith.addi %parallel_loop3A_399, %parallel_loop3A_398 : vector<16xi32>
        %parallel_loop3A_401 = arith.cmpf ogt, %parallel_loop3A_391, %parallel_loop3A_318 : vector<16xf32>
        %parallel_loop3A_402 = arith.select %parallel_loop3A_401, %parallel_loop3A_391, %parallel_loop3A_318 : vector<16xi1>, vector<16xf32>
        %parallel_loop3A_403 = arith.select %parallel_loop3A_401, %parallel_loop3A_400, %parallel_loop3A_319 : vector<16xi1>, vector<16xi32>
        %parallel_loop3A_404 = arith.constant 2 : i32
        %parallel_loop3A_405 = arith.addi %parallel_loop3A_315, %parallel_loop3A_404 : i32
        %parallel_loop3A_406 = arith.constant 16 : i32
        %parallel_loop3A_407 = arith.muli %parallel_loop3A_405, %parallel_loop3A_406 : i32
        %parallel_loop3A_408 = arith.index_cast %parallel_loop3A_407 : i32 to index
        %parallel_loop3A_409 = tpu.vector_load %arg10[%parallel_loop3A_408] {strides = array<i32>} : memref<8192xf32, #tpu.memory_space<vmem>>, vector<16xf32>,
        %parallel_loop3A_410 = vector.broadcast %scan3A_104 : f32 to vector<16xf32>
        %parallel_loop3A_411 = arith.subf %parallel_loop3A_409, %parallel_loop3A_410 : vector<16xf32>
        %parallel_loop3A_412 = arith.index_cast %parallel_loop3A_407 : i32 to index
        %parallel_loop3A_413 = tpu.vector_load %arg11[%parallel_loop3A_412] {strides = array<i32>} : memref<8192xf32, #tpu.memory_space<vmem>>, vector<16xf32>,
        %parallel_loop3A_414 = vector.broadcast %scan3A_105 : f32 to vector<16xf32>
        %parallel_loop3A_415 = arith.subf %parallel_loop3A_413, %parallel_loop3A_414 : vector<16xf32>
        %parallel_loop3A_416 = arith.index_cast %parallel_loop3A_407 : i32 to index
        %parallel_loop3A_417 = tpu.vector_load %arg12[%parallel_loop3A_416] {strides = array<i32>} : memref<8192xf32, #tpu.memory_space<vmem>>, vector<16xf32>,
        %parallel_loop3A_418 = vector.broadcast %scan3A_106 : f32 to vector<16xf32>
        %parallel_loop3A_419 = arith.subf %parallel_loop3A_417, %parallel_loop3A_418 : vector<16xf32>
        %parallel_loop3A_420 = arith.mulf %parallel_loop3A_411, %parallel_loop3A_411 : vector<16xf32>
        %parallel_loop3A_421 = arith.mulf %parallel_loop3A_415, %parallel_loop3A_415 : vector<16xf32>
        %parallel_loop3A_422 = arith.addf %parallel_loop3A_420, %parallel_loop3A_421 : vector<16xf32>
        %parallel_loop3A_423 = arith.mulf %parallel_loop3A_419, %parallel_loop3A_419 : vector<16xf32>
        %parallel_loop3A_424 = arith.addf %parallel_loop3A_422, %parallel_loop3A_423 : vector<16xf32>
        %parallel_loop3A_425 = arith.index_cast %parallel_loop3A_407 : i32 to index
        %parallel_loop3A_426 = tpu.vector_load %arg13[%parallel_loop3A_425] {strides = array<i32>} : memref<8192xf32, #tpu.memory_space<vmem>>, vector<16xf32>,
        %parallel_loop3A_427 = arith.minimumf %parallel_loop3A_426, %parallel_loop3A_424 : vector<16xf32>
        %parallel_loop3A_428 = arith.index_cast %parallel_loop3A_407 : i32 to index
        %parallel_loop3A_429 = tpu.vector_load %arg13[%parallel_loop3A_428] {strides = array<i32>} : memref<8192xf32, #tpu.memory_space<vmem>>, vector<16xf32>,
        tpu.vector_store %arg13[%parallel_loop3A_428], %parallel_loop3A_427 {strides = array<i32>} : memref<8192xf32, #tpu.memory_space<vmem>>, vector<16xf32>,
        %parallel_loop3A_430 = arith.constant 2 : i32
        %parallel_loop3A_431 = arith.addi %parallel_loop3A_315, %parallel_loop3A_430 : i32
        %parallel_loop3A_432 = arith.constant 16 : i32
        %parallel_loop3A_433 = arith.muli %parallel_loop3A_431, %parallel_loop3A_432 : i32
        %parallel_loop3A_434 = tpu.iota {dimensions = array<i32: 0>} : vector<16xi32>
        %parallel_loop3A_435 = vector.broadcast %parallel_loop3A_433 : i32 to vector<16xi32>
        %parallel_loop3A_436 = arith.addi %parallel_loop3A_435, %parallel_loop3A_434 : vector<16xi32>
        %parallel_loop3A_437 = arith.cmpf ogt, %parallel_loop3A_427, %parallel_loop3A_320 : vector<16xf32>
        %parallel_loop3A_438 = arith.select %parallel_loop3A_437, %parallel_loop3A_427, %parallel_loop3A_320 : vector<16xi1>, vector<16xf32>
        %parallel_loop3A_439 = arith.select %parallel_loop3A_437, %parallel_loop3A_436, %parallel_loop3A_321 : vector<16xi1>, vector<16xi32>
        %parallel_loop3A_440 = arith.constant 3 : i32
        %parallel_loop3A_441 = arith.addi %parallel_loop3A_315, %parallel_loop3A_440 : i32
        %parallel_loop3A_442 = arith.constant 16 : i32
        %parallel_loop3A_443 = arith.muli %parallel_loop3A_441, %parallel_loop3A_442 : i32
        %parallel_loop3A_444 = arith.index_cast %parallel_loop3A_443 : i32 to index
        %parallel_loop3A_445 = tpu.vector_load %arg10[%parallel_loop3A_444] {strides = array<i32>} : memref<8192xf32, #tpu.memory_space<vmem>>, vector<16xf32>,
        %parallel_loop3A_446 = vector.broadcast %scan3A_104 : f32 to vector<16xf32>
        %parallel_loop3A_447 = arith.subf %parallel_loop3A_445, %parallel_loop3A_446 : vector<16xf32>
        %parallel_loop3A_448 = arith.index_cast %parallel_loop3A_443 : i32 to index
        %parallel_loop3A_449 = tpu.vector_load %arg11[%parallel_loop3A_448] {strides = array<i32>} : memref<8192xf32, #tpu.memory_space<vmem>>, vector<16xf32>,
        %parallel_loop3A_450 = vector.broadcast %scan3A_105 : f32 to vector<16xf32>
        %parallel_loop3A_451 = arith.subf %parallel_loop3A_449, %parallel_loop3A_450 : vector<16xf32>
        %parallel_loop3A_452 = arith.index_cast %parallel_loop3A_443 : i32 to index
        %parallel_loop3A_453 = tpu.vector_load %arg12[%parallel_loop3A_452] {strides = array<i32>} : memref<8192xf32, #tpu.memory_space<vmem>>, vector<16xf32>,
        %parallel_loop3A_454 = vector.broadcast %scan3A_106 : f32 to vector<16xf32>
        %parallel_loop3A_455 = arith.subf %parallel_loop3A_453, %parallel_loop3A_454 : vector<16xf32>
        %parallel_loop3A_456 = arith.mulf %parallel_loop3A_447, %parallel_loop3A_447 : vector<16xf32>
        %parallel_loop3A_457 = arith.mulf %parallel_loop3A_451, %parallel_loop3A_451 : vector<16xf32>
        %parallel_loop3A_458 = arith.addf %parallel_loop3A_456, %parallel_loop3A_457 : vector<16xf32>
        %parallel_loop3A_459 = arith.mulf %parallel_loop3A_455, %parallel_loop3A_455 : vector<16xf32>
        %parallel_loop3A_460 = arith.addf %parallel_loop3A_458, %parallel_loop3A_459 : vector<16xf32>
        %parallel_loop3A_461 = arith.index_cast %parallel_loop3A_443 : i32 to index
        %parallel_loop3A_462 = tpu.vector_load %arg13[%parallel_loop3A_461] {strides = array<i32>} : memref<8192xf32, #tpu.memory_space<vmem>>, vector<16xf32>,
        %parallel_loop3A_463 = arith.minimumf %parallel_loop3A_462, %parallel_loop3A_460 : vector<16xf32>
        %parallel_loop3A_464 = arith.index_cast %parallel_loop3A_443 : i32 to index
        %parallel_loop3A_465 = tpu.vector_load %arg13[%parallel_loop3A_464] {strides = array<i32>} : memref<8192xf32, #tpu.memory_space<vmem>>, vector<16xf32>,
        tpu.vector_store %arg13[%parallel_loop3A_464], %parallel_loop3A_463 {strides = array<i32>} : memref<8192xf32, #tpu.memory_space<vmem>>, vector<16xf32>,
        %parallel_loop3A_466 = arith.constant 3 : i32
        %parallel_loop3A_467 = arith.addi %parallel_loop3A_315, %parallel_loop3A_466 : i32
        %parallel_loop3A_468 = arith.constant 16 : i32
        %parallel_loop3A_469 = arith.muli %parallel_loop3A_467, %parallel_loop3A_468 : i32
        %parallel_loop3A_470 = tpu.iota {dimensions = array<i32: 0>} : vector<16xi32>
        %parallel_loop3A_471 = vector.broadcast %parallel_loop3A_469 : i32 to vector<16xi32>
        %parallel_loop3A_472 = arith.addi %parallel_loop3A_471, %parallel_loop3A_470 : vector<16xi32>
        %parallel_loop3A_473 = arith.cmpf ogt, %parallel_loop3A_463, %parallel_loop3A_322 : vector<16xf32>
        %parallel_loop3A_474 = arith.select %parallel_loop3A_473, %parallel_loop3A_463, %parallel_loop3A_322 : vector<16xi1>, vector<16xf32>
        %parallel_loop3A_475 = arith.select %parallel_loop3A_473, %parallel_loop3A_472, %parallel_loop3A_323 : vector<16xi1>, vector<16xi32>
        %parallel_loop3A_476 = arith.constant 4 : i32
        %parallel_loop3A_477 = arith.addi %parallel_loop3A_315, %parallel_loop3A_476 : i32
        %parallel_loop3A_478 = arith.constant 16 : i32
        %parallel_loop3A_479 = arith.muli %parallel_loop3A_477, %parallel_loop3A_478 : i32
        %parallel_loop3A_480 = arith.index_cast %parallel_loop3A_479 : i32 to index
        %parallel_loop3A_481 = tpu.vector_load %arg10[%parallel_loop3A_480] {strides = array<i32>} : memref<8192xf32, #tpu.memory_space<vmem>>, vector<16xf32>,
        %parallel_loop3A_482 = vector.broadcast %scan3A_104 : f32 to vector<16xf32>
        %parallel_loop3A_483 = arith.subf %parallel_loop3A_481, %parallel_loop3A_482 : vector<16xf32>
        %parallel_loop3A_484 = arith.index_cast %parallel_loop3A_479 : i32 to index
        %parallel_loop3A_485 = tpu.vector_load %arg11[%parallel_loop3A_484] {strides = array<i32>} : memref<8192xf32, #tpu.memory_space<vmem>>, vector<16xf32>,
        %parallel_loop3A_486 = vector.broadcast %scan3A_105 : f32 to vector<16xf32>
        %parallel_loop3A_487 = arith.subf %parallel_loop3A_485, %parallel_loop3A_486 : vector<16xf32>
        %parallel_loop3A_488 = arith.index_cast %parallel_loop3A_479 : i32 to index
        %parallel_loop3A_489 = tpu.vector_load %arg12[%parallel_loop3A_488] {strides = array<i32>} : memref<8192xf32, #tpu.memory_space<vmem>>, vector<16xf32>,
        %parallel_loop3A_490 = vector.broadcast %scan3A_106 : f32 to vector<16xf32>
        %parallel_loop3A_491 = arith.subf %parallel_loop3A_489, %parallel_loop3A_490 : vector<16xf32>
        %parallel_loop3A_492 = arith.mulf %parallel_loop3A_483, %parallel_loop3A_483 : vector<16xf32>
        %parallel_loop3A_493 = arith.mulf %parallel_loop3A_487, %parallel_loop3A_487 : vector<16xf32>
        %parallel_loop3A_494 = arith.addf %parallel_loop3A_492, %parallel_loop3A_493 : vector<16xf32>
        %parallel_loop3A_495 = arith.mulf %parallel_loop3A_491, %parallel_loop3A_491 : vector<16xf32>
        %parallel_loop3A_496 = arith.addf %parallel_loop3A_494, %parallel_loop3A_495 : vector<16xf32>
        %parallel_loop3A_497 = arith.index_cast %parallel_loop3A_479 : i32 to index
        %parallel_loop3A_498 = tpu.vector_load %arg13[%parallel_loop3A_497] {strides = array<i32>} : memref<8192xf32, #tpu.memory_space<vmem>>, vector<16xf32>,
        %parallel_loop3A_499 = arith.minimumf %parallel_loop3A_498, %parallel_loop3A_496 : vector<16xf32>
        %parallel_loop3A_500 = arith.index_cast %parallel_loop3A_479 : i32 to index
        %parallel_loop3A_501 = tpu.vector_load %arg13[%parallel_loop3A_500] {strides = array<i32>} : memref<8192xf32, #tpu.memory_space<vmem>>, vector<16xf32>,
        tpu.vector_store %arg13[%parallel_loop3A_500], %parallel_loop3A_499 {strides = array<i32>} : memref<8192xf32, #tpu.memory_space<vmem>>, vector<16xf32>,
        %parallel_loop3A_502 = arith.constant 4 : i32
        %parallel_loop3A_503 = arith.addi %parallel_loop3A_315, %parallel_loop3A_502 : i32
        %parallel_loop3A_504 = arith.constant 16 : i32
        %parallel_loop3A_505 = arith.muli %parallel_loop3A_503, %parallel_loop3A_504 : i32
        %parallel_loop3A_506 = tpu.iota {dimensions = array<i32: 0>} : vector<16xi32>
        %parallel_loop3A_507 = vector.broadcast %parallel_loop3A_505 : i32 to vector<16xi32>
        %parallel_loop3A_508 = arith.addi %parallel_loop3A_507, %parallel_loop3A_506 : vector<16xi32>
        %parallel_loop3A_509 = arith.cmpf ogt, %parallel_loop3A_499, %parallel_loop3A_324 : vector<16xf32>
        %parallel_loop3A_510 = arith.select %parallel_loop3A_509, %parallel_loop3A_499, %parallel_loop3A_324 : vector<16xi1>, vector<16xf32>
        %parallel_loop3A_511 = arith.select %parallel_loop3A_509, %parallel_loop3A_508, %parallel_loop3A_325 : vector<16xi1>, vector<16xi32>
        %parallel_loop3A_512 = arith.constant 5 : i32
        %parallel_loop3A_513 = arith.addi %parallel_loop3A_315, %parallel_loop3A_512 : i32
        %parallel_loop3A_514 = arith.constant 16 : i32
        %parallel_loop3A_515 = arith.muli %parallel_loop3A_513, %parallel_loop3A_514 : i32
        %parallel_loop3A_516 = arith.index_cast %parallel_loop3A_515 : i32 to index
        %parallel_loop3A_517 = tpu.vector_load %arg10[%parallel_loop3A_516] {strides = array<i32>} : memref<8192xf32, #tpu.memory_space<vmem>>, vector<16xf32>,
        %parallel_loop3A_518 = vector.broadcast %scan3A_104 : f32 to vector<16xf32>
        %parallel_loop3A_519 = arith.subf %parallel_loop3A_517, %parallel_loop3A_518 : vector<16xf32>
        %parallel_loop3A_520 = arith.index_cast %parallel_loop3A_515 : i32 to index
        %parallel_loop3A_521 = tpu.vector_load %arg11[%parallel_loop3A_520] {strides = array<i32>} : memref<8192xf32, #tpu.memory_space<vmem>>, vector<16xf32>,
        %parallel_loop3A_522 = vector.broadcast %scan3A_105 : f32 to vector<16xf32>
        %parallel_loop3A_523 = arith.subf %parallel_loop3A_521, %parallel_loop3A_522 : vector<16xf32>
        %parallel_loop3A_524 = arith.index_cast %parallel_loop3A_515 : i32 to index
        %parallel_loop3A_525 = tpu.vector_load %arg12[%parallel_loop3A_524] {strides = array<i32>} : memref<8192xf32, #tpu.memory_space<vmem>>, vector<16xf32>,
        %parallel_loop3A_526 = vector.broadcast %scan3A_106 : f32 to vector<16xf32>
        %parallel_loop3A_527 = arith.subf %parallel_loop3A_525, %parallel_loop3A_526 : vector<16xf32>
        %parallel_loop3A_528 = arith.mulf %parallel_loop3A_519, %parallel_loop3A_519 : vector<16xf32>
        %parallel_loop3A_529 = arith.mulf %parallel_loop3A_523, %parallel_loop3A_523 : vector<16xf32>
        %parallel_loop3A_530 = arith.addf %parallel_loop3A_528, %parallel_loop3A_529 : vector<16xf32>
        %parallel_loop3A_531 = arith.mulf %parallel_loop3A_527, %parallel_loop3A_527 : vector<16xf32>
        %parallel_loop3A_532 = arith.addf %parallel_loop3A_530, %parallel_loop3A_531 : vector<16xf32>
        %parallel_loop3A_533 = arith.index_cast %parallel_loop3A_515 : i32 to index
        %parallel_loop3A_534 = tpu.vector_load %arg13[%parallel_loop3A_533] {strides = array<i32>} : memref<8192xf32, #tpu.memory_space<vmem>>, vector<16xf32>,
        %parallel_loop3A_535 = arith.minimumf %parallel_loop3A_534, %parallel_loop3A_532 : vector<16xf32>
        %parallel_loop3A_536 = arith.index_cast %parallel_loop3A_515 : i32 to index
        %parallel_loop3A_537 = tpu.vector_load %arg13[%parallel_loop3A_536] {strides = array<i32>} : memref<8192xf32, #tpu.memory_space<vmem>>, vector<16xf32>,
        tpu.vector_store %arg13[%parallel_loop3A_536], %parallel_loop3A_535 {strides = array<i32>} : memref<8192xf32, #tpu.memory_space<vmem>>, vector<16xf32>,
        %parallel_loop3A_538 = arith.constant 5 : i32
        %parallel_loop3A_539 = arith.addi %parallel_loop3A_315, %parallel_loop3A_538 : i32
        %parallel_loop3A_540 = arith.constant 16 : i32
        %parallel_loop3A_541 = arith.muli %parallel_loop3A_539, %parallel_loop3A_540 : i32
        %parallel_loop3A_542 = tpu.iota {dimensions = array<i32: 0>} : vector<16xi32>
        %parallel_loop3A_543 = vector.broadcast %parallel_loop3A_541 : i32 to vector<16xi32>
        %parallel_loop3A_544 = arith.addi %parallel_loop3A_543, %parallel_loop3A_542 : vector<16xi32>
        %parallel_loop3A_545 = arith.cmpf ogt, %parallel_loop3A_535, %parallel_loop3A_326 : vector<16xf32>
        %parallel_loop3A_546 = arith.select %parallel_loop3A_545, %parallel_loop3A_535, %parallel_loop3A_326 : vector<16xi1>, vector<16xf32>
        %parallel_loop3A_547 = arith.select %parallel_loop3A_545, %parallel_loop3A_544, %parallel_loop3A_327 : vector<16xi1>, vector<16xi32>
        %parallel_loop3A_548 = arith.constant 6 : i32
        %parallel_loop3A_549 = arith.addi %parallel_loop3A_315, %parallel_loop3A_548 : i32
        %parallel_loop3A_550 = arith.constant 16 : i32
        %parallel_loop3A_551 = arith.muli %parallel_loop3A_549, %parallel_loop3A_550 : i32
        %parallel_loop3A_552 = arith.index_cast %parallel_loop3A_551 : i32 to index
        %parallel_loop3A_553 = tpu.vector_load %arg10[%parallel_loop3A_552] {strides = array<i32>} : memref<8192xf32, #tpu.memory_space<vmem>>, vector<16xf32>,
        %parallel_loop3A_554 = vector.broadcast %scan3A_104 : f32 to vector<16xf32>
        %parallel_loop3A_555 = arith.subf %parallel_loop3A_553, %parallel_loop3A_554 : vector<16xf32>
        %parallel_loop3A_556 = arith.index_cast %parallel_loop3A_551 : i32 to index
        %parallel_loop3A_557 = tpu.vector_load %arg11[%parallel_loop3A_556] {strides = array<i32>} : memref<8192xf32, #tpu.memory_space<vmem>>, vector<16xf32>,
        %parallel_loop3A_558 = vector.broadcast %scan3A_105 : f32 to vector<16xf32>
        %parallel_loop3A_559 = arith.subf %parallel_loop3A_557, %parallel_loop3A_558 : vector<16xf32>
        %parallel_loop3A_560 = arith.index_cast %parallel_loop3A_551 : i32 to index
        %parallel_loop3A_561 = tpu.vector_load %arg12[%parallel_loop3A_560] {strides = array<i32>} : memref<8192xf32, #tpu.memory_space<vmem>>, vector<16xf32>,
        %parallel_loop3A_562 = vector.broadcast %scan3A_106 : f32 to vector<16xf32>
        %parallel_loop3A_563 = arith.subf %parallel_loop3A_561, %parallel_loop3A_562 : vector<16xf32>
        %parallel_loop3A_564 = arith.mulf %parallel_loop3A_555, %parallel_loop3A_555 : vector<16xf32>
        %parallel_loop3A_565 = arith.mulf %parallel_loop3A_559, %parallel_loop3A_559 : vector<16xf32>
        %parallel_loop3A_566 = arith.addf %parallel_loop3A_564, %parallel_loop3A_565 : vector<16xf32>
        %parallel_loop3A_567 = arith.mulf %parallel_loop3A_563, %parallel_loop3A_563 : vector<16xf32>
        %parallel_loop3A_568 = arith.addf %parallel_loop3A_566, %parallel_loop3A_567 : vector<16xf32>
        %parallel_loop3A_569 = arith.index_cast %parallel_loop3A_551 : i32 to index
        %parallel_loop3A_570 = tpu.vector_load %arg13[%parallel_loop3A_569] {strides = array<i32>} : memref<8192xf32, #tpu.memory_space<vmem>>, vector<16xf32>,
        %parallel_loop3A_571 = arith.minimumf %parallel_loop3A_570, %parallel_loop3A_568 : vector<16xf32>
        %parallel_loop3A_572 = arith.index_cast %parallel_loop3A_551 : i32 to index
        %parallel_loop3A_573 = tpu.vector_load %arg13[%parallel_loop3A_572] {strides = array<i32>} : memref<8192xf32, #tpu.memory_space<vmem>>, vector<16xf32>,
        tpu.vector_store %arg13[%parallel_loop3A_572], %parallel_loop3A_571 {strides = array<i32>} : memref<8192xf32, #tpu.memory_space<vmem>>, vector<16xf32>,
        %parallel_loop3A_574 = arith.constant 6 : i32
        %parallel_loop3A_575 = arith.addi %parallel_loop3A_315, %parallel_loop3A_574 : i32
        %parallel_loop3A_576 = arith.constant 16 : i32
        %parallel_loop3A_577 = arith.muli %parallel_loop3A_575, %parallel_loop3A_576 : i32
        %parallel_loop3A_578 = tpu.iota {dimensions = array<i32: 0>} : vector<16xi32>
        %parallel_loop3A_579 = vector.broadcast %parallel_loop3A_577 : i32 to vector<16xi32>
        %parallel_loop3A_580 = arith.addi %parallel_loop3A_579, %parallel_loop3A_578 : vector<16xi32>
        %parallel_loop3A_581 = arith.cmpf ogt, %parallel_loop3A_571, %parallel_loop3A_328 : vector<16xf32>
        %parallel_loop3A_582 = arith.select %parallel_loop3A_581, %parallel_loop3A_571, %parallel_loop3A_328 : vector<16xi1>, vector<16xf32>
        %parallel_loop3A_583 = arith.select %parallel_loop3A_581, %parallel_loop3A_580, %parallel_loop3A_329 : vector<16xi1>, vector<16xi32>
        %parallel_loop3A_584 = arith.constant 7 : i32
        %parallel_loop3A_585 = arith.addi %parallel_loop3A_315, %parallel_loop3A_584 : i32
        %parallel_loop3A_586 = arith.constant 16 : i32
        %parallel_loop3A_587 = arith.muli %parallel_loop3A_585, %parallel_loop3A_586 : i32
        %parallel_loop3A_588 = arith.index_cast %parallel_loop3A_587 : i32 to index
        %parallel_loop3A_589 = tpu.vector_load %arg10[%parallel_loop3A_588] {strides = array<i32>} : memref<8192xf32, #tpu.memory_space<vmem>>, vector<16xf32>,
        %parallel_loop3A_590 = vector.broadcast %scan3A_104 : f32 to vector<16xf32>
        %parallel_loop3A_591 = arith.subf %parallel_loop3A_589, %parallel_loop3A_590 : vector<16xf32>
        %parallel_loop3A_592 = arith.index_cast %parallel_loop3A_587 : i32 to index
        %parallel_loop3A_593 = tpu.vector_load %arg11[%parallel_loop3A_592] {strides = array<i32>} : memref<8192xf32, #tpu.memory_space<vmem>>, vector<16xf32>,
        %parallel_loop3A_594 = vector.broadcast %scan3A_105 : f32 to vector<16xf32>
        %parallel_loop3A_595 = arith.subf %parallel_loop3A_593, %parallel_loop3A_594 : vector<16xf32>
        %parallel_loop3A_596 = arith.index_cast %parallel_loop3A_587 : i32 to index
        %parallel_loop3A_597 = tpu.vector_load %arg12[%parallel_loop3A_596] {strides = array<i32>} : memref<8192xf32, #tpu.memory_space<vmem>>, vector<16xf32>,
        %parallel_loop3A_598 = vector.broadcast %scan3A_106 : f32 to vector<16xf32>
        %parallel_loop3A_599 = arith.subf %parallel_loop3A_597, %parallel_loop3A_598 : vector<16xf32>
        %parallel_loop3A_600 = arith.mulf %parallel_loop3A_591, %parallel_loop3A_591 : vector<16xf32>
        %parallel_loop3A_601 = arith.mulf %parallel_loop3A_595, %parallel_loop3A_595 : vector<16xf32>
        %parallel_loop3A_602 = arith.addf %parallel_loop3A_600, %parallel_loop3A_601 : vector<16xf32>
        %parallel_loop3A_603 = arith.mulf %parallel_loop3A_599, %parallel_loop3A_599 : vector<16xf32>
        %parallel_loop3A_604 = arith.addf %parallel_loop3A_602, %parallel_loop3A_603 : vector<16xf32>
        %parallel_loop3A_605 = arith.index_cast %parallel_loop3A_587 : i32 to index
        %parallel_loop3A_606 = tpu.vector_load %arg13[%parallel_loop3A_605] {strides = array<i32>} : memref<8192xf32, #tpu.memory_space<vmem>>, vector<16xf32>,
        %parallel_loop3A_607 = arith.minimumf %parallel_loop3A_606, %parallel_loop3A_604 : vector<16xf32>
        %parallel_loop3A_608 = arith.index_cast %parallel_loop3A_587 : i32 to index
        %parallel_loop3A_609 = tpu.vector_load %arg13[%parallel_loop3A_608] {strides = array<i32>} : memref<8192xf32, #tpu.memory_space<vmem>>, vector<16xf32>,
        tpu.vector_store %arg13[%parallel_loop3A_608], %parallel_loop3A_607 {strides = array<i32>} : memref<8192xf32, #tpu.memory_space<vmem>>, vector<16xf32>,
        %parallel_loop3A_610 = arith.constant 7 : i32
        %parallel_loop3A_611 = arith.addi %parallel_loop3A_315, %parallel_loop3A_610 : i32
        %parallel_loop3A_612 = arith.constant 16 : i32
        %parallel_loop3A_613 = arith.muli %parallel_loop3A_611, %parallel_loop3A_612 : i32
        %parallel_loop3A_614 = tpu.iota {dimensions = array<i32: 0>} : vector<16xi32>
        %parallel_loop3A_615 = vector.broadcast %parallel_loop3A_613 : i32 to vector<16xi32>
        %parallel_loop3A_616 = arith.addi %parallel_loop3A_615, %parallel_loop3A_614 : vector<16xi32>
        %parallel_loop3A_617 = arith.cmpf ogt, %parallel_loop3A_607, %parallel_loop3A_330 : vector<16xf32>
        %parallel_loop3A_618 = arith.select %parallel_loop3A_617, %parallel_loop3A_607, %parallel_loop3A_330 : vector<16xi1>, vector<16xf32>
        %parallel_loop3A_619 = arith.select %parallel_loop3A_617, %parallel_loop3A_616, %parallel_loop3A_331 : vector<16xi1>, vector<16xi32>
        scf.yield %parallel_loop3A_366, %parallel_loop3A_367, %parallel_loop3A_402, %parallel_loop3A_403, %parallel_loop3A_438, %parallel_loop3A_439, %parallel_loop3A_474, %parallel_loop3A_475, %parallel_loop3A_510, %parallel_loop3A_511, %parallel_loop3A_546, %parallel_loop3A_547, %parallel_loop3A_582, %parallel_loop3A_583, %parallel_loop3A_618, %parallel_loop3A_619 : vector<16xf32>, vector<16xi32>, vector<16xf32>, vector<16xi32>, vector<16xf32>, vector<16xi32>, vector<16xf32>, vector<16xi32>, vector<16xf32>, vector<16xi32>, vector<16xf32>, vector<16xi32>, vector<16xf32>, vector<16xi32>, vector<16xf32>, vector<16xi32>
      } {sc.loop_unroll_factor = 1 : i64, sc.parallel_access}
      %gt3A = arith.cmpf ogt, %parallel_loop3A_117#2, %parallel_loop3A_117#0 : vector<16xf32>
      %eq3A_118 = arith.cmpf oeq, %parallel_loop3A_117#2, %parallel_loop3A_117#0 : vector<16xf32>
      %lt3A_119 = arith.cmpi slt, %parallel_loop3A_117#3, %parallel_loop3A_117#1 : vector<16xi32>
      %and3A_120 = arith.andi %eq3A_118, %lt3A_119 : vector<16xi1>
      %or3A = arith.ori %gt3A, %and3A_120 : vector<16xi1>
      %select_n3A_121 = arith.select %or3A, %parallel_loop3A_117#2, %parallel_loop3A_117#0 : vector<16xi1>, vector<16xf32>
      %select_n3A_122 = arith.select %or3A, %parallel_loop3A_117#3, %parallel_loop3A_117#1 : vector<16xi1>, vector<16xi32>
      %gt3A_123 = arith.cmpf ogt, %parallel_loop3A_117#4, %select_n3A_121 : vector<16xf32>
      %eq3A_124 = arith.cmpf oeq, %parallel_loop3A_117#4, %select_n3A_121 : vector<16xf32>
      %lt3A_125 = arith.cmpi slt, %parallel_loop3A_117#5, %select_n3A_122 : vector<16xi32>
      %and3A_126 = arith.andi %eq3A_124, %lt3A_125 : vector<16xi1>
      %or3A_127 = arith.ori %gt3A_123, %and3A_126 : vector<16xi1>
      %select_n3A_128 = arith.select %or3A_127, %parallel_loop3A_117#4, %select_n3A_121 : vector<16xi1>, vector<16xf32>
      %select_n3A_129 = arith.select %or3A_127, %parallel_loop3A_117#5, %select_n3A_122 : vector<16xi1>, vector<16xi32>
      %gt3A_130 = arith.cmpf ogt, %parallel_loop3A_117#6, %select_n3A_128 : vector<16xf32>
      %eq3A_131 = arith.cmpf oeq, %parallel_loop3A_117#6, %select_n3A_128 : vector<16xf32>
      %lt3A_132 = arith.cmpi slt, %parallel_loop3A_117#7, %select_n3A_129 : vector<16xi32>
      %and3A_133 = arith.andi %eq3A_131, %lt3A_132 : vector<16xi1>
      %or3A_134 = arith.ori %gt3A_130, %and3A_133 : vector<16xi1>
      %select_n3A_135 = arith.select %or3A_134, %parallel_loop3A_117#6, %select_n3A_128 : vector<16xi1>, vector<16xf32>
      %select_n3A_136 = arith.select %or3A_134, %parallel_loop3A_117#7, %select_n3A_129 : vector<16xi1>, vector<16xi32>
      %gt3A_137 = arith.cmpf ogt, %parallel_loop3A_117#8, %select_n3A_135 : vector<16xf32>
      %eq3A_138 = arith.cmpf oeq, %parallel_loop3A_117#8, %select_n3A_135 : vector<16xf32>
      %lt3A_139 = arith.cmpi slt, %parallel_loop3A_117#9, %select_n3A_136 : vector<16xi32>
      %and3A_140 = arith.andi %eq3A_138, %lt3A_139 : vector<16xi1>
      %or3A_141 = arith.ori %gt3A_137, %and3A_140 : vector<16xi1>
      %select_n3A_142 = arith.select %or3A_141, %parallel_loop3A_117#8, %select_n3A_135 : vector<16xi1>, vector<16xf32>
      %select_n3A_143 = arith.select %or3A_141, %parallel_loop3A_117#9, %select_n3A_136 : vector<16xi1>, vector<16xi32>
      %gt3A_144 = arith.cmpf ogt, %parallel_loop3A_117#10, %select_n3A_142 : vector<16xf32>
      %eq3A_145 = arith.cmpf oeq, %parallel_loop3A_117#10, %select_n3A_142 : vector<16xf32>
      %lt3A_146 = arith.cmpi slt, %parallel_loop3A_117#11, %select_n3A_143 : vector<16xi32>
      %and3A_147 = arith.andi %eq3A_145, %lt3A_146 : vector<16xi1>
      %or3A_148 = arith.ori %gt3A_144, %and3A_147 : vector<16xi1>
      %select_n3A_149 = arith.select %or3A_148, %parallel_loop3A_117#10, %select_n3A_142 : vector<16xi1>, vector<16xf32>
      %select_n3A_150 = arith.select %or3A_148, %parallel_loop3A_117#11, %select_n3A_143 : vector<16xi1>, vector<16xi32>
      %gt3A_151 = arith.cmpf ogt, %parallel_loop3A_117#12, %select_n3A_149 : vector<16xf32>
      %eq3A_152 = arith.cmpf oeq, %parallel_loop3A_117#12, %select_n3A_149 : vector<16xf32>
      %lt3A_153 = arith.cmpi slt, %parallel_loop3A_117#13, %select_n3A_150 : vector<16xi32>
      %and3A_154 = arith.andi %eq3A_152, %lt3A_153 : vector<16xi1>
      %or3A_155 = arith.ori %gt3A_151, %and3A_154 : vector<16xi1>
      %select_n3A_156 = arith.select %or3A_155, %parallel_loop3A_117#12, %select_n3A_149 : vector<16xi1>, vector<16xf32>
      %select_n3A_157 = arith.select %or3A_155, %parallel_loop3A_117#13, %select_n3A_150 : vector<16xi1>, vector<16xi32>
      %gt3A_158 = arith.cmpf ogt, %parallel_loop3A_117#14, %select_n3A_156 : vector<16xf32>
      %eq3A_159 = arith.cmpf oeq, %parallel_loop3A_117#14, %select_n3A_156 : vector<16xf32>
      %lt3A_160 = arith.cmpi slt, %parallel_loop3A_117#15, %select_n3A_157 : vector<16xi32>
      %and3A_161 = arith.andi %eq3A_159, %lt3A_160 : vector<16xi1>
      %or3A_162 = arith.ori %gt3A_158, %and3A_161 : vector<16xi1>
      %select_n3A_163 = arith.select %or3A_162, %parallel_loop3A_117#14, %select_n3A_156 : vector<16xi1>, vector<16xf32>
      %select_n3A_164 = arith.select %or3A_162, %parallel_loop3A_117#15, %select_n3A_157 : vector<16xi1>, vector<16xi32>
      %reduce_max3A = arith.constant true
      %reduce_max3A_165 = vector.broadcast %reduce_max3A : i1 to vector<16xi1>
      %reduce_max3A_166 = tpu.scan <max>, %select_n3A_163 masked %reduce_max3A_165 : vector<16xf32>, vector<16xi1> -> vector<16xf32>
      %reduce_max3A_167 = vector.extract %reduce_max3A_166[15] : f32 from vector<16xf32>
      %eq3A_168 = vector.broadcast %reduce_max3A_167 : f32 to vector<16xf32>
      %eq3A_169 = arith.cmpf oeq, %select_n3A_163, %eq3A_168 : vector<16xf32>
      %jit3A_170 = arith.constant 2147483647 : i32
      %broadcast_in_dim3A_171 = vector.broadcast %jit3A_170 : i32 to vector<16xi32>
      %select_n3A_172 = arith.select %eq3A_169, %select_n3A_164, %broadcast_in_dim3A_171 : vector<16xi1>, vector<16xi32>
      %reduce_min3A = arith.constant true
      %reduce_min3A_173 = vector.broadcast %reduce_min3A : i1 to vector<16xi1>
      %reduce_min3A_174 = arith.constant -2147483648 : i32
      %reduce_min3A_175 = vector.broadcast %reduce_min3A_174 : i32 to vector<16xi32>
      %reduce_min3A_176 = arith.xori %select_n3A_172, %reduce_min3A_175 : vector<16xi32>
      %reduce_min3A_177 = tpu.scan <min>, %reduce_min3A_176 masked %reduce_min3A_173 : vector<16xi32>, vector<16xi1> -> vector<16xi32>
      %reduce_min3A_178 = arith.xori %reduce_min3A_177, %reduce_min3A_175 : vector<16xi32>
      %reduce_min3A_179 = vector.extract %reduce_min3A_178[15] : i32 from vector<16xi32>
      %add3A_180 = arith.addi %mul3A_58, %reduce_min3A_179 : i32
      %broadcast_in_dim3A_181 = vector.broadcast %reduce_min3A_179 : i32 to vector<16xi32>
      %gather3A = tpu.vector_load_idx %arg10[%broadcast_in_dim3A_181] : memref<8192xf32, #tpu.memory_space<vmem>>[vector<16xi32>], vector<16xf32>,
      %slice3A_182 = vector.extract_strided_slice %gather3A {offsets = [0], sizes = [1], strides = [1]} : vector<16xf32> to vector<1xf32>
      %squeeze3A_183 = vector.extract %slice3A_182[0] : f32 from vector<1xf32>
      %gather3A_184 = tpu.vector_load_idx %arg11[%broadcast_in_dim3A_181] : memref<8192xf32, #tpu.memory_space<vmem>>[vector<16xi32>], vector<16xf32>,
      %slice3A_185 = vector.extract_strided_slice %gather3A_184 {offsets = [0], sizes = [1], strides = [1]} : vector<16xf32> to vector<1xf32>
      %squeeze3A_186 = vector.extract %slice3A_185[0] : f32 from vector<1xf32>
      %gather3A_187 = tpu.vector_load_idx %arg12[%broadcast_in_dim3A_181] : memref<8192xf32, #tpu.memory_space<vmem>>[vector<16xi32>], vector<16xf32>,
      %slice3A_188 = vector.extract_strided_slice %gather3A_187 {offsets = [0], sizes = [1], strides = [1]} : vector<16xf32> to vector<1xf32>
      %squeeze3A_189 = vector.extract %slice3A_188[0] : f32 from vector<1xf32>
      %iota3A_190 = tpu.iota {dimensions = array<i32: 0>} : vector<16xi32>
      %eq3A_191 = arith.constant 0 : i32
      %eq3A_192 = vector.broadcast %eq3A_191 : i32 to vector<16xi32>
      %eq3A_193 = arith.cmpi eq, %iota3A_190, %eq3A_192 : vector<16xi32>
      %eq3A_194 = arith.constant 1 : i32
      %eq3A_195 = vector.broadcast %eq3A_194 : i32 to vector<16xi32>
      %eq3A_196 = arith.cmpi eq, %iota3A_190, %eq3A_195 : vector<16xi32>
      %convert_element_type3A_197 = arith.sitofp %add3A_180 : i32 to f32
      %eq3A_198 = arith.constant 2 : i32
      %eq3A_199 = vector.broadcast %eq3A_198 : i32 to vector<16xi32>
      %eq3A_200 = arith.cmpi eq, %iota3A_190, %eq3A_199 : vector<16xi32>
      %eq3A_201 = arith.constant 3 : i32
      %eq3A_202 = vector.broadcast %eq3A_201 : i32 to vector<16xi32>
      %eq3A_203 = arith.cmpi eq, %iota3A_190, %eq3A_202 : vector<16xi32>
      %eq3A_204 = arith.constant 4 : i32
      %eq3A_205 = vector.broadcast %eq3A_204 : i32 to vector<16xi32>
      %eq3A_206 = arith.cmpi eq, %iota3A_190, %eq3A_205 : vector<16xi32>
      %jit3A_207 = arith.constant 0.000000e+00 : f32
      %broadcast_in_dim3A_208 = vector.broadcast %squeeze3A_189 : f32 to vector<16xf32>
      %broadcast_in_dim3A_209 = vector.broadcast %jit3A_207 : f32 to vector<16xf32>
      %select_n3A_210 = arith.select %eq3A_206, %broadcast_in_dim3A_208, %broadcast_in_dim3A_209 : vector<16xi1>, vector<16xf32>
      %broadcast_in_dim3A_211 = vector.broadcast %squeeze3A_186 : f32 to vector<16xf32>
      %select_n3A_212 = arith.select %eq3A_203, %broadcast_in_dim3A_211, %select_n3A_210 : vector<16xi1>, vector<16xf32>
      %broadcast_in_dim3A_213 = vector.broadcast %squeeze3A_183 : f32 to vector<16xf32>
      %select_n3A_214 = arith.select %eq3A_200, %broadcast_in_dim3A_213, %select_n3A_212 : vector<16xi1>, vector<16xf32>
      %broadcast_in_dim3A_215 = vector.broadcast %convert_element_type3A_197 : f32 to vector<16xf32>
      %select_n3A_216 = arith.select %eq3A_196, %broadcast_in_dim3A_215, %select_n3A_214 : vector<16xi1>, vector<16xf32>
      %broadcast_in_dim3A_217 = vector.broadcast %reduce_max3A_167 : f32 to vector<16xf32>
      %select_n3A_218 = arith.select %eq3A_193, %broadcast_in_dim3A_217, %select_n3A_216 : vector<16xi1>, vector<16xf32>
      %swap3A = arith.constant 0 : index
      %swap3A_219 = tpu.vector_load %arg15[%swap3A] {strides = array<i32>} : memref<16xf32, #tpu.memory_space<vmem>>, vector<16xf32>,
      tpu.vector_store %arg15[%swap3A], %select_n3A_218 {strides = array<i32>} : memref<16xf32, #tpu.memory_space<vmem>>, vector<16xf32>,
      %rem3A_220 = arith.constant 2 : i32
      %rem3A_221 = arith.remsi %scan3A_103, %rem3A_220 : i32
      "tpu.region"() ({
        %run_scoped3A = tpu.sem_alloc : memref<!tpu.dma_semaphore, #tpu.memory_space<semaphore_mem>>
        %dma_start3A = arith.constant 0 : i32
        %dma_start3A_315 = tpu.memref_slice %arg21[%rem3A_221, %arg1, %dma_start3A] : memref<2x16x16xf32, #tpu.memory_space<vmem_shared>> -> memref<1x1x16xf32, #tpu.memory_space<vmem_shared>>
        %dma_start3A_316 = tpu.memref_squeeze %dma_start3A_315 : memref<1x1x16xf32, #tpu.memory_space<vmem_shared>> -> memref<16xf32, #tpu.memory_space<vmem_shared>>
        %dma_start3A_317 = arith.constant 0 : i32
        %dma_start3A_318 = tpu.memref_slice %arg21[%rem3A_221, %arg1, %dma_start3A_317] : memref<2x16x16xf32, #tpu.memory_space<vmem_shared>> -> memref<1x1x16xf32, #tpu.memory_space<vmem_shared>>
        %dma_start3A_319 = tpu.memref_squeeze %dma_start3A_318 : memref<1x1x16xf32, #tpu.memory_space<vmem_shared>> -> memref<16xf32, #tpu.memory_space<vmem_shared>>
        tpu.enqueue_dma source(%arg15 : memref<16xf32, #tpu.memory_space<vmem>>) target(%dma_start3A_319 : memref<16xf32, #tpu.memory_space<vmem_shared>>) target_semaphore(%run_scoped3A : memref<!tpu.dma_semaphore, #tpu.memory_space<semaphore_mem>>)
        %dma_wait3A = arith.constant 0 : i32
        %dma_wait3A_320 = tpu.memref_slice %arg21[%rem3A_221, %arg1, %dma_wait3A] : memref<2x16x16xf32, #tpu.memory_space<vmem_shared>> -> memref<1x1x16xf32, #tpu.memory_space<vmem_shared>>
        %dma_wait3A_321 = tpu.memref_squeeze %dma_wait3A_320 : memref<1x1x16xf32, #tpu.memory_space<vmem_shared>> -> memref<16xf32, #tpu.memory_space<vmem_shared>>
        %dma_wait3A_322 = arith.constant 0 : i32
        %dma_wait3A_323 = tpu.memref_slice %arg21[%rem3A_221, %arg1, %dma_wait3A_322] : memref<2x16x16xf32, #tpu.memory_space<vmem_shared>> -> memref<1x1x16xf32, #tpu.memory_space<vmem_shared>>
        %dma_wait3A_324 = tpu.memref_squeeze %dma_wait3A_323 : memref<1x1x16xf32, #tpu.memory_space<vmem_shared>> -> memref<16xf32, #tpu.memory_space<vmem_shared>>
        tpu.wait_dma2 semaphore(%run_scoped3A : memref<!tpu.dma_semaphore, #tpu.memory_space<semaphore_mem>>) src(%arg15 : memref<16xf32, #tpu.memory_space<vmem>>) dst(%dma_wait3A_324 : memref<16xf32, #tpu.memory_space<vmem_shared>>)
        tpu.yield
      }) : () -> ()
      %barrier3A = arith.constant 0 : index
      tpu.barrier barrier_id(%barrier3A)
      "tpu.region"() ({
        %run_scoped3A = tpu.sem_alloc : memref<!tpu.dma_semaphore, #tpu.memory_space<semaphore_mem>>
        %dma_start3A = arith.constant 0 : i32
        %dma_start3A_315 = tpu.memref_slice %arg21[%rem3A_221, %mul3A_56, %dma_start3A] : memref<2x16x16xf32, #tpu.memory_space<vmem_shared>> -> memref<1x4x16xf32, #tpu.memory_space<vmem_shared>>
        %dma_start3A_316 = tpu.memref_squeeze %dma_start3A_315 : memref<1x4x16xf32, #tpu.memory_space<vmem_shared>> -> memref<4x16xf32, #tpu.memory_space<vmem_shared>>
        %dma_start3A_317 = arith.constant 0 : i32
        %dma_start3A_318 = tpu.memref_slice %arg21[%rem3A_221, %mul3A_56, %dma_start3A_317] : memref<2x16x16xf32, #tpu.memory_space<vmem_shared>> -> memref<1x4x16xf32, #tpu.memory_space<vmem_shared>>
        %dma_start3A_319 = tpu.memref_squeeze %dma_start3A_318 : memref<1x4x16xf32, #tpu.memory_space<vmem_shared>> -> memref<4x16xf32, #tpu.memory_space<vmem_shared>>
        tpu.enqueue_dma source(%dma_start3A_319 : memref<4x16xf32, #tpu.memory_space<vmem_shared>>) target(%arg16 : memref<4x16xf32, #tpu.memory_space<vmem>>) target_semaphore(%run_scoped3A : memref<!tpu.dma_semaphore, #tpu.memory_space<semaphore_mem>>)
        %dma_wait3A = arith.constant 0 : i32
        %dma_wait3A_320 = tpu.memref_slice %arg21[%rem3A_221, %mul3A_56, %dma_wait3A] : memref<2x16x16xf32, #tpu.memory_space<vmem_shared>> -> memref<1x4x16xf32, #tpu.memory_space<vmem_shared>>
        %dma_wait3A_321 = tpu.memref_squeeze %dma_wait3A_320 : memref<1x4x16xf32, #tpu.memory_space<vmem_shared>> -> memref<4x16xf32, #tpu.memory_space<vmem_shared>>
        %dma_wait3A_322 = arith.constant 0 : i32
        %dma_wait3A_323 = tpu.memref_slice %arg21[%rem3A_221, %mul3A_56, %dma_wait3A_322] : memref<2x16x16xf32, #tpu.memory_space<vmem_shared>> -> memref<1x4x16xf32, #tpu.memory_space<vmem_shared>>
        %dma_wait3A_324 = tpu.memref_squeeze %dma_wait3A_323 : memref<1x4x16xf32, #tpu.memory_space<vmem_shared>> -> memref<4x16xf32, #tpu.memory_space<vmem_shared>>
        tpu.wait_dma2 semaphore(%run_scoped3A : memref<!tpu.dma_semaphore, #tpu.memory_space<semaphore_mem>>) src(%dma_wait3A_324 : memref<4x16xf32, #tpu.memory_space<vmem_shared>>) dst(%arg16 : memref<4x16xf32, #tpu.memory_space<vmem>>)
        tpu.yield
      }) : () -> ()
      %get3A_222 = arith.constant 0 : i32
      %get3A_223 = arith.index_cast %get3A_222 : i32 to index
      %get3A_224 = arith.constant 0 : index
      %get3A_225 = tpu.vector_load %arg16[%get3A_223, %get3A_224] {strides = array<i32>} : memref<4x16xf32, #tpu.memory_space<vmem>>, vector<16xf32>,
      %get3A_226 = arith.constant 1 : i32
      %get3A_227 = arith.index_cast %get3A_226 : i32 to index
      %get3A_228 = arith.constant 0 : index
      %get3A_229 = tpu.vector_load %arg16[%get3A_227, %get3A_228] {strides = array<i32>} : memref<4x16xf32, #tpu.memory_space<vmem>>, vector<16xf32>,
      %slice3A_230 = vector.extract_strided_slice %get3A_225 {offsets = [0], sizes = [1], strides = [1]} : vector<16xf32> to vector<1xf32>
      %squeeze3A_231 = vector.extract %slice3A_230[0] : f32 from vector<1xf32>
      %slice3A_232 = vector.extract_strided_slice %get3A_229 {offsets = [0], sizes = [1], strides = [1]} : vector<16xf32> to vector<1xf32>
      %squeeze3A_233 = vector.extract %slice3A_232[0] : f32 from vector<1xf32>
      %slice3A_234 = vector.extract_strided_slice %get3A_225 {offsets = [1], sizes = [1], strides = [1]} : vector<16xf32> to vector<1xf32>
      %squeeze3A_235 = vector.extract %slice3A_234[0] : f32 from vector<1xf32>
      %slice3A_236 = vector.extract_strided_slice %get3A_229 {offsets = [1], sizes = [1], strides = [1]} : vector<16xf32> to vector<1xf32>
      %squeeze3A_237 = vector.extract %slice3A_236[0] : f32 from vector<1xf32>
      %gt3A_238 = arith.cmpf ogt, %squeeze3A_233, %squeeze3A_231 : f32
      %eq3A_239 = arith.cmpf oeq, %squeeze3A_233, %squeeze3A_231 : f32
      %lt3A_240 = arith.cmpf olt, %squeeze3A_237, %squeeze3A_235 : f32
      %and3A_241 = arith.andi %eq3A_239, %lt3A_240 : i1
      %or3A_242 = arith.ori %gt3A_238, %and3A_241 : i1
      %select_n3A_243 = arith.select %or3A_242, %get3A_229, %get3A_225 : vector<16xf32>
      %get3A_244 = arith.constant 2 : i32
      %get3A_245 = arith.index_cast %get3A_244 : i32 to index
      %get3A_246 = arith.constant 0 : index
      %get3A_247 = tpu.vector_load %arg16[%get3A_245, %get3A_246] {strides = array<i32>} : memref<4x16xf32, #tpu.memory_space<vmem>>, vector<16xf32>,
      %slice3A_248 = vector.extract_strided_slice %select_n3A_243 {offsets = [0], sizes = [1], strides = [1]} : vector<16xf32> to vector<1xf32>
      %squeeze3A_249 = vector.extract %slice3A_248[0] : f32 from vector<1xf32>
      %slice3A_250 = vector.extract_strided_slice %get3A_247 {offsets = [0], sizes = [1], strides = [1]} : vector<16xf32> to vector<1xf32>
      %squeeze3A_251 = vector.extract %slice3A_250[0] : f32 from vector<1xf32>
      %slice3A_252 = vector.extract_strided_slice %select_n3A_243 {offsets = [1], sizes = [1], strides = [1]} : vector<16xf32> to vector<1xf32>
      %squeeze3A_253 = vector.extract %slice3A_252[0] : f32 from vector<1xf32>
      %slice3A_254 = vector.extract_strided_slice %get3A_247 {offsets = [1], sizes = [1], strides = [1]} : vector<16xf32> to vector<1xf32>
      %squeeze3A_255 = vector.extract %slice3A_254[0] : f32 from vector<1xf32>
      %gt3A_256 = arith.cmpf ogt, %squeeze3A_251, %squeeze3A_249 : f32
      %eq3A_257 = arith.cmpf oeq, %squeeze3A_251, %squeeze3A_249 : f32
      %lt3A_258 = arith.cmpf olt, %squeeze3A_255, %squeeze3A_253 : f32
      %and3A_259 = arith.andi %eq3A_257, %lt3A_258 : i1
      %or3A_260 = arith.ori %gt3A_256, %and3A_259 : i1
      %select_n3A_261 = arith.select %or3A_260, %get3A_247, %select_n3A_243 : vector<16xf32>
      %get3A_262 = arith.constant 3 : i32
      %get3A_263 = arith.index_cast %get3A_262 : i32 to index
      %get3A_264 = arith.constant 0 : index
      %get3A_265 = tpu.vector_load %arg16[%get3A_263, %get3A_264] {strides = array<i32>} : memref<4x16xf32, #tpu.memory_space<vmem>>, vector<16xf32>,
      %slice3A_266 = vector.extract_strided_slice %select_n3A_261 {offsets = [0], sizes = [1], strides = [1]} : vector<16xf32> to vector<1xf32>
      %squeeze3A_267 = vector.extract %slice3A_266[0] : f32 from vector<1xf32>
      %slice3A_268 = vector.extract_strided_slice %get3A_265 {offsets = [0], sizes = [1], strides = [1]} : vector<16xf32> to vector<1xf32>
      %squeeze3A_269 = vector.extract %slice3A_268[0] : f32 from vector<1xf32>
      %slice3A_270 = vector.extract_strided_slice %select_n3A_261 {offsets = [1], sizes = [1], strides = [1]} : vector<16xf32> to vector<1xf32>
      %squeeze3A_271 = vector.extract %slice3A_270[0] : f32 from vector<1xf32>
      %slice3A_272 = vector.extract_strided_slice %get3A_265 {offsets = [1], sizes = [1], strides = [1]} : vector<16xf32> to vector<1xf32>
      %squeeze3A_273 = vector.extract %slice3A_272[0] : f32 from vector<1xf32>
      %gt3A_274 = arith.cmpf ogt, %squeeze3A_269, %squeeze3A_267 : f32
      %eq3A_275 = arith.cmpf oeq, %squeeze3A_269, %squeeze3A_267 : f32
      %lt3A_276 = arith.cmpf olt, %squeeze3A_273, %squeeze3A_271 : f32
      %and3A_277 = arith.andi %eq3A_275, %lt3A_276 : i1
      %or3A_278 = arith.ori %gt3A_274, %and3A_277 : i1
      %select_n3A_279 = arith.select %or3A_278, %get3A_265, %select_n3A_261 : vector<16xf32>
      %slice3A_280 = vector.extract_strided_slice %select_n3A_279 {offsets = [1], sizes = [1], strides = [1]} : vector<16xf32> to vector<1xf32>
      %squeeze3A_281 = vector.extract %slice3A_280[0] : f32 from vector<1xf32>
      %convert_element_type3A_282 = arith.fptosi %squeeze3A_281 : f32 to i32
      %slice3A_283 = vector.extract_strided_slice %select_n3A_279 {offsets = [2], sizes = [1], strides = [1]} : vector<16xf32> to vector<1xf32>
      %squeeze3A_284 = vector.extract %slice3A_283[0] : f32 from vector<1xf32>
      %slice3A_285 = vector.extract_strided_slice %select_n3A_279 {offsets = [3], sizes = [1], strides = [1]} : vector<16xf32> to vector<1xf32>
      %squeeze3A_286 = vector.extract %slice3A_285[0] : f32 from vector<1xf32>
      %slice3A_287 = vector.extract_strided_slice %select_n3A_279 {offsets = [4], sizes = [1], strides = [1]} : vector<16xf32> to vector<1xf32>
      %squeeze3A_288 = vector.extract %slice3A_287[0] : f32 from vector<1xf32>
      %rem3A_289 = arith.constant 16 : i32
      %rem3A_290 = arith.remsi %scan3A_103, %rem3A_289 : i32
      %eq3A_291 = vector.broadcast %rem3A_290 : i32 to vector<16xi32>
      %eq3A_292 = arith.cmpi eq, %iota3A_190, %eq3A_291 : vector<16xi32>
      %broadcast_in_dim3A_293 = vector.broadcast %convert_element_type3A_282 : i32 to vector<16xi32>
      %select_n3A_294 = arith.select %eq3A_292, %broadcast_in_dim3A_293, %scan3A_107 : vector<16xi1>, vector<16xi32>
      %eq3A_295 = vector.broadcast %rem3A_290 : i32 to vector<16xi32>
      %eq3A_296 = arith.cmpi eq, %iota3A_190, %eq3A_295 : vector<16xi32>
      %broadcast_in_dim3A_297 = vector.broadcast %squeeze3A_284 : f32 to vector<16xf32>
      %select_n3A_298 = arith.select %eq3A_296, %broadcast_in_dim3A_297, %scan3A_108 : vector<16xi1>, vector<16xf32>
      %eq3A_299 = vector.broadcast %rem3A_290 : i32 to vector<16xi32>
      %eq3A_300 = arith.cmpi eq, %iota3A_190, %eq3A_299 : vector<16xi32>
      %broadcast_in_dim3A_301 = vector.broadcast %squeeze3A_286 : f32 to vector<16xf32>
      %select_n3A_302 = arith.select %eq3A_300, %broadcast_in_dim3A_301, %scan3A_109 : vector<16xi1>, vector<16xf32>
      %eq3A_303 = vector.broadcast %rem3A_290 : i32 to vector<16xi32>
      %eq3A_304 = arith.cmpi eq, %iota3A_190, %eq3A_303 : vector<16xi32>
      %broadcast_in_dim3A_305 = vector.broadcast %squeeze3A_288 : f32 to vector<16xf32>
      %select_n3A_306 = arith.select %eq3A_304, %broadcast_in_dim3A_305, %scan3A_110 : vector<16xi1>, vector<16xf32>
      %eq3A_307 = arith.constant 0 : i32
      %eq3A_308 = arith.cmpi eq, %select_n3A_30, %eq3A_307 : i32
      %eq3A_309 = arith.constant 15 : i32
      %eq3A_310 = arith.cmpi eq, %rem3A_290, %eq3A_309 : i32
      %and3A_311 = arith.andi %eq3A_308, %eq3A_310 : i1
      %convert_element_type3A_312 = arith.extui %and3A_311 : i1 to i32
      %cond3A_313 = arith.constant 0 : i32
      %cond3A_314 = arith.cmpi ne, %convert_element_type3A_312, %cond3A_313 : i32
      scf.if %cond3A_314 {
        %jit3A_315 = arith.constant 16 : i32
        %div3A_316 = arith.divsi %scan3A_103, %jit3A_315 : i32
        %sign3A_317 = arith.constant 0 : i32
        %sign3A_318 = arith.cmpi sgt, %scan3A_103, %sign3A_317 : i32
        %sign3A_319 = arith.extui %sign3A_318 : i1 to i32
        %sign3A_320 = arith.constant 0 : i32
        %sign3A_321 = arith.cmpi slt, %scan3A_103, %sign3A_320 : i32
        %sign3A_322 = arith.extui %sign3A_321 : i1 to i32
        %sign3A_323 = arith.subi %sign3A_319, %sign3A_322 : i32
        %sign3A_324 = arith.constant 0 : i32
        %sign3A_325 = arith.cmpi sgt, %jit3A_315, %sign3A_324 : i32
        %sign3A_326 = arith.extui %sign3A_325 : i1 to i32
        %sign3A_327 = arith.constant 0 : i32
        %sign3A_328 = arith.cmpi slt, %jit3A_315, %sign3A_327 : i32
        %sign3A_329 = arith.extui %sign3A_328 : i1 to i32
        %sign3A_330 = arith.subi %sign3A_326, %sign3A_329 : i32
        %ne3A_331 = arith.cmpi ne, %sign3A_323, %sign3A_330 : i32
        %rem3A_332 = arith.remsi %scan3A_103, %jit3A_315 : i32
        %ne3A_333 = arith.constant 0 : i32
        %ne3A_334 = arith.cmpi ne, %rem3A_332, %ne3A_333 : i32
        %and3A_335 = arith.andi %ne3A_331, %ne3A_334 : i1
        %sub3A_336 = arith.constant 1 : i32
        %sub3A_337 = arith.subi %div3A_316, %sub3A_336 : i32
        %select_n3A_338 = arith.select %and3A_335, %sub3A_337, %div3A_316 : i32
        %mul3A_339 = arith.constant 16 : i32
        %mul3A_340 = arith.muli %select_n3A_338, %mul3A_339 : i32
        %swap3A_341 = arith.index_cast %mul3A_340 : i32 to index
        %swap3A_342 = tpu.vector_load %arg17[%swap3A_341] {strides = array<i32>} : memref<2048xi32, #tpu.memory_space<vmem>>, vector<16xi32>,
        tpu.vector_store %arg17[%swap3A_341], %select_n3A_294 {strides = array<i32>} : memref<2048xi32, #tpu.memory_space<vmem>>, vector<16xi32>,
        %swap3A_343 = arith.index_cast %mul3A_340 : i32 to index
        %swap3A_344 = tpu.vector_load %arg18[%swap3A_343] {strides = array<i32>} : memref<2048xf32, #tpu.memory_space<vmem>>, vector<16xf32>,
        tpu.vector_store %arg18[%swap3A_343], %select_n3A_298 {strides = array<i32>} : memref<2048xf32, #tpu.memory_space<vmem>>, vector<16xf32>,
        %swap3A_345 = arith.index_cast %mul3A_340 : i32 to index
        %swap3A_346 = tpu.vector_load %arg19[%swap3A_345] {strides = array<i32>} : memref<2048xf32, #tpu.memory_space<vmem>>, vector<16xf32>,
        tpu.vector_store %arg19[%swap3A_345], %select_n3A_302 {strides = array<i32>} : memref<2048xf32, #tpu.memory_space<vmem>>, vector<16xf32>,
        %swap3A_347 = arith.index_cast %mul3A_340 : i32 to index
        %swap3A_348 = tpu.vector_load %arg20[%swap3A_347] {strides = array<i32>} : memref<2048xf32, #tpu.memory_space<vmem>>, vector<16xf32>,
        tpu.vector_store %arg20[%swap3A_347], %select_n3A_306 {strides = array<i32>} : memref<2048xf32, #tpu.memory_space<vmem>>, vector<16xf32>,
      } else {
      }
      scf.yield %squeeze3A_284, %squeeze3A_286, %squeeze3A_288, %select_n3A_294, %select_n3A_298, %select_n3A_302, %select_n3A_306 : f32, f32, f32, vector<16xi32>, vector<16xf32>, vector<16xf32>, vector<16xf32>
    }
    %scan3A_99 = arith.constant 2047 : i32
    %eq3A_100 = arith.constant 0 : i32
    %eq3A_101 = arith.cmpi eq, %select_n3A_30, %eq3A_100 : i32
    %convert_element_type3A = arith.extui %eq3A_101 : i1 to i32
    %cond3A = arith.constant 0 : i32
    %cond3A_102 = arith.cmpi ne, %convert_element_type3A, %cond3A : i32
    scf.if %cond3A_102 {
      "tpu.region"() ({
        %run_scoped3A = tpu.sem_alloc : memref<!tpu.dma_semaphore, #tpu.memory_space<semaphore_mem>>
        %dma_start3A = arith.constant 0 : i32
        %dma_start3A_103 = tpu.memref_slice %arg6[%add3A, %dma_start3A] : memref<8x2048xi32, #tpu.memory_space<hbm>> -> memref<1x2048xi32, #tpu.memory_space<hbm>>
        %dma_start3A_104 = tpu.memref_squeeze %dma_start3A_103 : memref<1x2048xi32, #tpu.memory_space<hbm>> -> memref<2048xi32, #tpu.memory_space<hbm>>
        %dma_start3A_105 = arith.constant 0 : i32
        %dma_start3A_106 = tpu.memref_slice %arg6[%add3A, %dma_start3A_105] : memref<8x2048xi32, #tpu.memory_space<hbm>> -> memref<1x2048xi32, #tpu.memory_space<hbm>>
        %dma_start3A_107 = tpu.memref_squeeze %dma_start3A_106 : memref<1x2048xi32, #tpu.memory_space<hbm>> -> memref<2048xi32, #tpu.memory_space<hbm>>
        tpu.enqueue_dma source(%arg17 : memref<2048xi32, #tpu.memory_space<vmem>>) target(%dma_start3A_107 : memref<2048xi32, #tpu.memory_space<hbm>>) target_semaphore(%run_scoped3A : memref<!tpu.dma_semaphore, #tpu.memory_space<semaphore_mem>>)
        %dma_wait3A = arith.constant 0 : i32
        %dma_wait3A_108 = tpu.memref_slice %arg6[%add3A, %dma_wait3A] : memref<8x2048xi32, #tpu.memory_space<hbm>> -> memref<1x2048xi32, #tpu.memory_space<hbm>>
        %dma_wait3A_109 = tpu.memref_squeeze %dma_wait3A_108 : memref<1x2048xi32, #tpu.memory_space<hbm>> -> memref<2048xi32, #tpu.memory_space<hbm>>
        %dma_wait3A_110 = arith.constant 0 : i32
        %dma_wait3A_111 = tpu.memref_slice %arg6[%add3A, %dma_wait3A_110] : memref<8x2048xi32, #tpu.memory_space<hbm>> -> memref<1x2048xi32, #tpu.memory_space<hbm>>
        %dma_wait3A_112 = tpu.memref_squeeze %dma_wait3A_111 : memref<1x2048xi32, #tpu.memory_space<hbm>> -> memref<2048xi32, #tpu.memory_space<hbm>>
        tpu.wait_dma2 semaphore(%run_scoped3A : memref<!tpu.dma_semaphore, #tpu.memory_space<semaphore_mem>>) src(%arg17 : memref<2048xi32, #tpu.memory_space<vmem>>) dst(%dma_wait3A_112 : memref<2048xi32, #tpu.memory_space<hbm>>)
        tpu.yield
      }) : () -> ()
      "tpu.region"() ({
        %run_scoped3A = tpu.sem_alloc : memref<!tpu.dma_semaphore, #tpu.memory_space<semaphore_mem>>
        %dma_start3A = arith.constant 0 : i32
        %dma_start3A_103 = tpu.memref_slice %arg7[%add3A, %dma_start3A] : memref<8x2048xf32, #tpu.memory_space<hbm>> -> memref<1x2048xf32, #tpu.memory_space<hbm>>
        %dma_start3A_104 = tpu.memref_squeeze %dma_start3A_103 : memref<1x2048xf32, #tpu.memory_space<hbm>> -> memref<2048xf32, #tpu.memory_space<hbm>>
        %dma_start3A_105 = arith.constant 0 : i32
        %dma_start3A_106 = tpu.memref_slice %arg7[%add3A, %dma_start3A_105] : memref<8x2048xf32, #tpu.memory_space<hbm>> -> memref<1x2048xf32, #tpu.memory_space<hbm>>
        %dma_start3A_107 = tpu.memref_squeeze %dma_start3A_106 : memref<1x2048xf32, #tpu.memory_space<hbm>> -> memref<2048xf32, #tpu.memory_space<hbm>>
        tpu.enqueue_dma source(%arg18 : memref<2048xf32, #tpu.memory_space<vmem>>) target(%dma_start3A_107 : memref<2048xf32, #tpu.memory_space<hbm>>) target_semaphore(%run_scoped3A : memref<!tpu.dma_semaphore, #tpu.memory_space<semaphore_mem>>)
        %dma_wait3A = arith.constant 0 : i32
        %dma_wait3A_108 = tpu.memref_slice %arg7[%add3A, %dma_wait3A] : memref<8x2048xf32, #tpu.memory_space<hbm>> -> memref<1x2048xf32, #tpu.memory_space<hbm>>
        %dma_wait3A_109 = tpu.memref_squeeze %dma_wait3A_108 : memref<1x2048xf32, #tpu.memory_space<hbm>> -> memref<2048xf32, #tpu.memory_space<hbm>>
        %dma_wait3A_110 = arith.constant 0 : i32
        %dma_wait3A_111 = tpu.memref_slice %arg7[%add3A, %dma_wait3A_110] : memref<8x2048xf32, #tpu.memory_space<hbm>> -> memref<1x2048xf32, #tpu.memory_space<hbm>>
        %dma_wait3A_112 = tpu.memref_squeeze %dma_wait3A_111 : memref<1x2048xf32, #tpu.memory_space<hbm>> -> memref<2048xf32, #tpu.memory_space<hbm>>
        tpu.wait_dma2 semaphore(%run_scoped3A : memref<!tpu.dma_semaphore, #tpu.memory_space<semaphore_mem>>) src(%arg18 : memref<2048xf32, #tpu.memory_space<vmem>>) dst(%dma_wait3A_112 : memref<2048xf32, #tpu.memory_space<hbm>>)
        tpu.yield
      }) : () -> ()
      "tpu.region"() ({
        %run_scoped3A = tpu.sem_alloc : memref<!tpu.dma_semaphore, #tpu.memory_space<semaphore_mem>>
        %dma_start3A = arith.constant 0 : i32
        %dma_start3A_103 = tpu.memref_slice %arg8[%add3A, %dma_start3A] : memref<8x2048xf32, #tpu.memory_space<hbm>> -> memref<1x2048xf32, #tpu.memory_space<hbm>>
        %dma_start3A_104 = tpu.memref_squeeze %dma_start3A_103 : memref<1x2048xf32, #tpu.memory_space<hbm>> -> memref<2048xf32, #tpu.memory_space<hbm>>
        %dma_start3A_105 = arith.constant 0 : i32
        %dma_start3A_106 = tpu.memref_slice %arg8[%add3A, %dma_start3A_105] : memref<8x2048xf32, #tpu.memory_space<hbm>> -> memref<1x2048xf32, #tpu.memory_space<hbm>>
        %dma_start3A_107 = tpu.memref_squeeze %dma_start3A_106 : memref<1x2048xf32, #tpu.memory_space<hbm>> -> memref<2048xf32, #tpu.memory_space<hbm>>
        tpu.enqueue_dma source(%arg19 : memref<2048xf32, #tpu.memory_space<vmem>>) target(%dma_start3A_107 : memref<2048xf32, #tpu.memory_space<hbm>>) target_semaphore(%run_scoped3A : memref<!tpu.dma_semaphore, #tpu.memory_space<semaphore_mem>>)
        %dma_wait3A = arith.constant 0 : i32
        %dma_wait3A_108 = tpu.memref_slice %arg8[%add3A, %dma_wait3A] : memref<8x2048xf32, #tpu.memory_space<hbm>> -> memref<1x2048xf32, #tpu.memory_space<hbm>>
        %dma_wait3A_109 = tpu.memref_squeeze %dma_wait3A_108 : memref<1x2048xf32, #tpu.memory_space<hbm>> -> memref<2048xf32, #tpu.memory_space<hbm>>
        %dma_wait3A_110 = arith.constant 0 : i32
        %dma_wait3A_111 = tpu.memref_slice %arg8[%add3A, %dma_wait3A_110] : memref<8x2048xf32, #tpu.memory_space<hbm>> -> memref<1x2048xf32, #tpu.memory_space<hbm>>
        %dma_wait3A_112 = tpu.memref_squeeze %dma_wait3A_111 : memref<1x2048xf32, #tpu.memory_space<hbm>> -> memref<2048xf32, #tpu.memory_space<hbm>>
        tpu.wait_dma2 semaphore(%run_scoped3A : memref<!tpu.dma_semaphore, #tpu.memory_space<semaphore_mem>>) src(%arg19 : memref<2048xf32, #tpu.memory_space<vmem>>) dst(%dma_wait3A_112 : memref<2048xf32, #tpu.memory_space<hbm>>)
        tpu.yield
      }) : () -> ()
      "tpu.region"() ({
        %run_scoped3A = tpu.sem_alloc : memref<!tpu.dma_semaphore, #tpu.memory_space<semaphore_mem>>
        %dma_start3A = arith.constant 0 : i32
        %dma_start3A_103 = tpu.memref_slice %arg9[%add3A, %dma_start3A] : memref<8x2048xf32, #tpu.memory_space<hbm>> -> memref<1x2048xf32, #tpu.memory_space<hbm>>
        %dma_start3A_104 = tpu.memref_squeeze %dma_start3A_103 : memref<1x2048xf32, #tpu.memory_space<hbm>> -> memref<2048xf32, #tpu.memory_space<hbm>>
        %dma_start3A_105 = arith.constant 0 : i32
        %dma_start3A_106 = tpu.memref_slice %arg9[%add3A, %dma_start3A_105] : memref<8x2048xf32, #tpu.memory_space<hbm>> -> memref<1x2048xf32, #tpu.memory_space<hbm>>
        %dma_start3A_107 = tpu.memref_squeeze %dma_start3A_106 : memref<1x2048xf32, #tpu.memory_space<hbm>> -> memref<2048xf32, #tpu.memory_space<hbm>>
        tpu.enqueue_dma source(%arg20 : memref<2048xf32, #tpu.memory_space<vmem>>) target(%dma_start3A_107 : memref<2048xf32, #tpu.memory_space<hbm>>) target_semaphore(%run_scoped3A : memref<!tpu.dma_semaphore, #tpu.memory_space<semaphore_mem>>)
        %dma_wait3A = arith.constant 0 : i32
        %dma_wait3A_108 = tpu.memref_slice %arg9[%add3A, %dma_wait3A] : memref<8x2048xf32, #tpu.memory_space<hbm>> -> memref<1x2048xf32, #tpu.memory_space<hbm>>
        %dma_wait3A_109 = tpu.memref_squeeze %dma_wait3A_108 : memref<1x2048xf32, #tpu.memory_space<hbm>> -> memref<2048xf32, #tpu.memory_space<hbm>>
        %dma_wait3A_110 = arith.constant 0 : i32
        %dma_wait3A_111 = tpu.memref_slice %arg9[%add3A, %dma_wait3A_110] : memref<8x2048xf32, #tpu.memory_space<hbm>> -> memref<1x2048xf32, #tpu.memory_space<hbm>>
        %dma_wait3A_112 = tpu.memref_squeeze %dma_wait3A_111 : memref<1x2048xf32, #tpu.memory_space<hbm>> -> memref<2048xf32, #tpu.memory_space<hbm>>
        tpu.wait_dma2 semaphore(%run_scoped3A : memref<!tpu.dma_semaphore, #tpu.memory_space<semaphore_mem>>) src(%arg20 : memref<2048xf32, #tpu.memory_space<vmem>>) dst(%dma_wait3A_112 : memref<2048xf32, #tpu.memory_space<hbm>>)
        tpu.yield
      }) : () -> ()
    } else {
    }
    return
  }
}

#map = affine_map<(d0, d1) -> (0, 0, 0, 0)>
#map1 = affine_map<(d0, d1) -> (0, 0)>
#map2 = affine_map<(d0, d1) -> (0, 0, 0)>
module attributes {stable_mosaic.version = 14 : i64} {
  func.func @feat_gather_sc(%arg0: i32, %arg1: i32, %arg2: memref<8x128x2048x16xf32, #tpu.memory_space<hbm>>, %arg3: memref<8x2048xi32, #tpu.memory_space<hbm>>, %arg4: memref<8x128x2048xf32, #tpu.memory_space<hbm>>, %arg5: memref<2048xi32, #tpu.memory_space<vmem>>, %arg6: memref<16x128xi32, #tpu.memory_space<vmem>>, %arg7: memref<2048xi32, #tpu.memory_space<vmem>>, %arg8: memref<2048x16xf32, #tpu.memory_space<vmem>>, %arg9: memref<2048xf32, #tpu.memory_space<vmem>>, %arg10: memref<!tpu.dma_semaphore, #tpu.memory_space<semaphore_mem>>) attributes {dimension_semantics = [#tpu.dimension_semantics<core_parallel>, #tpu.dimension_semantics<subcore_parallel>], iteration_bounds = array<i64: 2, 16>, scalar_prefetch = 0 : i64, scratch_operands = 6 : i64, tpu.core_type = #tpu.core_type<sc_vector_subcore>, window_params = [{transform_indices = #map}, {transform_indices = #map1}, {transform_indices = #map2}]} {
    %mul3A = arith.constant 16 : i32
    %mul3A_0 = arith.muli %arg0, %mul3A : i32
    %add3A = arith.addi %mul3A_0, %arg1 : i32
    %jit3A = arith.constant 4 : i32
    %div3A = arith.divsi %add3A, %jit3A : i32
    %sign3A = arith.constant 0 : i32
    %sign3A_1 = arith.cmpi sgt, %add3A, %sign3A : i32
    %sign3A_2 = arith.extui %sign3A_1 : i1 to i32
    %sign3A_3 = arith.constant 0 : i32
    %sign3A_4 = arith.cmpi slt, %add3A, %sign3A_3 : i32
    %sign3A_5 = arith.extui %sign3A_4 : i1 to i32
    %sign3A_6 = arith.subi %sign3A_2, %sign3A_5 : i32
    %sign3A_7 = arith.constant 0 : i32
    %sign3A_8 = arith.cmpi sgt, %jit3A, %sign3A_7 : i32
    %sign3A_9 = arith.extui %sign3A_8 : i1 to i32
    %sign3A_10 = arith.constant 0 : i32
    %sign3A_11 = arith.cmpi slt, %jit3A, %sign3A_10 : i32
    %sign3A_12 = arith.extui %sign3A_11 : i1 to i32
    %sign3A_13 = arith.subi %sign3A_9, %sign3A_12 : i32
    %ne3A = arith.cmpi ne, %sign3A_6, %sign3A_13 : i32
    %rem3A = arith.remsi %add3A, %jit3A : i32
    %ne3A_14 = arith.constant 0 : i32
    %ne3A_15 = arith.cmpi ne, %rem3A, %ne3A_14 : i32
    %and3A = arith.andi %ne3A, %ne3A_15 : i1
    %sub3A = arith.constant 1 : i32
    %sub3A_16 = arith.subi %div3A, %sub3A : i32
    %select_n3A = arith.select %and3A, %sub3A_16, %div3A : i32
    %jit3A_17 = arith.constant 4 : i32
    %eq3A = arith.constant 0 : i32
    %eq3A_18 = arith.cmpi eq, %jit3A_17, %eq3A : i32
    %jit3A_19 = arith.constant 1 : i32
    %select_n3A_20 = arith.select %eq3A_18, %jit3A_19, %jit3A_17 : i32
    %rem3A_21 = arith.remsi %add3A, %select_n3A_20 : i32
    %ne3A_22 = arith.constant 0 : i32
    %ne3A_23 = arith.cmpi ne, %rem3A_21, %ne3A_22 : i32
    %lt3A = arith.constant 0 : i32
    %lt3A_24 = arith.cmpi slt, %rem3A_21, %lt3A : i32
    %lt3A_25 = arith.constant 0 : i32
    %lt3A_26 = arith.cmpi slt, %select_n3A_20, %lt3A_25 : i32
    %ne3A_27 = arith.xori %lt3A_24, %lt3A_26 : i1
    %and3A_28 = arith.andi %ne3A_27, %ne3A_23 : i1
    %add3A_29 = arith.addi %rem3A_21, %select_n3A_20 : i32
    %select_n3A_30 = arith.select %and3A_28, %add3A_29, %rem3A_21 : i32
    %mul3A_31 = arith.constant 32 : i32
    %mul3A_32 = arith.muli %select_n3A_30, %mul3A_31 : i32
    "tpu.region"() ({
      %run_scoped3A = tpu.sem_alloc : memref<!tpu.dma_semaphore, #tpu.memory_space<semaphore_mem>>
      %dma_start3A = arith.constant 0 : i32
      %dma_start3A_1828 = tpu.memref_slice %arg3[%select_n3A, %dma_start3A] : memref<8x2048xi32, #tpu.memory_space<hbm>> -> memref<1x2048xi32, #tpu.memory_space<hbm>>
      %dma_start3A_1829 = tpu.memref_squeeze %dma_start3A_1828 : memref<1x2048xi32, #tpu.memory_space<hbm>> -> memref<2048xi32, #tpu.memory_space<hbm>>
      %dma_start3A_1830 = arith.constant 0 : i32
      %dma_start3A_1831 = tpu.memref_slice %arg3[%select_n3A, %dma_start3A_1830] : memref<8x2048xi32, #tpu.memory_space<hbm>> -> memref<1x2048xi32, #tpu.memory_space<hbm>>
      %dma_start3A_1832 = tpu.memref_squeeze %dma_start3A_1831 : memref<1x2048xi32, #tpu.memory_space<hbm>> -> memref<2048xi32, #tpu.memory_space<hbm>>
      tpu.enqueue_dma source(%dma_start3A_1832 : memref<2048xi32, #tpu.memory_space<hbm>>) target(%arg5 : memref<2048xi32, #tpu.memory_space<vmem>>) target_semaphore(%run_scoped3A : memref<!tpu.dma_semaphore, #tpu.memory_space<semaphore_mem>>)
      %dma_wait3A = arith.constant 0 : i32
      %dma_wait3A_1833 = tpu.memref_slice %arg3[%select_n3A, %dma_wait3A] : memref<8x2048xi32, #tpu.memory_space<hbm>> -> memref<1x2048xi32, #tpu.memory_space<hbm>>
      %dma_wait3A_1834 = tpu.memref_squeeze %dma_wait3A_1833 : memref<1x2048xi32, #tpu.memory_space<hbm>> -> memref<2048xi32, #tpu.memory_space<hbm>>
      %dma_wait3A_1835 = arith.constant 0 : i32
      %dma_wait3A_1836 = tpu.memref_slice %arg3[%select_n3A, %dma_wait3A_1835] : memref<8x2048xi32, #tpu.memory_space<hbm>> -> memref<1x2048xi32, #tpu.memory_space<hbm>>
      %dma_wait3A_1837 = tpu.memref_squeeze %dma_wait3A_1836 : memref<1x2048xi32, #tpu.memory_space<hbm>> -> memref<2048xi32, #tpu.memory_space<hbm>>
      tpu.wait_dma2 semaphore(%run_scoped3A : memref<!tpu.dma_semaphore, #tpu.memory_space<semaphore_mem>>) src(%dma_wait3A_1837 : memref<2048xi32, #tpu.memory_space<hbm>>) dst(%arg5 : memref<2048xi32, #tpu.memory_space<vmem>>)
      tpu.yield
    }) : () -> ()
    %get3A = arith.constant 0 : index
    %get3A_33 = tpu.vector_load %arg5[%get3A] {strides = array<i32>} : memref<2048xi32, #tpu.memory_space<vmem>>, vector<16xi32>,
    %shift_right_logical3A = arith.constant 4 : i32
    %shift_right_logical3A_34 = vector.broadcast %shift_right_logical3A : i32 to vector<16xi32>
    %shift_right_logical3A_35 = arith.shrui %get3A_33, %shift_right_logical3A_34 : vector<16xi32>
    %swap3A = arith.constant 0 : i32
    %swap3A_36 = arith.index_cast %swap3A : i32 to index
    %swap3A_37 = arith.constant 0 : index
    %swap3A_38 = tpu.vector_load %arg6[%swap3A_36, %swap3A_37] {strides = array<i32>} : memref<16x128xi32, #tpu.memory_space<vmem>>, vector<16xi32>,
    tpu.vector_store %arg6[%swap3A_36, %swap3A_37], %shift_right_logical3A_35 {strides = array<i32>} : memref<16x128xi32, #tpu.memory_space<vmem>>, vector<16xi32>,
    %and3A_39 = arith.constant 15 : i32
    %and3A_40 = vector.broadcast %and3A_39 : i32 to vector<16xi32>
    %and3A_41 = arith.andi %get3A_33, %and3A_40 : vector<16xi32>
    %swap3A_42 = arith.constant 0 : index
    %swap3A_43 = tpu.vector_load %arg7[%swap3A_42] {strides = array<i32>} : memref<2048xi32, #tpu.memory_space<vmem>>, vector<16xi32>,
    tpu.vector_store %arg7[%swap3A_42], %and3A_41 {strides = array<i32>} : memref<2048xi32, #tpu.memory_space<vmem>>, vector<16xi32>,
    %get3A_44 = arith.constant 16 : index
    %get3A_45 = tpu.vector_load %arg5[%get3A_44] {strides = array<i32>} : memref<2048xi32, #tpu.memory_space<vmem>>, vector<16xi32>,
    %shift_right_logical3A_46 = arith.constant 4 : i32
    %shift_right_logical3A_47 = vector.broadcast %shift_right_logical3A_46 : i32 to vector<16xi32>
    %shift_right_logical3A_48 = arith.shrui %get3A_45, %shift_right_logical3A_47 : vector<16xi32>
    %swap3A_49 = arith.constant 0 : i32
    %swap3A_50 = arith.index_cast %swap3A_49 : i32 to index
    %swap3A_51 = arith.constant 16 : index
    %swap3A_52 = tpu.vector_load %arg6[%swap3A_50, %swap3A_51] {strides = array<i32>} : memref<16x128xi32, #tpu.memory_space<vmem>>, vector<16xi32>,
    tpu.vector_store %arg6[%swap3A_50, %swap3A_51], %shift_right_logical3A_48 {strides = array<i32>} : memref<16x128xi32, #tpu.memory_space<vmem>>, vector<16xi32>,
    %and3A_53 = arith.constant 15 : i32
    %and3A_54 = vector.broadcast %and3A_53 : i32 to vector<16xi32>
    %and3A_55 = arith.andi %get3A_45, %and3A_54 : vector<16xi32>
    %swap3A_56 = arith.constant 16 : index
    %swap3A_57 = tpu.vector_load %arg7[%swap3A_56] {strides = array<i32>} : memref<2048xi32, #tpu.memory_space<vmem>>, vector<16xi32>,
    tpu.vector_store %arg7[%swap3A_56], %and3A_55 {strides = array<i32>} : memref<2048xi32, #tpu.memory_space<vmem>>, vector<16xi32>,
    %get3A_58 = arith.constant 32 : index
    %get3A_59 = tpu.vector_load %arg5[%get3A_58] {strides = array<i32>} : memref<2048xi32, #tpu.memory_space<vmem>>, vector<16xi32>,
    %shift_right_logical3A_60 = arith.constant 4 : i32
    %shift_right_logical3A_61 = vector.broadcast %shift_right_logical3A_60 : i32 to vector<16xi32>
    %shift_right_logical3A_62 = arith.shrui %get3A_59, %shift_right_logical3A_61 : vector<16xi32>
    %swap3A_63 = arith.constant 0 : i32
    %swap3A_64 = arith.index_cast %swap3A_63 : i32 to index
    %swap3A_65 = arith.constant 32 : index
    %swap3A_66 = tpu.vector_load %arg6[%swap3A_64, %swap3A_65] {strides = array<i32>} : memref<16x128xi32, #tpu.memory_space<vmem>>, vector<16xi32>,
    tpu.vector_store %arg6[%swap3A_64, %swap3A_65], %shift_right_logical3A_62 {strides = array<i32>} : memref<16x128xi32, #tpu.memory_space<vmem>>, vector<16xi32>,
    %and3A_67 = arith.constant 15 : i32
    %and3A_68 = vector.broadcast %and3A_67 : i32 to vector<16xi32>
    %and3A_69 = arith.andi %get3A_59, %and3A_68 : vector<16xi32>
    %swap3A_70 = arith.constant 32 : index
    %swap3A_71 = tpu.vector_load %arg7[%swap3A_70] {strides = array<i32>} : memref<2048xi32, #tpu.memory_space<vmem>>, vector<16xi32>,
    tpu.vector_store %arg7[%swap3A_70], %and3A_69 {strides = array<i32>} : memref<2048xi32, #tpu.memory_space<vmem>>, vector<16xi32>,
    %get3A_72 = arith.constant 48 : index
    %get3A_73 = tpu.vector_load %arg5[%get3A_72] {strides = array<i32>} : memref<2048xi32, #tpu.memory_space<vmem>>, vector<16xi32>,
    %shift_right_logical3A_74 = arith.constant 4 : i32
    %shift_right_logical3A_75 = vector.broadcast %shift_right_logical3A_74 : i32 to vector<16xi32>
    %shift_right_logical3A_76 = arith.shrui %get3A_73, %shift_right_logical3A_75 : vector<16xi32>
    %swap3A_77 = arith.constant 0 : i32
    %swap3A_78 = arith.index_cast %swap3A_77 : i32 to index
    %swap3A_79 = arith.constant 48 : index
    %swap3A_80 = tpu.vector_load %arg6[%swap3A_78, %swap3A_79] {strides = array<i32>} : memref<16x128xi32, #tpu.memory_space<vmem>>, vector<16xi32>,
    tpu.vector_store %arg6[%swap3A_78, %swap3A_79], %shift_right_logical3A_76 {strides = array<i32>} : memref<16x128xi32, #tpu.memory_space<vmem>>, vector<16xi32>,
    %and3A_81 = arith.constant 15 : i32
    %and3A_82 = vector.broadcast %and3A_81 : i32 to vector<16xi32>
    %and3A_83 = arith.andi %get3A_73, %and3A_82 : vector<16xi32>
    %swap3A_84 = arith.constant 48 : index
    %swap3A_85 = tpu.vector_load %arg7[%swap3A_84] {strides = array<i32>} : memref<2048xi32, #tpu.memory_space<vmem>>, vector<16xi32>,
    tpu.vector_store %arg7[%swap3A_84], %and3A_83 {strides = array<i32>} : memref<2048xi32, #tpu.memory_space<vmem>>, vector<16xi32>,
    %get3A_86 = arith.constant 64 : index
    %get3A_87 = tpu.vector_load %arg5[%get3A_86] {strides = array<i32>} : memref<2048xi32, #tpu.memory_space<vmem>>, vector<16xi32>,
    %shift_right_logical3A_88 = arith.constant 4 : i32
    %shift_right_logical3A_89 = vector.broadcast %shift_right_logical3A_88 : i32 to vector<16xi32>
    %shift_right_logical3A_90 = arith.shrui %get3A_87, %shift_right_logical3A_89 : vector<16xi32>
    %swap3A_91 = arith.constant 0 : i32
    %swap3A_92 = arith.index_cast %swap3A_91 : i32 to index
    %swap3A_93 = arith.constant 64 : index
    %swap3A_94 = tpu.vector_load %arg6[%swap3A_92, %swap3A_93] {strides = array<i32>} : memref<16x128xi32, #tpu.memory_space<vmem>>, vector<16xi32>,
    tpu.vector_store %arg6[%swap3A_92, %swap3A_93], %shift_right_logical3A_90 {strides = array<i32>} : memref<16x128xi32, #tpu.memory_space<vmem>>, vector<16xi32>,
    %and3A_95 = arith.constant 15 : i32
    %and3A_96 = vector.broadcast %and3A_95 : i32 to vector<16xi32>
    %and3A_97 = arith.andi %get3A_87, %and3A_96 : vector<16xi32>
    %swap3A_98 = arith.constant 64 : index
    %swap3A_99 = tpu.vector_load %arg7[%swap3A_98] {strides = array<i32>} : memref<2048xi32, #tpu.memory_space<vmem>>, vector<16xi32>,
    tpu.vector_store %arg7[%swap3A_98], %and3A_97 {strides = array<i32>} : memref<2048xi32, #tpu.memory_space<vmem>>, vector<16xi32>,
    %get3A_100 = arith.constant 80 : index
    %get3A_101 = tpu.vector_load %arg5[%get3A_100] {strides = array<i32>} : memref<2048xi32, #tpu.memory_space<vmem>>, vector<16xi32>,
    %shift_right_logical3A_102 = arith.constant 4 : i32
    %shift_right_logical3A_103 = vector.broadcast %shift_right_logical3A_102 : i32 to vector<16xi32>
    %shift_right_logical3A_104 = arith.shrui %get3A_101, %shift_right_logical3A_103 : vector<16xi32>
    %swap3A_105 = arith.constant 0 : i32
    %swap3A_106 = arith.index_cast %swap3A_105 : i32 to index
    %swap3A_107 = arith.constant 80 : index
    %swap3A_108 = tpu.vector_load %arg6[%swap3A_106, %swap3A_107] {strides = array<i32>} : memref<16x128xi32, #tpu.memory_space<vmem>>, vector<16xi32>,
    tpu.vector_store %arg6[%swap3A_106, %swap3A_107], %shift_right_logical3A_104 {strides = array<i32>} : memref<16x128xi32, #tpu.memory_space<vmem>>, vector<16xi32>,
    %and3A_109 = arith.constant 15 : i32
    %and3A_110 = vector.broadcast %and3A_109 : i32 to vector<16xi32>
    %and3A_111 = arith.andi %get3A_101, %and3A_110 : vector<16xi32>
    %swap3A_112 = arith.constant 80 : index
    %swap3A_113 = tpu.vector_load %arg7[%swap3A_112] {strides = array<i32>} : memref<2048xi32, #tpu.memory_space<vmem>>, vector<16xi32>,
    tpu.vector_store %arg7[%swap3A_112], %and3A_111 {strides = array<i32>} : memref<2048xi32, #tpu.memory_space<vmem>>, vector<16xi32>,
    %get3A_114 = arith.constant 96 : index
    %get3A_115 = tpu.vector_load %arg5[%get3A_114] {strides = array<i32>} : memref<2048xi32, #tpu.memory_space<vmem>>, vector<16xi32>,
    %shift_right_logical3A_116 = arith.constant 4 : i32
    %shift_right_logical3A_117 = vector.broadcast %shift_right_logical3A_116 : i32 to vector<16xi32>
    %shift_right_logical3A_118 = arith.shrui %get3A_115, %shift_right_logical3A_117 : vector<16xi32>
    %swap3A_119 = arith.constant 0 : i32
    %swap3A_120 = arith.index_cast %swap3A_119 : i32 to index
    %swap3A_121 = arith.constant 96 : index
    %swap3A_122 = tpu.vector_load %arg6[%swap3A_120, %swap3A_121] {strides = array<i32>} : memref<16x128xi32, #tpu.memory_space<vmem>>, vector<16xi32>,
    tpu.vector_store %arg6[%swap3A_120, %swap3A_121], %shift_right_logical3A_118 {strides = array<i32>} : memref<16x128xi32, #tpu.memory_space<vmem>>, vector<16xi32>,
    %and3A_123 = arith.constant 15 : i32
    %and3A_124 = vector.broadcast %and3A_123 : i32 to vector<16xi32>
    %and3A_125 = arith.andi %get3A_115, %and3A_124 : vector<16xi32>
    %swap3A_126 = arith.constant 96 : index
    %swap3A_127 = tpu.vector_load %arg7[%swap3A_126] {strides = array<i32>} : memref<2048xi32, #tpu.memory_space<vmem>>, vector<16xi32>,
    tpu.vector_store %arg7[%swap3A_126], %and3A_125 {strides = array<i32>} : memref<2048xi32, #tpu.memory_space<vmem>>, vector<16xi32>,
    %get3A_128 = arith.constant 112 : index
    %get3A_129 = tpu.vector_load %arg5[%get3A_128] {strides = array<i32>} : memref<2048xi32, #tpu.memory_space<vmem>>, vector<16xi32>,
    %shift_right_logical3A_130 = arith.constant 4 : i32
    %shift_right_logical3A_131 = vector.broadcast %shift_right_logical3A_130 : i32 to vector<16xi32>
    %shift_right_logical3A_132 = arith.shrui %get3A_129, %shift_right_logical3A_131 : vector<16xi32>
    %swap3A_133 = arith.constant 0 : i32
    %swap3A_134 = arith.index_cast %swap3A_133 : i32 to index
    %swap3A_135 = arith.constant 112 : index
    %swap3A_136 = tpu.vector_load %arg6[%swap3A_134, %swap3A_135] {strides = array<i32>} : memref<16x128xi32, #tpu.memory_space<vmem>>, vector<16xi32>,
    tpu.vector_store %arg6[%swap3A_134, %swap3A_135], %shift_right_logical3A_132 {strides = array<i32>} : memref<16x128xi32, #tpu.memory_space<vmem>>, vector<16xi32>,
    %and3A_137 = arith.constant 15 : i32
    %and3A_138 = vector.broadcast %and3A_137 : i32 to vector<16xi32>
    %and3A_139 = arith.andi %get3A_129, %and3A_138 : vector<16xi32>
    %swap3A_140 = arith.constant 112 : index
    %swap3A_141 = tpu.vector_load %arg7[%swap3A_140] {strides = array<i32>} : memref<2048xi32, #tpu.memory_space<vmem>>, vector<16xi32>,
    tpu.vector_store %arg7[%swap3A_140], %and3A_139 {strides = array<i32>} : memref<2048xi32, #tpu.memory_space<vmem>>, vector<16xi32>,
    %get3A_142 = arith.constant 128 : index
    %get3A_143 = tpu.vector_load %arg5[%get3A_142] {strides = array<i32>} : memref<2048xi32, #tpu.memory_space<vmem>>, vector<16xi32>,
    %shift_right_logical3A_144 = arith.constant 4 : i32
    %shift_right_logical3A_145 = vector.broadcast %shift_right_logical3A_144 : i32 to vector<16xi32>
    %shift_right_logical3A_146 = arith.shrui %get3A_143, %shift_right_logical3A_145 : vector<16xi32>
    %swap3A_147 = arith.constant 1 : i32
    %swap3A_148 = arith.index_cast %swap3A_147 : i32 to index
    %swap3A_149 = arith.constant 0 : index
    %swap3A_150 = tpu.vector_load %arg6[%swap3A_148, %swap3A_149] {strides = array<i32>} : memref<16x128xi32, #tpu.memory_space<vmem>>, vector<16xi32>,
    tpu.vector_store %arg6[%swap3A_148, %swap3A_149], %shift_right_logical3A_146 {strides = array<i32>} : memref<16x128xi32, #tpu.memory_space<vmem>>, vector<16xi32>,
    %and3A_151 = arith.constant 15 : i32
    %and3A_152 = vector.broadcast %and3A_151 : i32 to vector<16xi32>
    %and3A_153 = arith.andi %get3A_143, %and3A_152 : vector<16xi32>
    %swap3A_154 = arith.constant 128 : index
    %swap3A_155 = tpu.vector_load %arg7[%swap3A_154] {strides = array<i32>} : memref<2048xi32, #tpu.memory_space<vmem>>, vector<16xi32>,
    tpu.vector_store %arg7[%swap3A_154], %and3A_153 {strides = array<i32>} : memref<2048xi32, #tpu.memory_space<vmem>>, vector<16xi32>,
    %get3A_156 = arith.constant 144 : index
    %get3A_157 = tpu.vector_load %arg5[%get3A_156] {strides = array<i32>} : memref<2048xi32, #tpu.memory_space<vmem>>, vector<16xi32>,
    %shift_right_logical3A_158 = arith.constant 4 : i32
    %shift_right_logical3A_159 = vector.broadcast %shift_right_logical3A_158 : i32 to vector<16xi32>
    %shift_right_logical3A_160 = arith.shrui %get3A_157, %shift_right_logical3A_159 : vector<16xi32>
    %swap3A_161 = arith.constant 1 : i32
    %swap3A_162 = arith.index_cast %swap3A_161 : i32 to index
    %swap3A_163 = arith.constant 16 : index
    %swap3A_164 = tpu.vector_load %arg6[%swap3A_162, %swap3A_163] {strides = array<i32>} : memref<16x128xi32, #tpu.memory_space<vmem>>, vector<16xi32>,
    tpu.vector_store %arg6[%swap3A_162, %swap3A_163], %shift_right_logical3A_160 {strides = array<i32>} : memref<16x128xi32, #tpu.memory_space<vmem>>, vector<16xi32>,
    %and3A_165 = arith.constant 15 : i32
    %and3A_166 = vector.broadcast %and3A_165 : i32 to vector<16xi32>
    %and3A_167 = arith.andi %get3A_157, %and3A_166 : vector<16xi32>
    %swap3A_168 = arith.constant 144 : index
    %swap3A_169 = tpu.vector_load %arg7[%swap3A_168] {strides = array<i32>} : memref<2048xi32, #tpu.memory_space<vmem>>, vector<16xi32>,
    tpu.vector_store %arg7[%swap3A_168], %and3A_167 {strides = array<i32>} : memref<2048xi32, #tpu.memory_space<vmem>>, vector<16xi32>,
    %get3A_170 = arith.constant 160 : index
    %get3A_171 = tpu.vector_load %arg5[%get3A_170] {strides = array<i32>} : memref<2048xi32, #tpu.memory_space<vmem>>, vector<16xi32>,
    %shift_right_logical3A_172 = arith.constant 4 : i32
    %shift_right_logical3A_173 = vector.broadcast %shift_right_logical3A_172 : i32 to vector<16xi32>
    %shift_right_logical3A_174 = arith.shrui %get3A_171, %shift_right_logical3A_173 : vector<16xi32>
    %swap3A_175 = arith.constant 1 : i32
    %swap3A_176 = arith.index_cast %swap3A_175 : i32 to index
    %swap3A_177 = arith.constant 32 : index
    %swap3A_178 = tpu.vector_load %arg6[%swap3A_176, %swap3A_177] {strides = array<i32>} : memref<16x128xi32, #tpu.memory_space<vmem>>, vector<16xi32>,
    tpu.vector_store %arg6[%swap3A_176, %swap3A_177], %shift_right_logical3A_174 {strides = array<i32>} : memref<16x128xi32, #tpu.memory_space<vmem>>, vector<16xi32>,
    %and3A_179 = arith.constant 15 : i32
    %and3A_180 = vector.broadcast %and3A_179 : i32 to vector<16xi32>
    %and3A_181 = arith.andi %get3A_171, %and3A_180 : vector<16xi32>
    %swap3A_182 = arith.constant 160 : index
    %swap3A_183 = tpu.vector_load %arg7[%swap3A_182] {strides = array<i32>} : memref<2048xi32, #tpu.memory_space<vmem>>, vector<16xi32>,
    tpu.vector_store %arg7[%swap3A_182], %and3A_181 {strides = array<i32>} : memref<2048xi32, #tpu.memory_space<vmem>>, vector<16xi32>,
    %get3A_184 = arith.constant 176 : index
    %get3A_185 = tpu.vector_load %arg5[%get3A_184] {strides = array<i32>} : memref<2048xi32, #tpu.memory_space<vmem>>, vector<16xi32>,
    %shift_right_logical3A_186 = arith.constant 4 : i32
    %shift_right_logical3A_187 = vector.broadcast %shift_right_logical3A_186 : i32 to vector<16xi32>
    %shift_right_logical3A_188 = arith.shrui %get3A_185, %shift_right_logical3A_187 : vector<16xi32>
    %swap3A_189 = arith.constant 1 : i32
    %swap3A_190 = arith.index_cast %swap3A_189 : i32 to index
    %swap3A_191 = arith.constant 48 : index
    %swap3A_192 = tpu.vector_load %arg6[%swap3A_190, %swap3A_191] {strides = array<i32>} : memref<16x128xi32, #tpu.memory_space<vmem>>, vector<16xi32>,
    tpu.vector_store %arg6[%swap3A_190, %swap3A_191], %shift_right_logical3A_188 {strides = array<i32>} : memref<16x128xi32, #tpu.memory_space<vmem>>, vector<16xi32>,
    %and3A_193 = arith.constant 15 : i32
    %and3A_194 = vector.broadcast %and3A_193 : i32 to vector<16xi32>
    %and3A_195 = arith.andi %get3A_185, %and3A_194 : vector<16xi32>
    %swap3A_196 = arith.constant 176 : index
    %swap3A_197 = tpu.vector_load %arg7[%swap3A_196] {strides = array<i32>} : memref<2048xi32, #tpu.memory_space<vmem>>, vector<16xi32>,
    tpu.vector_store %arg7[%swap3A_196], %and3A_195 {strides = array<i32>} : memref<2048xi32, #tpu.memory_space<vmem>>, vector<16xi32>,
    %get3A_198 = arith.constant 192 : index
    %get3A_199 = tpu.vector_load %arg5[%get3A_198] {strides = array<i32>} : memref<2048xi32, #tpu.memory_space<vmem>>, vector<16xi32>,
    %shift_right_logical3A_200 = arith.constant 4 : i32
    %shift_right_logical3A_201 = vector.broadcast %shift_right_logical3A_200 : i32 to vector<16xi32>
    %shift_right_logical3A_202 = arith.shrui %get3A_199, %shift_right_logical3A_201 : vector<16xi32>
    %swap3A_203 = arith.constant 1 : i32
    %swap3A_204 = arith.index_cast %swap3A_203 : i32 to index
    %swap3A_205 = arith.constant 64 : index
    %swap3A_206 = tpu.vector_load %arg6[%swap3A_204, %swap3A_205] {strides = array<i32>} : memref<16x128xi32, #tpu.memory_space<vmem>>, vector<16xi32>,
    tpu.vector_store %arg6[%swap3A_204, %swap3A_205], %shift_right_logical3A_202 {strides = array<i32>} : memref<16x128xi32, #tpu.memory_space<vmem>>, vector<16xi32>,
    %and3A_207 = arith.constant 15 : i32
    %and3A_208 = vector.broadcast %and3A_207 : i32 to vector<16xi32>
    %and3A_209 = arith.andi %get3A_199, %and3A_208 : vector<16xi32>
    %swap3A_210 = arith.constant 192 : index
    %swap3A_211 = tpu.vector_load %arg7[%swap3A_210] {strides = array<i32>} : memref<2048xi32, #tpu.memory_space<vmem>>, vector<16xi32>,
    tpu.vector_store %arg7[%swap3A_210], %and3A_209 {strides = array<i32>} : memref<2048xi32, #tpu.memory_space<vmem>>, vector<16xi32>,
    %get3A_212 = arith.constant 208 : index
    %get3A_213 = tpu.vector_load %arg5[%get3A_212] {strides = array<i32>} : memref<2048xi32, #tpu.memory_space<vmem>>, vector<16xi32>,
    %shift_right_logical3A_214 = arith.constant 4 : i32
    %shift_right_logical3A_215 = vector.broadcast %shift_right_logical3A_214 : i32 to vector<16xi32>
    %shift_right_logical3A_216 = arith.shrui %get3A_213, %shift_right_logical3A_215 : vector<16xi32>
    %swap3A_217 = arith.constant 1 : i32
    %swap3A_218 = arith.index_cast %swap3A_217 : i32 to index
    %swap3A_219 = arith.constant 80 : index
    %swap3A_220 = tpu.vector_load %arg6[%swap3A_218, %swap3A_219] {strides = array<i32>} : memref<16x128xi32, #tpu.memory_space<vmem>>, vector<16xi32>,
    tpu.vector_store %arg6[%swap3A_218, %swap3A_219], %shift_right_logical3A_216 {strides = array<i32>} : memref<16x128xi32, #tpu.memory_space<vmem>>, vector<16xi32>,
    %and3A_221 = arith.constant 15 : i32
    %and3A_222 = vector.broadcast %and3A_221 : i32 to vector<16xi32>
    %and3A_223 = arith.andi %get3A_213, %and3A_222 : vector<16xi32>
    %swap3A_224 = arith.constant 208 : index
    %swap3A_225 = tpu.vector_load %arg7[%swap3A_224] {strides = array<i32>} : memref<2048xi32, #tpu.memory_space<vmem>>, vector<16xi32>,
    tpu.vector_store %arg7[%swap3A_224], %and3A_223 {strides = array<i32>} : memref<2048xi32, #tpu.memory_space<vmem>>, vector<16xi32>,
    %get3A_226 = arith.constant 224 : index
    %get3A_227 = tpu.vector_load %arg5[%get3A_226] {strides = array<i32>} : memref<2048xi32, #tpu.memory_space<vmem>>, vector<16xi32>,
    %shift_right_logical3A_228 = arith.constant 4 : i32
    %shift_right_logical3A_229 = vector.broadcast %shift_right_logical3A_228 : i32 to vector<16xi32>
    %shift_right_logical3A_230 = arith.shrui %get3A_227, %shift_right_logical3A_229 : vector<16xi32>
    %swap3A_231 = arith.constant 1 : i32
    %swap3A_232 = arith.index_cast %swap3A_231 : i32 to index
    %swap3A_233 = arith.constant 96 : index
    %swap3A_234 = tpu.vector_load %arg6[%swap3A_232, %swap3A_233] {strides = array<i32>} : memref<16x128xi32, #tpu.memory_space<vmem>>, vector<16xi32>,
    tpu.vector_store %arg6[%swap3A_232, %swap3A_233], %shift_right_logical3A_230 {strides = array<i32>} : memref<16x128xi32, #tpu.memory_space<vmem>>, vector<16xi32>,
    %and3A_235 = arith.constant 15 : i32
    %and3A_236 = vector.broadcast %and3A_235 : i32 to vector<16xi32>
    %and3A_237 = arith.andi %get3A_227, %and3A_236 : vector<16xi32>
    %swap3A_238 = arith.constant 224 : index
    %swap3A_239 = tpu.vector_load %arg7[%swap3A_238] {strides = array<i32>} : memref<2048xi32, #tpu.memory_space<vmem>>, vector<16xi32>,
    tpu.vector_store %arg7[%swap3A_238], %and3A_237 {strides = array<i32>} : memref<2048xi32, #tpu.memory_space<vmem>>, vector<16xi32>,
    %get3A_240 = arith.constant 240 : index
    %get3A_241 = tpu.vector_load %arg5[%get3A_240] {strides = array<i32>} : memref<2048xi32, #tpu.memory_space<vmem>>, vector<16xi32>,
    %shift_right_logical3A_242 = arith.constant 4 : i32
    %shift_right_logical3A_243 = vector.broadcast %shift_right_logical3A_242 : i32 to vector<16xi32>
    %shift_right_logical3A_244 = arith.shrui %get3A_241, %shift_right_logical3A_243 : vector<16xi32>
    %swap3A_245 = arith.constant 1 : i32
    %swap3A_246 = arith.index_cast %swap3A_245 : i32 to index
    %swap3A_247 = arith.constant 112 : index
    %swap3A_248 = tpu.vector_load %arg6[%swap3A_246, %swap3A_247] {strides = array<i32>} : memref<16x128xi32, #tpu.memory_space<vmem>>, vector<16xi32>,
    tpu.vector_store %arg6[%swap3A_246, %swap3A_247], %shift_right_logical3A_244 {strides = array<i32>} : memref<16x128xi32, #tpu.memory_space<vmem>>, vector<16xi32>,
    %and3A_249 = arith.constant 15 : i32
    %and3A_250 = vector.broadcast %and3A_249 : i32 to vector<16xi32>
    %and3A_251 = arith.andi %get3A_241, %and3A_250 : vector<16xi32>
    %swap3A_252 = arith.constant 240 : index
    %swap3A_253 = tpu.vector_load %arg7[%swap3A_252] {strides = array<i32>} : memref<2048xi32, #tpu.memory_space<vmem>>, vector<16xi32>,
    tpu.vector_store %arg7[%swap3A_252], %and3A_251 {strides = array<i32>} : memref<2048xi32, #tpu.memory_space<vmem>>, vector<16xi32>,
    %get3A_254 = arith.constant 256 : index
    %get3A_255 = tpu.vector_load %arg5[%get3A_254] {strides = array<i32>} : memref<2048xi32, #tpu.memory_space<vmem>>, vector<16xi32>,
    %shift_right_logical3A_256 = arith.constant 4 : i32
    %shift_right_logical3A_257 = vector.broadcast %shift_right_logical3A_256 : i32 to vector<16xi32>
    %shift_right_logical3A_258 = arith.shrui %get3A_255, %shift_right_logical3A_257 : vector<16xi32>
    %swap3A_259 = arith.constant 2 : i32
    %swap3A_260 = arith.index_cast %swap3A_259 : i32 to index
    %swap3A_261 = arith.constant 0 : index
    %swap3A_262 = tpu.vector_load %arg6[%swap3A_260, %swap3A_261] {strides = array<i32>} : memref<16x128xi32, #tpu.memory_space<vmem>>, vector<16xi32>,
    tpu.vector_store %arg6[%swap3A_260, %swap3A_261], %shift_right_logical3A_258 {strides = array<i32>} : memref<16x128xi32, #tpu.memory_space<vmem>>, vector<16xi32>,
    %and3A_263 = arith.constant 15 : i32
    %and3A_264 = vector.broadcast %and3A_263 : i32 to vector<16xi32>
    %and3A_265 = arith.andi %get3A_255, %and3A_264 : vector<16xi32>
    %swap3A_266 = arith.constant 256 : index
    %swap3A_267 = tpu.vector_load %arg7[%swap3A_266] {strides = array<i32>} : memref<2048xi32, #tpu.memory_space<vmem>>, vector<16xi32>,
    tpu.vector_store %arg7[%swap3A_266], %and3A_265 {strides = array<i32>} : memref<2048xi32, #tpu.memory_space<vmem>>, vector<16xi32>,
    %get3A_268 = arith.constant 272 : index
    %get3A_269 = tpu.vector_load %arg5[%get3A_268] {strides = array<i32>} : memref<2048xi32, #tpu.memory_space<vmem>>, vector<16xi32>,
    %shift_right_logical3A_270 = arith.constant 4 : i32
    %shift_right_logical3A_271 = vector.broadcast %shift_right_logical3A_270 : i32 to vector<16xi32>
    %shift_right_logical3A_272 = arith.shrui %get3A_269, %shift_right_logical3A_271 : vector<16xi32>
    %swap3A_273 = arith.constant 2 : i32
    %swap3A_274 = arith.index_cast %swap3A_273 : i32 to index
    %swap3A_275 = arith.constant 16 : index
    %swap3A_276 = tpu.vector_load %arg6[%swap3A_274, %swap3A_275] {strides = array<i32>} : memref<16x128xi32, #tpu.memory_space<vmem>>, vector<16xi32>,
    tpu.vector_store %arg6[%swap3A_274, %swap3A_275], %shift_right_logical3A_272 {strides = array<i32>} : memref<16x128xi32, #tpu.memory_space<vmem>>, vector<16xi32>,
    %and3A_277 = arith.constant 15 : i32
    %and3A_278 = vector.broadcast %and3A_277 : i32 to vector<16xi32>
    %and3A_279 = arith.andi %get3A_269, %and3A_278 : vector<16xi32>
    %swap3A_280 = arith.constant 272 : index
    %swap3A_281 = tpu.vector_load %arg7[%swap3A_280] {strides = array<i32>} : memref<2048xi32, #tpu.memory_space<vmem>>, vector<16xi32>,
    tpu.vector_store %arg7[%swap3A_280], %and3A_279 {strides = array<i32>} : memref<2048xi32, #tpu.memory_space<vmem>>, vector<16xi32>,
    %get3A_282 = arith.constant 288 : index
    %get3A_283 = tpu.vector_load %arg5[%get3A_282] {strides = array<i32>} : memref<2048xi32, #tpu.memory_space<vmem>>, vector<16xi32>,
    %shift_right_logical3A_284 = arith.constant 4 : i32
    %shift_right_logical3A_285 = vector.broadcast %shift_right_logical3A_284 : i32 to vector<16xi32>
    %shift_right_logical3A_286 = arith.shrui %get3A_283, %shift_right_logical3A_285 : vector<16xi32>
    %swap3A_287 = arith.constant 2 : i32
    %swap3A_288 = arith.index_cast %swap3A_287 : i32 to index
    %swap3A_289 = arith.constant 32 : index
    %swap3A_290 = tpu.vector_load %arg6[%swap3A_288, %swap3A_289] {strides = array<i32>} : memref<16x128xi32, #tpu.memory_space<vmem>>, vector<16xi32>,
    tpu.vector_store %arg6[%swap3A_288, %swap3A_289], %shift_right_logical3A_286 {strides = array<i32>} : memref<16x128xi32, #tpu.memory_space<vmem>>, vector<16xi32>,
    %and3A_291 = arith.constant 15 : i32
    %and3A_292 = vector.broadcast %and3A_291 : i32 to vector<16xi32>
    %and3A_293 = arith.andi %get3A_283, %and3A_292 : vector<16xi32>
    %swap3A_294 = arith.constant 288 : index
    %swap3A_295 = tpu.vector_load %arg7[%swap3A_294] {strides = array<i32>} : memref<2048xi32, #tpu.memory_space<vmem>>, vector<16xi32>,
    tpu.vector_store %arg7[%swap3A_294], %and3A_293 {strides = array<i32>} : memref<2048xi32, #tpu.memory_space<vmem>>, vector<16xi32>,
    %get3A_296 = arith.constant 304 : index
    %get3A_297 = tpu.vector_load %arg5[%get3A_296] {strides = array<i32>} : memref<2048xi32, #tpu.memory_space<vmem>>, vector<16xi32>,
    %shift_right_logical3A_298 = arith.constant 4 : i32
    %shift_right_logical3A_299 = vector.broadcast %shift_right_logical3A_298 : i32 to vector<16xi32>
    %shift_right_logical3A_300 = arith.shrui %get3A_297, %shift_right_logical3A_299 : vector<16xi32>
    %swap3A_301 = arith.constant 2 : i32
    %swap3A_302 = arith.index_cast %swap3A_301 : i32 to index
    %swap3A_303 = arith.constant 48 : index
    %swap3A_304 = tpu.vector_load %arg6[%swap3A_302, %swap3A_303] {strides = array<i32>} : memref<16x128xi32, #tpu.memory_space<vmem>>, vector<16xi32>,
    tpu.vector_store %arg6[%swap3A_302, %swap3A_303], %shift_right_logical3A_300 {strides = array<i32>} : memref<16x128xi32, #tpu.memory_space<vmem>>, vector<16xi32>,
    %and3A_305 = arith.constant 15 : i32
    %and3A_306 = vector.broadcast %and3A_305 : i32 to vector<16xi32>
    %and3A_307 = arith.andi %get3A_297, %and3A_306 : vector<16xi32>
    %swap3A_308 = arith.constant 304 : index
    %swap3A_309 = tpu.vector_load %arg7[%swap3A_308] {strides = array<i32>} : memref<2048xi32, #tpu.memory_space<vmem>>, vector<16xi32>,
    tpu.vector_store %arg7[%swap3A_308], %and3A_307 {strides = array<i32>} : memref<2048xi32, #tpu.memory_space<vmem>>, vector<16xi32>,
    %get3A_310 = arith.constant 320 : index
    %get3A_311 = tpu.vector_load %arg5[%get3A_310] {strides = array<i32>} : memref<2048xi32, #tpu.memory_space<vmem>>, vector<16xi32>,
    %shift_right_logical3A_312 = arith.constant 4 : i32
    %shift_right_logical3A_313 = vector.broadcast %shift_right_logical3A_312 : i32 to vector<16xi32>
    %shift_right_logical3A_314 = arith.shrui %get3A_311, %shift_right_logical3A_313 : vector<16xi32>
    %swap3A_315 = arith.constant 2 : i32
    %swap3A_316 = arith.index_cast %swap3A_315 : i32 to index
    %swap3A_317 = arith.constant 64 : index
    %swap3A_318 = tpu.vector_load %arg6[%swap3A_316, %swap3A_317] {strides = array<i32>} : memref<16x128xi32, #tpu.memory_space<vmem>>, vector<16xi32>,
    tpu.vector_store %arg6[%swap3A_316, %swap3A_317], %shift_right_logical3A_314 {strides = array<i32>} : memref<16x128xi32, #tpu.memory_space<vmem>>, vector<16xi32>,
    %and3A_319 = arith.constant 15 : i32
    %and3A_320 = vector.broadcast %and3A_319 : i32 to vector<16xi32>
    %and3A_321 = arith.andi %get3A_311, %and3A_320 : vector<16xi32>
    %swap3A_322 = arith.constant 320 : index
    %swap3A_323 = tpu.vector_load %arg7[%swap3A_322] {strides = array<i32>} : memref<2048xi32, #tpu.memory_space<vmem>>, vector<16xi32>,
    tpu.vector_store %arg7[%swap3A_322], %and3A_321 {strides = array<i32>} : memref<2048xi32, #tpu.memory_space<vmem>>, vector<16xi32>,
    %get3A_324 = arith.constant 336 : index
    %get3A_325 = tpu.vector_load %arg5[%get3A_324] {strides = array<i32>} : memref<2048xi32, #tpu.memory_space<vmem>>, vector<16xi32>,
    %shift_right_logical3A_326 = arith.constant 4 : i32
    %shift_right_logical3A_327 = vector.broadcast %shift_right_logical3A_326 : i32 to vector<16xi32>
    %shift_right_logical3A_328 = arith.shrui %get3A_325, %shift_right_logical3A_327 : vector<16xi32>
    %swap3A_329 = arith.constant 2 : i32
    %swap3A_330 = arith.index_cast %swap3A_329 : i32 to index
    %swap3A_331 = arith.constant 80 : index
    %swap3A_332 = tpu.vector_load %arg6[%swap3A_330, %swap3A_331] {strides = array<i32>} : memref<16x128xi32, #tpu.memory_space<vmem>>, vector<16xi32>,
    tpu.vector_store %arg6[%swap3A_330, %swap3A_331], %shift_right_logical3A_328 {strides = array<i32>} : memref<16x128xi32, #tpu.memory_space<vmem>>, vector<16xi32>,
    %and3A_333 = arith.constant 15 : i32
    %and3A_334 = vector.broadcast %and3A_333 : i32 to vector<16xi32>
    %and3A_335 = arith.andi %get3A_325, %and3A_334 : vector<16xi32>
    %swap3A_336 = arith.constant 336 : index
    %swap3A_337 = tpu.vector_load %arg7[%swap3A_336] {strides = array<i32>} : memref<2048xi32, #tpu.memory_space<vmem>>, vector<16xi32>,
    tpu.vector_store %arg7[%swap3A_336], %and3A_335 {strides = array<i32>} : memref<2048xi32, #tpu.memory_space<vmem>>, vector<16xi32>,
    %get3A_338 = arith.constant 352 : index
    %get3A_339 = tpu.vector_load %arg5[%get3A_338] {strides = array<i32>} : memref<2048xi32, #tpu.memory_space<vmem>>, vector<16xi32>,
    %shift_right_logical3A_340 = arith.constant 4 : i32
    %shift_right_logical3A_341 = vector.broadcast %shift_right_logical3A_340 : i32 to vector<16xi32>
    %shift_right_logical3A_342 = arith.shrui %get3A_339, %shift_right_logical3A_341 : vector<16xi32>
    %swap3A_343 = arith.constant 2 : i32
    %swap3A_344 = arith.index_cast %swap3A_343 : i32 to index
    %swap3A_345 = arith.constant 96 : index
    %swap3A_346 = tpu.vector_load %arg6[%swap3A_344, %swap3A_345] {strides = array<i32>} : memref<16x128xi32, #tpu.memory_space<vmem>>, vector<16xi32>,
    tpu.vector_store %arg6[%swap3A_344, %swap3A_345], %shift_right_logical3A_342 {strides = array<i32>} : memref<16x128xi32, #tpu.memory_space<vmem>>, vector<16xi32>,
    %and3A_347 = arith.constant 15 : i32
    %and3A_348 = vector.broadcast %and3A_347 : i32 to vector<16xi32>
    %and3A_349 = arith.andi %get3A_339, %and3A_348 : vector<16xi32>
    %swap3A_350 = arith.constant 352 : index
    %swap3A_351 = tpu.vector_load %arg7[%swap3A_350] {strides = array<i32>} : memref<2048xi32, #tpu.memory_space<vmem>>, vector<16xi32>,
    tpu.vector_store %arg7[%swap3A_350], %and3A_349 {strides = array<i32>} : memref<2048xi32, #tpu.memory_space<vmem>>, vector<16xi32>,
    %get3A_352 = arith.constant 368 : index
    %get3A_353 = tpu.vector_load %arg5[%get3A_352] {strides = array<i32>} : memref<2048xi32, #tpu.memory_space<vmem>>, vector<16xi32>,
    %shift_right_logical3A_354 = arith.constant 4 : i32
    %shift_right_logical3A_355 = vector.broadcast %shift_right_logical3A_354 : i32 to vector<16xi32>
    %shift_right_logical3A_356 = arith.shrui %get3A_353, %shift_right_logical3A_355 : vector<16xi32>
    %swap3A_357 = arith.constant 2 : i32
    %swap3A_358 = arith.index_cast %swap3A_357 : i32 to index
    %swap3A_359 = arith.constant 112 : index
    %swap3A_360 = tpu.vector_load %arg6[%swap3A_358, %swap3A_359] {strides = array<i32>} : memref<16x128xi32, #tpu.memory_space<vmem>>, vector<16xi32>,
    tpu.vector_store %arg6[%swap3A_358, %swap3A_359], %shift_right_logical3A_356 {strides = array<i32>} : memref<16x128xi32, #tpu.memory_space<vmem>>, vector<16xi32>,
    %and3A_361 = arith.constant 15 : i32
    %and3A_362 = vector.broadcast %and3A_361 : i32 to vector<16xi32>
    %and3A_363 = arith.andi %get3A_353, %and3A_362 : vector<16xi32>
    %swap3A_364 = arith.constant 368 : index
    %swap3A_365 = tpu.vector_load %arg7[%swap3A_364] {strides = array<i32>} : memref<2048xi32, #tpu.memory_space<vmem>>, vector<16xi32>,
    tpu.vector_store %arg7[%swap3A_364], %and3A_363 {strides = array<i32>} : memref<2048xi32, #tpu.memory_space<vmem>>, vector<16xi32>,
    %get3A_366 = arith.constant 384 : index
    %get3A_367 = tpu.vector_load %arg5[%get3A_366] {strides = array<i32>} : memref<2048xi32, #tpu.memory_space<vmem>>, vector<16xi32>,
    %shift_right_logical3A_368 = arith.constant 4 : i32
    %shift_right_logical3A_369 = vector.broadcast %shift_right_logical3A_368 : i32 to vector<16xi32>
    %shift_right_logical3A_370 = arith.shrui %get3A_367, %shift_right_logical3A_369 : vector<16xi32>
    %swap3A_371 = arith.constant 3 : i32
    %swap3A_372 = arith.index_cast %swap3A_371 : i32 to index
    %swap3A_373 = arith.constant 0 : index
    %swap3A_374 = tpu.vector_load %arg6[%swap3A_372, %swap3A_373] {strides = array<i32>} : memref<16x128xi32, #tpu.memory_space<vmem>>, vector<16xi32>,
    tpu.vector_store %arg6[%swap3A_372, %swap3A_373], %shift_right_logical3A_370 {strides = array<i32>} : memref<16x128xi32, #tpu.memory_space<vmem>>, vector<16xi32>,
    %and3A_375 = arith.constant 15 : i32
    %and3A_376 = vector.broadcast %and3A_375 : i32 to vector<16xi32>
    %and3A_377 = arith.andi %get3A_367, %and3A_376 : vector<16xi32>
    %swap3A_378 = arith.constant 384 : index
    %swap3A_379 = tpu.vector_load %arg7[%swap3A_378] {strides = array<i32>} : memref<2048xi32, #tpu.memory_space<vmem>>, vector<16xi32>,
    tpu.vector_store %arg7[%swap3A_378], %and3A_377 {strides = array<i32>} : memref<2048xi32, #tpu.memory_space<vmem>>, vector<16xi32>,
    %get3A_380 = arith.constant 400 : index
    %get3A_381 = tpu.vector_load %arg5[%get3A_380] {strides = array<i32>} : memref<2048xi32, #tpu.memory_space<vmem>>, vector<16xi32>,
    %shift_right_logical3A_382 = arith.constant 4 : i32
    %shift_right_logical3A_383 = vector.broadcast %shift_right_logical3A_382 : i32 to vector<16xi32>
    %shift_right_logical3A_384 = arith.shrui %get3A_381, %shift_right_logical3A_383 : vector<16xi32>
    %swap3A_385 = arith.constant 3 : i32
    %swap3A_386 = arith.index_cast %swap3A_385 : i32 to index
    %swap3A_387 = arith.constant 16 : index
    %swap3A_388 = tpu.vector_load %arg6[%swap3A_386, %swap3A_387] {strides = array<i32>} : memref<16x128xi32, #tpu.memory_space<vmem>>, vector<16xi32>,
    tpu.vector_store %arg6[%swap3A_386, %swap3A_387], %shift_right_logical3A_384 {strides = array<i32>} : memref<16x128xi32, #tpu.memory_space<vmem>>, vector<16xi32>,
    %and3A_389 = arith.constant 15 : i32
    %and3A_390 = vector.broadcast %and3A_389 : i32 to vector<16xi32>
    %and3A_391 = arith.andi %get3A_381, %and3A_390 : vector<16xi32>
    %swap3A_392 = arith.constant 400 : index
    %swap3A_393 = tpu.vector_load %arg7[%swap3A_392] {strides = array<i32>} : memref<2048xi32, #tpu.memory_space<vmem>>, vector<16xi32>,
    tpu.vector_store %arg7[%swap3A_392], %and3A_391 {strides = array<i32>} : memref<2048xi32, #tpu.memory_space<vmem>>, vector<16xi32>,
    %get3A_394 = arith.constant 416 : index
    %get3A_395 = tpu.vector_load %arg5[%get3A_394] {strides = array<i32>} : memref<2048xi32, #tpu.memory_space<vmem>>, vector<16xi32>,
    %shift_right_logical3A_396 = arith.constant 4 : i32
    %shift_right_logical3A_397 = vector.broadcast %shift_right_logical3A_396 : i32 to vector<16xi32>
    %shift_right_logical3A_398 = arith.shrui %get3A_395, %shift_right_logical3A_397 : vector<16xi32>
    %swap3A_399 = arith.constant 3 : i32
    %swap3A_400 = arith.index_cast %swap3A_399 : i32 to index
    %swap3A_401 = arith.constant 32 : index
    %swap3A_402 = tpu.vector_load %arg6[%swap3A_400, %swap3A_401] {strides = array<i32>} : memref<16x128xi32, #tpu.memory_space<vmem>>, vector<16xi32>,
    tpu.vector_store %arg6[%swap3A_400, %swap3A_401], %shift_right_logical3A_398 {strides = array<i32>} : memref<16x128xi32, #tpu.memory_space<vmem>>, vector<16xi32>,
    %and3A_403 = arith.constant 15 : i32
    %and3A_404 = vector.broadcast %and3A_403 : i32 to vector<16xi32>
    %and3A_405 = arith.andi %get3A_395, %and3A_404 : vector<16xi32>
    %swap3A_406 = arith.constant 416 : index
    %swap3A_407 = tpu.vector_load %arg7[%swap3A_406] {strides = array<i32>} : memref<2048xi32, #tpu.memory_space<vmem>>, vector<16xi32>,
    tpu.vector_store %arg7[%swap3A_406], %and3A_405 {strides = array<i32>} : memref<2048xi32, #tpu.memory_space<vmem>>, vector<16xi32>,
    %get3A_408 = arith.constant 432 : index
    %get3A_409 = tpu.vector_load %arg5[%get3A_408] {strides = array<i32>} : memref<2048xi32, #tpu.memory_space<vmem>>, vector<16xi32>,
    %shift_right_logical3A_410 = arith.constant 4 : i32
    %shift_right_logical3A_411 = vector.broadcast %shift_right_logical3A_410 : i32 to vector<16xi32>
    %shift_right_logical3A_412 = arith.shrui %get3A_409, %shift_right_logical3A_411 : vector<16xi32>
    %swap3A_413 = arith.constant 3 : i32
    %swap3A_414 = arith.index_cast %swap3A_413 : i32 to index
    %swap3A_415 = arith.constant 48 : index
    %swap3A_416 = tpu.vector_load %arg6[%swap3A_414, %swap3A_415] {strides = array<i32>} : memref<16x128xi32, #tpu.memory_space<vmem>>, vector<16xi32>,
    tpu.vector_store %arg6[%swap3A_414, %swap3A_415], %shift_right_logical3A_412 {strides = array<i32>} : memref<16x128xi32, #tpu.memory_space<vmem>>, vector<16xi32>,
    %and3A_417 = arith.constant 15 : i32
    %and3A_418 = vector.broadcast %and3A_417 : i32 to vector<16xi32>
    %and3A_419 = arith.andi %get3A_409, %and3A_418 : vector<16xi32>
    %swap3A_420 = arith.constant 432 : index
    %swap3A_421 = tpu.vector_load %arg7[%swap3A_420] {strides = array<i32>} : memref<2048xi32, #tpu.memory_space<vmem>>, vector<16xi32>,
    tpu.vector_store %arg7[%swap3A_420], %and3A_419 {strides = array<i32>} : memref<2048xi32, #tpu.memory_space<vmem>>, vector<16xi32>,
    %get3A_422 = arith.constant 448 : index
    %get3A_423 = tpu.vector_load %arg5[%get3A_422] {strides = array<i32>} : memref<2048xi32, #tpu.memory_space<vmem>>, vector<16xi32>,
    %shift_right_logical3A_424 = arith.constant 4 : i32
    %shift_right_logical3A_425 = vector.broadcast %shift_right_logical3A_424 : i32 to vector<16xi32>
    %shift_right_logical3A_426 = arith.shrui %get3A_423, %shift_right_logical3A_425 : vector<16xi32>
    %swap3A_427 = arith.constant 3 : i32
    %swap3A_428 = arith.index_cast %swap3A_427 : i32 to index
    %swap3A_429 = arith.constant 64 : index
    %swap3A_430 = tpu.vector_load %arg6[%swap3A_428, %swap3A_429] {strides = array<i32>} : memref<16x128xi32, #tpu.memory_space<vmem>>, vector<16xi32>,
    tpu.vector_store %arg6[%swap3A_428, %swap3A_429], %shift_right_logical3A_426 {strides = array<i32>} : memref<16x128xi32, #tpu.memory_space<vmem>>, vector<16xi32>,
    %and3A_431 = arith.constant 15 : i32
    %and3A_432 = vector.broadcast %and3A_431 : i32 to vector<16xi32>
    %and3A_433 = arith.andi %get3A_423, %and3A_432 : vector<16xi32>
    %swap3A_434 = arith.constant 448 : index
    %swap3A_435 = tpu.vector_load %arg7[%swap3A_434] {strides = array<i32>} : memref<2048xi32, #tpu.memory_space<vmem>>, vector<16xi32>,
    tpu.vector_store %arg7[%swap3A_434], %and3A_433 {strides = array<i32>} : memref<2048xi32, #tpu.memory_space<vmem>>, vector<16xi32>,
    %get3A_436 = arith.constant 464 : index
    %get3A_437 = tpu.vector_load %arg5[%get3A_436] {strides = array<i32>} : memref<2048xi32, #tpu.memory_space<vmem>>, vector<16xi32>,
    %shift_right_logical3A_438 = arith.constant 4 : i32
    %shift_right_logical3A_439 = vector.broadcast %shift_right_logical3A_438 : i32 to vector<16xi32>
    %shift_right_logical3A_440 = arith.shrui %get3A_437, %shift_right_logical3A_439 : vector<16xi32>
    %swap3A_441 = arith.constant 3 : i32
    %swap3A_442 = arith.index_cast %swap3A_441 : i32 to index
    %swap3A_443 = arith.constant 80 : index
    %swap3A_444 = tpu.vector_load %arg6[%swap3A_442, %swap3A_443] {strides = array<i32>} : memref<16x128xi32, #tpu.memory_space<vmem>>, vector<16xi32>,
    tpu.vector_store %arg6[%swap3A_442, %swap3A_443], %shift_right_logical3A_440 {strides = array<i32>} : memref<16x128xi32, #tpu.memory_space<vmem>>, vector<16xi32>,
    %and3A_445 = arith.constant 15 : i32
    %and3A_446 = vector.broadcast %and3A_445 : i32 to vector<16xi32>
    %and3A_447 = arith.andi %get3A_437, %and3A_446 : vector<16xi32>
    %swap3A_448 = arith.constant 464 : index
    %swap3A_449 = tpu.vector_load %arg7[%swap3A_448] {strides = array<i32>} : memref<2048xi32, #tpu.memory_space<vmem>>, vector<16xi32>,
    tpu.vector_store %arg7[%swap3A_448], %and3A_447 {strides = array<i32>} : memref<2048xi32, #tpu.memory_space<vmem>>, vector<16xi32>,
    %get3A_450 = arith.constant 480 : index
    %get3A_451 = tpu.vector_load %arg5[%get3A_450] {strides = array<i32>} : memref<2048xi32, #tpu.memory_space<vmem>>, vector<16xi32>,
    %shift_right_logical3A_452 = arith.constant 4 : i32
    %shift_right_logical3A_453 = vector.broadcast %shift_right_logical3A_452 : i32 to vector<16xi32>
    %shift_right_logical3A_454 = arith.shrui %get3A_451, %shift_right_logical3A_453 : vector<16xi32>
    %swap3A_455 = arith.constant 3 : i32
    %swap3A_456 = arith.index_cast %swap3A_455 : i32 to index
    %swap3A_457 = arith.constant 96 : index
    %swap3A_458 = tpu.vector_load %arg6[%swap3A_456, %swap3A_457] {strides = array<i32>} : memref<16x128xi32, #tpu.memory_space<vmem>>, vector<16xi32>,
    tpu.vector_store %arg6[%swap3A_456, %swap3A_457], %shift_right_logical3A_454 {strides = array<i32>} : memref<16x128xi32, #tpu.memory_space<vmem>>, vector<16xi32>,
    %and3A_459 = arith.constant 15 : i32
    %and3A_460 = vector.broadcast %and3A_459 : i32 to vector<16xi32>
    %and3A_461 = arith.andi %get3A_451, %and3A_460 : vector<16xi32>
    %swap3A_462 = arith.constant 480 : index
    %swap3A_463 = tpu.vector_load %arg7[%swap3A_462] {strides = array<i32>} : memref<2048xi32, #tpu.memory_space<vmem>>, vector<16xi32>,
    tpu.vector_store %arg7[%swap3A_462], %and3A_461 {strides = array<i32>} : memref<2048xi32, #tpu.memory_space<vmem>>, vector<16xi32>,
    %get3A_464 = arith.constant 496 : index
    %get3A_465 = tpu.vector_load %arg5[%get3A_464] {strides = array<i32>} : memref<2048xi32, #tpu.memory_space<vmem>>, vector<16xi32>,
    %shift_right_logical3A_466 = arith.constant 4 : i32
    %shift_right_logical3A_467 = vector.broadcast %shift_right_logical3A_466 : i32 to vector<16xi32>
    %shift_right_logical3A_468 = arith.shrui %get3A_465, %shift_right_logical3A_467 : vector<16xi32>
    %swap3A_469 = arith.constant 3 : i32
    %swap3A_470 = arith.index_cast %swap3A_469 : i32 to index
    %swap3A_471 = arith.constant 112 : index
    %swap3A_472 = tpu.vector_load %arg6[%swap3A_470, %swap3A_471] {strides = array<i32>} : memref<16x128xi32, #tpu.memory_space<vmem>>, vector<16xi32>,
    tpu.vector_store %arg6[%swap3A_470, %swap3A_471], %shift_right_logical3A_468 {strides = array<i32>} : memref<16x128xi32, #tpu.memory_space<vmem>>, vector<16xi32>,
    %and3A_473 = arith.constant 15 : i32
    %and3A_474 = vector.broadcast %and3A_473 : i32 to vector<16xi32>
    %and3A_475 = arith.andi %get3A_465, %and3A_474 : vector<16xi32>
    %swap3A_476 = arith.constant 496 : index
    %swap3A_477 = tpu.vector_load %arg7[%swap3A_476] {strides = array<i32>} : memref<2048xi32, #tpu.memory_space<vmem>>, vector<16xi32>,
    tpu.vector_store %arg7[%swap3A_476], %and3A_475 {strides = array<i32>} : memref<2048xi32, #tpu.memory_space<vmem>>, vector<16xi32>,
    %get3A_478 = arith.constant 512 : index
    %get3A_479 = tpu.vector_load %arg5[%get3A_478] {strides = array<i32>} : memref<2048xi32, #tpu.memory_space<vmem>>, vector<16xi32>,
    %shift_right_logical3A_480 = arith.constant 4 : i32
    %shift_right_logical3A_481 = vector.broadcast %shift_right_logical3A_480 : i32 to vector<16xi32>
    %shift_right_logical3A_482 = arith.shrui %get3A_479, %shift_right_logical3A_481 : vector<16xi32>
    %swap3A_483 = arith.constant 4 : i32
    %swap3A_484 = arith.index_cast %swap3A_483 : i32 to index
    %swap3A_485 = arith.constant 0 : index
    %swap3A_486 = tpu.vector_load %arg6[%swap3A_484, %swap3A_485] {strides = array<i32>} : memref<16x128xi32, #tpu.memory_space<vmem>>, vector<16xi32>,
    tpu.vector_store %arg6[%swap3A_484, %swap3A_485], %shift_right_logical3A_482 {strides = array<i32>} : memref<16x128xi32, #tpu.memory_space<vmem>>, vector<16xi32>,
    %and3A_487 = arith.constant 15 : i32
    %and3A_488 = vector.broadcast %and3A_487 : i32 to vector<16xi32>
    %and3A_489 = arith.andi %get3A_479, %and3A_488 : vector<16xi32>
    %swap3A_490 = arith.constant 512 : index
    %swap3A_491 = tpu.vector_load %arg7[%swap3A_490] {strides = array<i32>} : memref<2048xi32, #tpu.memory_space<vmem>>, vector<16xi32>,
    tpu.vector_store %arg7[%swap3A_490], %and3A_489 {strides = array<i32>} : memref<2048xi32, #tpu.memory_space<vmem>>, vector<16xi32>,
    %get3A_492 = arith.constant 528 : index
    %get3A_493 = tpu.vector_load %arg5[%get3A_492] {strides = array<i32>} : memref<2048xi32, #tpu.memory_space<vmem>>, vector<16xi32>,
    %shift_right_logical3A_494 = arith.constant 4 : i32
    %shift_right_logical3A_495 = vector.broadcast %shift_right_logical3A_494 : i32 to vector<16xi32>
    %shift_right_logical3A_496 = arith.shrui %get3A_493, %shift_right_logical3A_495 : vector<16xi32>
    %swap3A_497 = arith.constant 4 : i32
    %swap3A_498 = arith.index_cast %swap3A_497 : i32 to index
    %swap3A_499 = arith.constant 16 : index
    %swap3A_500 = tpu.vector_load %arg6[%swap3A_498, %swap3A_499] {strides = array<i32>} : memref<16x128xi32, #tpu.memory_space<vmem>>, vector<16xi32>,
    tpu.vector_store %arg6[%swap3A_498, %swap3A_499], %shift_right_logical3A_496 {strides = array<i32>} : memref<16x128xi32, #tpu.memory_space<vmem>>, vector<16xi32>,
    %and3A_501 = arith.constant 15 : i32
    %and3A_502 = vector.broadcast %and3A_501 : i32 to vector<16xi32>
    %and3A_503 = arith.andi %get3A_493, %and3A_502 : vector<16xi32>
    %swap3A_504 = arith.constant 528 : index
    %swap3A_505 = tpu.vector_load %arg7[%swap3A_504] {strides = array<i32>} : memref<2048xi32, #tpu.memory_space<vmem>>, vector<16xi32>,
    tpu.vector_store %arg7[%swap3A_504], %and3A_503 {strides = array<i32>} : memref<2048xi32, #tpu.memory_space<vmem>>, vector<16xi32>,
    %get3A_506 = arith.constant 544 : index
    %get3A_507 = tpu.vector_load %arg5[%get3A_506] {strides = array<i32>} : memref<2048xi32, #tpu.memory_space<vmem>>, vector<16xi32>,
    %shift_right_logical3A_508 = arith.constant 4 : i32
    %shift_right_logical3A_509 = vector.broadcast %shift_right_logical3A_508 : i32 to vector<16xi32>
    %shift_right_logical3A_510 = arith.shrui %get3A_507, %shift_right_logical3A_509 : vector<16xi32>
    %swap3A_511 = arith.constant 4 : i32
    %swap3A_512 = arith.index_cast %swap3A_511 : i32 to index
    %swap3A_513 = arith.constant 32 : index
    %swap3A_514 = tpu.vector_load %arg6[%swap3A_512, %swap3A_513] {strides = array<i32>} : memref<16x128xi32, #tpu.memory_space<vmem>>, vector<16xi32>,
    tpu.vector_store %arg6[%swap3A_512, %swap3A_513], %shift_right_logical3A_510 {strides = array<i32>} : memref<16x128xi32, #tpu.memory_space<vmem>>, vector<16xi32>,
    %and3A_515 = arith.constant 15 : i32
    %and3A_516 = vector.broadcast %and3A_515 : i32 to vector<16xi32>
    %and3A_517 = arith.andi %get3A_507, %and3A_516 : vector<16xi32>
    %swap3A_518 = arith.constant 544 : index
    %swap3A_519 = tpu.vector_load %arg7[%swap3A_518] {strides = array<i32>} : memref<2048xi32, #tpu.memory_space<vmem>>, vector<16xi32>,
    tpu.vector_store %arg7[%swap3A_518], %and3A_517 {strides = array<i32>} : memref<2048xi32, #tpu.memory_space<vmem>>, vector<16xi32>,
    %get3A_520 = arith.constant 560 : index
    %get3A_521 = tpu.vector_load %arg5[%get3A_520] {strides = array<i32>} : memref<2048xi32, #tpu.memory_space<vmem>>, vector<16xi32>,
    %shift_right_logical3A_522 = arith.constant 4 : i32
    %shift_right_logical3A_523 = vector.broadcast %shift_right_logical3A_522 : i32 to vector<16xi32>
    %shift_right_logical3A_524 = arith.shrui %get3A_521, %shift_right_logical3A_523 : vector<16xi32>
    %swap3A_525 = arith.constant 4 : i32
    %swap3A_526 = arith.index_cast %swap3A_525 : i32 to index
    %swap3A_527 = arith.constant 48 : index
    %swap3A_528 = tpu.vector_load %arg6[%swap3A_526, %swap3A_527] {strides = array<i32>} : memref<16x128xi32, #tpu.memory_space<vmem>>, vector<16xi32>,
    tpu.vector_store %arg6[%swap3A_526, %swap3A_527], %shift_right_logical3A_524 {strides = array<i32>} : memref<16x128xi32, #tpu.memory_space<vmem>>, vector<16xi32>,
    %and3A_529 = arith.constant 15 : i32
    %and3A_530 = vector.broadcast %and3A_529 : i32 to vector<16xi32>
    %and3A_531 = arith.andi %get3A_521, %and3A_530 : vector<16xi32>
    %swap3A_532 = arith.constant 560 : index
    %swap3A_533 = tpu.vector_load %arg7[%swap3A_532] {strides = array<i32>} : memref<2048xi32, #tpu.memory_space<vmem>>, vector<16xi32>,
    tpu.vector_store %arg7[%swap3A_532], %and3A_531 {strides = array<i32>} : memref<2048xi32, #tpu.memory_space<vmem>>, vector<16xi32>,
    %get3A_534 = arith.constant 576 : index
    %get3A_535 = tpu.vector_load %arg5[%get3A_534] {strides = array<i32>} : memref<2048xi32, #tpu.memory_space<vmem>>, vector<16xi32>,
    %shift_right_logical3A_536 = arith.constant 4 : i32
    %shift_right_logical3A_537 = vector.broadcast %shift_right_logical3A_536 : i32 to vector<16xi32>
    %shift_right_logical3A_538 = arith.shrui %get3A_535, %shift_right_logical3A_537 : vector<16xi32>
    %swap3A_539 = arith.constant 4 : i32
    %swap3A_540 = arith.index_cast %swap3A_539 : i32 to index
    %swap3A_541 = arith.constant 64 : index
    %swap3A_542 = tpu.vector_load %arg6[%swap3A_540, %swap3A_541] {strides = array<i32>} : memref<16x128xi32, #tpu.memory_space<vmem>>, vector<16xi32>,
    tpu.vector_store %arg6[%swap3A_540, %swap3A_541], %shift_right_logical3A_538 {strides = array<i32>} : memref<16x128xi32, #tpu.memory_space<vmem>>, vector<16xi32>,
    %and3A_543 = arith.constant 15 : i32
    %and3A_544 = vector.broadcast %and3A_543 : i32 to vector<16xi32>
    %and3A_545 = arith.andi %get3A_535, %and3A_544 : vector<16xi32>
    %swap3A_546 = arith.constant 576 : index
    %swap3A_547 = tpu.vector_load %arg7[%swap3A_546] {strides = array<i32>} : memref<2048xi32, #tpu.memory_space<vmem>>, vector<16xi32>,
    tpu.vector_store %arg7[%swap3A_546], %and3A_545 {strides = array<i32>} : memref<2048xi32, #tpu.memory_space<vmem>>, vector<16xi32>,
    %get3A_548 = arith.constant 592 : index
    %get3A_549 = tpu.vector_load %arg5[%get3A_548] {strides = array<i32>} : memref<2048xi32, #tpu.memory_space<vmem>>, vector<16xi32>,
    %shift_right_logical3A_550 = arith.constant 4 : i32
    %shift_right_logical3A_551 = vector.broadcast %shift_right_logical3A_550 : i32 to vector<16xi32>
    %shift_right_logical3A_552 = arith.shrui %get3A_549, %shift_right_logical3A_551 : vector<16xi32>
    %swap3A_553 = arith.constant 4 : i32
    %swap3A_554 = arith.index_cast %swap3A_553 : i32 to index
    %swap3A_555 = arith.constant 80 : index
    %swap3A_556 = tpu.vector_load %arg6[%swap3A_554, %swap3A_555] {strides = array<i32>} : memref<16x128xi32, #tpu.memory_space<vmem>>, vector<16xi32>,
    tpu.vector_store %arg6[%swap3A_554, %swap3A_555], %shift_right_logical3A_552 {strides = array<i32>} : memref<16x128xi32, #tpu.memory_space<vmem>>, vector<16xi32>,
    %and3A_557 = arith.constant 15 : i32
    %and3A_558 = vector.broadcast %and3A_557 : i32 to vector<16xi32>
    %and3A_559 = arith.andi %get3A_549, %and3A_558 : vector<16xi32>
    %swap3A_560 = arith.constant 592 : index
    %swap3A_561 = tpu.vector_load %arg7[%swap3A_560] {strides = array<i32>} : memref<2048xi32, #tpu.memory_space<vmem>>, vector<16xi32>,
    tpu.vector_store %arg7[%swap3A_560], %and3A_559 {strides = array<i32>} : memref<2048xi32, #tpu.memory_space<vmem>>, vector<16xi32>,
    %get3A_562 = arith.constant 608 : index
    %get3A_563 = tpu.vector_load %arg5[%get3A_562] {strides = array<i32>} : memref<2048xi32, #tpu.memory_space<vmem>>, vector<16xi32>,
    %shift_right_logical3A_564 = arith.constant 4 : i32
    %shift_right_logical3A_565 = vector.broadcast %shift_right_logical3A_564 : i32 to vector<16xi32>
    %shift_right_logical3A_566 = arith.shrui %get3A_563, %shift_right_logical3A_565 : vector<16xi32>
    %swap3A_567 = arith.constant 4 : i32
    %swap3A_568 = arith.index_cast %swap3A_567 : i32 to index
    %swap3A_569 = arith.constant 96 : index
    %swap3A_570 = tpu.vector_load %arg6[%swap3A_568, %swap3A_569] {strides = array<i32>} : memref<16x128xi32, #tpu.memory_space<vmem>>, vector<16xi32>,
    tpu.vector_store %arg6[%swap3A_568, %swap3A_569], %shift_right_logical3A_566 {strides = array<i32>} : memref<16x128xi32, #tpu.memory_space<vmem>>, vector<16xi32>,
    %and3A_571 = arith.constant 15 : i32
    %and3A_572 = vector.broadcast %and3A_571 : i32 to vector<16xi32>
    %and3A_573 = arith.andi %get3A_563, %and3A_572 : vector<16xi32>
    %swap3A_574 = arith.constant 608 : index
    %swap3A_575 = tpu.vector_load %arg7[%swap3A_574] {strides = array<i32>} : memref<2048xi32, #tpu.memory_space<vmem>>, vector<16xi32>,
    tpu.vector_store %arg7[%swap3A_574], %and3A_573 {strides = array<i32>} : memref<2048xi32, #tpu.memory_space<vmem>>, vector<16xi32>,
    %get3A_576 = arith.constant 624 : index
    %get3A_577 = tpu.vector_load %arg5[%get3A_576] {strides = array<i32>} : memref<2048xi32, #tpu.memory_space<vmem>>, vector<16xi32>,
    %shift_right_logical3A_578 = arith.constant 4 : i32
    %shift_right_logical3A_579 = vector.broadcast %shift_right_logical3A_578 : i32 to vector<16xi32>
    %shift_right_logical3A_580 = arith.shrui %get3A_577, %shift_right_logical3A_579 : vector<16xi32>
    %swap3A_581 = arith.constant 4 : i32
    %swap3A_582 = arith.index_cast %swap3A_581 : i32 to index
    %swap3A_583 = arith.constant 112 : index
    %swap3A_584 = tpu.vector_load %arg6[%swap3A_582, %swap3A_583] {strides = array<i32>} : memref<16x128xi32, #tpu.memory_space<vmem>>, vector<16xi32>,
    tpu.vector_store %arg6[%swap3A_582, %swap3A_583], %shift_right_logical3A_580 {strides = array<i32>} : memref<16x128xi32, #tpu.memory_space<vmem>>, vector<16xi32>,
    %and3A_585 = arith.constant 15 : i32
    %and3A_586 = vector.broadcast %and3A_585 : i32 to vector<16xi32>
    %and3A_587 = arith.andi %get3A_577, %and3A_586 : vector<16xi32>
    %swap3A_588 = arith.constant 624 : index
    %swap3A_589 = tpu.vector_load %arg7[%swap3A_588] {strides = array<i32>} : memref<2048xi32, #tpu.memory_space<vmem>>, vector<16xi32>,
    tpu.vector_store %arg7[%swap3A_588], %and3A_587 {strides = array<i32>} : memref<2048xi32, #tpu.memory_space<vmem>>, vector<16xi32>,
    %get3A_590 = arith.constant 640 : index
    %get3A_591 = tpu.vector_load %arg5[%get3A_590] {strides = array<i32>} : memref<2048xi32, #tpu.memory_space<vmem>>, vector<16xi32>,
    %shift_right_logical3A_592 = arith.constant 4 : i32
    %shift_right_logical3A_593 = vector.broadcast %shift_right_logical3A_592 : i32 to vector<16xi32>
    %shift_right_logical3A_594 = arith.shrui %get3A_591, %shift_right_logical3A_593 : vector<16xi32>
    %swap3A_595 = arith.constant 5 : i32
    %swap3A_596 = arith.index_cast %swap3A_595 : i32 to index
    %swap3A_597 = arith.constant 0 : index
    %swap3A_598 = tpu.vector_load %arg6[%swap3A_596, %swap3A_597] {strides = array<i32>} : memref<16x128xi32, #tpu.memory_space<vmem>>, vector<16xi32>,
    tpu.vector_store %arg6[%swap3A_596, %swap3A_597], %shift_right_logical3A_594 {strides = array<i32>} : memref<16x128xi32, #tpu.memory_space<vmem>>, vector<16xi32>,
    %and3A_599 = arith.constant 15 : i32
    %and3A_600 = vector.broadcast %and3A_599 : i32 to vector<16xi32>
    %and3A_601 = arith.andi %get3A_591, %and3A_600 : vector<16xi32>
    %swap3A_602 = arith.constant 640 : index
    %swap3A_603 = tpu.vector_load %arg7[%swap3A_602] {strides = array<i32>} : memref<2048xi32, #tpu.memory_space<vmem>>, vector<16xi32>,
    tpu.vector_store %arg7[%swap3A_602], %and3A_601 {strides = array<i32>} : memref<2048xi32, #tpu.memory_space<vmem>>, vector<16xi32>,
    %get3A_604 = arith.constant 656 : index
    %get3A_605 = tpu.vector_load %arg5[%get3A_604] {strides = array<i32>} : memref<2048xi32, #tpu.memory_space<vmem>>, vector<16xi32>,
    %shift_right_logical3A_606 = arith.constant 4 : i32
    %shift_right_logical3A_607 = vector.broadcast %shift_right_logical3A_606 : i32 to vector<16xi32>
    %shift_right_logical3A_608 = arith.shrui %get3A_605, %shift_right_logical3A_607 : vector<16xi32>
    %swap3A_609 = arith.constant 5 : i32
    %swap3A_610 = arith.index_cast %swap3A_609 : i32 to index
    %swap3A_611 = arith.constant 16 : index
    %swap3A_612 = tpu.vector_load %arg6[%swap3A_610, %swap3A_611] {strides = array<i32>} : memref<16x128xi32, #tpu.memory_space<vmem>>, vector<16xi32>,
    tpu.vector_store %arg6[%swap3A_610, %swap3A_611], %shift_right_logical3A_608 {strides = array<i32>} : memref<16x128xi32, #tpu.memory_space<vmem>>, vector<16xi32>,
    %and3A_613 = arith.constant 15 : i32
    %and3A_614 = vector.broadcast %and3A_613 : i32 to vector<16xi32>
    %and3A_615 = arith.andi %get3A_605, %and3A_614 : vector<16xi32>
    %swap3A_616 = arith.constant 656 : index
    %swap3A_617 = tpu.vector_load %arg7[%swap3A_616] {strides = array<i32>} : memref<2048xi32, #tpu.memory_space<vmem>>, vector<16xi32>,
    tpu.vector_store %arg7[%swap3A_616], %and3A_615 {strides = array<i32>} : memref<2048xi32, #tpu.memory_space<vmem>>, vector<16xi32>,
    %get3A_618 = arith.constant 672 : index
    %get3A_619 = tpu.vector_load %arg5[%get3A_618] {strides = array<i32>} : memref<2048xi32, #tpu.memory_space<vmem>>, vector<16xi32>,
    %shift_right_logical3A_620 = arith.constant 4 : i32
    %shift_right_logical3A_621 = vector.broadcast %shift_right_logical3A_620 : i32 to vector<16xi32>
    %shift_right_logical3A_622 = arith.shrui %get3A_619, %shift_right_logical3A_621 : vector<16xi32>
    %swap3A_623 = arith.constant 5 : i32
    %swap3A_624 = arith.index_cast %swap3A_623 : i32 to index
    %swap3A_625 = arith.constant 32 : index
    %swap3A_626 = tpu.vector_load %arg6[%swap3A_624, %swap3A_625] {strides = array<i32>} : memref<16x128xi32, #tpu.memory_space<vmem>>, vector<16xi32>,
    tpu.vector_store %arg6[%swap3A_624, %swap3A_625], %shift_right_logical3A_622 {strides = array<i32>} : memref<16x128xi32, #tpu.memory_space<vmem>>, vector<16xi32>,
    %and3A_627 = arith.constant 15 : i32
    %and3A_628 = vector.broadcast %and3A_627 : i32 to vector<16xi32>
    %and3A_629 = arith.andi %get3A_619, %and3A_628 : vector<16xi32>
    %swap3A_630 = arith.constant 672 : index
    %swap3A_631 = tpu.vector_load %arg7[%swap3A_630] {strides = array<i32>} : memref<2048xi32, #tpu.memory_space<vmem>>, vector<16xi32>,
    tpu.vector_store %arg7[%swap3A_630], %and3A_629 {strides = array<i32>} : memref<2048xi32, #tpu.memory_space<vmem>>, vector<16xi32>,
    %get3A_632 = arith.constant 688 : index
    %get3A_633 = tpu.vector_load %arg5[%get3A_632] {strides = array<i32>} : memref<2048xi32, #tpu.memory_space<vmem>>, vector<16xi32>,
    %shift_right_logical3A_634 = arith.constant 4 : i32
    %shift_right_logical3A_635 = vector.broadcast %shift_right_logical3A_634 : i32 to vector<16xi32>
    %shift_right_logical3A_636 = arith.shrui %get3A_633, %shift_right_logical3A_635 : vector<16xi32>
    %swap3A_637 = arith.constant 5 : i32
    %swap3A_638 = arith.index_cast %swap3A_637 : i32 to index
    %swap3A_639 = arith.constant 48 : index
    %swap3A_640 = tpu.vector_load %arg6[%swap3A_638, %swap3A_639] {strides = array<i32>} : memref<16x128xi32, #tpu.memory_space<vmem>>, vector<16xi32>,
    tpu.vector_store %arg6[%swap3A_638, %swap3A_639], %shift_right_logical3A_636 {strides = array<i32>} : memref<16x128xi32, #tpu.memory_space<vmem>>, vector<16xi32>,
    %and3A_641 = arith.constant 15 : i32
    %and3A_642 = vector.broadcast %and3A_641 : i32 to vector<16xi32>
    %and3A_643 = arith.andi %get3A_633, %and3A_642 : vector<16xi32>
    %swap3A_644 = arith.constant 688 : index
    %swap3A_645 = tpu.vector_load %arg7[%swap3A_644] {strides = array<i32>} : memref<2048xi32, #tpu.memory_space<vmem>>, vector<16xi32>,
    tpu.vector_store %arg7[%swap3A_644], %and3A_643 {strides = array<i32>} : memref<2048xi32, #tpu.memory_space<vmem>>, vector<16xi32>,
    %get3A_646 = arith.constant 704 : index
    %get3A_647 = tpu.vector_load %arg5[%get3A_646] {strides = array<i32>} : memref<2048xi32, #tpu.memory_space<vmem>>, vector<16xi32>,
    %shift_right_logical3A_648 = arith.constant 4 : i32
    %shift_right_logical3A_649 = vector.broadcast %shift_right_logical3A_648 : i32 to vector<16xi32>
    %shift_right_logical3A_650 = arith.shrui %get3A_647, %shift_right_logical3A_649 : vector<16xi32>
    %swap3A_651 = arith.constant 5 : i32
    %swap3A_652 = arith.index_cast %swap3A_651 : i32 to index
    %swap3A_653 = arith.constant 64 : index
    %swap3A_654 = tpu.vector_load %arg6[%swap3A_652, %swap3A_653] {strides = array<i32>} : memref<16x128xi32, #tpu.memory_space<vmem>>, vector<16xi32>,
    tpu.vector_store %arg6[%swap3A_652, %swap3A_653], %shift_right_logical3A_650 {strides = array<i32>} : memref<16x128xi32, #tpu.memory_space<vmem>>, vector<16xi32>,
    %and3A_655 = arith.constant 15 : i32
    %and3A_656 = vector.broadcast %and3A_655 : i32 to vector<16xi32>
    %and3A_657 = arith.andi %get3A_647, %and3A_656 : vector<16xi32>
    %swap3A_658 = arith.constant 704 : index
    %swap3A_659 = tpu.vector_load %arg7[%swap3A_658] {strides = array<i32>} : memref<2048xi32, #tpu.memory_space<vmem>>, vector<16xi32>,
    tpu.vector_store %arg7[%swap3A_658], %and3A_657 {strides = array<i32>} : memref<2048xi32, #tpu.memory_space<vmem>>, vector<16xi32>,
    %get3A_660 = arith.constant 720 : index
    %get3A_661 = tpu.vector_load %arg5[%get3A_660] {strides = array<i32>} : memref<2048xi32, #tpu.memory_space<vmem>>, vector<16xi32>,
    %shift_right_logical3A_662 = arith.constant 4 : i32
    %shift_right_logical3A_663 = vector.broadcast %shift_right_logical3A_662 : i32 to vector<16xi32>
    %shift_right_logical3A_664 = arith.shrui %get3A_661, %shift_right_logical3A_663 : vector<16xi32>
    %swap3A_665 = arith.constant 5 : i32
    %swap3A_666 = arith.index_cast %swap3A_665 : i32 to index
    %swap3A_667 = arith.constant 80 : index
    %swap3A_668 = tpu.vector_load %arg6[%swap3A_666, %swap3A_667] {strides = array<i32>} : memref<16x128xi32, #tpu.memory_space<vmem>>, vector<16xi32>,
    tpu.vector_store %arg6[%swap3A_666, %swap3A_667], %shift_right_logical3A_664 {strides = array<i32>} : memref<16x128xi32, #tpu.memory_space<vmem>>, vector<16xi32>,
    %and3A_669 = arith.constant 15 : i32
    %and3A_670 = vector.broadcast %and3A_669 : i32 to vector<16xi32>
    %and3A_671 = arith.andi %get3A_661, %and3A_670 : vector<16xi32>
    %swap3A_672 = arith.constant 720 : index
    %swap3A_673 = tpu.vector_load %arg7[%swap3A_672] {strides = array<i32>} : memref<2048xi32, #tpu.memory_space<vmem>>, vector<16xi32>,
    tpu.vector_store %arg7[%swap3A_672], %and3A_671 {strides = array<i32>} : memref<2048xi32, #tpu.memory_space<vmem>>, vector<16xi32>,
    %get3A_674 = arith.constant 736 : index
    %get3A_675 = tpu.vector_load %arg5[%get3A_674] {strides = array<i32>} : memref<2048xi32, #tpu.memory_space<vmem>>, vector<16xi32>,
    %shift_right_logical3A_676 = arith.constant 4 : i32
    %shift_right_logical3A_677 = vector.broadcast %shift_right_logical3A_676 : i32 to vector<16xi32>
    %shift_right_logical3A_678 = arith.shrui %get3A_675, %shift_right_logical3A_677 : vector<16xi32>
    %swap3A_679 = arith.constant 5 : i32
    %swap3A_680 = arith.index_cast %swap3A_679 : i32 to index
    %swap3A_681 = arith.constant 96 : index
    %swap3A_682 = tpu.vector_load %arg6[%swap3A_680, %swap3A_681] {strides = array<i32>} : memref<16x128xi32, #tpu.memory_space<vmem>>, vector<16xi32>,
    tpu.vector_store %arg6[%swap3A_680, %swap3A_681], %shift_right_logical3A_678 {strides = array<i32>} : memref<16x128xi32, #tpu.memory_space<vmem>>, vector<16xi32>,
    %and3A_683 = arith.constant 15 : i32
    %and3A_684 = vector.broadcast %and3A_683 : i32 to vector<16xi32>
    %and3A_685 = arith.andi %get3A_675, %and3A_684 : vector<16xi32>
    %swap3A_686 = arith.constant 736 : index
    %swap3A_687 = tpu.vector_load %arg7[%swap3A_686] {strides = array<i32>} : memref<2048xi32, #tpu.memory_space<vmem>>, vector<16xi32>,
    tpu.vector_store %arg7[%swap3A_686], %and3A_685 {strides = array<i32>} : memref<2048xi32, #tpu.memory_space<vmem>>, vector<16xi32>,
    %get3A_688 = arith.constant 752 : index
    %get3A_689 = tpu.vector_load %arg5[%get3A_688] {strides = array<i32>} : memref<2048xi32, #tpu.memory_space<vmem>>, vector<16xi32>,
    %shift_right_logical3A_690 = arith.constant 4 : i32
    %shift_right_logical3A_691 = vector.broadcast %shift_right_logical3A_690 : i32 to vector<16xi32>
    %shift_right_logical3A_692 = arith.shrui %get3A_689, %shift_right_logical3A_691 : vector<16xi32>
    %swap3A_693 = arith.constant 5 : i32
    %swap3A_694 = arith.index_cast %swap3A_693 : i32 to index
    %swap3A_695 = arith.constant 112 : index
    %swap3A_696 = tpu.vector_load %arg6[%swap3A_694, %swap3A_695] {strides = array<i32>} : memref<16x128xi32, #tpu.memory_space<vmem>>, vector<16xi32>,
    tpu.vector_store %arg6[%swap3A_694, %swap3A_695], %shift_right_logical3A_692 {strides = array<i32>} : memref<16x128xi32, #tpu.memory_space<vmem>>, vector<16xi32>,
    %and3A_697 = arith.constant 15 : i32
    %and3A_698 = vector.broadcast %and3A_697 : i32 to vector<16xi32>
    %and3A_699 = arith.andi %get3A_689, %and3A_698 : vector<16xi32>
    %swap3A_700 = arith.constant 752 : index
    %swap3A_701 = tpu.vector_load %arg7[%swap3A_700] {strides = array<i32>} : memref<2048xi32, #tpu.memory_space<vmem>>, vector<16xi32>,
    tpu.vector_store %arg7[%swap3A_700], %and3A_699 {strides = array<i32>} : memref<2048xi32, #tpu.memory_space<vmem>>, vector<16xi32>,
    %get3A_702 = arith.constant 768 : index
    %get3A_703 = tpu.vector_load %arg5[%get3A_702] {strides = array<i32>} : memref<2048xi32, #tpu.memory_space<vmem>>, vector<16xi32>,
    %shift_right_logical3A_704 = arith.constant 4 : i32
    %shift_right_logical3A_705 = vector.broadcast %shift_right_logical3A_704 : i32 to vector<16xi32>
    %shift_right_logical3A_706 = arith.shrui %get3A_703, %shift_right_logical3A_705 : vector<16xi32>
    %swap3A_707 = arith.constant 6 : i32
    %swap3A_708 = arith.index_cast %swap3A_707 : i32 to index
    %swap3A_709 = arith.constant 0 : index
    %swap3A_710 = tpu.vector_load %arg6[%swap3A_708, %swap3A_709] {strides = array<i32>} : memref<16x128xi32, #tpu.memory_space<vmem>>, vector<16xi32>,
    tpu.vector_store %arg6[%swap3A_708, %swap3A_709], %shift_right_logical3A_706 {strides = array<i32>} : memref<16x128xi32, #tpu.memory_space<vmem>>, vector<16xi32>,
    %and3A_711 = arith.constant 15 : i32
    %and3A_712 = vector.broadcast %and3A_711 : i32 to vector<16xi32>
    %and3A_713 = arith.andi %get3A_703, %and3A_712 : vector<16xi32>
    %swap3A_714 = arith.constant 768 : index
    %swap3A_715 = tpu.vector_load %arg7[%swap3A_714] {strides = array<i32>} : memref<2048xi32, #tpu.memory_space<vmem>>, vector<16xi32>,
    tpu.vector_store %arg7[%swap3A_714], %and3A_713 {strides = array<i32>} : memref<2048xi32, #tpu.memory_space<vmem>>, vector<16xi32>,
    %get3A_716 = arith.constant 784 : index
    %get3A_717 = tpu.vector_load %arg5[%get3A_716] {strides = array<i32>} : memref<2048xi32, #tpu.memory_space<vmem>>, vector<16xi32>,
    %shift_right_logical3A_718 = arith.constant 4 : i32
    %shift_right_logical3A_719 = vector.broadcast %shift_right_logical3A_718 : i32 to vector<16xi32>
    %shift_right_logical3A_720 = arith.shrui %get3A_717, %shift_right_logical3A_719 : vector<16xi32>
    %swap3A_721 = arith.constant 6 : i32
    %swap3A_722 = arith.index_cast %swap3A_721 : i32 to index
    %swap3A_723 = arith.constant 16 : index
    %swap3A_724 = tpu.vector_load %arg6[%swap3A_722, %swap3A_723] {strides = array<i32>} : memref<16x128xi32, #tpu.memory_space<vmem>>, vector<16xi32>,
    tpu.vector_store %arg6[%swap3A_722, %swap3A_723], %shift_right_logical3A_720 {strides = array<i32>} : memref<16x128xi32, #tpu.memory_space<vmem>>, vector<16xi32>,
    %and3A_725 = arith.constant 15 : i32
    %and3A_726 = vector.broadcast %and3A_725 : i32 to vector<16xi32>
    %and3A_727 = arith.andi %get3A_717, %and3A_726 : vector<16xi32>
    %swap3A_728 = arith.constant 784 : index
    %swap3A_729 = tpu.vector_load %arg7[%swap3A_728] {strides = array<i32>} : memref<2048xi32, #tpu.memory_space<vmem>>, vector<16xi32>,
    tpu.vector_store %arg7[%swap3A_728], %and3A_727 {strides = array<i32>} : memref<2048xi32, #tpu.memory_space<vmem>>, vector<16xi32>,
    %get3A_730 = arith.constant 800 : index
    %get3A_731 = tpu.vector_load %arg5[%get3A_730] {strides = array<i32>} : memref<2048xi32, #tpu.memory_space<vmem>>, vector<16xi32>,
    %shift_right_logical3A_732 = arith.constant 4 : i32
    %shift_right_logical3A_733 = vector.broadcast %shift_right_logical3A_732 : i32 to vector<16xi32>
    %shift_right_logical3A_734 = arith.shrui %get3A_731, %shift_right_logical3A_733 : vector<16xi32>
    %swap3A_735 = arith.constant 6 : i32
    %swap3A_736 = arith.index_cast %swap3A_735 : i32 to index
    %swap3A_737 = arith.constant 32 : index
    %swap3A_738 = tpu.vector_load %arg6[%swap3A_736, %swap3A_737] {strides = array<i32>} : memref<16x128xi32, #tpu.memory_space<vmem>>, vector<16xi32>,
    tpu.vector_store %arg6[%swap3A_736, %swap3A_737], %shift_right_logical3A_734 {strides = array<i32>} : memref<16x128xi32, #tpu.memory_space<vmem>>, vector<16xi32>,
    %and3A_739 = arith.constant 15 : i32
    %and3A_740 = vector.broadcast %and3A_739 : i32 to vector<16xi32>
    %and3A_741 = arith.andi %get3A_731, %and3A_740 : vector<16xi32>
    %swap3A_742 = arith.constant 800 : index
    %swap3A_743 = tpu.vector_load %arg7[%swap3A_742] {strides = array<i32>} : memref<2048xi32, #tpu.memory_space<vmem>>, vector<16xi32>,
    tpu.vector_store %arg7[%swap3A_742], %and3A_741 {strides = array<i32>} : memref<2048xi32, #tpu.memory_space<vmem>>, vector<16xi32>,
    %get3A_744 = arith.constant 816 : index
    %get3A_745 = tpu.vector_load %arg5[%get3A_744] {strides = array<i32>} : memref<2048xi32, #tpu.memory_space<vmem>>, vector<16xi32>,
    %shift_right_logical3A_746 = arith.constant 4 : i32
    %shift_right_logical3A_747 = vector.broadcast %shift_right_logical3A_746 : i32 to vector<16xi32>
    %shift_right_logical3A_748 = arith.shrui %get3A_745, %shift_right_logical3A_747 : vector<16xi32>
    %swap3A_749 = arith.constant 6 : i32
    %swap3A_750 = arith.index_cast %swap3A_749 : i32 to index
    %swap3A_751 = arith.constant 48 : index
    %swap3A_752 = tpu.vector_load %arg6[%swap3A_750, %swap3A_751] {strides = array<i32>} : memref<16x128xi32, #tpu.memory_space<vmem>>, vector<16xi32>,
    tpu.vector_store %arg6[%swap3A_750, %swap3A_751], %shift_right_logical3A_748 {strides = array<i32>} : memref<16x128xi32, #tpu.memory_space<vmem>>, vector<16xi32>,
    %and3A_753 = arith.constant 15 : i32
    %and3A_754 = vector.broadcast %and3A_753 : i32 to vector<16xi32>
    %and3A_755 = arith.andi %get3A_745, %and3A_754 : vector<16xi32>
    %swap3A_756 = arith.constant 816 : index
    %swap3A_757 = tpu.vector_load %arg7[%swap3A_756] {strides = array<i32>} : memref<2048xi32, #tpu.memory_space<vmem>>, vector<16xi32>,
    tpu.vector_store %arg7[%swap3A_756], %and3A_755 {strides = array<i32>} : memref<2048xi32, #tpu.memory_space<vmem>>, vector<16xi32>,
    %get3A_758 = arith.constant 832 : index
    %get3A_759 = tpu.vector_load %arg5[%get3A_758] {strides = array<i32>} : memref<2048xi32, #tpu.memory_space<vmem>>, vector<16xi32>,
    %shift_right_logical3A_760 = arith.constant 4 : i32
    %shift_right_logical3A_761 = vector.broadcast %shift_right_logical3A_760 : i32 to vector<16xi32>
    %shift_right_logical3A_762 = arith.shrui %get3A_759, %shift_right_logical3A_761 : vector<16xi32>
    %swap3A_763 = arith.constant 6 : i32
    %swap3A_764 = arith.index_cast %swap3A_763 : i32 to index
    %swap3A_765 = arith.constant 64 : index
    %swap3A_766 = tpu.vector_load %arg6[%swap3A_764, %swap3A_765] {strides = array<i32>} : memref<16x128xi32, #tpu.memory_space<vmem>>, vector<16xi32>,
    tpu.vector_store %arg6[%swap3A_764, %swap3A_765], %shift_right_logical3A_762 {strides = array<i32>} : memref<16x128xi32, #tpu.memory_space<vmem>>, vector<16xi32>,
    %and3A_767 = arith.constant 15 : i32
    %and3A_768 = vector.broadcast %and3A_767 : i32 to vector<16xi32>
    %and3A_769 = arith.andi %get3A_759, %and3A_768 : vector<16xi32>
    %swap3A_770 = arith.constant 832 : index
    %swap3A_771 = tpu.vector_load %arg7[%swap3A_770] {strides = array<i32>} : memref<2048xi32, #tpu.memory_space<vmem>>, vector<16xi32>,
    tpu.vector_store %arg7[%swap3A_770], %and3A_769 {strides = array<i32>} : memref<2048xi32, #tpu.memory_space<vmem>>, vector<16xi32>,
    %get3A_772 = arith.constant 848 : index
    %get3A_773 = tpu.vector_load %arg5[%get3A_772] {strides = array<i32>} : memref<2048xi32, #tpu.memory_space<vmem>>, vector<16xi32>,
    %shift_right_logical3A_774 = arith.constant 4 : i32
    %shift_right_logical3A_775 = vector.broadcast %shift_right_logical3A_774 : i32 to vector<16xi32>
    %shift_right_logical3A_776 = arith.shrui %get3A_773, %shift_right_logical3A_775 : vector<16xi32>
    %swap3A_777 = arith.constant 6 : i32
    %swap3A_778 = arith.index_cast %swap3A_777 : i32 to index
    %swap3A_779 = arith.constant 80 : index
    %swap3A_780 = tpu.vector_load %arg6[%swap3A_778, %swap3A_779] {strides = array<i32>} : memref<16x128xi32, #tpu.memory_space<vmem>>, vector<16xi32>,
    tpu.vector_store %arg6[%swap3A_778, %swap3A_779], %shift_right_logical3A_776 {strides = array<i32>} : memref<16x128xi32, #tpu.memory_space<vmem>>, vector<16xi32>,
    %and3A_781 = arith.constant 15 : i32
    %and3A_782 = vector.broadcast %and3A_781 : i32 to vector<16xi32>
    %and3A_783 = arith.andi %get3A_773, %and3A_782 : vector<16xi32>
    %swap3A_784 = arith.constant 848 : index
    %swap3A_785 = tpu.vector_load %arg7[%swap3A_784] {strides = array<i32>} : memref<2048xi32, #tpu.memory_space<vmem>>, vector<16xi32>,
    tpu.vector_store %arg7[%swap3A_784], %and3A_783 {strides = array<i32>} : memref<2048xi32, #tpu.memory_space<vmem>>, vector<16xi32>,
    %get3A_786 = arith.constant 864 : index
    %get3A_787 = tpu.vector_load %arg5[%get3A_786] {strides = array<i32>} : memref<2048xi32, #tpu.memory_space<vmem>>, vector<16xi32>,
    %shift_right_logical3A_788 = arith.constant 4 : i32
    %shift_right_logical3A_789 = vector.broadcast %shift_right_logical3A_788 : i32 to vector<16xi32>
    %shift_right_logical3A_790 = arith.shrui %get3A_787, %shift_right_logical3A_789 : vector<16xi32>
    %swap3A_791 = arith.constant 6 : i32
    %swap3A_792 = arith.index_cast %swap3A_791 : i32 to index
    %swap3A_793 = arith.constant 96 : index
    %swap3A_794 = tpu.vector_load %arg6[%swap3A_792, %swap3A_793] {strides = array<i32>} : memref<16x128xi32, #tpu.memory_space<vmem>>, vector<16xi32>,
    tpu.vector_store %arg6[%swap3A_792, %swap3A_793], %shift_right_logical3A_790 {strides = array<i32>} : memref<16x128xi32, #tpu.memory_space<vmem>>, vector<16xi32>,
    %and3A_795 = arith.constant 15 : i32
    %and3A_796 = vector.broadcast %and3A_795 : i32 to vector<16xi32>
    %and3A_797 = arith.andi %get3A_787, %and3A_796 : vector<16xi32>
    %swap3A_798 = arith.constant 864 : index
    %swap3A_799 = tpu.vector_load %arg7[%swap3A_798] {strides = array<i32>} : memref<2048xi32, #tpu.memory_space<vmem>>, vector<16xi32>,
    tpu.vector_store %arg7[%swap3A_798], %and3A_797 {strides = array<i32>} : memref<2048xi32, #tpu.memory_space<vmem>>, vector<16xi32>,
    %get3A_800 = arith.constant 880 : index
    %get3A_801 = tpu.vector_load %arg5[%get3A_800] {strides = array<i32>} : memref<2048xi32, #tpu.memory_space<vmem>>, vector<16xi32>,
    %shift_right_logical3A_802 = arith.constant 4 : i32
    %shift_right_logical3A_803 = vector.broadcast %shift_right_logical3A_802 : i32 to vector<16xi32>
    %shift_right_logical3A_804 = arith.shrui %get3A_801, %shift_right_logical3A_803 : vector<16xi32>
    %swap3A_805 = arith.constant 6 : i32
    %swap3A_806 = arith.index_cast %swap3A_805 : i32 to index
    %swap3A_807 = arith.constant 112 : index
    %swap3A_808 = tpu.vector_load %arg6[%swap3A_806, %swap3A_807] {strides = array<i32>} : memref<16x128xi32, #tpu.memory_space<vmem>>, vector<16xi32>,
    tpu.vector_store %arg6[%swap3A_806, %swap3A_807], %shift_right_logical3A_804 {strides = array<i32>} : memref<16x128xi32, #tpu.memory_space<vmem>>, vector<16xi32>,
    %and3A_809 = arith.constant 15 : i32
    %and3A_810 = vector.broadcast %and3A_809 : i32 to vector<16xi32>
    %and3A_811 = arith.andi %get3A_801, %and3A_810 : vector<16xi32>
    %swap3A_812 = arith.constant 880 : index
    %swap3A_813 = tpu.vector_load %arg7[%swap3A_812] {strides = array<i32>} : memref<2048xi32, #tpu.memory_space<vmem>>, vector<16xi32>,
    tpu.vector_store %arg7[%swap3A_812], %and3A_811 {strides = array<i32>} : memref<2048xi32, #tpu.memory_space<vmem>>, vector<16xi32>,
    %get3A_814 = arith.constant 896 : index
    %get3A_815 = tpu.vector_load %arg5[%get3A_814] {strides = array<i32>} : memref<2048xi32, #tpu.memory_space<vmem>>, vector<16xi32>,
    %shift_right_logical3A_816 = arith.constant 4 : i32
    %shift_right_logical3A_817 = vector.broadcast %shift_right_logical3A_816 : i32 to vector<16xi32>
    %shift_right_logical3A_818 = arith.shrui %get3A_815, %shift_right_logical3A_817 : vector<16xi32>
    %swap3A_819 = arith.constant 7 : i32
    %swap3A_820 = arith.index_cast %swap3A_819 : i32 to index
    %swap3A_821 = arith.constant 0 : index
    %swap3A_822 = tpu.vector_load %arg6[%swap3A_820, %swap3A_821] {strides = array<i32>} : memref<16x128xi32, #tpu.memory_space<vmem>>, vector<16xi32>,
    tpu.vector_store %arg6[%swap3A_820, %swap3A_821], %shift_right_logical3A_818 {strides = array<i32>} : memref<16x128xi32, #tpu.memory_space<vmem>>, vector<16xi32>,
    %and3A_823 = arith.constant 15 : i32
    %and3A_824 = vector.broadcast %and3A_823 : i32 to vector<16xi32>
    %and3A_825 = arith.andi %get3A_815, %and3A_824 : vector<16xi32>
    %swap3A_826 = arith.constant 896 : index
    %swap3A_827 = tpu.vector_load %arg7[%swap3A_826] {strides = array<i32>} : memref<2048xi32, #tpu.memory_space<vmem>>, vector<16xi32>,
    tpu.vector_store %arg7[%swap3A_826], %and3A_825 {strides = array<i32>} : memref<2048xi32, #tpu.memory_space<vmem>>, vector<16xi32>,
    %get3A_828 = arith.constant 912 : index
    %get3A_829 = tpu.vector_load %arg5[%get3A_828] {strides = array<i32>} : memref<2048xi32, #tpu.memory_space<vmem>>, vector<16xi32>,
    %shift_right_logical3A_830 = arith.constant 4 : i32
    %shift_right_logical3A_831 = vector.broadcast %shift_right_logical3A_830 : i32 to vector<16xi32>
    %shift_right_logical3A_832 = arith.shrui %get3A_829, %shift_right_logical3A_831 : vector<16xi32>
    %swap3A_833 = arith.constant 7 : i32
    %swap3A_834 = arith.index_cast %swap3A_833 : i32 to index
    %swap3A_835 = arith.constant 16 : index
    %swap3A_836 = tpu.vector_load %arg6[%swap3A_834, %swap3A_835] {strides = array<i32>} : memref<16x128xi32, #tpu.memory_space<vmem>>, vector<16xi32>,
    tpu.vector_store %arg6[%swap3A_834, %swap3A_835], %shift_right_logical3A_832 {strides = array<i32>} : memref<16x128xi32, #tpu.memory_space<vmem>>, vector<16xi32>,
    %and3A_837 = arith.constant 15 : i32
    %and3A_838 = vector.broadcast %and3A_837 : i32 to vector<16xi32>
    %and3A_839 = arith.andi %get3A_829, %and3A_838 : vector<16xi32>
    %swap3A_840 = arith.constant 912 : index
    %swap3A_841 = tpu.vector_load %arg7[%swap3A_840] {strides = array<i32>} : memref<2048xi32, #tpu.memory_space<vmem>>, vector<16xi32>,
    tpu.vector_store %arg7[%swap3A_840], %and3A_839 {strides = array<i32>} : memref<2048xi32, #tpu.memory_space<vmem>>, vector<16xi32>,
    %get3A_842 = arith.constant 928 : index
    %get3A_843 = tpu.vector_load %arg5[%get3A_842] {strides = array<i32>} : memref<2048xi32, #tpu.memory_space<vmem>>, vector<16xi32>,
    %shift_right_logical3A_844 = arith.constant 4 : i32
    %shift_right_logical3A_845 = vector.broadcast %shift_right_logical3A_844 : i32 to vector<16xi32>
    %shift_right_logical3A_846 = arith.shrui %get3A_843, %shift_right_logical3A_845 : vector<16xi32>
    %swap3A_847 = arith.constant 7 : i32
    %swap3A_848 = arith.index_cast %swap3A_847 : i32 to index
    %swap3A_849 = arith.constant 32 : index
    %swap3A_850 = tpu.vector_load %arg6[%swap3A_848, %swap3A_849] {strides = array<i32>} : memref<16x128xi32, #tpu.memory_space<vmem>>, vector<16xi32>,
    tpu.vector_store %arg6[%swap3A_848, %swap3A_849], %shift_right_logical3A_846 {strides = array<i32>} : memref<16x128xi32, #tpu.memory_space<vmem>>, vector<16xi32>,
    %and3A_851 = arith.constant 15 : i32
    %and3A_852 = vector.broadcast %and3A_851 : i32 to vector<16xi32>
    %and3A_853 = arith.andi %get3A_843, %and3A_852 : vector<16xi32>
    %swap3A_854 = arith.constant 928 : index
    %swap3A_855 = tpu.vector_load %arg7[%swap3A_854] {strides = array<i32>} : memref<2048xi32, #tpu.memory_space<vmem>>, vector<16xi32>,
    tpu.vector_store %arg7[%swap3A_854], %and3A_853 {strides = array<i32>} : memref<2048xi32, #tpu.memory_space<vmem>>, vector<16xi32>,
    %get3A_856 = arith.constant 944 : index
    %get3A_857 = tpu.vector_load %arg5[%get3A_856] {strides = array<i32>} : memref<2048xi32, #tpu.memory_space<vmem>>, vector<16xi32>,
    %shift_right_logical3A_858 = arith.constant 4 : i32
    %shift_right_logical3A_859 = vector.broadcast %shift_right_logical3A_858 : i32 to vector<16xi32>
    %shift_right_logical3A_860 = arith.shrui %get3A_857, %shift_right_logical3A_859 : vector<16xi32>
    %swap3A_861 = arith.constant 7 : i32
    %swap3A_862 = arith.index_cast %swap3A_861 : i32 to index
    %swap3A_863 = arith.constant 48 : index
    %swap3A_864 = tpu.vector_load %arg6[%swap3A_862, %swap3A_863] {strides = array<i32>} : memref<16x128xi32, #tpu.memory_space<vmem>>, vector<16xi32>,
    tpu.vector_store %arg6[%swap3A_862, %swap3A_863], %shift_right_logical3A_860 {strides = array<i32>} : memref<16x128xi32, #tpu.memory_space<vmem>>, vector<16xi32>,
    %and3A_865 = arith.constant 15 : i32
    %and3A_866 = vector.broadcast %and3A_865 : i32 to vector<16xi32>
    %and3A_867 = arith.andi %get3A_857, %and3A_866 : vector<16xi32>
    %swap3A_868 = arith.constant 944 : index
    %swap3A_869 = tpu.vector_load %arg7[%swap3A_868] {strides = array<i32>} : memref<2048xi32, #tpu.memory_space<vmem>>, vector<16xi32>,
    tpu.vector_store %arg7[%swap3A_868], %and3A_867 {strides = array<i32>} : memref<2048xi32, #tpu.memory_space<vmem>>, vector<16xi32>,
    %get3A_870 = arith.constant 960 : index
    %get3A_871 = tpu.vector_load %arg5[%get3A_870] {strides = array<i32>} : memref<2048xi32, #tpu.memory_space<vmem>>, vector<16xi32>,
    %shift_right_logical3A_872 = arith.constant 4 : i32
    %shift_right_logical3A_873 = vector.broadcast %shift_right_logical3A_872 : i32 to vector<16xi32>
    %shift_right_logical3A_874 = arith.shrui %get3A_871, %shift_right_logical3A_873 : vector<16xi32>
    %swap3A_875 = arith.constant 7 : i32
    %swap3A_876 = arith.index_cast %swap3A_875 : i32 to index
    %swap3A_877 = arith.constant 64 : index
    %swap3A_878 = tpu.vector_load %arg6[%swap3A_876, %swap3A_877] {strides = array<i32>} : memref<16x128xi32, #tpu.memory_space<vmem>>, vector<16xi32>,
    tpu.vector_store %arg6[%swap3A_876, %swap3A_877], %shift_right_logical3A_874 {strides = array<i32>} : memref<16x128xi32, #tpu.memory_space<vmem>>, vector<16xi32>,
    %and3A_879 = arith.constant 15 : i32
    %and3A_880 = vector.broadcast %and3A_879 : i32 to vector<16xi32>
    %and3A_881 = arith.andi %get3A_871, %and3A_880 : vector<16xi32>
    %swap3A_882 = arith.constant 960 : index
    %swap3A_883 = tpu.vector_load %arg7[%swap3A_882] {strides = array<i32>} : memref<2048xi32, #tpu.memory_space<vmem>>, vector<16xi32>,
    tpu.vector_store %arg7[%swap3A_882], %and3A_881 {strides = array<i32>} : memref<2048xi32, #tpu.memory_space<vmem>>, vector<16xi32>,
    %get3A_884 = arith.constant 976 : index
    %get3A_885 = tpu.vector_load %arg5[%get3A_884] {strides = array<i32>} : memref<2048xi32, #tpu.memory_space<vmem>>, vector<16xi32>,
    %shift_right_logical3A_886 = arith.constant 4 : i32
    %shift_right_logical3A_887 = vector.broadcast %shift_right_logical3A_886 : i32 to vector<16xi32>
    %shift_right_logical3A_888 = arith.shrui %get3A_885, %shift_right_logical3A_887 : vector<16xi32>
    %swap3A_889 = arith.constant 7 : i32
    %swap3A_890 = arith.index_cast %swap3A_889 : i32 to index
    %swap3A_891 = arith.constant 80 : index
    %swap3A_892 = tpu.vector_load %arg6[%swap3A_890, %swap3A_891] {strides = array<i32>} : memref<16x128xi32, #tpu.memory_space<vmem>>, vector<16xi32>,
    tpu.vector_store %arg6[%swap3A_890, %swap3A_891], %shift_right_logical3A_888 {strides = array<i32>} : memref<16x128xi32, #tpu.memory_space<vmem>>, vector<16xi32>,
    %and3A_893 = arith.constant 15 : i32
    %and3A_894 = vector.broadcast %and3A_893 : i32 to vector<16xi32>
    %and3A_895 = arith.andi %get3A_885, %and3A_894 : vector<16xi32>
    %swap3A_896 = arith.constant 976 : index
    %swap3A_897 = tpu.vector_load %arg7[%swap3A_896] {strides = array<i32>} : memref<2048xi32, #tpu.memory_space<vmem>>, vector<16xi32>,
    tpu.vector_store %arg7[%swap3A_896], %and3A_895 {strides = array<i32>} : memref<2048xi32, #tpu.memory_space<vmem>>, vector<16xi32>,
    %get3A_898 = arith.constant 992 : index
    %get3A_899 = tpu.vector_load %arg5[%get3A_898] {strides = array<i32>} : memref<2048xi32, #tpu.memory_space<vmem>>, vector<16xi32>,
    %shift_right_logical3A_900 = arith.constant 4 : i32
    %shift_right_logical3A_901 = vector.broadcast %shift_right_logical3A_900 : i32 to vector<16xi32>
    %shift_right_logical3A_902 = arith.shrui %get3A_899, %shift_right_logical3A_901 : vector<16xi32>
    %swap3A_903 = arith.constant 7 : i32
    %swap3A_904 = arith.index_cast %swap3A_903 : i32 to index
    %swap3A_905 = arith.constant 96 : index
    %swap3A_906 = tpu.vector_load %arg6[%swap3A_904, %swap3A_905] {strides = array<i32>} : memref<16x128xi32, #tpu.memory_space<vmem>>, vector<16xi32>,
    tpu.vector_store %arg6[%swap3A_904, %swap3A_905], %shift_right_logical3A_902 {strides = array<i32>} : memref<16x128xi32, #tpu.memory_space<vmem>>, vector<16xi32>,
    %and3A_907 = arith.constant 15 : i32
    %and3A_908 = vector.broadcast %and3A_907 : i32 to vector<16xi32>
    %and3A_909 = arith.andi %get3A_899, %and3A_908 : vector<16xi32>
    %swap3A_910 = arith.constant 992 : index
    %swap3A_911 = tpu.vector_load %arg7[%swap3A_910] {strides = array<i32>} : memref<2048xi32, #tpu.memory_space<vmem>>, vector<16xi32>,
    tpu.vector_store %arg7[%swap3A_910], %and3A_909 {strides = array<i32>} : memref<2048xi32, #tpu.memory_space<vmem>>, vector<16xi32>,
    %get3A_912 = arith.constant 1008 : index
    %get3A_913 = tpu.vector_load %arg5[%get3A_912] {strides = array<i32>} : memref<2048xi32, #tpu.memory_space<vmem>>, vector<16xi32>,
    %shift_right_logical3A_914 = arith.constant 4 : i32
    %shift_right_logical3A_915 = vector.broadcast %shift_right_logical3A_914 : i32 to vector<16xi32>
    %shift_right_logical3A_916 = arith.shrui %get3A_913, %shift_right_logical3A_915 : vector<16xi32>
    %swap3A_917 = arith.constant 7 : i32
    %swap3A_918 = arith.index_cast %swap3A_917 : i32 to index
    %swap3A_919 = arith.constant 112 : index
    %swap3A_920 = tpu.vector_load %arg6[%swap3A_918, %swap3A_919] {strides = array<i32>} : memref<16x128xi32, #tpu.memory_space<vmem>>, vector<16xi32>,
    tpu.vector_store %arg6[%swap3A_918, %swap3A_919], %shift_right_logical3A_916 {strides = array<i32>} : memref<16x128xi32, #tpu.memory_space<vmem>>, vector<16xi32>,
    %and3A_921 = arith.constant 15 : i32
    %and3A_922 = vector.broadcast %and3A_921 : i32 to vector<16xi32>
    %and3A_923 = arith.andi %get3A_913, %and3A_922 : vector<16xi32>
    %swap3A_924 = arith.constant 1008 : index
    %swap3A_925 = tpu.vector_load %arg7[%swap3A_924] {strides = array<i32>} : memref<2048xi32, #tpu.memory_space<vmem>>, vector<16xi32>,
    tpu.vector_store %arg7[%swap3A_924], %and3A_923 {strides = array<i32>} : memref<2048xi32, #tpu.memory_space<vmem>>, vector<16xi32>,
    %get3A_926 = arith.constant 1024 : index
    %get3A_927 = tpu.vector_load %arg5[%get3A_926] {strides = array<i32>} : memref<2048xi32, #tpu.memory_space<vmem>>, vector<16xi32>,
    %shift_right_logical3A_928 = arith.constant 4 : i32
    %shift_right_logical3A_929 = vector.broadcast %shift_right_logical3A_928 : i32 to vector<16xi32>
    %shift_right_logical3A_930 = arith.shrui %get3A_927, %shift_right_logical3A_929 : vector<16xi32>
    %swap3A_931 = arith.constant 8 : i32
    %swap3A_932 = arith.index_cast %swap3A_931 : i32 to index
    %swap3A_933 = arith.constant 0 : index
    %swap3A_934 = tpu.vector_load %arg6[%swap3A_932, %swap3A_933] {strides = array<i32>} : memref<16x128xi32, #tpu.memory_space<vmem>>, vector<16xi32>,
    tpu.vector_store %arg6[%swap3A_932, %swap3A_933], %shift_right_logical3A_930 {strides = array<i32>} : memref<16x128xi32, #tpu.memory_space<vmem>>, vector<16xi32>,
    %and3A_935 = arith.constant 15 : i32
    %and3A_936 = vector.broadcast %and3A_935 : i32 to vector<16xi32>
    %and3A_937 = arith.andi %get3A_927, %and3A_936 : vector<16xi32>
    %swap3A_938 = arith.constant 1024 : index
    %swap3A_939 = tpu.vector_load %arg7[%swap3A_938] {strides = array<i32>} : memref<2048xi32, #tpu.memory_space<vmem>>, vector<16xi32>,
    tpu.vector_store %arg7[%swap3A_938], %and3A_937 {strides = array<i32>} : memref<2048xi32, #tpu.memory_space<vmem>>, vector<16xi32>,
    %get3A_940 = arith.constant 1040 : index
    %get3A_941 = tpu.vector_load %arg5[%get3A_940] {strides = array<i32>} : memref<2048xi32, #tpu.memory_space<vmem>>, vector<16xi32>,
    %shift_right_logical3A_942 = arith.constant 4 : i32
    %shift_right_logical3A_943 = vector.broadcast %shift_right_logical3A_942 : i32 to vector<16xi32>
    %shift_right_logical3A_944 = arith.shrui %get3A_941, %shift_right_logical3A_943 : vector<16xi32>
    %swap3A_945 = arith.constant 8 : i32
    %swap3A_946 = arith.index_cast %swap3A_945 : i32 to index
    %swap3A_947 = arith.constant 16 : index
    %swap3A_948 = tpu.vector_load %arg6[%swap3A_946, %swap3A_947] {strides = array<i32>} : memref<16x128xi32, #tpu.memory_space<vmem>>, vector<16xi32>,
    tpu.vector_store %arg6[%swap3A_946, %swap3A_947], %shift_right_logical3A_944 {strides = array<i32>} : memref<16x128xi32, #tpu.memory_space<vmem>>, vector<16xi32>,
    %and3A_949 = arith.constant 15 : i32
    %and3A_950 = vector.broadcast %and3A_949 : i32 to vector<16xi32>
    %and3A_951 = arith.andi %get3A_941, %and3A_950 : vector<16xi32>
    %swap3A_952 = arith.constant 1040 : index
    %swap3A_953 = tpu.vector_load %arg7[%swap3A_952] {strides = array<i32>} : memref<2048xi32, #tpu.memory_space<vmem>>, vector<16xi32>,
    tpu.vector_store %arg7[%swap3A_952], %and3A_951 {strides = array<i32>} : memref<2048xi32, #tpu.memory_space<vmem>>, vector<16xi32>,
    %get3A_954 = arith.constant 1056 : index
    %get3A_955 = tpu.vector_load %arg5[%get3A_954] {strides = array<i32>} : memref<2048xi32, #tpu.memory_space<vmem>>, vector<16xi32>,
    %shift_right_logical3A_956 = arith.constant 4 : i32
    %shift_right_logical3A_957 = vector.broadcast %shift_right_logical3A_956 : i32 to vector<16xi32>
    %shift_right_logical3A_958 = arith.shrui %get3A_955, %shift_right_logical3A_957 : vector<16xi32>
    %swap3A_959 = arith.constant 8 : i32
    %swap3A_960 = arith.index_cast %swap3A_959 : i32 to index
    %swap3A_961 = arith.constant 32 : index
    %swap3A_962 = tpu.vector_load %arg6[%swap3A_960, %swap3A_961] {strides = array<i32>} : memref<16x128xi32, #tpu.memory_space<vmem>>, vector<16xi32>,
    tpu.vector_store %arg6[%swap3A_960, %swap3A_961], %shift_right_logical3A_958 {strides = array<i32>} : memref<16x128xi32, #tpu.memory_space<vmem>>, vector<16xi32>,
    %and3A_963 = arith.constant 15 : i32
    %and3A_964 = vector.broadcast %and3A_963 : i32 to vector<16xi32>
    %and3A_965 = arith.andi %get3A_955, %and3A_964 : vector<16xi32>
    %swap3A_966 = arith.constant 1056 : index
    %swap3A_967 = tpu.vector_load %arg7[%swap3A_966] {strides = array<i32>} : memref<2048xi32, #tpu.memory_space<vmem>>, vector<16xi32>,
    tpu.vector_store %arg7[%swap3A_966], %and3A_965 {strides = array<i32>} : memref<2048xi32, #tpu.memory_space<vmem>>, vector<16xi32>,
    %get3A_968 = arith.constant 1072 : index
    %get3A_969 = tpu.vector_load %arg5[%get3A_968] {strides = array<i32>} : memref<2048xi32, #tpu.memory_space<vmem>>, vector<16xi32>,
    %shift_right_logical3A_970 = arith.constant 4 : i32
    %shift_right_logical3A_971 = vector.broadcast %shift_right_logical3A_970 : i32 to vector<16xi32>
    %shift_right_logical3A_972 = arith.shrui %get3A_969, %shift_right_logical3A_971 : vector<16xi32>
    %swap3A_973 = arith.constant 8 : i32
    %swap3A_974 = arith.index_cast %swap3A_973 : i32 to index
    %swap3A_975 = arith.constant 48 : index
    %swap3A_976 = tpu.vector_load %arg6[%swap3A_974, %swap3A_975] {strides = array<i32>} : memref<16x128xi32, #tpu.memory_space<vmem>>, vector<16xi32>,
    tpu.vector_store %arg6[%swap3A_974, %swap3A_975], %shift_right_logical3A_972 {strides = array<i32>} : memref<16x128xi32, #tpu.memory_space<vmem>>, vector<16xi32>,
    %and3A_977 = arith.constant 15 : i32
    %and3A_978 = vector.broadcast %and3A_977 : i32 to vector<16xi32>
    %and3A_979 = arith.andi %get3A_969, %and3A_978 : vector<16xi32>
    %swap3A_980 = arith.constant 1072 : index
    %swap3A_981 = tpu.vector_load %arg7[%swap3A_980] {strides = array<i32>} : memref<2048xi32, #tpu.memory_space<vmem>>, vector<16xi32>,
    tpu.vector_store %arg7[%swap3A_980], %and3A_979 {strides = array<i32>} : memref<2048xi32, #tpu.memory_space<vmem>>, vector<16xi32>,
    %get3A_982 = arith.constant 1088 : index
    %get3A_983 = tpu.vector_load %arg5[%get3A_982] {strides = array<i32>} : memref<2048xi32, #tpu.memory_space<vmem>>, vector<16xi32>,
    %shift_right_logical3A_984 = arith.constant 4 : i32
    %shift_right_logical3A_985 = vector.broadcast %shift_right_logical3A_984 : i32 to vector<16xi32>
    %shift_right_logical3A_986 = arith.shrui %get3A_983, %shift_right_logical3A_985 : vector<16xi32>
    %swap3A_987 = arith.constant 8 : i32
    %swap3A_988 = arith.index_cast %swap3A_987 : i32 to index
    %swap3A_989 = arith.constant 64 : index
    %swap3A_990 = tpu.vector_load %arg6[%swap3A_988, %swap3A_989] {strides = array<i32>} : memref<16x128xi32, #tpu.memory_space<vmem>>, vector<16xi32>,
    tpu.vector_store %arg6[%swap3A_988, %swap3A_989], %shift_right_logical3A_986 {strides = array<i32>} : memref<16x128xi32, #tpu.memory_space<vmem>>, vector<16xi32>,
    %and3A_991 = arith.constant 15 : i32
    %and3A_992 = vector.broadcast %and3A_991 : i32 to vector<16xi32>
    %and3A_993 = arith.andi %get3A_983, %and3A_992 : vector<16xi32>
    %swap3A_994 = arith.constant 1088 : index
    %swap3A_995 = tpu.vector_load %arg7[%swap3A_994] {strides = array<i32>} : memref<2048xi32, #tpu.memory_space<vmem>>, vector<16xi32>,
    tpu.vector_store %arg7[%swap3A_994], %and3A_993 {strides = array<i32>} : memref<2048xi32, #tpu.memory_space<vmem>>, vector<16xi32>,
    %get3A_996 = arith.constant 1104 : index
    %get3A_997 = tpu.vector_load %arg5[%get3A_996] {strides = array<i32>} : memref<2048xi32, #tpu.memory_space<vmem>>, vector<16xi32>,
    %shift_right_logical3A_998 = arith.constant 4 : i32
    %shift_right_logical3A_999 = vector.broadcast %shift_right_logical3A_998 : i32 to vector<16xi32>
    %shift_right_logical3A_1000 = arith.shrui %get3A_997, %shift_right_logical3A_999 : vector<16xi32>
    %swap3A_1001 = arith.constant 8 : i32
    %swap3A_1002 = arith.index_cast %swap3A_1001 : i32 to index
    %swap3A_1003 = arith.constant 80 : index
    %swap3A_1004 = tpu.vector_load %arg6[%swap3A_1002, %swap3A_1003] {strides = array<i32>} : memref<16x128xi32, #tpu.memory_space<vmem>>, vector<16xi32>,
    tpu.vector_store %arg6[%swap3A_1002, %swap3A_1003], %shift_right_logical3A_1000 {strides = array<i32>} : memref<16x128xi32, #tpu.memory_space<vmem>>, vector<16xi32>,
    %and3A_1005 = arith.constant 15 : i32
    %and3A_1006 = vector.broadcast %and3A_1005 : i32 to vector<16xi32>
    %and3A_1007 = arith.andi %get3A_997, %and3A_1006 : vector<16xi32>
    %swap3A_1008 = arith.constant 1104 : index
    %swap3A_1009 = tpu.vector_load %arg7[%swap3A_1008] {strides = array<i32>} : memref<2048xi32, #tpu.memory_space<vmem>>, vector<16xi32>,
    tpu.vector_store %arg7[%swap3A_1008], %and3A_1007 {strides = array<i32>} : memref<2048xi32, #tpu.memory_space<vmem>>, vector<16xi32>,
    %get3A_1010 = arith.constant 1120 : index
    %get3A_1011 = tpu.vector_load %arg5[%get3A_1010] {strides = array<i32>} : memref<2048xi32, #tpu.memory_space<vmem>>, vector<16xi32>,
    %shift_right_logical3A_1012 = arith.constant 4 : i32
    %shift_right_logical3A_1013 = vector.broadcast %shift_right_logical3A_1012 : i32 to vector<16xi32>
    %shift_right_logical3A_1014 = arith.shrui %get3A_1011, %shift_right_logical3A_1013 : vector<16xi32>
    %swap3A_1015 = arith.constant 8 : i32
    %swap3A_1016 = arith.index_cast %swap3A_1015 : i32 to index
    %swap3A_1017 = arith.constant 96 : index
    %swap3A_1018 = tpu.vector_load %arg6[%swap3A_1016, %swap3A_1017] {strides = array<i32>} : memref<16x128xi32, #tpu.memory_space<vmem>>, vector<16xi32>,
    tpu.vector_store %arg6[%swap3A_1016, %swap3A_1017], %shift_right_logical3A_1014 {strides = array<i32>} : memref<16x128xi32, #tpu.memory_space<vmem>>, vector<16xi32>,
    %and3A_1019 = arith.constant 15 : i32
    %and3A_1020 = vector.broadcast %and3A_1019 : i32 to vector<16xi32>
    %and3A_1021 = arith.andi %get3A_1011, %and3A_1020 : vector<16xi32>
    %swap3A_1022 = arith.constant 1120 : index
    %swap3A_1023 = tpu.vector_load %arg7[%swap3A_1022] {strides = array<i32>} : memref<2048xi32, #tpu.memory_space<vmem>>, vector<16xi32>,
    tpu.vector_store %arg7[%swap3A_1022], %and3A_1021 {strides = array<i32>} : memref<2048xi32, #tpu.memory_space<vmem>>, vector<16xi32>,
    %get3A_1024 = arith.constant 1136 : index
    %get3A_1025 = tpu.vector_load %arg5[%get3A_1024] {strides = array<i32>} : memref<2048xi32, #tpu.memory_space<vmem>>, vector<16xi32>,
    %shift_right_logical3A_1026 = arith.constant 4 : i32
    %shift_right_logical3A_1027 = vector.broadcast %shift_right_logical3A_1026 : i32 to vector<16xi32>
    %shift_right_logical3A_1028 = arith.shrui %get3A_1025, %shift_right_logical3A_1027 : vector<16xi32>
    %swap3A_1029 = arith.constant 8 : i32
    %swap3A_1030 = arith.index_cast %swap3A_1029 : i32 to index
    %swap3A_1031 = arith.constant 112 : index
    %swap3A_1032 = tpu.vector_load %arg6[%swap3A_1030, %swap3A_1031] {strides = array<i32>} : memref<16x128xi32, #tpu.memory_space<vmem>>, vector<16xi32>,
    tpu.vector_store %arg6[%swap3A_1030, %swap3A_1031], %shift_right_logical3A_1028 {strides = array<i32>} : memref<16x128xi32, #tpu.memory_space<vmem>>, vector<16xi32>,
    %and3A_1033 = arith.constant 15 : i32
    %and3A_1034 = vector.broadcast %and3A_1033 : i32 to vector<16xi32>
    %and3A_1035 = arith.andi %get3A_1025, %and3A_1034 : vector<16xi32>
    %swap3A_1036 = arith.constant 1136 : index
    %swap3A_1037 = tpu.vector_load %arg7[%swap3A_1036] {strides = array<i32>} : memref<2048xi32, #tpu.memory_space<vmem>>, vector<16xi32>,
    tpu.vector_store %arg7[%swap3A_1036], %and3A_1035 {strides = array<i32>} : memref<2048xi32, #tpu.memory_space<vmem>>, vector<16xi32>,
    %get3A_1038 = arith.constant 1152 : index
    %get3A_1039 = tpu.vector_load %arg5[%get3A_1038] {strides = array<i32>} : memref<2048xi32, #tpu.memory_space<vmem>>, vector<16xi32>,
    %shift_right_logical3A_1040 = arith.constant 4 : i32
    %shift_right_logical3A_1041 = vector.broadcast %shift_right_logical3A_1040 : i32 to vector<16xi32>
    %shift_right_logical3A_1042 = arith.shrui %get3A_1039, %shift_right_logical3A_1041 : vector<16xi32>
    %swap3A_1043 = arith.constant 9 : i32
    %swap3A_1044 = arith.index_cast %swap3A_1043 : i32 to index
    %swap3A_1045 = arith.constant 0 : index
    %swap3A_1046 = tpu.vector_load %arg6[%swap3A_1044, %swap3A_1045] {strides = array<i32>} : memref<16x128xi32, #tpu.memory_space<vmem>>, vector<16xi32>,
    tpu.vector_store %arg6[%swap3A_1044, %swap3A_1045], %shift_right_logical3A_1042 {strides = array<i32>} : memref<16x128xi32, #tpu.memory_space<vmem>>, vector<16xi32>,
    %and3A_1047 = arith.constant 15 : i32
    %and3A_1048 = vector.broadcast %and3A_1047 : i32 to vector<16xi32>
    %and3A_1049 = arith.andi %get3A_1039, %and3A_1048 : vector<16xi32>
    %swap3A_1050 = arith.constant 1152 : index
    %swap3A_1051 = tpu.vector_load %arg7[%swap3A_1050] {strides = array<i32>} : memref<2048xi32, #tpu.memory_space<vmem>>, vector<16xi32>,
    tpu.vector_store %arg7[%swap3A_1050], %and3A_1049 {strides = array<i32>} : memref<2048xi32, #tpu.memory_space<vmem>>, vector<16xi32>,
    %get3A_1052 = arith.constant 1168 : index
    %get3A_1053 = tpu.vector_load %arg5[%get3A_1052] {strides = array<i32>} : memref<2048xi32, #tpu.memory_space<vmem>>, vector<16xi32>,
    %shift_right_logical3A_1054 = arith.constant 4 : i32
    %shift_right_logical3A_1055 = vector.broadcast %shift_right_logical3A_1054 : i32 to vector<16xi32>
    %shift_right_logical3A_1056 = arith.shrui %get3A_1053, %shift_right_logical3A_1055 : vector<16xi32>
    %swap3A_1057 = arith.constant 9 : i32
    %swap3A_1058 = arith.index_cast %swap3A_1057 : i32 to index
    %swap3A_1059 = arith.constant 16 : index
    %swap3A_1060 = tpu.vector_load %arg6[%swap3A_1058, %swap3A_1059] {strides = array<i32>} : memref<16x128xi32, #tpu.memory_space<vmem>>, vector<16xi32>,
    tpu.vector_store %arg6[%swap3A_1058, %swap3A_1059], %shift_right_logical3A_1056 {strides = array<i32>} : memref<16x128xi32, #tpu.memory_space<vmem>>, vector<16xi32>,
    %and3A_1061 = arith.constant 15 : i32
    %and3A_1062 = vector.broadcast %and3A_1061 : i32 to vector<16xi32>
    %and3A_1063 = arith.andi %get3A_1053, %and3A_1062 : vector<16xi32>
    %swap3A_1064 = arith.constant 1168 : index
    %swap3A_1065 = tpu.vector_load %arg7[%swap3A_1064] {strides = array<i32>} : memref<2048xi32, #tpu.memory_space<vmem>>, vector<16xi32>,
    tpu.vector_store %arg7[%swap3A_1064], %and3A_1063 {strides = array<i32>} : memref<2048xi32, #tpu.memory_space<vmem>>, vector<16xi32>,
    %get3A_1066 = arith.constant 1184 : index
    %get3A_1067 = tpu.vector_load %arg5[%get3A_1066] {strides = array<i32>} : memref<2048xi32, #tpu.memory_space<vmem>>, vector<16xi32>,
    %shift_right_logical3A_1068 = arith.constant 4 : i32
    %shift_right_logical3A_1069 = vector.broadcast %shift_right_logical3A_1068 : i32 to vector<16xi32>
    %shift_right_logical3A_1070 = arith.shrui %get3A_1067, %shift_right_logical3A_1069 : vector<16xi32>
    %swap3A_1071 = arith.constant 9 : i32
    %swap3A_1072 = arith.index_cast %swap3A_1071 : i32 to index
    %swap3A_1073 = arith.constant 32 : index
    %swap3A_1074 = tpu.vector_load %arg6[%swap3A_1072, %swap3A_1073] {strides = array<i32>} : memref<16x128xi32, #tpu.memory_space<vmem>>, vector<16xi32>,
    tpu.vector_store %arg6[%swap3A_1072, %swap3A_1073], %shift_right_logical3A_1070 {strides = array<i32>} : memref<16x128xi32, #tpu.memory_space<vmem>>, vector<16xi32>,
    %and3A_1075 = arith.constant 15 : i32
    %and3A_1076 = vector.broadcast %and3A_1075 : i32 to vector<16xi32>
    %and3A_1077 = arith.andi %get3A_1067, %and3A_1076 : vector<16xi32>
    %swap3A_1078 = arith.constant 1184 : index
    %swap3A_1079 = tpu.vector_load %arg7[%swap3A_1078] {strides = array<i32>} : memref<2048xi32, #tpu.memory_space<vmem>>, vector<16xi32>,
    tpu.vector_store %arg7[%swap3A_1078], %and3A_1077 {strides = array<i32>} : memref<2048xi32, #tpu.memory_space<vmem>>, vector<16xi32>,
    %get3A_1080 = arith.constant 1200 : index
    %get3A_1081 = tpu.vector_load %arg5[%get3A_1080] {strides = array<i32>} : memref<2048xi32, #tpu.memory_space<vmem>>, vector<16xi32>,
    %shift_right_logical3A_1082 = arith.constant 4 : i32
    %shift_right_logical3A_1083 = vector.broadcast %shift_right_logical3A_1082 : i32 to vector<16xi32>
    %shift_right_logical3A_1084 = arith.shrui %get3A_1081, %shift_right_logical3A_1083 : vector<16xi32>
    %swap3A_1085 = arith.constant 9 : i32
    %swap3A_1086 = arith.index_cast %swap3A_1085 : i32 to index
    %swap3A_1087 = arith.constant 48 : index
    %swap3A_1088 = tpu.vector_load %arg6[%swap3A_1086, %swap3A_1087] {strides = array<i32>} : memref<16x128xi32, #tpu.memory_space<vmem>>, vector<16xi32>,
    tpu.vector_store %arg6[%swap3A_1086, %swap3A_1087], %shift_right_logical3A_1084 {strides = array<i32>} : memref<16x128xi32, #tpu.memory_space<vmem>>, vector<16xi32>,
    %and3A_1089 = arith.constant 15 : i32
    %and3A_1090 = vector.broadcast %and3A_1089 : i32 to vector<16xi32>
    %and3A_1091 = arith.andi %get3A_1081, %and3A_1090 : vector<16xi32>
    %swap3A_1092 = arith.constant 1200 : index
    %swap3A_1093 = tpu.vector_load %arg7[%swap3A_1092] {strides = array<i32>} : memref<2048xi32, #tpu.memory_space<vmem>>, vector<16xi32>,
    tpu.vector_store %arg7[%swap3A_1092], %and3A_1091 {strides = array<i32>} : memref<2048xi32, #tpu.memory_space<vmem>>, vector<16xi32>,
    %get3A_1094 = arith.constant 1216 : index
    %get3A_1095 = tpu.vector_load %arg5[%get3A_1094] {strides = array<i32>} : memref<2048xi32, #tpu.memory_space<vmem>>, vector<16xi32>,
    %shift_right_logical3A_1096 = arith.constant 4 : i32
    %shift_right_logical3A_1097 = vector.broadcast %shift_right_logical3A_1096 : i32 to vector<16xi32>
    %shift_right_logical3A_1098 = arith.shrui %get3A_1095, %shift_right_logical3A_1097 : vector<16xi32>
    %swap3A_1099 = arith.constant 9 : i32
    %swap3A_1100 = arith.index_cast %swap3A_1099 : i32 to index
    %swap3A_1101 = arith.constant 64 : index
    %swap3A_1102 = tpu.vector_load %arg6[%swap3A_1100, %swap3A_1101] {strides = array<i32>} : memref<16x128xi32, #tpu.memory_space<vmem>>, vector<16xi32>,
    tpu.vector_store %arg6[%swap3A_1100, %swap3A_1101], %shift_right_logical3A_1098 {strides = array<i32>} : memref<16x128xi32, #tpu.memory_space<vmem>>, vector<16xi32>,
    %and3A_1103 = arith.constant 15 : i32
    %and3A_1104 = vector.broadcast %and3A_1103 : i32 to vector<16xi32>
    %and3A_1105 = arith.andi %get3A_1095, %and3A_1104 : vector<16xi32>
    %swap3A_1106 = arith.constant 1216 : index
    %swap3A_1107 = tpu.vector_load %arg7[%swap3A_1106] {strides = array<i32>} : memref<2048xi32, #tpu.memory_space<vmem>>, vector<16xi32>,
    tpu.vector_store %arg7[%swap3A_1106], %and3A_1105 {strides = array<i32>} : memref<2048xi32, #tpu.memory_space<vmem>>, vector<16xi32>,
    %get3A_1108 = arith.constant 1232 : index
    %get3A_1109 = tpu.vector_load %arg5[%get3A_1108] {strides = array<i32>} : memref<2048xi32, #tpu.memory_space<vmem>>, vector<16xi32>,
    %shift_right_logical3A_1110 = arith.constant 4 : i32
    %shift_right_logical3A_1111 = vector.broadcast %shift_right_logical3A_1110 : i32 to vector<16xi32>
    %shift_right_logical3A_1112 = arith.shrui %get3A_1109, %shift_right_logical3A_1111 : vector<16xi32>
    %swap3A_1113 = arith.constant 9 : i32
    %swap3A_1114 = arith.index_cast %swap3A_1113 : i32 to index
    %swap3A_1115 = arith.constant 80 : index
    %swap3A_1116 = tpu.vector_load %arg6[%swap3A_1114, %swap3A_1115] {strides = array<i32>} : memref<16x128xi32, #tpu.memory_space<vmem>>, vector<16xi32>,
    tpu.vector_store %arg6[%swap3A_1114, %swap3A_1115], %shift_right_logical3A_1112 {strides = array<i32>} : memref<16x128xi32, #tpu.memory_space<vmem>>, vector<16xi32>,
    %and3A_1117 = arith.constant 15 : i32
    %and3A_1118 = vector.broadcast %and3A_1117 : i32 to vector<16xi32>
    %and3A_1119 = arith.andi %get3A_1109, %and3A_1118 : vector<16xi32>
    %swap3A_1120 = arith.constant 1232 : index
    %swap3A_1121 = tpu.vector_load %arg7[%swap3A_1120] {strides = array<i32>} : memref<2048xi32, #tpu.memory_space<vmem>>, vector<16xi32>,
    tpu.vector_store %arg7[%swap3A_1120], %and3A_1119 {strides = array<i32>} : memref<2048xi32, #tpu.memory_space<vmem>>, vector<16xi32>,
    %get3A_1122 = arith.constant 1248 : index
    %get3A_1123 = tpu.vector_load %arg5[%get3A_1122] {strides = array<i32>} : memref<2048xi32, #tpu.memory_space<vmem>>, vector<16xi32>,
    %shift_right_logical3A_1124 = arith.constant 4 : i32
    %shift_right_logical3A_1125 = vector.broadcast %shift_right_logical3A_1124 : i32 to vector<16xi32>
    %shift_right_logical3A_1126 = arith.shrui %get3A_1123, %shift_right_logical3A_1125 : vector<16xi32>
    %swap3A_1127 = arith.constant 9 : i32
    %swap3A_1128 = arith.index_cast %swap3A_1127 : i32 to index
    %swap3A_1129 = arith.constant 96 : index
    %swap3A_1130 = tpu.vector_load %arg6[%swap3A_1128, %swap3A_1129] {strides = array<i32>} : memref<16x128xi32, #tpu.memory_space<vmem>>, vector<16xi32>,
    tpu.vector_store %arg6[%swap3A_1128, %swap3A_1129], %shift_right_logical3A_1126 {strides = array<i32>} : memref<16x128xi32, #tpu.memory_space<vmem>>, vector<16xi32>,
    %and3A_1131 = arith.constant 15 : i32
    %and3A_1132 = vector.broadcast %and3A_1131 : i32 to vector<16xi32>
    %and3A_1133 = arith.andi %get3A_1123, %and3A_1132 : vector<16xi32>
    %swap3A_1134 = arith.constant 1248 : index
    %swap3A_1135 = tpu.vector_load %arg7[%swap3A_1134] {strides = array<i32>} : memref<2048xi32, #tpu.memory_space<vmem>>, vector<16xi32>,
    tpu.vector_store %arg7[%swap3A_1134], %and3A_1133 {strides = array<i32>} : memref<2048xi32, #tpu.memory_space<vmem>>, vector<16xi32>,
    %get3A_1136 = arith.constant 1264 : index
    %get3A_1137 = tpu.vector_load %arg5[%get3A_1136] {strides = array<i32>} : memref<2048xi32, #tpu.memory_space<vmem>>, vector<16xi32>,
    %shift_right_logical3A_1138 = arith.constant 4 : i32
    %shift_right_logical3A_1139 = vector.broadcast %shift_right_logical3A_1138 : i32 to vector<16xi32>
    %shift_right_logical3A_1140 = arith.shrui %get3A_1137, %shift_right_logical3A_1139 : vector<16xi32>
    %swap3A_1141 = arith.constant 9 : i32
    %swap3A_1142 = arith.index_cast %swap3A_1141 : i32 to index
    %swap3A_1143 = arith.constant 112 : index
    %swap3A_1144 = tpu.vector_load %arg6[%swap3A_1142, %swap3A_1143] {strides = array<i32>} : memref<16x128xi32, #tpu.memory_space<vmem>>, vector<16xi32>,
    tpu.vector_store %arg6[%swap3A_1142, %swap3A_1143], %shift_right_logical3A_1140 {strides = array<i32>} : memref<16x128xi32, #tpu.memory_space<vmem>>, vector<16xi32>,
    %and3A_1145 = arith.constant 15 : i32
    %and3A_1146 = vector.broadcast %and3A_1145 : i32 to vector<16xi32>
    %and3A_1147 = arith.andi %get3A_1137, %and3A_1146 : vector<16xi32>
    %swap3A_1148 = arith.constant 1264 : index
    %swap3A_1149 = tpu.vector_load %arg7[%swap3A_1148] {strides = array<i32>} : memref<2048xi32, #tpu.memory_space<vmem>>, vector<16xi32>,
    tpu.vector_store %arg7[%swap3A_1148], %and3A_1147 {strides = array<i32>} : memref<2048xi32, #tpu.memory_space<vmem>>, vector<16xi32>,
    %get3A_1150 = arith.constant 1280 : index
    %get3A_1151 = tpu.vector_load %arg5[%get3A_1150] {strides = array<i32>} : memref<2048xi32, #tpu.memory_space<vmem>>, vector<16xi32>,
    %shift_right_logical3A_1152 = arith.constant 4 : i32
    %shift_right_logical3A_1153 = vector.broadcast %shift_right_logical3A_1152 : i32 to vector<16xi32>
    %shift_right_logical3A_1154 = arith.shrui %get3A_1151, %shift_right_logical3A_1153 : vector<16xi32>
    %swap3A_1155 = arith.constant 10 : i32
    %swap3A_1156 = arith.index_cast %swap3A_1155 : i32 to index
    %swap3A_1157 = arith.constant 0 : index
    %swap3A_1158 = tpu.vector_load %arg6[%swap3A_1156, %swap3A_1157] {strides = array<i32>} : memref<16x128xi32, #tpu.memory_space<vmem>>, vector<16xi32>,
    tpu.vector_store %arg6[%swap3A_1156, %swap3A_1157], %shift_right_logical3A_1154 {strides = array<i32>} : memref<16x128xi32, #tpu.memory_space<vmem>>, vector<16xi32>,
    %and3A_1159 = arith.constant 15 : i32
    %and3A_1160 = vector.broadcast %and3A_1159 : i32 to vector<16xi32>
    %and3A_1161 = arith.andi %get3A_1151, %and3A_1160 : vector<16xi32>
    %swap3A_1162 = arith.constant 1280 : index
    %swap3A_1163 = tpu.vector_load %arg7[%swap3A_1162] {strides = array<i32>} : memref<2048xi32, #tpu.memory_space<vmem>>, vector<16xi32>,
    tpu.vector_store %arg7[%swap3A_1162], %and3A_1161 {strides = array<i32>} : memref<2048xi32, #tpu.memory_space<vmem>>, vector<16xi32>,
    %get3A_1164 = arith.constant 1296 : index
    %get3A_1165 = tpu.vector_load %arg5[%get3A_1164] {strides = array<i32>} : memref<2048xi32, #tpu.memory_space<vmem>>, vector<16xi32>,
    %shift_right_logical3A_1166 = arith.constant 4 : i32
    %shift_right_logical3A_1167 = vector.broadcast %shift_right_logical3A_1166 : i32 to vector<16xi32>
    %shift_right_logical3A_1168 = arith.shrui %get3A_1165, %shift_right_logical3A_1167 : vector<16xi32>
    %swap3A_1169 = arith.constant 10 : i32
    %swap3A_1170 = arith.index_cast %swap3A_1169 : i32 to index
    %swap3A_1171 = arith.constant 16 : index
    %swap3A_1172 = tpu.vector_load %arg6[%swap3A_1170, %swap3A_1171] {strides = array<i32>} : memref<16x128xi32, #tpu.memory_space<vmem>>, vector<16xi32>,
    tpu.vector_store %arg6[%swap3A_1170, %swap3A_1171], %shift_right_logical3A_1168 {strides = array<i32>} : memref<16x128xi32, #tpu.memory_space<vmem>>, vector<16xi32>,
    %and3A_1173 = arith.constant 15 : i32
    %and3A_1174 = vector.broadcast %and3A_1173 : i32 to vector<16xi32>
    %and3A_1175 = arith.andi %get3A_1165, %and3A_1174 : vector<16xi32>
    %swap3A_1176 = arith.constant 1296 : index
    %swap3A_1177 = tpu.vector_load %arg7[%swap3A_1176] {strides = array<i32>} : memref<2048xi32, #tpu.memory_space<vmem>>, vector<16xi32>,
    tpu.vector_store %arg7[%swap3A_1176], %and3A_1175 {strides = array<i32>} : memref<2048xi32, #tpu.memory_space<vmem>>, vector<16xi32>,
    %get3A_1178 = arith.constant 1312 : index
    %get3A_1179 = tpu.vector_load %arg5[%get3A_1178] {strides = array<i32>} : memref<2048xi32, #tpu.memory_space<vmem>>, vector<16xi32>,
    %shift_right_logical3A_1180 = arith.constant 4 : i32
    %shift_right_logical3A_1181 = vector.broadcast %shift_right_logical3A_1180 : i32 to vector<16xi32>
    %shift_right_logical3A_1182 = arith.shrui %get3A_1179, %shift_right_logical3A_1181 : vector<16xi32>
    %swap3A_1183 = arith.constant 10 : i32
    %swap3A_1184 = arith.index_cast %swap3A_1183 : i32 to index
    %swap3A_1185 = arith.constant 32 : index
    %swap3A_1186 = tpu.vector_load %arg6[%swap3A_1184, %swap3A_1185] {strides = array<i32>} : memref<16x128xi32, #tpu.memory_space<vmem>>, vector<16xi32>,
    tpu.vector_store %arg6[%swap3A_1184, %swap3A_1185], %shift_right_logical3A_1182 {strides = array<i32>} : memref<16x128xi32, #tpu.memory_space<vmem>>, vector<16xi32>,
    %and3A_1187 = arith.constant 15 : i32
    %and3A_1188 = vector.broadcast %and3A_1187 : i32 to vector<16xi32>
    %and3A_1189 = arith.andi %get3A_1179, %and3A_1188 : vector<16xi32>
    %swap3A_1190 = arith.constant 1312 : index
    %swap3A_1191 = tpu.vector_load %arg7[%swap3A_1190] {strides = array<i32>} : memref<2048xi32, #tpu.memory_space<vmem>>, vector<16xi32>,
    tpu.vector_store %arg7[%swap3A_1190], %and3A_1189 {strides = array<i32>} : memref<2048xi32, #tpu.memory_space<vmem>>, vector<16xi32>,
    %get3A_1192 = arith.constant 1328 : index
    %get3A_1193 = tpu.vector_load %arg5[%get3A_1192] {strides = array<i32>} : memref<2048xi32, #tpu.memory_space<vmem>>, vector<16xi32>,
    %shift_right_logical3A_1194 = arith.constant 4 : i32
    %shift_right_logical3A_1195 = vector.broadcast %shift_right_logical3A_1194 : i32 to vector<16xi32>
    %shift_right_logical3A_1196 = arith.shrui %get3A_1193, %shift_right_logical3A_1195 : vector<16xi32>
    %swap3A_1197 = arith.constant 10 : i32
    %swap3A_1198 = arith.index_cast %swap3A_1197 : i32 to index
    %swap3A_1199 = arith.constant 48 : index
    %swap3A_1200 = tpu.vector_load %arg6[%swap3A_1198, %swap3A_1199] {strides = array<i32>} : memref<16x128xi32, #tpu.memory_space<vmem>>, vector<16xi32>,
    tpu.vector_store %arg6[%swap3A_1198, %swap3A_1199], %shift_right_logical3A_1196 {strides = array<i32>} : memref<16x128xi32, #tpu.memory_space<vmem>>, vector<16xi32>,
    %and3A_1201 = arith.constant 15 : i32
    %and3A_1202 = vector.broadcast %and3A_1201 : i32 to vector<16xi32>
    %and3A_1203 = arith.andi %get3A_1193, %and3A_1202 : vector<16xi32>
    %swap3A_1204 = arith.constant 1328 : index
    %swap3A_1205 = tpu.vector_load %arg7[%swap3A_1204] {strides = array<i32>} : memref<2048xi32, #tpu.memory_space<vmem>>, vector<16xi32>,
    tpu.vector_store %arg7[%swap3A_1204], %and3A_1203 {strides = array<i32>} : memref<2048xi32, #tpu.memory_space<vmem>>, vector<16xi32>,
    %get3A_1206 = arith.constant 1344 : index
    %get3A_1207 = tpu.vector_load %arg5[%get3A_1206] {strides = array<i32>} : memref<2048xi32, #tpu.memory_space<vmem>>, vector<16xi32>,
    %shift_right_logical3A_1208 = arith.constant 4 : i32
    %shift_right_logical3A_1209 = vector.broadcast %shift_right_logical3A_1208 : i32 to vector<16xi32>
    %shift_right_logical3A_1210 = arith.shrui %get3A_1207, %shift_right_logical3A_1209 : vector<16xi32>
    %swap3A_1211 = arith.constant 10 : i32
    %swap3A_1212 = arith.index_cast %swap3A_1211 : i32 to index
    %swap3A_1213 = arith.constant 64 : index
    %swap3A_1214 = tpu.vector_load %arg6[%swap3A_1212, %swap3A_1213] {strides = array<i32>} : memref<16x128xi32, #tpu.memory_space<vmem>>, vector<16xi32>,
    tpu.vector_store %arg6[%swap3A_1212, %swap3A_1213], %shift_right_logical3A_1210 {strides = array<i32>} : memref<16x128xi32, #tpu.memory_space<vmem>>, vector<16xi32>,
    %and3A_1215 = arith.constant 15 : i32
    %and3A_1216 = vector.broadcast %and3A_1215 : i32 to vector<16xi32>
    %and3A_1217 = arith.andi %get3A_1207, %and3A_1216 : vector<16xi32>
    %swap3A_1218 = arith.constant 1344 : index
    %swap3A_1219 = tpu.vector_load %arg7[%swap3A_1218] {strides = array<i32>} : memref<2048xi32, #tpu.memory_space<vmem>>, vector<16xi32>,
    tpu.vector_store %arg7[%swap3A_1218], %and3A_1217 {strides = array<i32>} : memref<2048xi32, #tpu.memory_space<vmem>>, vector<16xi32>,
    %get3A_1220 = arith.constant 1360 : index
    %get3A_1221 = tpu.vector_load %arg5[%get3A_1220] {strides = array<i32>} : memref<2048xi32, #tpu.memory_space<vmem>>, vector<16xi32>,
    %shift_right_logical3A_1222 = arith.constant 4 : i32
    %shift_right_logical3A_1223 = vector.broadcast %shift_right_logical3A_1222 : i32 to vector<16xi32>
    %shift_right_logical3A_1224 = arith.shrui %get3A_1221, %shift_right_logical3A_1223 : vector<16xi32>
    %swap3A_1225 = arith.constant 10 : i32
    %swap3A_1226 = arith.index_cast %swap3A_1225 : i32 to index
    %swap3A_1227 = arith.constant 80 : index
    %swap3A_1228 = tpu.vector_load %arg6[%swap3A_1226, %swap3A_1227] {strides = array<i32>} : memref<16x128xi32, #tpu.memory_space<vmem>>, vector<16xi32>,
    tpu.vector_store %arg6[%swap3A_1226, %swap3A_1227], %shift_right_logical3A_1224 {strides = array<i32>} : memref<16x128xi32, #tpu.memory_space<vmem>>, vector<16xi32>,
    %and3A_1229 = arith.constant 15 : i32
    %and3A_1230 = vector.broadcast %and3A_1229 : i32 to vector<16xi32>
    %and3A_1231 = arith.andi %get3A_1221, %and3A_1230 : vector<16xi32>
    %swap3A_1232 = arith.constant 1360 : index
    %swap3A_1233 = tpu.vector_load %arg7[%swap3A_1232] {strides = array<i32>} : memref<2048xi32, #tpu.memory_space<vmem>>, vector<16xi32>,
    tpu.vector_store %arg7[%swap3A_1232], %and3A_1231 {strides = array<i32>} : memref<2048xi32, #tpu.memory_space<vmem>>, vector<16xi32>,
    %get3A_1234 = arith.constant 1376 : index
    %get3A_1235 = tpu.vector_load %arg5[%get3A_1234] {strides = array<i32>} : memref<2048xi32, #tpu.memory_space<vmem>>, vector<16xi32>,
    %shift_right_logical3A_1236 = arith.constant 4 : i32
    %shift_right_logical3A_1237 = vector.broadcast %shift_right_logical3A_1236 : i32 to vector<16xi32>
    %shift_right_logical3A_1238 = arith.shrui %get3A_1235, %shift_right_logical3A_1237 : vector<16xi32>
    %swap3A_1239 = arith.constant 10 : i32
    %swap3A_1240 = arith.index_cast %swap3A_1239 : i32 to index
    %swap3A_1241 = arith.constant 96 : index
    %swap3A_1242 = tpu.vector_load %arg6[%swap3A_1240, %swap3A_1241] {strides = array<i32>} : memref<16x128xi32, #tpu.memory_space<vmem>>, vector<16xi32>,
    tpu.vector_store %arg6[%swap3A_1240, %swap3A_1241], %shift_right_logical3A_1238 {strides = array<i32>} : memref<16x128xi32, #tpu.memory_space<vmem>>, vector<16xi32>,
    %and3A_1243 = arith.constant 15 : i32
    %and3A_1244 = vector.broadcast %and3A_1243 : i32 to vector<16xi32>
    %and3A_1245 = arith.andi %get3A_1235, %and3A_1244 : vector<16xi32>
    %swap3A_1246 = arith.constant 1376 : index
    %swap3A_1247 = tpu.vector_load %arg7[%swap3A_1246] {strides = array<i32>} : memref<2048xi32, #tpu.memory_space<vmem>>, vector<16xi32>,
    tpu.vector_store %arg7[%swap3A_1246], %and3A_1245 {strides = array<i32>} : memref<2048xi32, #tpu.memory_space<vmem>>, vector<16xi32>,
    %get3A_1248 = arith.constant 1392 : index
    %get3A_1249 = tpu.vector_load %arg5[%get3A_1248] {strides = array<i32>} : memref<2048xi32, #tpu.memory_space<vmem>>, vector<16xi32>,
    %shift_right_logical3A_1250 = arith.constant 4 : i32
    %shift_right_logical3A_1251 = vector.broadcast %shift_right_logical3A_1250 : i32 to vector<16xi32>
    %shift_right_logical3A_1252 = arith.shrui %get3A_1249, %shift_right_logical3A_1251 : vector<16xi32>
    %swap3A_1253 = arith.constant 10 : i32
    %swap3A_1254 = arith.index_cast %swap3A_1253 : i32 to index
    %swap3A_1255 = arith.constant 112 : index
    %swap3A_1256 = tpu.vector_load %arg6[%swap3A_1254, %swap3A_1255] {strides = array<i32>} : memref<16x128xi32, #tpu.memory_space<vmem>>, vector<16xi32>,
    tpu.vector_store %arg6[%swap3A_1254, %swap3A_1255], %shift_right_logical3A_1252 {strides = array<i32>} : memref<16x128xi32, #tpu.memory_space<vmem>>, vector<16xi32>,
    %and3A_1257 = arith.constant 15 : i32
    %and3A_1258 = vector.broadcast %and3A_1257 : i32 to vector<16xi32>
    %and3A_1259 = arith.andi %get3A_1249, %and3A_1258 : vector<16xi32>
    %swap3A_1260 = arith.constant 1392 : index
    %swap3A_1261 = tpu.vector_load %arg7[%swap3A_1260] {strides = array<i32>} : memref<2048xi32, #tpu.memory_space<vmem>>, vector<16xi32>,
    tpu.vector_store %arg7[%swap3A_1260], %and3A_1259 {strides = array<i32>} : memref<2048xi32, #tpu.memory_space<vmem>>, vector<16xi32>,
    %get3A_1262 = arith.constant 1408 : index
    %get3A_1263 = tpu.vector_load %arg5[%get3A_1262] {strides = array<i32>} : memref<2048xi32, #tpu.memory_space<vmem>>, vector<16xi32>,
    %shift_right_logical3A_1264 = arith.constant 4 : i32
    %shift_right_logical3A_1265 = vector.broadcast %shift_right_logical3A_1264 : i32 to vector<16xi32>
    %shift_right_logical3A_1266 = arith.shrui %get3A_1263, %shift_right_logical3A_1265 : vector<16xi32>
    %swap3A_1267 = arith.constant 11 : i32
    %swap3A_1268 = arith.index_cast %swap3A_1267 : i32 to index
    %swap3A_1269 = arith.constant 0 : index
    %swap3A_1270 = tpu.vector_load %arg6[%swap3A_1268, %swap3A_1269] {strides = array<i32>} : memref<16x128xi32, #tpu.memory_space<vmem>>, vector<16xi32>,
    tpu.vector_store %arg6[%swap3A_1268, %swap3A_1269], %shift_right_logical3A_1266 {strides = array<i32>} : memref<16x128xi32, #tpu.memory_space<vmem>>, vector<16xi32>,
    %and3A_1271 = arith.constant 15 : i32
    %and3A_1272 = vector.broadcast %and3A_1271 : i32 to vector<16xi32>
    %and3A_1273 = arith.andi %get3A_1263, %and3A_1272 : vector<16xi32>
    %swap3A_1274 = arith.constant 1408 : index
    %swap3A_1275 = tpu.vector_load %arg7[%swap3A_1274] {strides = array<i32>} : memref<2048xi32, #tpu.memory_space<vmem>>, vector<16xi32>,
    tpu.vector_store %arg7[%swap3A_1274], %and3A_1273 {strides = array<i32>} : memref<2048xi32, #tpu.memory_space<vmem>>, vector<16xi32>,
    %get3A_1276 = arith.constant 1424 : index
    %get3A_1277 = tpu.vector_load %arg5[%get3A_1276] {strides = array<i32>} : memref<2048xi32, #tpu.memory_space<vmem>>, vector<16xi32>,
    %shift_right_logical3A_1278 = arith.constant 4 : i32
    %shift_right_logical3A_1279 = vector.broadcast %shift_right_logical3A_1278 : i32 to vector<16xi32>
    %shift_right_logical3A_1280 = arith.shrui %get3A_1277, %shift_right_logical3A_1279 : vector<16xi32>
    %swap3A_1281 = arith.constant 11 : i32
    %swap3A_1282 = arith.index_cast %swap3A_1281 : i32 to index
    %swap3A_1283 = arith.constant 16 : index
    %swap3A_1284 = tpu.vector_load %arg6[%swap3A_1282, %swap3A_1283] {strides = array<i32>} : memref<16x128xi32, #tpu.memory_space<vmem>>, vector<16xi32>,
    tpu.vector_store %arg6[%swap3A_1282, %swap3A_1283], %shift_right_logical3A_1280 {strides = array<i32>} : memref<16x128xi32, #tpu.memory_space<vmem>>, vector<16xi32>,
    %and3A_1285 = arith.constant 15 : i32
    %and3A_1286 = vector.broadcast %and3A_1285 : i32 to vector<16xi32>
    %and3A_1287 = arith.andi %get3A_1277, %and3A_1286 : vector<16xi32>
    %swap3A_1288 = arith.constant 1424 : index
    %swap3A_1289 = tpu.vector_load %arg7[%swap3A_1288] {strides = array<i32>} : memref<2048xi32, #tpu.memory_space<vmem>>, vector<16xi32>,
    tpu.vector_store %arg7[%swap3A_1288], %and3A_1287 {strides = array<i32>} : memref<2048xi32, #tpu.memory_space<vmem>>, vector<16xi32>,
    %get3A_1290 = arith.constant 1440 : index
    %get3A_1291 = tpu.vector_load %arg5[%get3A_1290] {strides = array<i32>} : memref<2048xi32, #tpu.memory_space<vmem>>, vector<16xi32>,
    %shift_right_logical3A_1292 = arith.constant 4 : i32
    %shift_right_logical3A_1293 = vector.broadcast %shift_right_logical3A_1292 : i32 to vector<16xi32>
    %shift_right_logical3A_1294 = arith.shrui %get3A_1291, %shift_right_logical3A_1293 : vector<16xi32>
    %swap3A_1295 = arith.constant 11 : i32
    %swap3A_1296 = arith.index_cast %swap3A_1295 : i32 to index
    %swap3A_1297 = arith.constant 32 : index
    %swap3A_1298 = tpu.vector_load %arg6[%swap3A_1296, %swap3A_1297] {strides = array<i32>} : memref<16x128xi32, #tpu.memory_space<vmem>>, vector<16xi32>,
    tpu.vector_store %arg6[%swap3A_1296, %swap3A_1297], %shift_right_logical3A_1294 {strides = array<i32>} : memref<16x128xi32, #tpu.memory_space<vmem>>, vector<16xi32>,
    %and3A_1299 = arith.constant 15 : i32
    %and3A_1300 = vector.broadcast %and3A_1299 : i32 to vector<16xi32>
    %and3A_1301 = arith.andi %get3A_1291, %and3A_1300 : vector<16xi32>
    %swap3A_1302 = arith.constant 1440 : index
    %swap3A_1303 = tpu.vector_load %arg7[%swap3A_1302] {strides = array<i32>} : memref<2048xi32, #tpu.memory_space<vmem>>, vector<16xi32>,
    tpu.vector_store %arg7[%swap3A_1302], %and3A_1301 {strides = array<i32>} : memref<2048xi32, #tpu.memory_space<vmem>>, vector<16xi32>,
    %get3A_1304 = arith.constant 1456 : index
    %get3A_1305 = tpu.vector_load %arg5[%get3A_1304] {strides = array<i32>} : memref<2048xi32, #tpu.memory_space<vmem>>, vector<16xi32>,
    %shift_right_logical3A_1306 = arith.constant 4 : i32
    %shift_right_logical3A_1307 = vector.broadcast %shift_right_logical3A_1306 : i32 to vector<16xi32>
    %shift_right_logical3A_1308 = arith.shrui %get3A_1305, %shift_right_logical3A_1307 : vector<16xi32>
    %swap3A_1309 = arith.constant 11 : i32
    %swap3A_1310 = arith.index_cast %swap3A_1309 : i32 to index
    %swap3A_1311 = arith.constant 48 : index
    %swap3A_1312 = tpu.vector_load %arg6[%swap3A_1310, %swap3A_1311] {strides = array<i32>} : memref<16x128xi32, #tpu.memory_space<vmem>>, vector<16xi32>,
    tpu.vector_store %arg6[%swap3A_1310, %swap3A_1311], %shift_right_logical3A_1308 {strides = array<i32>} : memref<16x128xi32, #tpu.memory_space<vmem>>, vector<16xi32>,
    %and3A_1313 = arith.constant 15 : i32
    %and3A_1314 = vector.broadcast %and3A_1313 : i32 to vector<16xi32>
    %and3A_1315 = arith.andi %get3A_1305, %and3A_1314 : vector<16xi32>
    %swap3A_1316 = arith.constant 1456 : index
    %swap3A_1317 = tpu.vector_load %arg7[%swap3A_1316] {strides = array<i32>} : memref<2048xi32, #tpu.memory_space<vmem>>, vector<16xi32>,
    tpu.vector_store %arg7[%swap3A_1316], %and3A_1315 {strides = array<i32>} : memref<2048xi32, #tpu.memory_space<vmem>>, vector<16xi32>,
    %get3A_1318 = arith.constant 1472 : index
    %get3A_1319 = tpu.vector_load %arg5[%get3A_1318] {strides = array<i32>} : memref<2048xi32, #tpu.memory_space<vmem>>, vector<16xi32>,
    %shift_right_logical3A_1320 = arith.constant 4 : i32
    %shift_right_logical3A_1321 = vector.broadcast %shift_right_logical3A_1320 : i32 to vector<16xi32>
    %shift_right_logical3A_1322 = arith.shrui %get3A_1319, %shift_right_logical3A_1321 : vector<16xi32>
    %swap3A_1323 = arith.constant 11 : i32
    %swap3A_1324 = arith.index_cast %swap3A_1323 : i32 to index
    %swap3A_1325 = arith.constant 64 : index
    %swap3A_1326 = tpu.vector_load %arg6[%swap3A_1324, %swap3A_1325] {strides = array<i32>} : memref<16x128xi32, #tpu.memory_space<vmem>>, vector<16xi32>,
    tpu.vector_store %arg6[%swap3A_1324, %swap3A_1325], %shift_right_logical3A_1322 {strides = array<i32>} : memref<16x128xi32, #tpu.memory_space<vmem>>, vector<16xi32>,
    %and3A_1327 = arith.constant 15 : i32
    %and3A_1328 = vector.broadcast %and3A_1327 : i32 to vector<16xi32>
    %and3A_1329 = arith.andi %get3A_1319, %and3A_1328 : vector<16xi32>
    %swap3A_1330 = arith.constant 1472 : index
    %swap3A_1331 = tpu.vector_load %arg7[%swap3A_1330] {strides = array<i32>} : memref<2048xi32, #tpu.memory_space<vmem>>, vector<16xi32>,
    tpu.vector_store %arg7[%swap3A_1330], %and3A_1329 {strides = array<i32>} : memref<2048xi32, #tpu.memory_space<vmem>>, vector<16xi32>,
    %get3A_1332 = arith.constant 1488 : index
    %get3A_1333 = tpu.vector_load %arg5[%get3A_1332] {strides = array<i32>} : memref<2048xi32, #tpu.memory_space<vmem>>, vector<16xi32>,
    %shift_right_logical3A_1334 = arith.constant 4 : i32
    %shift_right_logical3A_1335 = vector.broadcast %shift_right_logical3A_1334 : i32 to vector<16xi32>
    %shift_right_logical3A_1336 = arith.shrui %get3A_1333, %shift_right_logical3A_1335 : vector<16xi32>
    %swap3A_1337 = arith.constant 11 : i32
    %swap3A_1338 = arith.index_cast %swap3A_1337 : i32 to index
    %swap3A_1339 = arith.constant 80 : index
    %swap3A_1340 = tpu.vector_load %arg6[%swap3A_1338, %swap3A_1339] {strides = array<i32>} : memref<16x128xi32, #tpu.memory_space<vmem>>, vector<16xi32>,
    tpu.vector_store %arg6[%swap3A_1338, %swap3A_1339], %shift_right_logical3A_1336 {strides = array<i32>} : memref<16x128xi32, #tpu.memory_space<vmem>>, vector<16xi32>,
    %and3A_1341 = arith.constant 15 : i32
    %and3A_1342 = vector.broadcast %and3A_1341 : i32 to vector<16xi32>
    %and3A_1343 = arith.andi %get3A_1333, %and3A_1342 : vector<16xi32>
    %swap3A_1344 = arith.constant 1488 : index
    %swap3A_1345 = tpu.vector_load %arg7[%swap3A_1344] {strides = array<i32>} : memref<2048xi32, #tpu.memory_space<vmem>>, vector<16xi32>,
    tpu.vector_store %arg7[%swap3A_1344], %and3A_1343 {strides = array<i32>} : memref<2048xi32, #tpu.memory_space<vmem>>, vector<16xi32>,
    %get3A_1346 = arith.constant 1504 : index
    %get3A_1347 = tpu.vector_load %arg5[%get3A_1346] {strides = array<i32>} : memref<2048xi32, #tpu.memory_space<vmem>>, vector<16xi32>,
    %shift_right_logical3A_1348 = arith.constant 4 : i32
    %shift_right_logical3A_1349 = vector.broadcast %shift_right_logical3A_1348 : i32 to vector<16xi32>
    %shift_right_logical3A_1350 = arith.shrui %get3A_1347, %shift_right_logical3A_1349 : vector<16xi32>
    %swap3A_1351 = arith.constant 11 : i32
    %swap3A_1352 = arith.index_cast %swap3A_1351 : i32 to index
    %swap3A_1353 = arith.constant 96 : index
    %swap3A_1354 = tpu.vector_load %arg6[%swap3A_1352, %swap3A_1353] {strides = array<i32>} : memref<16x128xi32, #tpu.memory_space<vmem>>, vector<16xi32>,
    tpu.vector_store %arg6[%swap3A_1352, %swap3A_1353], %shift_right_logical3A_1350 {strides = array<i32>} : memref<16x128xi32, #tpu.memory_space<vmem>>, vector<16xi32>,
    %and3A_1355 = arith.constant 15 : i32
    %and3A_1356 = vector.broadcast %and3A_1355 : i32 to vector<16xi32>
    %and3A_1357 = arith.andi %get3A_1347, %and3A_1356 : vector<16xi32>
    %swap3A_1358 = arith.constant 1504 : index
    %swap3A_1359 = tpu.vector_load %arg7[%swap3A_1358] {strides = array<i32>} : memref<2048xi32, #tpu.memory_space<vmem>>, vector<16xi32>,
    tpu.vector_store %arg7[%swap3A_1358], %and3A_1357 {strides = array<i32>} : memref<2048xi32, #tpu.memory_space<vmem>>, vector<16xi32>,
    %get3A_1360 = arith.constant 1520 : index
    %get3A_1361 = tpu.vector_load %arg5[%get3A_1360] {strides = array<i32>} : memref<2048xi32, #tpu.memory_space<vmem>>, vector<16xi32>,
    %shift_right_logical3A_1362 = arith.constant 4 : i32
    %shift_right_logical3A_1363 = vector.broadcast %shift_right_logical3A_1362 : i32 to vector<16xi32>
    %shift_right_logical3A_1364 = arith.shrui %get3A_1361, %shift_right_logical3A_1363 : vector<16xi32>
    %swap3A_1365 = arith.constant 11 : i32
    %swap3A_1366 = arith.index_cast %swap3A_1365 : i32 to index
    %swap3A_1367 = arith.constant 112 : index
    %swap3A_1368 = tpu.vector_load %arg6[%swap3A_1366, %swap3A_1367] {strides = array<i32>} : memref<16x128xi32, #tpu.memory_space<vmem>>, vector<16xi32>,
    tpu.vector_store %arg6[%swap3A_1366, %swap3A_1367], %shift_right_logical3A_1364 {strides = array<i32>} : memref<16x128xi32, #tpu.memory_space<vmem>>, vector<16xi32>,
    %and3A_1369 = arith.constant 15 : i32
    %and3A_1370 = vector.broadcast %and3A_1369 : i32 to vector<16xi32>
    %and3A_1371 = arith.andi %get3A_1361, %and3A_1370 : vector<16xi32>
    %swap3A_1372 = arith.constant 1520 : index
    %swap3A_1373 = tpu.vector_load %arg7[%swap3A_1372] {strides = array<i32>} : memref<2048xi32, #tpu.memory_space<vmem>>, vector<16xi32>,
    tpu.vector_store %arg7[%swap3A_1372], %and3A_1371 {strides = array<i32>} : memref<2048xi32, #tpu.memory_space<vmem>>, vector<16xi32>,
    %get3A_1374 = arith.constant 1536 : index
    %get3A_1375 = tpu.vector_load %arg5[%get3A_1374] {strides = array<i32>} : memref<2048xi32, #tpu.memory_space<vmem>>, vector<16xi32>,
    %shift_right_logical3A_1376 = arith.constant 4 : i32
    %shift_right_logical3A_1377 = vector.broadcast %shift_right_logical3A_1376 : i32 to vector<16xi32>
    %shift_right_logical3A_1378 = arith.shrui %get3A_1375, %shift_right_logical3A_1377 : vector<16xi32>
    %swap3A_1379 = arith.constant 12 : i32
    %swap3A_1380 = arith.index_cast %swap3A_1379 : i32 to index
    %swap3A_1381 = arith.constant 0 : index
    %swap3A_1382 = tpu.vector_load %arg6[%swap3A_1380, %swap3A_1381] {strides = array<i32>} : memref<16x128xi32, #tpu.memory_space<vmem>>, vector<16xi32>,
    tpu.vector_store %arg6[%swap3A_1380, %swap3A_1381], %shift_right_logical3A_1378 {strides = array<i32>} : memref<16x128xi32, #tpu.memory_space<vmem>>, vector<16xi32>,
    %and3A_1383 = arith.constant 15 : i32
    %and3A_1384 = vector.broadcast %and3A_1383 : i32 to vector<16xi32>
    %and3A_1385 = arith.andi %get3A_1375, %and3A_1384 : vector<16xi32>
    %swap3A_1386 = arith.constant 1536 : index
    %swap3A_1387 = tpu.vector_load %arg7[%swap3A_1386] {strides = array<i32>} : memref<2048xi32, #tpu.memory_space<vmem>>, vector<16xi32>,
    tpu.vector_store %arg7[%swap3A_1386], %and3A_1385 {strides = array<i32>} : memref<2048xi32, #tpu.memory_space<vmem>>, vector<16xi32>,
    %get3A_1388 = arith.constant 1552 : index
    %get3A_1389 = tpu.vector_load %arg5[%get3A_1388] {strides = array<i32>} : memref<2048xi32, #tpu.memory_space<vmem>>, vector<16xi32>,
    %shift_right_logical3A_1390 = arith.constant 4 : i32
    %shift_right_logical3A_1391 = vector.broadcast %shift_right_logical3A_1390 : i32 to vector<16xi32>
    %shift_right_logical3A_1392 = arith.shrui %get3A_1389, %shift_right_logical3A_1391 : vector<16xi32>
    %swap3A_1393 = arith.constant 12 : i32
    %swap3A_1394 = arith.index_cast %swap3A_1393 : i32 to index
    %swap3A_1395 = arith.constant 16 : index
    %swap3A_1396 = tpu.vector_load %arg6[%swap3A_1394, %swap3A_1395] {strides = array<i32>} : memref<16x128xi32, #tpu.memory_space<vmem>>, vector<16xi32>,
    tpu.vector_store %arg6[%swap3A_1394, %swap3A_1395], %shift_right_logical3A_1392 {strides = array<i32>} : memref<16x128xi32, #tpu.memory_space<vmem>>, vector<16xi32>,
    %and3A_1397 = arith.constant 15 : i32
    %and3A_1398 = vector.broadcast %and3A_1397 : i32 to vector<16xi32>
    %and3A_1399 = arith.andi %get3A_1389, %and3A_1398 : vector<16xi32>
    %swap3A_1400 = arith.constant 1552 : index
    %swap3A_1401 = tpu.vector_load %arg7[%swap3A_1400] {strides = array<i32>} : memref<2048xi32, #tpu.memory_space<vmem>>, vector<16xi32>,
    tpu.vector_store %arg7[%swap3A_1400], %and3A_1399 {strides = array<i32>} : memref<2048xi32, #tpu.memory_space<vmem>>, vector<16xi32>,
    %get3A_1402 = arith.constant 1568 : index
    %get3A_1403 = tpu.vector_load %arg5[%get3A_1402] {strides = array<i32>} : memref<2048xi32, #tpu.memory_space<vmem>>, vector<16xi32>,
    %shift_right_logical3A_1404 = arith.constant 4 : i32
    %shift_right_logical3A_1405 = vector.broadcast %shift_right_logical3A_1404 : i32 to vector<16xi32>
    %shift_right_logical3A_1406 = arith.shrui %get3A_1403, %shift_right_logical3A_1405 : vector<16xi32>
    %swap3A_1407 = arith.constant 12 : i32
    %swap3A_1408 = arith.index_cast %swap3A_1407 : i32 to index
    %swap3A_1409 = arith.constant 32 : index
    %swap3A_1410 = tpu.vector_load %arg6[%swap3A_1408, %swap3A_1409] {strides = array<i32>} : memref<16x128xi32, #tpu.memory_space<vmem>>, vector<16xi32>,
    tpu.vector_store %arg6[%swap3A_1408, %swap3A_1409], %shift_right_logical3A_1406 {strides = array<i32>} : memref<16x128xi32, #tpu.memory_space<vmem>>, vector<16xi32>,
    %and3A_1411 = arith.constant 15 : i32
    %and3A_1412 = vector.broadcast %and3A_1411 : i32 to vector<16xi32>
    %and3A_1413 = arith.andi %get3A_1403, %and3A_1412 : vector<16xi32>
    %swap3A_1414 = arith.constant 1568 : index
    %swap3A_1415 = tpu.vector_load %arg7[%swap3A_1414] {strides = array<i32>} : memref<2048xi32, #tpu.memory_space<vmem>>, vector<16xi32>,
    tpu.vector_store %arg7[%swap3A_1414], %and3A_1413 {strides = array<i32>} : memref<2048xi32, #tpu.memory_space<vmem>>, vector<16xi32>,
    %get3A_1416 = arith.constant 1584 : index
    %get3A_1417 = tpu.vector_load %arg5[%get3A_1416] {strides = array<i32>} : memref<2048xi32, #tpu.memory_space<vmem>>, vector<16xi32>,
    %shift_right_logical3A_1418 = arith.constant 4 : i32
    %shift_right_logical3A_1419 = vector.broadcast %shift_right_logical3A_1418 : i32 to vector<16xi32>
    %shift_right_logical3A_1420 = arith.shrui %get3A_1417, %shift_right_logical3A_1419 : vector<16xi32>
    %swap3A_1421 = arith.constant 12 : i32
    %swap3A_1422 = arith.index_cast %swap3A_1421 : i32 to index
    %swap3A_1423 = arith.constant 48 : index
    %swap3A_1424 = tpu.vector_load %arg6[%swap3A_1422, %swap3A_1423] {strides = array<i32>} : memref<16x128xi32, #tpu.memory_space<vmem>>, vector<16xi32>,
    tpu.vector_store %arg6[%swap3A_1422, %swap3A_1423], %shift_right_logical3A_1420 {strides = array<i32>} : memref<16x128xi32, #tpu.memory_space<vmem>>, vector<16xi32>,
    %and3A_1425 = arith.constant 15 : i32
    %and3A_1426 = vector.broadcast %and3A_1425 : i32 to vector<16xi32>
    %and3A_1427 = arith.andi %get3A_1417, %and3A_1426 : vector<16xi32>
    %swap3A_1428 = arith.constant 1584 : index
    %swap3A_1429 = tpu.vector_load %arg7[%swap3A_1428] {strides = array<i32>} : memref<2048xi32, #tpu.memory_space<vmem>>, vector<16xi32>,
    tpu.vector_store %arg7[%swap3A_1428], %and3A_1427 {strides = array<i32>} : memref<2048xi32, #tpu.memory_space<vmem>>, vector<16xi32>,
    %get3A_1430 = arith.constant 1600 : index
    %get3A_1431 = tpu.vector_load %arg5[%get3A_1430] {strides = array<i32>} : memref<2048xi32, #tpu.memory_space<vmem>>, vector<16xi32>,
    %shift_right_logical3A_1432 = arith.constant 4 : i32
    %shift_right_logical3A_1433 = vector.broadcast %shift_right_logical3A_1432 : i32 to vector<16xi32>
    %shift_right_logical3A_1434 = arith.shrui %get3A_1431, %shift_right_logical3A_1433 : vector<16xi32>
    %swap3A_1435 = arith.constant 12 : i32
    %swap3A_1436 = arith.index_cast %swap3A_1435 : i32 to index
    %swap3A_1437 = arith.constant 64 : index
    %swap3A_1438 = tpu.vector_load %arg6[%swap3A_1436, %swap3A_1437] {strides = array<i32>} : memref<16x128xi32, #tpu.memory_space<vmem>>, vector<16xi32>,
    tpu.vector_store %arg6[%swap3A_1436, %swap3A_1437], %shift_right_logical3A_1434 {strides = array<i32>} : memref<16x128xi32, #tpu.memory_space<vmem>>, vector<16xi32>,
    %and3A_1439 = arith.constant 15 : i32
    %and3A_1440 = vector.broadcast %and3A_1439 : i32 to vector<16xi32>
    %and3A_1441 = arith.andi %get3A_1431, %and3A_1440 : vector<16xi32>
    %swap3A_1442 = arith.constant 1600 : index
    %swap3A_1443 = tpu.vector_load %arg7[%swap3A_1442] {strides = array<i32>} : memref<2048xi32, #tpu.memory_space<vmem>>, vector<16xi32>,
    tpu.vector_store %arg7[%swap3A_1442], %and3A_1441 {strides = array<i32>} : memref<2048xi32, #tpu.memory_space<vmem>>, vector<16xi32>,
    %get3A_1444 = arith.constant 1616 : index
    %get3A_1445 = tpu.vector_load %arg5[%get3A_1444] {strides = array<i32>} : memref<2048xi32, #tpu.memory_space<vmem>>, vector<16xi32>,
    %shift_right_logical3A_1446 = arith.constant 4 : i32
    %shift_right_logical3A_1447 = vector.broadcast %shift_right_logical3A_1446 : i32 to vector<16xi32>
    %shift_right_logical3A_1448 = arith.shrui %get3A_1445, %shift_right_logical3A_1447 : vector<16xi32>
    %swap3A_1449 = arith.constant 12 : i32
    %swap3A_1450 = arith.index_cast %swap3A_1449 : i32 to index
    %swap3A_1451 = arith.constant 80 : index
    %swap3A_1452 = tpu.vector_load %arg6[%swap3A_1450, %swap3A_1451] {strides = array<i32>} : memref<16x128xi32, #tpu.memory_space<vmem>>, vector<16xi32>,
    tpu.vector_store %arg6[%swap3A_1450, %swap3A_1451], %shift_right_logical3A_1448 {strides = array<i32>} : memref<16x128xi32, #tpu.memory_space<vmem>>, vector<16xi32>,
    %and3A_1453 = arith.constant 15 : i32
    %and3A_1454 = vector.broadcast %and3A_1453 : i32 to vector<16xi32>
    %and3A_1455 = arith.andi %get3A_1445, %and3A_1454 : vector<16xi32>
    %swap3A_1456 = arith.constant 1616 : index
    %swap3A_1457 = tpu.vector_load %arg7[%swap3A_1456] {strides = array<i32>} : memref<2048xi32, #tpu.memory_space<vmem>>, vector<16xi32>,
    tpu.vector_store %arg7[%swap3A_1456], %and3A_1455 {strides = array<i32>} : memref<2048xi32, #tpu.memory_space<vmem>>, vector<16xi32>,
    %get3A_1458 = arith.constant 1632 : index
    %get3A_1459 = tpu.vector_load %arg5[%get3A_1458] {strides = array<i32>} : memref<2048xi32, #tpu.memory_space<vmem>>, vector<16xi32>,
    %shift_right_logical3A_1460 = arith.constant 4 : i32
    %shift_right_logical3A_1461 = vector.broadcast %shift_right_logical3A_1460 : i32 to vector<16xi32>
    %shift_right_logical3A_1462 = arith.shrui %get3A_1459, %shift_right_logical3A_1461 : vector<16xi32>
    %swap3A_1463 = arith.constant 12 : i32
    %swap3A_1464 = arith.index_cast %swap3A_1463 : i32 to index
    %swap3A_1465 = arith.constant 96 : index
    %swap3A_1466 = tpu.vector_load %arg6[%swap3A_1464, %swap3A_1465] {strides = array<i32>} : memref<16x128xi32, #tpu.memory_space<vmem>>, vector<16xi32>,
    tpu.vector_store %arg6[%swap3A_1464, %swap3A_1465], %shift_right_logical3A_1462 {strides = array<i32>} : memref<16x128xi32, #tpu.memory_space<vmem>>, vector<16xi32>,
    %and3A_1467 = arith.constant 15 : i32
    %and3A_1468 = vector.broadcast %and3A_1467 : i32 to vector<16xi32>
    %and3A_1469 = arith.andi %get3A_1459, %and3A_1468 : vector<16xi32>
    %swap3A_1470 = arith.constant 1632 : index
    %swap3A_1471 = tpu.vector_load %arg7[%swap3A_1470] {strides = array<i32>} : memref<2048xi32, #tpu.memory_space<vmem>>, vector<16xi32>,
    tpu.vector_store %arg7[%swap3A_1470], %and3A_1469 {strides = array<i32>} : memref<2048xi32, #tpu.memory_space<vmem>>, vector<16xi32>,
    %get3A_1472 = arith.constant 1648 : index
    %get3A_1473 = tpu.vector_load %arg5[%get3A_1472] {strides = array<i32>} : memref<2048xi32, #tpu.memory_space<vmem>>, vector<16xi32>,
    %shift_right_logical3A_1474 = arith.constant 4 : i32
    %shift_right_logical3A_1475 = vector.broadcast %shift_right_logical3A_1474 : i32 to vector<16xi32>
    %shift_right_logical3A_1476 = arith.shrui %get3A_1473, %shift_right_logical3A_1475 : vector<16xi32>
    %swap3A_1477 = arith.constant 12 : i32
    %swap3A_1478 = arith.index_cast %swap3A_1477 : i32 to index
    %swap3A_1479 = arith.constant 112 : index
    %swap3A_1480 = tpu.vector_load %arg6[%swap3A_1478, %swap3A_1479] {strides = array<i32>} : memref<16x128xi32, #tpu.memory_space<vmem>>, vector<16xi32>,
    tpu.vector_store %arg6[%swap3A_1478, %swap3A_1479], %shift_right_logical3A_1476 {strides = array<i32>} : memref<16x128xi32, #tpu.memory_space<vmem>>, vector<16xi32>,
    %and3A_1481 = arith.constant 15 : i32
    %and3A_1482 = vector.broadcast %and3A_1481 : i32 to vector<16xi32>
    %and3A_1483 = arith.andi %get3A_1473, %and3A_1482 : vector<16xi32>
    %swap3A_1484 = arith.constant 1648 : index
    %swap3A_1485 = tpu.vector_load %arg7[%swap3A_1484] {strides = array<i32>} : memref<2048xi32, #tpu.memory_space<vmem>>, vector<16xi32>,
    tpu.vector_store %arg7[%swap3A_1484], %and3A_1483 {strides = array<i32>} : memref<2048xi32, #tpu.memory_space<vmem>>, vector<16xi32>,
    %get3A_1486 = arith.constant 1664 : index
    %get3A_1487 = tpu.vector_load %arg5[%get3A_1486] {strides = array<i32>} : memref<2048xi32, #tpu.memory_space<vmem>>, vector<16xi32>,
    %shift_right_logical3A_1488 = arith.constant 4 : i32
    %shift_right_logical3A_1489 = vector.broadcast %shift_right_logical3A_1488 : i32 to vector<16xi32>
    %shift_right_logical3A_1490 = arith.shrui %get3A_1487, %shift_right_logical3A_1489 : vector<16xi32>
    %swap3A_1491 = arith.constant 13 : i32
    %swap3A_1492 = arith.index_cast %swap3A_1491 : i32 to index
    %swap3A_1493 = arith.constant 0 : index
    %swap3A_1494 = tpu.vector_load %arg6[%swap3A_1492, %swap3A_1493] {strides = array<i32>} : memref<16x128xi32, #tpu.memory_space<vmem>>, vector<16xi32>,
    tpu.vector_store %arg6[%swap3A_1492, %swap3A_1493], %shift_right_logical3A_1490 {strides = array<i32>} : memref<16x128xi32, #tpu.memory_space<vmem>>, vector<16xi32>,
    %and3A_1495 = arith.constant 15 : i32
    %and3A_1496 = vector.broadcast %and3A_1495 : i32 to vector<16xi32>
    %and3A_1497 = arith.andi %get3A_1487, %and3A_1496 : vector<16xi32>
    %swap3A_1498 = arith.constant 1664 : index
    %swap3A_1499 = tpu.vector_load %arg7[%swap3A_1498] {strides = array<i32>} : memref<2048xi32, #tpu.memory_space<vmem>>, vector<16xi32>,
    tpu.vector_store %arg7[%swap3A_1498], %and3A_1497 {strides = array<i32>} : memref<2048xi32, #tpu.memory_space<vmem>>, vector<16xi32>,
    %get3A_1500 = arith.constant 1680 : index
    %get3A_1501 = tpu.vector_load %arg5[%get3A_1500] {strides = array<i32>} : memref<2048xi32, #tpu.memory_space<vmem>>, vector<16xi32>,
    %shift_right_logical3A_1502 = arith.constant 4 : i32
    %shift_right_logical3A_1503 = vector.broadcast %shift_right_logical3A_1502 : i32 to vector<16xi32>
    %shift_right_logical3A_1504 = arith.shrui %get3A_1501, %shift_right_logical3A_1503 : vector<16xi32>
    %swap3A_1505 = arith.constant 13 : i32
    %swap3A_1506 = arith.index_cast %swap3A_1505 : i32 to index
    %swap3A_1507 = arith.constant 16 : index
    %swap3A_1508 = tpu.vector_load %arg6[%swap3A_1506, %swap3A_1507] {strides = array<i32>} : memref<16x128xi32, #tpu.memory_space<vmem>>, vector<16xi32>,
    tpu.vector_store %arg6[%swap3A_1506, %swap3A_1507], %shift_right_logical3A_1504 {strides = array<i32>} : memref<16x128xi32, #tpu.memory_space<vmem>>, vector<16xi32>,
    %and3A_1509 = arith.constant 15 : i32
    %and3A_1510 = vector.broadcast %and3A_1509 : i32 to vector<16xi32>
    %and3A_1511 = arith.andi %get3A_1501, %and3A_1510 : vector<16xi32>
    %swap3A_1512 = arith.constant 1680 : index
    %swap3A_1513 = tpu.vector_load %arg7[%swap3A_1512] {strides = array<i32>} : memref<2048xi32, #tpu.memory_space<vmem>>, vector<16xi32>,
    tpu.vector_store %arg7[%swap3A_1512], %and3A_1511 {strides = array<i32>} : memref<2048xi32, #tpu.memory_space<vmem>>, vector<16xi32>,
    %get3A_1514 = arith.constant 1696 : index
    %get3A_1515 = tpu.vector_load %arg5[%get3A_1514] {strides = array<i32>} : memref<2048xi32, #tpu.memory_space<vmem>>, vector<16xi32>,
    %shift_right_logical3A_1516 = arith.constant 4 : i32
    %shift_right_logical3A_1517 = vector.broadcast %shift_right_logical3A_1516 : i32 to vector<16xi32>
    %shift_right_logical3A_1518 = arith.shrui %get3A_1515, %shift_right_logical3A_1517 : vector<16xi32>
    %swap3A_1519 = arith.constant 13 : i32
    %swap3A_1520 = arith.index_cast %swap3A_1519 : i32 to index
    %swap3A_1521 = arith.constant 32 : index
    %swap3A_1522 = tpu.vector_load %arg6[%swap3A_1520, %swap3A_1521] {strides = array<i32>} : memref<16x128xi32, #tpu.memory_space<vmem>>, vector<16xi32>,
    tpu.vector_store %arg6[%swap3A_1520, %swap3A_1521], %shift_right_logical3A_1518 {strides = array<i32>} : memref<16x128xi32, #tpu.memory_space<vmem>>, vector<16xi32>,
    %and3A_1523 = arith.constant 15 : i32
    %and3A_1524 = vector.broadcast %and3A_1523 : i32 to vector<16xi32>
    %and3A_1525 = arith.andi %get3A_1515, %and3A_1524 : vector<16xi32>
    %swap3A_1526 = arith.constant 1696 : index
    %swap3A_1527 = tpu.vector_load %arg7[%swap3A_1526] {strides = array<i32>} : memref<2048xi32, #tpu.memory_space<vmem>>, vector<16xi32>,
    tpu.vector_store %arg7[%swap3A_1526], %and3A_1525 {strides = array<i32>} : memref<2048xi32, #tpu.memory_space<vmem>>, vector<16xi32>,
    %get3A_1528 = arith.constant 1712 : index
    %get3A_1529 = tpu.vector_load %arg5[%get3A_1528] {strides = array<i32>} : memref<2048xi32, #tpu.memory_space<vmem>>, vector<16xi32>,
    %shift_right_logical3A_1530 = arith.constant 4 : i32
    %shift_right_logical3A_1531 = vector.broadcast %shift_right_logical3A_1530 : i32 to vector<16xi32>
    %shift_right_logical3A_1532 = arith.shrui %get3A_1529, %shift_right_logical3A_1531 : vector<16xi32>
    %swap3A_1533 = arith.constant 13 : i32
    %swap3A_1534 = arith.index_cast %swap3A_1533 : i32 to index
    %swap3A_1535 = arith.constant 48 : index
    %swap3A_1536 = tpu.vector_load %arg6[%swap3A_1534, %swap3A_1535] {strides = array<i32>} : memref<16x128xi32, #tpu.memory_space<vmem>>, vector<16xi32>,
    tpu.vector_store %arg6[%swap3A_1534, %swap3A_1535], %shift_right_logical3A_1532 {strides = array<i32>} : memref<16x128xi32, #tpu.memory_space<vmem>>, vector<16xi32>,
    %and3A_1537 = arith.constant 15 : i32
    %and3A_1538 = vector.broadcast %and3A_1537 : i32 to vector<16xi32>
    %and3A_1539 = arith.andi %get3A_1529, %and3A_1538 : vector<16xi32>
    %swap3A_1540 = arith.constant 1712 : index
    %swap3A_1541 = tpu.vector_load %arg7[%swap3A_1540] {strides = array<i32>} : memref<2048xi32, #tpu.memory_space<vmem>>, vector<16xi32>,
    tpu.vector_store %arg7[%swap3A_1540], %and3A_1539 {strides = array<i32>} : memref<2048xi32, #tpu.memory_space<vmem>>, vector<16xi32>,
    %get3A_1542 = arith.constant 1728 : index
    %get3A_1543 = tpu.vector_load %arg5[%get3A_1542] {strides = array<i32>} : memref<2048xi32, #tpu.memory_space<vmem>>, vector<16xi32>,
    %shift_right_logical3A_1544 = arith.constant 4 : i32
    %shift_right_logical3A_1545 = vector.broadcast %shift_right_logical3A_1544 : i32 to vector<16xi32>
    %shift_right_logical3A_1546 = arith.shrui %get3A_1543, %shift_right_logical3A_1545 : vector<16xi32>
    %swap3A_1547 = arith.constant 13 : i32
    %swap3A_1548 = arith.index_cast %swap3A_1547 : i32 to index
    %swap3A_1549 = arith.constant 64 : index
    %swap3A_1550 = tpu.vector_load %arg6[%swap3A_1548, %swap3A_1549] {strides = array<i32>} : memref<16x128xi32, #tpu.memory_space<vmem>>, vector<16xi32>,
    tpu.vector_store %arg6[%swap3A_1548, %swap3A_1549], %shift_right_logical3A_1546 {strides = array<i32>} : memref<16x128xi32, #tpu.memory_space<vmem>>, vector<16xi32>,
    %and3A_1551 = arith.constant 15 : i32
    %and3A_1552 = vector.broadcast %and3A_1551 : i32 to vector<16xi32>
    %and3A_1553 = arith.andi %get3A_1543, %and3A_1552 : vector<16xi32>
    %swap3A_1554 = arith.constant 1728 : index
    %swap3A_1555 = tpu.vector_load %arg7[%swap3A_1554] {strides = array<i32>} : memref<2048xi32, #tpu.memory_space<vmem>>, vector<16xi32>,
    tpu.vector_store %arg7[%swap3A_1554], %and3A_1553 {strides = array<i32>} : memref<2048xi32, #tpu.memory_space<vmem>>, vector<16xi32>,
    %get3A_1556 = arith.constant 1744 : index
    %get3A_1557 = tpu.vector_load %arg5[%get3A_1556] {strides = array<i32>} : memref<2048xi32, #tpu.memory_space<vmem>>, vector<16xi32>,
    %shift_right_logical3A_1558 = arith.constant 4 : i32
    %shift_right_logical3A_1559 = vector.broadcast %shift_right_logical3A_1558 : i32 to vector<16xi32>
    %shift_right_logical3A_1560 = arith.shrui %get3A_1557, %shift_right_logical3A_1559 : vector<16xi32>
    %swap3A_1561 = arith.constant 13 : i32
    %swap3A_1562 = arith.index_cast %swap3A_1561 : i32 to index
    %swap3A_1563 = arith.constant 80 : index
    %swap3A_1564 = tpu.vector_load %arg6[%swap3A_1562, %swap3A_1563] {strides = array<i32>} : memref<16x128xi32, #tpu.memory_space<vmem>>, vector<16xi32>,
    tpu.vector_store %arg6[%swap3A_1562, %swap3A_1563], %shift_right_logical3A_1560 {strides = array<i32>} : memref<16x128xi32, #tpu.memory_space<vmem>>, vector<16xi32>,
    %and3A_1565 = arith.constant 15 : i32
    %and3A_1566 = vector.broadcast %and3A_1565 : i32 to vector<16xi32>
    %and3A_1567 = arith.andi %get3A_1557, %and3A_1566 : vector<16xi32>
    %swap3A_1568 = arith.constant 1744 : index
    %swap3A_1569 = tpu.vector_load %arg7[%swap3A_1568] {strides = array<i32>} : memref<2048xi32, #tpu.memory_space<vmem>>, vector<16xi32>,
    tpu.vector_store %arg7[%swap3A_1568], %and3A_1567 {strides = array<i32>} : memref<2048xi32, #tpu.memory_space<vmem>>, vector<16xi32>,
    %get3A_1570 = arith.constant 1760 : index
    %get3A_1571 = tpu.vector_load %arg5[%get3A_1570] {strides = array<i32>} : memref<2048xi32, #tpu.memory_space<vmem>>, vector<16xi32>,
    %shift_right_logical3A_1572 = arith.constant 4 : i32
    %shift_right_logical3A_1573 = vector.broadcast %shift_right_logical3A_1572 : i32 to vector<16xi32>
    %shift_right_logical3A_1574 = arith.shrui %get3A_1571, %shift_right_logical3A_1573 : vector<16xi32>
    %swap3A_1575 = arith.constant 13 : i32
    %swap3A_1576 = arith.index_cast %swap3A_1575 : i32 to index
    %swap3A_1577 = arith.constant 96 : index
    %swap3A_1578 = tpu.vector_load %arg6[%swap3A_1576, %swap3A_1577] {strides = array<i32>} : memref<16x128xi32, #tpu.memory_space<vmem>>, vector<16xi32>,
    tpu.vector_store %arg6[%swap3A_1576, %swap3A_1577], %shift_right_logical3A_1574 {strides = array<i32>} : memref<16x128xi32, #tpu.memory_space<vmem>>, vector<16xi32>,
    %and3A_1579 = arith.constant 15 : i32
    %and3A_1580 = vector.broadcast %and3A_1579 : i32 to vector<16xi32>
    %and3A_1581 = arith.andi %get3A_1571, %and3A_1580 : vector<16xi32>
    %swap3A_1582 = arith.constant 1760 : index
    %swap3A_1583 = tpu.vector_load %arg7[%swap3A_1582] {strides = array<i32>} : memref<2048xi32, #tpu.memory_space<vmem>>, vector<16xi32>,
    tpu.vector_store %arg7[%swap3A_1582], %and3A_1581 {strides = array<i32>} : memref<2048xi32, #tpu.memory_space<vmem>>, vector<16xi32>,
    %get3A_1584 = arith.constant 1776 : index
    %get3A_1585 = tpu.vector_load %arg5[%get3A_1584] {strides = array<i32>} : memref<2048xi32, #tpu.memory_space<vmem>>, vector<16xi32>,
    %shift_right_logical3A_1586 = arith.constant 4 : i32
    %shift_right_logical3A_1587 = vector.broadcast %shift_right_logical3A_1586 : i32 to vector<16xi32>
    %shift_right_logical3A_1588 = arith.shrui %get3A_1585, %shift_right_logical3A_1587 : vector<16xi32>
    %swap3A_1589 = arith.constant 13 : i32
    %swap3A_1590 = arith.index_cast %swap3A_1589 : i32 to index
    %swap3A_1591 = arith.constant 112 : index
    %swap3A_1592 = tpu.vector_load %arg6[%swap3A_1590, %swap3A_1591] {strides = array<i32>} : memref<16x128xi32, #tpu.memory_space<vmem>>, vector<16xi32>,
    tpu.vector_store %arg6[%swap3A_1590, %swap3A_1591], %shift_right_logical3A_1588 {strides = array<i32>} : memref<16x128xi32, #tpu.memory_space<vmem>>, vector<16xi32>,
    %and3A_1593 = arith.constant 15 : i32
    %and3A_1594 = vector.broadcast %and3A_1593 : i32 to vector<16xi32>
    %and3A_1595 = arith.andi %get3A_1585, %and3A_1594 : vector<16xi32>
    %swap3A_1596 = arith.constant 1776 : index
    %swap3A_1597 = tpu.vector_load %arg7[%swap3A_1596] {strides = array<i32>} : memref<2048xi32, #tpu.memory_space<vmem>>, vector<16xi32>,
    tpu.vector_store %arg7[%swap3A_1596], %and3A_1595 {strides = array<i32>} : memref<2048xi32, #tpu.memory_space<vmem>>, vector<16xi32>,
    %get3A_1598 = arith.constant 1792 : index
    %get3A_1599 = tpu.vector_load %arg5[%get3A_1598] {strides = array<i32>} : memref<2048xi32, #tpu.memory_space<vmem>>, vector<16xi32>,
    %shift_right_logical3A_1600 = arith.constant 4 : i32
    %shift_right_logical3A_1601 = vector.broadcast %shift_right_logical3A_1600 : i32 to vector<16xi32>
    %shift_right_logical3A_1602 = arith.shrui %get3A_1599, %shift_right_logical3A_1601 : vector<16xi32>
    %swap3A_1603 = arith.constant 14 : i32
    %swap3A_1604 = arith.index_cast %swap3A_1603 : i32 to index
    %swap3A_1605 = arith.constant 0 : index
    %swap3A_1606 = tpu.vector_load %arg6[%swap3A_1604, %swap3A_1605] {strides = array<i32>} : memref<16x128xi32, #tpu.memory_space<vmem>>, vector<16xi32>,
    tpu.vector_store %arg6[%swap3A_1604, %swap3A_1605], %shift_right_logical3A_1602 {strides = array<i32>} : memref<16x128xi32, #tpu.memory_space<vmem>>, vector<16xi32>,
    %and3A_1607 = arith.constant 15 : i32
    %and3A_1608 = vector.broadcast %and3A_1607 : i32 to vector<16xi32>
    %and3A_1609 = arith.andi %get3A_1599, %and3A_1608 : vector<16xi32>
    %swap3A_1610 = arith.constant 1792 : index
    %swap3A_1611 = tpu.vector_load %arg7[%swap3A_1610] {strides = array<i32>} : memref<2048xi32, #tpu.memory_space<vmem>>, vector<16xi32>,
    tpu.vector_store %arg7[%swap3A_1610], %and3A_1609 {strides = array<i32>} : memref<2048xi32, #tpu.memory_space<vmem>>, vector<16xi32>,
    %get3A_1612 = arith.constant 1808 : index
    %get3A_1613 = tpu.vector_load %arg5[%get3A_1612] {strides = array<i32>} : memref<2048xi32, #tpu.memory_space<vmem>>, vector<16xi32>,
    %shift_right_logical3A_1614 = arith.constant 4 : i32
    %shift_right_logical3A_1615 = vector.broadcast %shift_right_logical3A_1614 : i32 to vector<16xi32>
    %shift_right_logical3A_1616 = arith.shrui %get3A_1613, %shift_right_logical3A_1615 : vector<16xi32>
    %swap3A_1617 = arith.constant 14 : i32
    %swap3A_1618 = arith.index_cast %swap3A_1617 : i32 to index
    %swap3A_1619 = arith.constant 16 : index
    %swap3A_1620 = tpu.vector_load %arg6[%swap3A_1618, %swap3A_1619] {strides = array<i32>} : memref<16x128xi32, #tpu.memory_space<vmem>>, vector<16xi32>,
    tpu.vector_store %arg6[%swap3A_1618, %swap3A_1619], %shift_right_logical3A_1616 {strides = array<i32>} : memref<16x128xi32, #tpu.memory_space<vmem>>, vector<16xi32>,
    %and3A_1621 = arith.constant 15 : i32
    %and3A_1622 = vector.broadcast %and3A_1621 : i32 to vector<16xi32>
    %and3A_1623 = arith.andi %get3A_1613, %and3A_1622 : vector<16xi32>
    %swap3A_1624 = arith.constant 1808 : index
    %swap3A_1625 = tpu.vector_load %arg7[%swap3A_1624] {strides = array<i32>} : memref<2048xi32, #tpu.memory_space<vmem>>, vector<16xi32>,
    tpu.vector_store %arg7[%swap3A_1624], %and3A_1623 {strides = array<i32>} : memref<2048xi32, #tpu.memory_space<vmem>>, vector<16xi32>,
    %get3A_1626 = arith.constant 1824 : index
    %get3A_1627 = tpu.vector_load %arg5[%get3A_1626] {strides = array<i32>} : memref<2048xi32, #tpu.memory_space<vmem>>, vector<16xi32>,
    %shift_right_logical3A_1628 = arith.constant 4 : i32
    %shift_right_logical3A_1629 = vector.broadcast %shift_right_logical3A_1628 : i32 to vector<16xi32>
    %shift_right_logical3A_1630 = arith.shrui %get3A_1627, %shift_right_logical3A_1629 : vector<16xi32>
    %swap3A_1631 = arith.constant 14 : i32
    %swap3A_1632 = arith.index_cast %swap3A_1631 : i32 to index
    %swap3A_1633 = arith.constant 32 : index
    %swap3A_1634 = tpu.vector_load %arg6[%swap3A_1632, %swap3A_1633] {strides = array<i32>} : memref<16x128xi32, #tpu.memory_space<vmem>>, vector<16xi32>,
    tpu.vector_store %arg6[%swap3A_1632, %swap3A_1633], %shift_right_logical3A_1630 {strides = array<i32>} : memref<16x128xi32, #tpu.memory_space<vmem>>, vector<16xi32>,
    %and3A_1635 = arith.constant 15 : i32
    %and3A_1636 = vector.broadcast %and3A_1635 : i32 to vector<16xi32>
    %and3A_1637 = arith.andi %get3A_1627, %and3A_1636 : vector<16xi32>
    %swap3A_1638 = arith.constant 1824 : index
    %swap3A_1639 = tpu.vector_load %arg7[%swap3A_1638] {strides = array<i32>} : memref<2048xi32, #tpu.memory_space<vmem>>, vector<16xi32>,
    tpu.vector_store %arg7[%swap3A_1638], %and3A_1637 {strides = array<i32>} : memref<2048xi32, #tpu.memory_space<vmem>>, vector<16xi32>,
    %get3A_1640 = arith.constant 1840 : index
    %get3A_1641 = tpu.vector_load %arg5[%get3A_1640] {strides = array<i32>} : memref<2048xi32, #tpu.memory_space<vmem>>, vector<16xi32>,
    %shift_right_logical3A_1642 = arith.constant 4 : i32
    %shift_right_logical3A_1643 = vector.broadcast %shift_right_logical3A_1642 : i32 to vector<16xi32>
    %shift_right_logical3A_1644 = arith.shrui %get3A_1641, %shift_right_logical3A_1643 : vector<16xi32>
    %swap3A_1645 = arith.constant 14 : i32
    %swap3A_1646 = arith.index_cast %swap3A_1645 : i32 to index
    %swap3A_1647 = arith.constant 48 : index
    %swap3A_1648 = tpu.vector_load %arg6[%swap3A_1646, %swap3A_1647] {strides = array<i32>} : memref<16x128xi32, #tpu.memory_space<vmem>>, vector<16xi32>,
    tpu.vector_store %arg6[%swap3A_1646, %swap3A_1647], %shift_right_logical3A_1644 {strides = array<i32>} : memref<16x128xi32, #tpu.memory_space<vmem>>, vector<16xi32>,
    %and3A_1649 = arith.constant 15 : i32
    %and3A_1650 = vector.broadcast %and3A_1649 : i32 to vector<16xi32>
    %and3A_1651 = arith.andi %get3A_1641, %and3A_1650 : vector<16xi32>
    %swap3A_1652 = arith.constant 1840 : index
    %swap3A_1653 = tpu.vector_load %arg7[%swap3A_1652] {strides = array<i32>} : memref<2048xi32, #tpu.memory_space<vmem>>, vector<16xi32>,
    tpu.vector_store %arg7[%swap3A_1652], %and3A_1651 {strides = array<i32>} : memref<2048xi32, #tpu.memory_space<vmem>>, vector<16xi32>,
    %get3A_1654 = arith.constant 1856 : index
    %get3A_1655 = tpu.vector_load %arg5[%get3A_1654] {strides = array<i32>} : memref<2048xi32, #tpu.memory_space<vmem>>, vector<16xi32>,
    %shift_right_logical3A_1656 = arith.constant 4 : i32
    %shift_right_logical3A_1657 = vector.broadcast %shift_right_logical3A_1656 : i32 to vector<16xi32>
    %shift_right_logical3A_1658 = arith.shrui %get3A_1655, %shift_right_logical3A_1657 : vector<16xi32>
    %swap3A_1659 = arith.constant 14 : i32
    %swap3A_1660 = arith.index_cast %swap3A_1659 : i32 to index
    %swap3A_1661 = arith.constant 64 : index
    %swap3A_1662 = tpu.vector_load %arg6[%swap3A_1660, %swap3A_1661] {strides = array<i32>} : memref<16x128xi32, #tpu.memory_space<vmem>>, vector<16xi32>,
    tpu.vector_store %arg6[%swap3A_1660, %swap3A_1661], %shift_right_logical3A_1658 {strides = array<i32>} : memref<16x128xi32, #tpu.memory_space<vmem>>, vector<16xi32>,
    %and3A_1663 = arith.constant 15 : i32
    %and3A_1664 = vector.broadcast %and3A_1663 : i32 to vector<16xi32>
    %and3A_1665 = arith.andi %get3A_1655, %and3A_1664 : vector<16xi32>
    %swap3A_1666 = arith.constant 1856 : index
    %swap3A_1667 = tpu.vector_load %arg7[%swap3A_1666] {strides = array<i32>} : memref<2048xi32, #tpu.memory_space<vmem>>, vector<16xi32>,
    tpu.vector_store %arg7[%swap3A_1666], %and3A_1665 {strides = array<i32>} : memref<2048xi32, #tpu.memory_space<vmem>>, vector<16xi32>,
    %get3A_1668 = arith.constant 1872 : index
    %get3A_1669 = tpu.vector_load %arg5[%get3A_1668] {strides = array<i32>} : memref<2048xi32, #tpu.memory_space<vmem>>, vector<16xi32>,
    %shift_right_logical3A_1670 = arith.constant 4 : i32
    %shift_right_logical3A_1671 = vector.broadcast %shift_right_logical3A_1670 : i32 to vector<16xi32>
    %shift_right_logical3A_1672 = arith.shrui %get3A_1669, %shift_right_logical3A_1671 : vector<16xi32>
    %swap3A_1673 = arith.constant 14 : i32
    %swap3A_1674 = arith.index_cast %swap3A_1673 : i32 to index
    %swap3A_1675 = arith.constant 80 : index
    %swap3A_1676 = tpu.vector_load %arg6[%swap3A_1674, %swap3A_1675] {strides = array<i32>} : memref<16x128xi32, #tpu.memory_space<vmem>>, vector<16xi32>,
    tpu.vector_store %arg6[%swap3A_1674, %swap3A_1675], %shift_right_logical3A_1672 {strides = array<i32>} : memref<16x128xi32, #tpu.memory_space<vmem>>, vector<16xi32>,
    %and3A_1677 = arith.constant 15 : i32
    %and3A_1678 = vector.broadcast %and3A_1677 : i32 to vector<16xi32>
    %and3A_1679 = arith.andi %get3A_1669, %and3A_1678 : vector<16xi32>
    %swap3A_1680 = arith.constant 1872 : index
    %swap3A_1681 = tpu.vector_load %arg7[%swap3A_1680] {strides = array<i32>} : memref<2048xi32, #tpu.memory_space<vmem>>, vector<16xi32>,
    tpu.vector_store %arg7[%swap3A_1680], %and3A_1679 {strides = array<i32>} : memref<2048xi32, #tpu.memory_space<vmem>>, vector<16xi32>,
    %get3A_1682 = arith.constant 1888 : index
    %get3A_1683 = tpu.vector_load %arg5[%get3A_1682] {strides = array<i32>} : memref<2048xi32, #tpu.memory_space<vmem>>, vector<16xi32>,
    %shift_right_logical3A_1684 = arith.constant 4 : i32
    %shift_right_logical3A_1685 = vector.broadcast %shift_right_logical3A_1684 : i32 to vector<16xi32>
    %shift_right_logical3A_1686 = arith.shrui %get3A_1683, %shift_right_logical3A_1685 : vector<16xi32>
    %swap3A_1687 = arith.constant 14 : i32
    %swap3A_1688 = arith.index_cast %swap3A_1687 : i32 to index
    %swap3A_1689 = arith.constant 96 : index
    %swap3A_1690 = tpu.vector_load %arg6[%swap3A_1688, %swap3A_1689] {strides = array<i32>} : memref<16x128xi32, #tpu.memory_space<vmem>>, vector<16xi32>,
    tpu.vector_store %arg6[%swap3A_1688, %swap3A_1689], %shift_right_logical3A_1686 {strides = array<i32>} : memref<16x128xi32, #tpu.memory_space<vmem>>, vector<16xi32>,
    %and3A_1691 = arith.constant 15 : i32
    %and3A_1692 = vector.broadcast %and3A_1691 : i32 to vector<16xi32>
    %and3A_1693 = arith.andi %get3A_1683, %and3A_1692 : vector<16xi32>
    %swap3A_1694 = arith.constant 1888 : index
    %swap3A_1695 = tpu.vector_load %arg7[%swap3A_1694] {strides = array<i32>} : memref<2048xi32, #tpu.memory_space<vmem>>, vector<16xi32>,
    tpu.vector_store %arg7[%swap3A_1694], %and3A_1693 {strides = array<i32>} : memref<2048xi32, #tpu.memory_space<vmem>>, vector<16xi32>,
    %get3A_1696 = arith.constant 1904 : index
    %get3A_1697 = tpu.vector_load %arg5[%get3A_1696] {strides = array<i32>} : memref<2048xi32, #tpu.memory_space<vmem>>, vector<16xi32>,
    %shift_right_logical3A_1698 = arith.constant 4 : i32
    %shift_right_logical3A_1699 = vector.broadcast %shift_right_logical3A_1698 : i32 to vector<16xi32>
    %shift_right_logical3A_1700 = arith.shrui %get3A_1697, %shift_right_logical3A_1699 : vector<16xi32>
    %swap3A_1701 = arith.constant 14 : i32
    %swap3A_1702 = arith.index_cast %swap3A_1701 : i32 to index
    %swap3A_1703 = arith.constant 112 : index
    %swap3A_1704 = tpu.vector_load %arg6[%swap3A_1702, %swap3A_1703] {strides = array<i32>} : memref<16x128xi32, #tpu.memory_space<vmem>>, vector<16xi32>,
    tpu.vector_store %arg6[%swap3A_1702, %swap3A_1703], %shift_right_logical3A_1700 {strides = array<i32>} : memref<16x128xi32, #tpu.memory_space<vmem>>, vector<16xi32>,
    %and3A_1705 = arith.constant 15 : i32
    %and3A_1706 = vector.broadcast %and3A_1705 : i32 to vector<16xi32>
    %and3A_1707 = arith.andi %get3A_1697, %and3A_1706 : vector<16xi32>
    %swap3A_1708 = arith.constant 1904 : index
    %swap3A_1709 = tpu.vector_load %arg7[%swap3A_1708] {strides = array<i32>} : memref<2048xi32, #tpu.memory_space<vmem>>, vector<16xi32>,
    tpu.vector_store %arg7[%swap3A_1708], %and3A_1707 {strides = array<i32>} : memref<2048xi32, #tpu.memory_space<vmem>>, vector<16xi32>,
    %get3A_1710 = arith.constant 1920 : index
    %get3A_1711 = tpu.vector_load %arg5[%get3A_1710] {strides = array<i32>} : memref<2048xi32, #tpu.memory_space<vmem>>, vector<16xi32>,
    %shift_right_logical3A_1712 = arith.constant 4 : i32
    %shift_right_logical3A_1713 = vector.broadcast %shift_right_logical3A_1712 : i32 to vector<16xi32>
    %shift_right_logical3A_1714 = arith.shrui %get3A_1711, %shift_right_logical3A_1713 : vector<16xi32>
    %swap3A_1715 = arith.constant 15 : i32
    %swap3A_1716 = arith.index_cast %swap3A_1715 : i32 to index
    %swap3A_1717 = arith.constant 0 : index
    %swap3A_1718 = tpu.vector_load %arg6[%swap3A_1716, %swap3A_1717] {strides = array<i32>} : memref<16x128xi32, #tpu.memory_space<vmem>>, vector<16xi32>,
    tpu.vector_store %arg6[%swap3A_1716, %swap3A_1717], %shift_right_logical3A_1714 {strides = array<i32>} : memref<16x128xi32, #tpu.memory_space<vmem>>, vector<16xi32>,
    %and3A_1719 = arith.constant 15 : i32
    %and3A_1720 = vector.broadcast %and3A_1719 : i32 to vector<16xi32>
    %and3A_1721 = arith.andi %get3A_1711, %and3A_1720 : vector<16xi32>
    %swap3A_1722 = arith.constant 1920 : index
    %swap3A_1723 = tpu.vector_load %arg7[%swap3A_1722] {strides = array<i32>} : memref<2048xi32, #tpu.memory_space<vmem>>, vector<16xi32>,
    tpu.vector_store %arg7[%swap3A_1722], %and3A_1721 {strides = array<i32>} : memref<2048xi32, #tpu.memory_space<vmem>>, vector<16xi32>,
    %get3A_1724 = arith.constant 1936 : index
    %get3A_1725 = tpu.vector_load %arg5[%get3A_1724] {strides = array<i32>} : memref<2048xi32, #tpu.memory_space<vmem>>, vector<16xi32>,
    %shift_right_logical3A_1726 = arith.constant 4 : i32
    %shift_right_logical3A_1727 = vector.broadcast %shift_right_logical3A_1726 : i32 to vector<16xi32>
    %shift_right_logical3A_1728 = arith.shrui %get3A_1725, %shift_right_logical3A_1727 : vector<16xi32>
    %swap3A_1729 = arith.constant 15 : i32
    %swap3A_1730 = arith.index_cast %swap3A_1729 : i32 to index
    %swap3A_1731 = arith.constant 16 : index
    %swap3A_1732 = tpu.vector_load %arg6[%swap3A_1730, %swap3A_1731] {strides = array<i32>} : memref<16x128xi32, #tpu.memory_space<vmem>>, vector<16xi32>,
    tpu.vector_store %arg6[%swap3A_1730, %swap3A_1731], %shift_right_logical3A_1728 {strides = array<i32>} : memref<16x128xi32, #tpu.memory_space<vmem>>, vector<16xi32>,
    %and3A_1733 = arith.constant 15 : i32
    %and3A_1734 = vector.broadcast %and3A_1733 : i32 to vector<16xi32>
    %and3A_1735 = arith.andi %get3A_1725, %and3A_1734 : vector<16xi32>
    %swap3A_1736 = arith.constant 1936 : index
    %swap3A_1737 = tpu.vector_load %arg7[%swap3A_1736] {strides = array<i32>} : memref<2048xi32, #tpu.memory_space<vmem>>, vector<16xi32>,
    tpu.vector_store %arg7[%swap3A_1736], %and3A_1735 {strides = array<i32>} : memref<2048xi32, #tpu.memory_space<vmem>>, vector<16xi32>,
    %get3A_1738 = arith.constant 1952 : index
    %get3A_1739 = tpu.vector_load %arg5[%get3A_1738] {strides = array<i32>} : memref<2048xi32, #tpu.memory_space<vmem>>, vector<16xi32>,
    %shift_right_logical3A_1740 = arith.constant 4 : i32
    %shift_right_logical3A_1741 = vector.broadcast %shift_right_logical3A_1740 : i32 to vector<16xi32>
    %shift_right_logical3A_1742 = arith.shrui %get3A_1739, %shift_right_logical3A_1741 : vector<16xi32>
    %swap3A_1743 = arith.constant 15 : i32
    %swap3A_1744 = arith.index_cast %swap3A_1743 : i32 to index
    %swap3A_1745 = arith.constant 32 : index
    %swap3A_1746 = tpu.vector_load %arg6[%swap3A_1744, %swap3A_1745] {strides = array<i32>} : memref<16x128xi32, #tpu.memory_space<vmem>>, vector<16xi32>,
    tpu.vector_store %arg6[%swap3A_1744, %swap3A_1745], %shift_right_logical3A_1742 {strides = array<i32>} : memref<16x128xi32, #tpu.memory_space<vmem>>, vector<16xi32>,
    %and3A_1747 = arith.constant 15 : i32
    %and3A_1748 = vector.broadcast %and3A_1747 : i32 to vector<16xi32>
    %and3A_1749 = arith.andi %get3A_1739, %and3A_1748 : vector<16xi32>
    %swap3A_1750 = arith.constant 1952 : index
    %swap3A_1751 = tpu.vector_load %arg7[%swap3A_1750] {strides = array<i32>} : memref<2048xi32, #tpu.memory_space<vmem>>, vector<16xi32>,
    tpu.vector_store %arg7[%swap3A_1750], %and3A_1749 {strides = array<i32>} : memref<2048xi32, #tpu.memory_space<vmem>>, vector<16xi32>,
    %get3A_1752 = arith.constant 1968 : index
    %get3A_1753 = tpu.vector_load %arg5[%get3A_1752] {strides = array<i32>} : memref<2048xi32, #tpu.memory_space<vmem>>, vector<16xi32>,
    %shift_right_logical3A_1754 = arith.constant 4 : i32
    %shift_right_logical3A_1755 = vector.broadcast %shift_right_logical3A_1754 : i32 to vector<16xi32>
    %shift_right_logical3A_1756 = arith.shrui %get3A_1753, %shift_right_logical3A_1755 : vector<16xi32>
    %swap3A_1757 = arith.constant 15 : i32
    %swap3A_1758 = arith.index_cast %swap3A_1757 : i32 to index
    %swap3A_1759 = arith.constant 48 : index
    %swap3A_1760 = tpu.vector_load %arg6[%swap3A_1758, %swap3A_1759] {strides = array<i32>} : memref<16x128xi32, #tpu.memory_space<vmem>>, vector<16xi32>,
    tpu.vector_store %arg6[%swap3A_1758, %swap3A_1759], %shift_right_logical3A_1756 {strides = array<i32>} : memref<16x128xi32, #tpu.memory_space<vmem>>, vector<16xi32>,
    %and3A_1761 = arith.constant 15 : i32
    %and3A_1762 = vector.broadcast %and3A_1761 : i32 to vector<16xi32>
    %and3A_1763 = arith.andi %get3A_1753, %and3A_1762 : vector<16xi32>
    %swap3A_1764 = arith.constant 1968 : index
    %swap3A_1765 = tpu.vector_load %arg7[%swap3A_1764] {strides = array<i32>} : memref<2048xi32, #tpu.memory_space<vmem>>, vector<16xi32>,
    tpu.vector_store %arg7[%swap3A_1764], %and3A_1763 {strides = array<i32>} : memref<2048xi32, #tpu.memory_space<vmem>>, vector<16xi32>,
    %get3A_1766 = arith.constant 1984 : index
    %get3A_1767 = tpu.vector_load %arg5[%get3A_1766] {strides = array<i32>} : memref<2048xi32, #tpu.memory_space<vmem>>, vector<16xi32>,
    %shift_right_logical3A_1768 = arith.constant 4 : i32
    %shift_right_logical3A_1769 = vector.broadcast %shift_right_logical3A_1768 : i32 to vector<16xi32>
    %shift_right_logical3A_1770 = arith.shrui %get3A_1767, %shift_right_logical3A_1769 : vector<16xi32>
    %swap3A_1771 = arith.constant 15 : i32
    %swap3A_1772 = arith.index_cast %swap3A_1771 : i32 to index
    %swap3A_1773 = arith.constant 64 : index
    %swap3A_1774 = tpu.vector_load %arg6[%swap3A_1772, %swap3A_1773] {strides = array<i32>} : memref<16x128xi32, #tpu.memory_space<vmem>>, vector<16xi32>,
    tpu.vector_store %arg6[%swap3A_1772, %swap3A_1773], %shift_right_logical3A_1770 {strides = array<i32>} : memref<16x128xi32, #tpu.memory_space<vmem>>, vector<16xi32>,
    %and3A_1775 = arith.constant 15 : i32
    %and3A_1776 = vector.broadcast %and3A_1775 : i32 to vector<16xi32>
    %and3A_1777 = arith.andi %get3A_1767, %and3A_1776 : vector<16xi32>
    %swap3A_1778 = arith.constant 1984 : index
    %swap3A_1779 = tpu.vector_load %arg7[%swap3A_1778] {strides = array<i32>} : memref<2048xi32, #tpu.memory_space<vmem>>, vector<16xi32>,
    tpu.vector_store %arg7[%swap3A_1778], %and3A_1777 {strides = array<i32>} : memref<2048xi32, #tpu.memory_space<vmem>>, vector<16xi32>,
    %get3A_1780 = arith.constant 2000 : index
    %get3A_1781 = tpu.vector_load %arg5[%get3A_1780] {strides = array<i32>} : memref<2048xi32, #tpu.memory_space<vmem>>, vector<16xi32>,
    %shift_right_logical3A_1782 = arith.constant 4 : i32
    %shift_right_logical3A_1783 = vector.broadcast %shift_right_logical3A_1782 : i32 to vector<16xi32>
    %shift_right_logical3A_1784 = arith.shrui %get3A_1781, %shift_right_logical3A_1783 : vector<16xi32>
    %swap3A_1785 = arith.constant 15 : i32
    %swap3A_1786 = arith.index_cast %swap3A_1785 : i32 to index
    %swap3A_1787 = arith.constant 80 : index
    %swap3A_1788 = tpu.vector_load %arg6[%swap3A_1786, %swap3A_1787] {strides = array<i32>} : memref<16x128xi32, #tpu.memory_space<vmem>>, vector<16xi32>,
    tpu.vector_store %arg6[%swap3A_1786, %swap3A_1787], %shift_right_logical3A_1784 {strides = array<i32>} : memref<16x128xi32, #tpu.memory_space<vmem>>, vector<16xi32>,
    %and3A_1789 = arith.constant 15 : i32
    %and3A_1790 = vector.broadcast %and3A_1789 : i32 to vector<16xi32>
    %and3A_1791 = arith.andi %get3A_1781, %and3A_1790 : vector<16xi32>
    %swap3A_1792 = arith.constant 2000 : index
    %swap3A_1793 = tpu.vector_load %arg7[%swap3A_1792] {strides = array<i32>} : memref<2048xi32, #tpu.memory_space<vmem>>, vector<16xi32>,
    tpu.vector_store %arg7[%swap3A_1792], %and3A_1791 {strides = array<i32>} : memref<2048xi32, #tpu.memory_space<vmem>>, vector<16xi32>,
    %get3A_1794 = arith.constant 2016 : index
    %get3A_1795 = tpu.vector_load %arg5[%get3A_1794] {strides = array<i32>} : memref<2048xi32, #tpu.memory_space<vmem>>, vector<16xi32>,
    %shift_right_logical3A_1796 = arith.constant 4 : i32
    %shift_right_logical3A_1797 = vector.broadcast %shift_right_logical3A_1796 : i32 to vector<16xi32>
    %shift_right_logical3A_1798 = arith.shrui %get3A_1795, %shift_right_logical3A_1797 : vector<16xi32>
    %swap3A_1799 = arith.constant 15 : i32
    %swap3A_1800 = arith.index_cast %swap3A_1799 : i32 to index
    %swap3A_1801 = arith.constant 96 : index
    %swap3A_1802 = tpu.vector_load %arg6[%swap3A_1800, %swap3A_1801] {strides = array<i32>} : memref<16x128xi32, #tpu.memory_space<vmem>>, vector<16xi32>,
    tpu.vector_store %arg6[%swap3A_1800, %swap3A_1801], %shift_right_logical3A_1798 {strides = array<i32>} : memref<16x128xi32, #tpu.memory_space<vmem>>, vector<16xi32>,
    %and3A_1803 = arith.constant 15 : i32
    %and3A_1804 = vector.broadcast %and3A_1803 : i32 to vector<16xi32>
    %and3A_1805 = arith.andi %get3A_1795, %and3A_1804 : vector<16xi32>
    %swap3A_1806 = arith.constant 2016 : index
    %swap3A_1807 = tpu.vector_load %arg7[%swap3A_1806] {strides = array<i32>} : memref<2048xi32, #tpu.memory_space<vmem>>, vector<16xi32>,
    tpu.vector_store %arg7[%swap3A_1806], %and3A_1805 {strides = array<i32>} : memref<2048xi32, #tpu.memory_space<vmem>>, vector<16xi32>,
    %get3A_1808 = arith.constant 2032 : index
    %get3A_1809 = tpu.vector_load %arg5[%get3A_1808] {strides = array<i32>} : memref<2048xi32, #tpu.memory_space<vmem>>, vector<16xi32>,
    %shift_right_logical3A_1810 = arith.constant 4 : i32
    %shift_right_logical3A_1811 = vector.broadcast %shift_right_logical3A_1810 : i32 to vector<16xi32>
    %shift_right_logical3A_1812 = arith.shrui %get3A_1809, %shift_right_logical3A_1811 : vector<16xi32>
    %swap3A_1813 = arith.constant 15 : i32
    %swap3A_1814 = arith.index_cast %swap3A_1813 : i32 to index
    %swap3A_1815 = arith.constant 112 : index
    %swap3A_1816 = tpu.vector_load %arg6[%swap3A_1814, %swap3A_1815] {strides = array<i32>} : memref<16x128xi32, #tpu.memory_space<vmem>>, vector<16xi32>,
    tpu.vector_store %arg6[%swap3A_1814, %swap3A_1815], %shift_right_logical3A_1812 {strides = array<i32>} : memref<16x128xi32, #tpu.memory_space<vmem>>, vector<16xi32>,
    %and3A_1817 = arith.constant 15 : i32
    %and3A_1818 = vector.broadcast %and3A_1817 : i32 to vector<16xi32>
    %and3A_1819 = arith.andi %get3A_1809, %and3A_1818 : vector<16xi32>
    %swap3A_1820 = arith.constant 2032 : index
    %swap3A_1821 = tpu.vector_load %arg7[%swap3A_1820] {strides = array<i32>} : memref<2048xi32, #tpu.memory_space<vmem>>, vector<16xi32>,
    tpu.vector_store %arg7[%swap3A_1820], %and3A_1819 {strides = array<i32>} : memref<2048xi32, #tpu.memory_space<vmem>>, vector<16xi32>,
    %scan3A = arith.constant 0 : i32
    %scan3A_1822 = arith.constant 0 : i32
    %scan3A_1823 = arith.constant 32 : i32
    %scan3A_1824 = arith.addi %scan3A_1822, %scan3A_1823 : i32
    %scan3A_1825 = arith.constant 1 : i32
    %scan3A_1826 = scf.for %scan3A_1828 = %scan3A_1822 to %scan3A_1824 step %scan3A_1825 iter_args(%scan3A_1829 = %scan3A) -> (i32)  : i32 {
      %add3A_1830 = arith.addi %mul3A_32, %scan3A_1828 : i32
      %dma_start3A = arith.constant 0 : i32
      %dma_start3A_1831 = arith.constant 0 : i32
      %dma_start3A_1832 = arith.constant 0 : i32
      %dma_start3A_1833 = tpu.memref_slice %arg8[%dma_start3A_1831, %dma_start3A_1832] : memref<2048x16xf32, #tpu.memory_space<vmem>> -> memref<128x16xf32, #tpu.memory_space<vmem>>
      %dma_start3A_1834 = arith.constant 0 : i32
      %dma_start3A_1835 = tpu.memref_slice %arg6[%dma_start3A, %dma_start3A_1834] : memref<16x128xi32, #tpu.memory_space<vmem>> -> memref<1x128xi32, #tpu.memory_space<vmem>>
      %dma_start3A_1836 = tpu.memref_squeeze %dma_start3A_1835 : memref<1x128xi32, #tpu.memory_space<vmem>> -> memref<128xi32, #tpu.memory_space<vmem>>
      %dma_start3A_1837 = arith.constant 0 : i32
      %dma_start3A_1838 = arith.constant 0 : i32
      %dma_start3A_1839 = tpu.memref_slice %arg2[%select_n3A, %add3A_1830, %dma_start3A_1837, %dma_start3A_1838] : memref<8x128x2048x16xf32, #tpu.memory_space<hbm>> -> memref<1x1x2048x16xf32, #tpu.memory_space<hbm>>
      %dma_start3A_1840 = tpu.memref_squeeze %dma_start3A_1839 : memref<1x1x2048x16xf32, #tpu.memory_space<hbm>> -> memref<2048x16xf32, #tpu.memory_space<hbm>>
      %dma_start3A_1841 = arith.constant 0 : i32
      %dma_start3A_1842 = arith.constant 0 : i32
      %dma_start3A_1843 = tpu.memref_slice %dma_start3A_1840[%dma_start3A_1841, %dma_start3A_1842] : memref<2048x16xf32, #tpu.memory_space<hbm>> -> memref<2048x16xf32, #tpu.memory_space<hbm>>
      tpu.enqueue_indirect_dma source(%dma_start3A_1843 : memref<2048x16xf32, #tpu.memory_space<hbm>>) target(%dma_start3A_1833 : memref<128x16xf32, #tpu.memory_space<vmem>>) offsets(%dma_start3A_1836 : memref<128xi32, #tpu.memory_space<vmem>>) semaphore(%arg10 : memref<!tpu.dma_semaphore, #tpu.memory_space<semaphore_mem>>)
      %dma_start3A_1844 = arith.constant 1 : i32
      %dma_start3A_1845 = arith.constant 128 : i32
      %dma_start3A_1846 = arith.constant 0 : i32
      %dma_start3A_1847 = tpu.memref_slice %arg8[%dma_start3A_1845, %dma_start3A_1846] : memref<2048x16xf32, #tpu.memory_space<vmem>> -> memref<128x16xf32, #tpu.memory_space<vmem>>
      %dma_start3A_1848 = arith.constant 0 : i32
      %dma_start3A_1849 = tpu.memref_slice %arg6[%dma_start3A_1844, %dma_start3A_1848] : memref<16x128xi32, #tpu.memory_space<vmem>> -> memref<1x128xi32, #tpu.memory_space<vmem>>
      %dma_start3A_1850 = tpu.memref_squeeze %dma_start3A_1849 : memref<1x128xi32, #tpu.memory_space<vmem>> -> memref<128xi32, #tpu.memory_space<vmem>>
      %dma_start3A_1851 = arith.constant 0 : i32
      %dma_start3A_1852 = arith.constant 0 : i32
      %dma_start3A_1853 = tpu.memref_slice %arg2[%select_n3A, %add3A_1830, %dma_start3A_1851, %dma_start3A_1852] : memref<8x128x2048x16xf32, #tpu.memory_space<hbm>> -> memref<1x1x2048x16xf32, #tpu.memory_space<hbm>>
      %dma_start3A_1854 = tpu.memref_squeeze %dma_start3A_1853 : memref<1x1x2048x16xf32, #tpu.memory_space<hbm>> -> memref<2048x16xf32, #tpu.memory_space<hbm>>
      %dma_start3A_1855 = arith.constant 0 : i32
      %dma_start3A_1856 = arith.constant 0 : i32
      %dma_start3A_1857 = tpu.memref_slice %dma_start3A_1854[%dma_start3A_1855, %dma_start3A_1856] : memref<2048x16xf32, #tpu.memory_space<hbm>> -> memref<2048x16xf32, #tpu.memory_space<hbm>>
      tpu.enqueue_indirect_dma source(%dma_start3A_1857 : memref<2048x16xf32, #tpu.memory_space<hbm>>) target(%dma_start3A_1847 : memref<128x16xf32, #tpu.memory_space<vmem>>) offsets(%dma_start3A_1850 : memref<128xi32, #tpu.memory_space<vmem>>) semaphore(%arg10 : memref<!tpu.dma_semaphore, #tpu.memory_space<semaphore_mem>>)
      %dma_start3A_1858 = arith.constant 2 : i32
      %dma_start3A_1859 = arith.constant 256 : i32
      %dma_start3A_1860 = arith.constant 0 : i32
      %dma_start3A_1861 = tpu.memref_slice %arg8[%dma_start3A_1859, %dma_start3A_1860] : memref<2048x16xf32, #tpu.memory_space<vmem>> -> memref<128x16xf32, #tpu.memory_space<vmem>>
      %dma_start3A_1862 = arith.constant 0 : i32
      %dma_start3A_1863 = tpu.memref_slice %arg6[%dma_start3A_1858, %dma_start3A_1862] : memref<16x128xi32, #tpu.memory_space<vmem>> -> memref<1x128xi32, #tpu.memory_space<vmem>>
      %dma_start3A_1864 = tpu.memref_squeeze %dma_start3A_1863 : memref<1x128xi32, #tpu.memory_space<vmem>> -> memref<128xi32, #tpu.memory_space<vmem>>
      %dma_start3A_1865 = arith.constant 0 : i32
      %dma_start3A_1866 = arith.constant 0 : i32
      %dma_start3A_1867 = tpu.memref_slice %arg2[%select_n3A, %add3A_1830, %dma_start3A_1865, %dma_start3A_1866] : memref<8x128x2048x16xf32, #tpu.memory_space<hbm>> -> memref<1x1x2048x16xf32, #tpu.memory_space<hbm>>
      %dma_start3A_1868 = tpu.memref_squeeze %dma_start3A_1867 : memref<1x1x2048x16xf32, #tpu.memory_space<hbm>> -> memref<2048x16xf32, #tpu.memory_space<hbm>>
      %dma_start3A_1869 = arith.constant 0 : i32
      %dma_start3A_1870 = arith.constant 0 : i32
      %dma_start3A_1871 = tpu.memref_slice %dma_start3A_1868[%dma_start3A_1869, %dma_start3A_1870] : memref<2048x16xf32, #tpu.memory_space<hbm>> -> memref<2048x16xf32, #tpu.memory_space<hbm>>
      tpu.enqueue_indirect_dma source(%dma_start3A_1871 : memref<2048x16xf32, #tpu.memory_space<hbm>>) target(%dma_start3A_1861 : memref<128x16xf32, #tpu.memory_space<vmem>>) offsets(%dma_start3A_1864 : memref<128xi32, #tpu.memory_space<vmem>>) semaphore(%arg10 : memref<!tpu.dma_semaphore, #tpu.memory_space<semaphore_mem>>)
      %dma_start3A_1872 = arith.constant 3 : i32
      %dma_start3A_1873 = arith.constant 384 : i32
      %dma_start3A_1874 = arith.constant 0 : i32
      %dma_start3A_1875 = tpu.memref_slice %arg8[%dma_start3A_1873, %dma_start3A_1874] : memref<2048x16xf32, #tpu.memory_space<vmem>> -> memref<128x16xf32, #tpu.memory_space<vmem>>
      %dma_start3A_1876 = arith.constant 0 : i32
      %dma_start3A_1877 = tpu.memref_slice %arg6[%dma_start3A_1872, %dma_start3A_1876] : memref<16x128xi32, #tpu.memory_space<vmem>> -> memref<1x128xi32, #tpu.memory_space<vmem>>
      %dma_start3A_1878 = tpu.memref_squeeze %dma_start3A_1877 : memref<1x128xi32, #tpu.memory_space<vmem>> -> memref<128xi32, #tpu.memory_space<vmem>>
      %dma_start3A_1879 = arith.constant 0 : i32
      %dma_start3A_1880 = arith.constant 0 : i32
      %dma_start3A_1881 = tpu.memref_slice %arg2[%select_n3A, %add3A_1830, %dma_start3A_1879, %dma_start3A_1880] : memref<8x128x2048x16xf32, #tpu.memory_space<hbm>> -> memref<1x1x2048x16xf32, #tpu.memory_space<hbm>>
      %dma_start3A_1882 = tpu.memref_squeeze %dma_start3A_1881 : memref<1x1x2048x16xf32, #tpu.memory_space<hbm>> -> memref<2048x16xf32, #tpu.memory_space<hbm>>
      %dma_start3A_1883 = arith.constant 0 : i32
      %dma_start3A_1884 = arith.constant 0 : i32
      %dma_start3A_1885 = tpu.memref_slice %dma_start3A_1882[%dma_start3A_1883, %dma_start3A_1884] : memref<2048x16xf32, #tpu.memory_space<hbm>> -> memref<2048x16xf32, #tpu.memory_space<hbm>>
      tpu.enqueue_indirect_dma source(%dma_start3A_1885 : memref<2048x16xf32, #tpu.memory_space<hbm>>) target(%dma_start3A_1875 : memref<128x16xf32, #tpu.memory_space<vmem>>) offsets(%dma_start3A_1878 : memref<128xi32, #tpu.memory_space<vmem>>) semaphore(%arg10 : memref<!tpu.dma_semaphore, #tpu.memory_space<semaphore_mem>>)
      %dma_start3A_1886 = arith.constant 4 : i32
      %dma_start3A_1887 = arith.constant 512 : i32
      %dma_start3A_1888 = arith.constant 0 : i32
      %dma_start3A_1889 = tpu.memref_slice %arg8[%dma_start3A_1887, %dma_start3A_1888] : memref<2048x16xf32, #tpu.memory_space<vmem>> -> memref<128x16xf32, #tpu.memory_space<vmem>>
      %dma_start3A_1890 = arith.constant 0 : i32
      %dma_start3A_1891 = tpu.memref_slice %arg6[%dma_start3A_1886, %dma_start3A_1890] : memref<16x128xi32, #tpu.memory_space<vmem>> -> memref<1x128xi32, #tpu.memory_space<vmem>>
      %dma_start3A_1892 = tpu.memref_squeeze %dma_start3A_1891 : memref<1x128xi32, #tpu.memory_space<vmem>> -> memref<128xi32, #tpu.memory_space<vmem>>
      %dma_start3A_1893 = arith.constant 0 : i32
      %dma_start3A_1894 = arith.constant 0 : i32
      %dma_start3A_1895 = tpu.memref_slice %arg2[%select_n3A, %add3A_1830, %dma_start3A_1893, %dma_start3A_1894] : memref<8x128x2048x16xf32, #tpu.memory_space<hbm>> -> memref<1x1x2048x16xf32, #tpu.memory_space<hbm>>
      %dma_start3A_1896 = tpu.memref_squeeze %dma_start3A_1895 : memref<1x1x2048x16xf32, #tpu.memory_space<hbm>> -> memref<2048x16xf32, #tpu.memory_space<hbm>>
      %dma_start3A_1897 = arith.constant 0 : i32
      %dma_start3A_1898 = arith.constant 0 : i32
      %dma_start3A_1899 = tpu.memref_slice %dma_start3A_1896[%dma_start3A_1897, %dma_start3A_1898] : memref<2048x16xf32, #tpu.memory_space<hbm>> -> memref<2048x16xf32, #tpu.memory_space<hbm>>
      tpu.enqueue_indirect_dma source(%dma_start3A_1899 : memref<2048x16xf32, #tpu.memory_space<hbm>>) target(%dma_start3A_1889 : memref<128x16xf32, #tpu.memory_space<vmem>>) offsets(%dma_start3A_1892 : memref<128xi32, #tpu.memory_space<vmem>>) semaphore(%arg10 : memref<!tpu.dma_semaphore, #tpu.memory_space<semaphore_mem>>)
      %dma_start3A_1900 = arith.constant 5 : i32
      %dma_start3A_1901 = arith.constant 640 : i32
      %dma_start3A_1902 = arith.constant 0 : i32
      %dma_start3A_1903 = tpu.memref_slice %arg8[%dma_start3A_1901, %dma_start3A_1902] : memref<2048x16xf32, #tpu.memory_space<vmem>> -> memref<128x16xf32, #tpu.memory_space<vmem>>
      %dma_start3A_1904 = arith.constant 0 : i32
      %dma_start3A_1905 = tpu.memref_slice %arg6[%dma_start3A_1900, %dma_start3A_1904] : memref<16x128xi32, #tpu.memory_space<vmem>> -> memref<1x128xi32, #tpu.memory_space<vmem>>
      %dma_start3A_1906 = tpu.memref_squeeze %dma_start3A_1905 : memref<1x128xi32, #tpu.memory_space<vmem>> -> memref<128xi32, #tpu.memory_space<vmem>>
      %dma_start3A_1907 = arith.constant 0 : i32
      %dma_start3A_1908 = arith.constant 0 : i32
      %dma_start3A_1909 = tpu.memref_slice %arg2[%select_n3A, %add3A_1830, %dma_start3A_1907, %dma_start3A_1908] : memref<8x128x2048x16xf32, #tpu.memory_space<hbm>> -> memref<1x1x2048x16xf32, #tpu.memory_space<hbm>>
      %dma_start3A_1910 = tpu.memref_squeeze %dma_start3A_1909 : memref<1x1x2048x16xf32, #tpu.memory_space<hbm>> -> memref<2048x16xf32, #tpu.memory_space<hbm>>
      %dma_start3A_1911 = arith.constant 0 : i32
      %dma_start3A_1912 = arith.constant 0 : i32
      %dma_start3A_1913 = tpu.memref_slice %dma_start3A_1910[%dma_start3A_1911, %dma_start3A_1912] : memref<2048x16xf32, #tpu.memory_space<hbm>> -> memref<2048x16xf32, #tpu.memory_space<hbm>>
      tpu.enqueue_indirect_dma source(%dma_start3A_1913 : memref<2048x16xf32, #tpu.memory_space<hbm>>) target(%dma_start3A_1903 : memref<128x16xf32, #tpu.memory_space<vmem>>) offsets(%dma_start3A_1906 : memref<128xi32, #tpu.memory_space<vmem>>) semaphore(%arg10 : memref<!tpu.dma_semaphore, #tpu.memory_space<semaphore_mem>>)
      %dma_start3A_1914 = arith.constant 6 : i32
      %dma_start3A_1915 = arith.constant 768 : i32
      %dma_start3A_1916 = arith.constant 0 : i32
      %dma_start3A_1917 = tpu.memref_slice %arg8[%dma_start3A_1915, %dma_start3A_1916] : memref<2048x16xf32, #tpu.memory_space<vmem>> -> memref<128x16xf32, #tpu.memory_space<vmem>>
      %dma_start3A_1918 = arith.constant 0 : i32
      %dma_start3A_1919 = tpu.memref_slice %arg6[%dma_start3A_1914, %dma_start3A_1918] : memref<16x128xi32, #tpu.memory_space<vmem>> -> memref<1x128xi32, #tpu.memory_space<vmem>>
      %dma_start3A_1920 = tpu.memref_squeeze %dma_start3A_1919 : memref<1x128xi32, #tpu.memory_space<vmem>> -> memref<128xi32, #tpu.memory_space<vmem>>
      %dma_start3A_1921 = arith.constant 0 : i32
      %dma_start3A_1922 = arith.constant 0 : i32
      %dma_start3A_1923 = tpu.memref_slice %arg2[%select_n3A, %add3A_1830, %dma_start3A_1921, %dma_start3A_1922] : memref<8x128x2048x16xf32, #tpu.memory_space<hbm>> -> memref<1x1x2048x16xf32, #tpu.memory_space<hbm>>
      %dma_start3A_1924 = tpu.memref_squeeze %dma_start3A_1923 : memref<1x1x2048x16xf32, #tpu.memory_space<hbm>> -> memref<2048x16xf32, #tpu.memory_space<hbm>>
      %dma_start3A_1925 = arith.constant 0 : i32
      %dma_start3A_1926 = arith.constant 0 : i32
      %dma_start3A_1927 = tpu.memref_slice %dma_start3A_1924[%dma_start3A_1925, %dma_start3A_1926] : memref<2048x16xf32, #tpu.memory_space<hbm>> -> memref<2048x16xf32, #tpu.memory_space<hbm>>
      tpu.enqueue_indirect_dma source(%dma_start3A_1927 : memref<2048x16xf32, #tpu.memory_space<hbm>>) target(%dma_start3A_1917 : memref<128x16xf32, #tpu.memory_space<vmem>>) offsets(%dma_start3A_1920 : memref<128xi32, #tpu.memory_space<vmem>>) semaphore(%arg10 : memref<!tpu.dma_semaphore, #tpu.memory_space<semaphore_mem>>)
      %dma_start3A_1928 = arith.constant 7 : i32
      %dma_start3A_1929 = arith.constant 896 : i32
      %dma_start3A_1930 = arith.constant 0 : i32
      %dma_start3A_1931 = tpu.memref_slice %arg8[%dma_start3A_1929, %dma_start3A_1930] : memref<2048x16xf32, #tpu.memory_space<vmem>> -> memref<128x16xf32, #tpu.memory_space<vmem>>
      %dma_start3A_1932 = arith.constant 0 : i32
      %dma_start3A_1933 = tpu.memref_slice %arg6[%dma_start3A_1928, %dma_start3A_1932] : memref<16x128xi32, #tpu.memory_space<vmem>> -> memref<1x128xi32, #tpu.memory_space<vmem>>
      %dma_start3A_1934 = tpu.memref_squeeze %dma_start3A_1933 : memref<1x128xi32, #tpu.memory_space<vmem>> -> memref<128xi32, #tpu.memory_space<vmem>>
      %dma_start3A_1935 = arith.constant 0 : i32
      %dma_start3A_1936 = arith.constant 0 : i32
      %dma_start3A_1937 = tpu.memref_slice %arg2[%select_n3A, %add3A_1830, %dma_start3A_1935, %dma_start3A_1936] : memref<8x128x2048x16xf32, #tpu.memory_space<hbm>> -> memref<1x1x2048x16xf32, #tpu.memory_space<hbm>>
      %dma_start3A_1938 = tpu.memref_squeeze %dma_start3A_1937 : memref<1x1x2048x16xf32, #tpu.memory_space<hbm>> -> memref<2048x16xf32, #tpu.memory_space<hbm>>
      %dma_start3A_1939 = arith.constant 0 : i32
      %dma_start3A_1940 = arith.constant 0 : i32
      %dma_start3A_1941 = tpu.memref_slice %dma_start3A_1938[%dma_start3A_1939, %dma_start3A_1940] : memref<2048x16xf32, #tpu.memory_space<hbm>> -> memref<2048x16xf32, #tpu.memory_space<hbm>>
      tpu.enqueue_indirect_dma source(%dma_start3A_1941 : memref<2048x16xf32, #tpu.memory_space<hbm>>) target(%dma_start3A_1931 : memref<128x16xf32, #tpu.memory_space<vmem>>) offsets(%dma_start3A_1934 : memref<128xi32, #tpu.memory_space<vmem>>) semaphore(%arg10 : memref<!tpu.dma_semaphore, #tpu.memory_space<semaphore_mem>>)
      %dma_start3A_1942 = arith.constant 8 : i32
      %dma_start3A_1943 = arith.constant 1024 : i32
      %dma_start3A_1944 = arith.constant 0 : i32
      %dma_start3A_1945 = tpu.memref_slice %arg8[%dma_start3A_1943, %dma_start3A_1944] : memref<2048x16xf32, #tpu.memory_space<vmem>> -> memref<128x16xf32, #tpu.memory_space<vmem>>
      %dma_start3A_1946 = arith.constant 0 : i32
      %dma_start3A_1947 = tpu.memref_slice %arg6[%dma_start3A_1942, %dma_start3A_1946] : memref<16x128xi32, #tpu.memory_space<vmem>> -> memref<1x128xi32, #tpu.memory_space<vmem>>
      %dma_start3A_1948 = tpu.memref_squeeze %dma_start3A_1947 : memref<1x128xi32, #tpu.memory_space<vmem>> -> memref<128xi32, #tpu.memory_space<vmem>>
      %dma_start3A_1949 = arith.constant 0 : i32
      %dma_start3A_1950 = arith.constant 0 : i32
      %dma_start3A_1951 = tpu.memref_slice %arg2[%select_n3A, %add3A_1830, %dma_start3A_1949, %dma_start3A_1950] : memref<8x128x2048x16xf32, #tpu.memory_space<hbm>> -> memref<1x1x2048x16xf32, #tpu.memory_space<hbm>>
      %dma_start3A_1952 = tpu.memref_squeeze %dma_start3A_1951 : memref<1x1x2048x16xf32, #tpu.memory_space<hbm>> -> memref<2048x16xf32, #tpu.memory_space<hbm>>
      %dma_start3A_1953 = arith.constant 0 : i32
      %dma_start3A_1954 = arith.constant 0 : i32
      %dma_start3A_1955 = tpu.memref_slice %dma_start3A_1952[%dma_start3A_1953, %dma_start3A_1954] : memref<2048x16xf32, #tpu.memory_space<hbm>> -> memref<2048x16xf32, #tpu.memory_space<hbm>>
      tpu.enqueue_indirect_dma source(%dma_start3A_1955 : memref<2048x16xf32, #tpu.memory_space<hbm>>) target(%dma_start3A_1945 : memref<128x16xf32, #tpu.memory_space<vmem>>) offsets(%dma_start3A_1948 : memref<128xi32, #tpu.memory_space<vmem>>) semaphore(%arg10 : memref<!tpu.dma_semaphore, #tpu.memory_space<semaphore_mem>>)
      %dma_start3A_1956 = arith.constant 9 : i32
      %dma_start3A_1957 = arith.constant 1152 : i32
      %dma_start3A_1958 = arith.constant 0 : i32
      %dma_start3A_1959 = tpu.memref_slice %arg8[%dma_start3A_1957, %dma_start3A_1958] : memref<2048x16xf32, #tpu.memory_space<vmem>> -> memref<128x16xf32, #tpu.memory_space<vmem>>
      %dma_start3A_1960 = arith.constant 0 : i32
      %dma_start3A_1961 = tpu.memref_slice %arg6[%dma_start3A_1956, %dma_start3A_1960] : memref<16x128xi32, #tpu.memory_space<vmem>> -> memref<1x128xi32, #tpu.memory_space<vmem>>
      %dma_start3A_1962 = tpu.memref_squeeze %dma_start3A_1961 : memref<1x128xi32, #tpu.memory_space<vmem>> -> memref<128xi32, #tpu.memory_space<vmem>>
      %dma_start3A_1963 = arith.constant 0 : i32
      %dma_start3A_1964 = arith.constant 0 : i32
      %dma_start3A_1965 = tpu.memref_slice %arg2[%select_n3A, %add3A_1830, %dma_start3A_1963, %dma_start3A_1964] : memref<8x128x2048x16xf32, #tpu.memory_space<hbm>> -> memref<1x1x2048x16xf32, #tpu.memory_space<hbm>>
      %dma_start3A_1966 = tpu.memref_squeeze %dma_start3A_1965 : memref<1x1x2048x16xf32, #tpu.memory_space<hbm>> -> memref<2048x16xf32, #tpu.memory_space<hbm>>
      %dma_start3A_1967 = arith.constant 0 : i32
      %dma_start3A_1968 = arith.constant 0 : i32
      %dma_start3A_1969 = tpu.memref_slice %dma_start3A_1966[%dma_start3A_1967, %dma_start3A_1968] : memref<2048x16xf32, #tpu.memory_space<hbm>> -> memref<2048x16xf32, #tpu.memory_space<hbm>>
      tpu.enqueue_indirect_dma source(%dma_start3A_1969 : memref<2048x16xf32, #tpu.memory_space<hbm>>) target(%dma_start3A_1959 : memref<128x16xf32, #tpu.memory_space<vmem>>) offsets(%dma_start3A_1962 : memref<128xi32, #tpu.memory_space<vmem>>) semaphore(%arg10 : memref<!tpu.dma_semaphore, #tpu.memory_space<semaphore_mem>>)
      %dma_start3A_1970 = arith.constant 10 : i32
      %dma_start3A_1971 = arith.constant 1280 : i32
      %dma_start3A_1972 = arith.constant 0 : i32
      %dma_start3A_1973 = tpu.memref_slice %arg8[%dma_start3A_1971, %dma_start3A_1972] : memref<2048x16xf32, #tpu.memory_space<vmem>> -> memref<128x16xf32, #tpu.memory_space<vmem>>
      %dma_start3A_1974 = arith.constant 0 : i32
      %dma_start3A_1975 = tpu.memref_slice %arg6[%dma_start3A_1970, %dma_start3A_1974] : memref<16x128xi32, #tpu.memory_space<vmem>> -> memref<1x128xi32, #tpu.memory_space<vmem>>
      %dma_start3A_1976 = tpu.memref_squeeze %dma_start3A_1975 : memref<1x128xi32, #tpu.memory_space<vmem>> -> memref<128xi32, #tpu.memory_space<vmem>>
      %dma_start3A_1977 = arith.constant 0 : i32
      %dma_start3A_1978 = arith.constant 0 : i32
      %dma_start3A_1979 = tpu.memref_slice %arg2[%select_n3A, %add3A_1830, %dma_start3A_1977, %dma_start3A_1978] : memref<8x128x2048x16xf32, #tpu.memory_space<hbm>> -> memref<1x1x2048x16xf32, #tpu.memory_space<hbm>>
      %dma_start3A_1980 = tpu.memref_squeeze %dma_start3A_1979 : memref<1x1x2048x16xf32, #tpu.memory_space<hbm>> -> memref<2048x16xf32, #tpu.memory_space<hbm>>
      %dma_start3A_1981 = arith.constant 0 : i32
      %dma_start3A_1982 = arith.constant 0 : i32
      %dma_start3A_1983 = tpu.memref_slice %dma_start3A_1980[%dma_start3A_1981, %dma_start3A_1982] : memref<2048x16xf32, #tpu.memory_space<hbm>> -> memref<2048x16xf32, #tpu.memory_space<hbm>>
      tpu.enqueue_indirect_dma source(%dma_start3A_1983 : memref<2048x16xf32, #tpu.memory_space<hbm>>) target(%dma_start3A_1973 : memref<128x16xf32, #tpu.memory_space<vmem>>) offsets(%dma_start3A_1976 : memref<128xi32, #tpu.memory_space<vmem>>) semaphore(%arg10 : memref<!tpu.dma_semaphore, #tpu.memory_space<semaphore_mem>>)
      %dma_start3A_1984 = arith.constant 11 : i32
      %dma_start3A_1985 = arith.constant 1408 : i32
      %dma_start3A_1986 = arith.constant 0 : i32
      %dma_start3A_1987 = tpu.memref_slice %arg8[%dma_start3A_1985, %dma_start3A_1986] : memref<2048x16xf32, #tpu.memory_space<vmem>> -> memref<128x16xf32, #tpu.memory_space<vmem>>
      %dma_start3A_1988 = arith.constant 0 : i32
      %dma_start3A_1989 = tpu.memref_slice %arg6[%dma_start3A_1984, %dma_start3A_1988] : memref<16x128xi32, #tpu.memory_space<vmem>> -> memref<1x128xi32, #tpu.memory_space<vmem>>
      %dma_start3A_1990 = tpu.memref_squeeze %dma_start3A_1989 : memref<1x128xi32, #tpu.memory_space<vmem>> -> memref<128xi32, #tpu.memory_space<vmem>>
      %dma_start3A_1991 = arith.constant 0 : i32
      %dma_start3A_1992 = arith.constant 0 : i32
      %dma_start3A_1993 = tpu.memref_slice %arg2[%select_n3A, %add3A_1830, %dma_start3A_1991, %dma_start3A_1992] : memref<8x128x2048x16xf32, #tpu.memory_space<hbm>> -> memref<1x1x2048x16xf32, #tpu.memory_space<hbm>>
      %dma_start3A_1994 = tpu.memref_squeeze %dma_start3A_1993 : memref<1x1x2048x16xf32, #tpu.memory_space<hbm>> -> memref<2048x16xf32, #tpu.memory_space<hbm>>
      %dma_start3A_1995 = arith.constant 0 : i32
      %dma_start3A_1996 = arith.constant 0 : i32
      %dma_start3A_1997 = tpu.memref_slice %dma_start3A_1994[%dma_start3A_1995, %dma_start3A_1996] : memref<2048x16xf32, #tpu.memory_space<hbm>> -> memref<2048x16xf32, #tpu.memory_space<hbm>>
      tpu.enqueue_indirect_dma source(%dma_start3A_1997 : memref<2048x16xf32, #tpu.memory_space<hbm>>) target(%dma_start3A_1987 : memref<128x16xf32, #tpu.memory_space<vmem>>) offsets(%dma_start3A_1990 : memref<128xi32, #tpu.memory_space<vmem>>) semaphore(%arg10 : memref<!tpu.dma_semaphore, #tpu.memory_space<semaphore_mem>>)
      %dma_start3A_1998 = arith.constant 12 : i32
      %dma_start3A_1999 = arith.constant 1536 : i32
      %dma_start3A_2000 = arith.constant 0 : i32
      %dma_start3A_2001 = tpu.memref_slice %arg8[%dma_start3A_1999, %dma_start3A_2000] : memref<2048x16xf32, #tpu.memory_space<vmem>> -> memref<128x16xf32, #tpu.memory_space<vmem>>
      %dma_start3A_2002 = arith.constant 0 : i32
      %dma_start3A_2003 = tpu.memref_slice %arg6[%dma_start3A_1998, %dma_start3A_2002] : memref<16x128xi32, #tpu.memory_space<vmem>> -> memref<1x128xi32, #tpu.memory_space<vmem>>
      %dma_start3A_2004 = tpu.memref_squeeze %dma_start3A_2003 : memref<1x128xi32, #tpu.memory_space<vmem>> -> memref<128xi32, #tpu.memory_space<vmem>>
      %dma_start3A_2005 = arith.constant 0 : i32
      %dma_start3A_2006 = arith.constant 0 : i32
      %dma_start3A_2007 = tpu.memref_slice %arg2[%select_n3A, %add3A_1830, %dma_start3A_2005, %dma_start3A_2006] : memref<8x128x2048x16xf32, #tpu.memory_space<hbm>> -> memref<1x1x2048x16xf32, #tpu.memory_space<hbm>>
      %dma_start3A_2008 = tpu.memref_squeeze %dma_start3A_2007 : memref<1x1x2048x16xf32, #tpu.memory_space<hbm>> -> memref<2048x16xf32, #tpu.memory_space<hbm>>
      %dma_start3A_2009 = arith.constant 0 : i32
      %dma_start3A_2010 = arith.constant 0 : i32
      %dma_start3A_2011 = tpu.memref_slice %dma_start3A_2008[%dma_start3A_2009, %dma_start3A_2010] : memref<2048x16xf32, #tpu.memory_space<hbm>> -> memref<2048x16xf32, #tpu.memory_space<hbm>>
      tpu.enqueue_indirect_dma source(%dma_start3A_2011 : memref<2048x16xf32, #tpu.memory_space<hbm>>) target(%dma_start3A_2001 : memref<128x16xf32, #tpu.memory_space<vmem>>) offsets(%dma_start3A_2004 : memref<128xi32, #tpu.memory_space<vmem>>) semaphore(%arg10 : memref<!tpu.dma_semaphore, #tpu.memory_space<semaphore_mem>>)
      %dma_start3A_2012 = arith.constant 13 : i32
      %dma_start3A_2013 = arith.constant 1664 : i32
      %dma_start3A_2014 = arith.constant 0 : i32
      %dma_start3A_2015 = tpu.memref_slice %arg8[%dma_start3A_2013, %dma_start3A_2014] : memref<2048x16xf32, #tpu.memory_space<vmem>> -> memref<128x16xf32, #tpu.memory_space<vmem>>
      %dma_start3A_2016 = arith.constant 0 : i32
      %dma_start3A_2017 = tpu.memref_slice %arg6[%dma_start3A_2012, %dma_start3A_2016] : memref<16x128xi32, #tpu.memory_space<vmem>> -> memref<1x128xi32, #tpu.memory_space<vmem>>
      %dma_start3A_2018 = tpu.memref_squeeze %dma_start3A_2017 : memref<1x128xi32, #tpu.memory_space<vmem>> -> memref<128xi32, #tpu.memory_space<vmem>>
      %dma_start3A_2019 = arith.constant 0 : i32
      %dma_start3A_2020 = arith.constant 0 : i32
      %dma_start3A_2021 = tpu.memref_slice %arg2[%select_n3A, %add3A_1830, %dma_start3A_2019, %dma_start3A_2020] : memref<8x128x2048x16xf32, #tpu.memory_space<hbm>> -> memref<1x1x2048x16xf32, #tpu.memory_space<hbm>>
      %dma_start3A_2022 = tpu.memref_squeeze %dma_start3A_2021 : memref<1x1x2048x16xf32, #tpu.memory_space<hbm>> -> memref<2048x16xf32, #tpu.memory_space<hbm>>
      %dma_start3A_2023 = arith.constant 0 : i32
      %dma_start3A_2024 = arith.constant 0 : i32
      %dma_start3A_2025 = tpu.memref_slice %dma_start3A_2022[%dma_start3A_2023, %dma_start3A_2024] : memref<2048x16xf32, #tpu.memory_space<hbm>> -> memref<2048x16xf32, #tpu.memory_space<hbm>>
      tpu.enqueue_indirect_dma source(%dma_start3A_2025 : memref<2048x16xf32, #tpu.memory_space<hbm>>) target(%dma_start3A_2015 : memref<128x16xf32, #tpu.memory_space<vmem>>) offsets(%dma_start3A_2018 : memref<128xi32, #tpu.memory_space<vmem>>) semaphore(%arg10 : memref<!tpu.dma_semaphore, #tpu.memory_space<semaphore_mem>>)
      %dma_start3A_2026 = arith.constant 14 : i32
      %dma_start3A_2027 = arith.constant 1792 : i32
      %dma_start3A_2028 = arith.constant 0 : i32
      %dma_start3A_2029 = tpu.memref_slice %arg8[%dma_start3A_2027, %dma_start3A_2028] : memref<2048x16xf32, #tpu.memory_space<vmem>> -> memref<128x16xf32, #tpu.memory_space<vmem>>
      %dma_start3A_2030 = arith.constant 0 : i32
      %dma_start3A_2031 = tpu.memref_slice %arg6[%dma_start3A_2026, %dma_start3A_2030] : memref<16x128xi32, #tpu.memory_space<vmem>> -> memref<1x128xi32, #tpu.memory_space<vmem>>
      %dma_start3A_2032 = tpu.memref_squeeze %dma_start3A_2031 : memref<1x128xi32, #tpu.memory_space<vmem>> -> memref<128xi32, #tpu.memory_space<vmem>>
      %dma_start3A_2033 = arith.constant 0 : i32
      %dma_start3A_2034 = arith.constant 0 : i32
      %dma_start3A_2035 = tpu.memref_slice %arg2[%select_n3A, %add3A_1830, %dma_start3A_2033, %dma_start3A_2034] : memref<8x128x2048x16xf32, #tpu.memory_space<hbm>> -> memref<1x1x2048x16xf32, #tpu.memory_space<hbm>>
      %dma_start3A_2036 = tpu.memref_squeeze %dma_start3A_2035 : memref<1x1x2048x16xf32, #tpu.memory_space<hbm>> -> memref<2048x16xf32, #tpu.memory_space<hbm>>
      %dma_start3A_2037 = arith.constant 0 : i32
      %dma_start3A_2038 = arith.constant 0 : i32
      %dma_start3A_2039 = tpu.memref_slice %dma_start3A_2036[%dma_start3A_2037, %dma_start3A_2038] : memref<2048x16xf32, #tpu.memory_space<hbm>> -> memref<2048x16xf32, #tpu.memory_space<hbm>>
      tpu.enqueue_indirect_dma source(%dma_start3A_2039 : memref<2048x16xf32, #tpu.memory_space<hbm>>) target(%dma_start3A_2029 : memref<128x16xf32, #tpu.memory_space<vmem>>) offsets(%dma_start3A_2032 : memref<128xi32, #tpu.memory_space<vmem>>) semaphore(%arg10 : memref<!tpu.dma_semaphore, #tpu.memory_space<semaphore_mem>>)
      %dma_start3A_2040 = arith.constant 15 : i32
      %dma_start3A_2041 = arith.constant 1920 : i32
      %dma_start3A_2042 = arith.constant 0 : i32
      %dma_start3A_2043 = tpu.memref_slice %arg8[%dma_start3A_2041, %dma_start3A_2042] : memref<2048x16xf32, #tpu.memory_space<vmem>> -> memref<128x16xf32, #tpu.memory_space<vmem>>
      %dma_start3A_2044 = arith.constant 0 : i32
      %dma_start3A_2045 = tpu.memref_slice %arg6[%dma_start3A_2040, %dma_start3A_2044] : memref<16x128xi32, #tpu.memory_space<vmem>> -> memref<1x128xi32, #tpu.memory_space<vmem>>
      %dma_start3A_2046 = tpu.memref_squeeze %dma_start3A_2045 : memref<1x128xi32, #tpu.memory_space<vmem>> -> memref<128xi32, #tpu.memory_space<vmem>>
      %dma_start3A_2047 = arith.constant 0 : i32
      %dma_start3A_2048 = arith.constant 0 : i32
      %dma_start3A_2049 = tpu.memref_slice %arg2[%select_n3A, %add3A_1830, %dma_start3A_2047, %dma_start3A_2048] : memref<8x128x2048x16xf32, #tpu.memory_space<hbm>> -> memref<1x1x2048x16xf32, #tpu.memory_space<hbm>>
      %dma_start3A_2050 = tpu.memref_squeeze %dma_start3A_2049 : memref<1x1x2048x16xf32, #tpu.memory_space<hbm>> -> memref<2048x16xf32, #tpu.memory_space<hbm>>
      %dma_start3A_2051 = arith.constant 0 : i32
      %dma_start3A_2052 = arith.constant 0 : i32
      %dma_start3A_2053 = tpu.memref_slice %dma_start3A_2050[%dma_start3A_2051, %dma_start3A_2052] : memref<2048x16xf32, #tpu.memory_space<hbm>> -> memref<2048x16xf32, #tpu.memory_space<hbm>>
      tpu.enqueue_indirect_dma source(%dma_start3A_2053 : memref<2048x16xf32, #tpu.memory_space<hbm>>) target(%dma_start3A_2043 : memref<128x16xf32, #tpu.memory_space<vmem>>) offsets(%dma_start3A_2046 : memref<128xi32, #tpu.memory_space<vmem>>) semaphore(%arg10 : memref<!tpu.dma_semaphore, #tpu.memory_space<semaphore_mem>>)
      %dma_wait3A = arith.constant 0 : i32
      %dma_wait3A_2054 = arith.constant 0 : i32
      %dma_wait3A_2055 = arith.constant 0 : i32
      %dma_wait3A_2056 = tpu.memref_slice %arg8[%dma_wait3A_2054, %dma_wait3A_2055] : memref<2048x16xf32, #tpu.memory_space<vmem>> -> memref<128x16xf32, #tpu.memory_space<vmem>>
      %dma_wait3A_2057 = arith.constant 0 : i32
      %dma_wait3A_2058 = tpu.memref_slice %arg6[%dma_wait3A, %dma_wait3A_2057] : memref<16x128xi32, #tpu.memory_space<vmem>> -> memref<1x128xi32, #tpu.memory_space<vmem>>
      %dma_wait3A_2059 = tpu.memref_squeeze %dma_wait3A_2058 : memref<1x128xi32, #tpu.memory_space<vmem>> -> memref<128xi32, #tpu.memory_space<vmem>>
      %dma_wait3A_2060 = arith.constant 0 : i32
      %dma_wait3A_2061 = arith.constant 0 : i32
      %dma_wait3A_2062 = tpu.memref_slice %arg2[%select_n3A, %add3A_1830, %dma_wait3A_2060, %dma_wait3A_2061] : memref<8x128x2048x16xf32, #tpu.memory_space<hbm>> -> memref<1x1x2048x16xf32, #tpu.memory_space<hbm>>
      %dma_wait3A_2063 = tpu.memref_squeeze %dma_wait3A_2062 : memref<1x1x2048x16xf32, #tpu.memory_space<hbm>> -> memref<2048x16xf32, #tpu.memory_space<hbm>>
      %dma_wait3A_2064 = arith.constant 0 : i32
      %dma_wait3A_2065 = arith.constant 0 : i32
      %dma_wait3A_2066 = tpu.memref_slice %dma_wait3A_2063[%dma_wait3A_2064, %dma_wait3A_2065] : memref<2048x16xf32, #tpu.memory_space<hbm>> -> memref<2048x16xf32, #tpu.memory_space<hbm>>
      tpu.wait_indirect_dma semaphore(%arg10 : memref<!tpu.dma_semaphore, #tpu.memory_space<semaphore_mem>>) src(%dma_wait3A_2066 : memref<2048x16xf32, #tpu.memory_space<hbm>>) dst(%dma_wait3A_2056 : memref<128x16xf32, #tpu.memory_space<vmem>>)
      %dma_wait3A_2067 = arith.constant 1 : i32
      %dma_wait3A_2068 = arith.constant 128 : i32
      %dma_wait3A_2069 = arith.constant 0 : i32
      %dma_wait3A_2070 = tpu.memref_slice %arg8[%dma_wait3A_2068, %dma_wait3A_2069] : memref<2048x16xf32, #tpu.memory_space<vmem>> -> memref<128x16xf32, #tpu.memory_space<vmem>>
      %dma_wait3A_2071 = arith.constant 0 : i32
      %dma_wait3A_2072 = tpu.memref_slice %arg6[%dma_wait3A_2067, %dma_wait3A_2071] : memref<16x128xi32, #tpu.memory_space<vmem>> -> memref<1x128xi32, #tpu.memory_space<vmem>>
      %dma_wait3A_2073 = tpu.memref_squeeze %dma_wait3A_2072 : memref<1x128xi32, #tpu.memory_space<vmem>> -> memref<128xi32, #tpu.memory_space<vmem>>
      %dma_wait3A_2074 = arith.constant 0 : i32
      %dma_wait3A_2075 = arith.constant 0 : i32
      %dma_wait3A_2076 = tpu.memref_slice %arg2[%select_n3A, %add3A_1830, %dma_wait3A_2074, %dma_wait3A_2075] : memref<8x128x2048x16xf32, #tpu.memory_space<hbm>> -> memref<1x1x2048x16xf32, #tpu.memory_space<hbm>>
      %dma_wait3A_2077 = tpu.memref_squeeze %dma_wait3A_2076 : memref<1x1x2048x16xf32, #tpu.memory_space<hbm>> -> memref<2048x16xf32, #tpu.memory_space<hbm>>
      %dma_wait3A_2078 = arith.constant 0 : i32
      %dma_wait3A_2079 = arith.constant 0 : i32
      %dma_wait3A_2080 = tpu.memref_slice %dma_wait3A_2077[%dma_wait3A_2078, %dma_wait3A_2079] : memref<2048x16xf32, #tpu.memory_space<hbm>> -> memref<2048x16xf32, #tpu.memory_space<hbm>>
      tpu.wait_indirect_dma semaphore(%arg10 : memref<!tpu.dma_semaphore, #tpu.memory_space<semaphore_mem>>) src(%dma_wait3A_2080 : memref<2048x16xf32, #tpu.memory_space<hbm>>) dst(%dma_wait3A_2070 : memref<128x16xf32, #tpu.memory_space<vmem>>)
      %dma_wait3A_2081 = arith.constant 2 : i32
      %dma_wait3A_2082 = arith.constant 256 : i32
      %dma_wait3A_2083 = arith.constant 0 : i32
      %dma_wait3A_2084 = tpu.memref_slice %arg8[%dma_wait3A_2082, %dma_wait3A_2083] : memref<2048x16xf32, #tpu.memory_space<vmem>> -> memref<128x16xf32, #tpu.memory_space<vmem>>
      %dma_wait3A_2085 = arith.constant 0 : i32
      %dma_wait3A_2086 = tpu.memref_slice %arg6[%dma_wait3A_2081, %dma_wait3A_2085] : memref<16x128xi32, #tpu.memory_space<vmem>> -> memref<1x128xi32, #tpu.memory_space<vmem>>
      %dma_wait3A_2087 = tpu.memref_squeeze %dma_wait3A_2086 : memref<1x128xi32, #tpu.memory_space<vmem>> -> memref<128xi32, #tpu.memory_space<vmem>>
      %dma_wait3A_2088 = arith.constant 0 : i32
      %dma_wait3A_2089 = arith.constant 0 : i32
      %dma_wait3A_2090 = tpu.memref_slice %arg2[%select_n3A, %add3A_1830, %dma_wait3A_2088, %dma_wait3A_2089] : memref<8x128x2048x16xf32, #tpu.memory_space<hbm>> -> memref<1x1x2048x16xf32, #tpu.memory_space<hbm>>
      %dma_wait3A_2091 = tpu.memref_squeeze %dma_wait3A_2090 : memref<1x1x2048x16xf32, #tpu.memory_space<hbm>> -> memref<2048x16xf32, #tpu.memory_space<hbm>>
      %dma_wait3A_2092 = arith.constant 0 : i32
      %dma_wait3A_2093 = arith.constant 0 : i32
      %dma_wait3A_2094 = tpu.memref_slice %dma_wait3A_2091[%dma_wait3A_2092, %dma_wait3A_2093] : memref<2048x16xf32, #tpu.memory_space<hbm>> -> memref<2048x16xf32, #tpu.memory_space<hbm>>
      tpu.wait_indirect_dma semaphore(%arg10 : memref<!tpu.dma_semaphore, #tpu.memory_space<semaphore_mem>>) src(%dma_wait3A_2094 : memref<2048x16xf32, #tpu.memory_space<hbm>>) dst(%dma_wait3A_2084 : memref<128x16xf32, #tpu.memory_space<vmem>>)
      %dma_wait3A_2095 = arith.constant 3 : i32
      %dma_wait3A_2096 = arith.constant 384 : i32
      %dma_wait3A_2097 = arith.constant 0 : i32
      %dma_wait3A_2098 = tpu.memref_slice %arg8[%dma_wait3A_2096, %dma_wait3A_2097] : memref<2048x16xf32, #tpu.memory_space<vmem>> -> memref<128x16xf32, #tpu.memory_space<vmem>>
      %dma_wait3A_2099 = arith.constant 0 : i32
      %dma_wait3A_2100 = tpu.memref_slice %arg6[%dma_wait3A_2095, %dma_wait3A_2099] : memref<16x128xi32, #tpu.memory_space<vmem>> -> memref<1x128xi32, #tpu.memory_space<vmem>>
      %dma_wait3A_2101 = tpu.memref_squeeze %dma_wait3A_2100 : memref<1x128xi32, #tpu.memory_space<vmem>> -> memref<128xi32, #tpu.memory_space<vmem>>
      %dma_wait3A_2102 = arith.constant 0 : i32
      %dma_wait3A_2103 = arith.constant 0 : i32
      %dma_wait3A_2104 = tpu.memref_slice %arg2[%select_n3A, %add3A_1830, %dma_wait3A_2102, %dma_wait3A_2103] : memref<8x128x2048x16xf32, #tpu.memory_space<hbm>> -> memref<1x1x2048x16xf32, #tpu.memory_space<hbm>>
      %dma_wait3A_2105 = tpu.memref_squeeze %dma_wait3A_2104 : memref<1x1x2048x16xf32, #tpu.memory_space<hbm>> -> memref<2048x16xf32, #tpu.memory_space<hbm>>
      %dma_wait3A_2106 = arith.constant 0 : i32
      %dma_wait3A_2107 = arith.constant 0 : i32
      %dma_wait3A_2108 = tpu.memref_slice %dma_wait3A_2105[%dma_wait3A_2106, %dma_wait3A_2107] : memref<2048x16xf32, #tpu.memory_space<hbm>> -> memref<2048x16xf32, #tpu.memory_space<hbm>>
      tpu.wait_indirect_dma semaphore(%arg10 : memref<!tpu.dma_semaphore, #tpu.memory_space<semaphore_mem>>) src(%dma_wait3A_2108 : memref<2048x16xf32, #tpu.memory_space<hbm>>) dst(%dma_wait3A_2098 : memref<128x16xf32, #tpu.memory_space<vmem>>)
      %dma_wait3A_2109 = arith.constant 4 : i32
      %dma_wait3A_2110 = arith.constant 512 : i32
      %dma_wait3A_2111 = arith.constant 0 : i32
      %dma_wait3A_2112 = tpu.memref_slice %arg8[%dma_wait3A_2110, %dma_wait3A_2111] : memref<2048x16xf32, #tpu.memory_space<vmem>> -> memref<128x16xf32, #tpu.memory_space<vmem>>
      %dma_wait3A_2113 = arith.constant 0 : i32
      %dma_wait3A_2114 = tpu.memref_slice %arg6[%dma_wait3A_2109, %dma_wait3A_2113] : memref<16x128xi32, #tpu.memory_space<vmem>> -> memref<1x128xi32, #tpu.memory_space<vmem>>
      %dma_wait3A_2115 = tpu.memref_squeeze %dma_wait3A_2114 : memref<1x128xi32, #tpu.memory_space<vmem>> -> memref<128xi32, #tpu.memory_space<vmem>>
      %dma_wait3A_2116 = arith.constant 0 : i32
      %dma_wait3A_2117 = arith.constant 0 : i32
      %dma_wait3A_2118 = tpu.memref_slice %arg2[%select_n3A, %add3A_1830, %dma_wait3A_2116, %dma_wait3A_2117] : memref<8x128x2048x16xf32, #tpu.memory_space<hbm>> -> memref<1x1x2048x16xf32, #tpu.memory_space<hbm>>
      %dma_wait3A_2119 = tpu.memref_squeeze %dma_wait3A_2118 : memref<1x1x2048x16xf32, #tpu.memory_space<hbm>> -> memref<2048x16xf32, #tpu.memory_space<hbm>>
      %dma_wait3A_2120 = arith.constant 0 : i32
      %dma_wait3A_2121 = arith.constant 0 : i32
      %dma_wait3A_2122 = tpu.memref_slice %dma_wait3A_2119[%dma_wait3A_2120, %dma_wait3A_2121] : memref<2048x16xf32, #tpu.memory_space<hbm>> -> memref<2048x16xf32, #tpu.memory_space<hbm>>
      tpu.wait_indirect_dma semaphore(%arg10 : memref<!tpu.dma_semaphore, #tpu.memory_space<semaphore_mem>>) src(%dma_wait3A_2122 : memref<2048x16xf32, #tpu.memory_space<hbm>>) dst(%dma_wait3A_2112 : memref<128x16xf32, #tpu.memory_space<vmem>>)
      %dma_wait3A_2123 = arith.constant 5 : i32
      %dma_wait3A_2124 = arith.constant 640 : i32
      %dma_wait3A_2125 = arith.constant 0 : i32
      %dma_wait3A_2126 = tpu.memref_slice %arg8[%dma_wait3A_2124, %dma_wait3A_2125] : memref<2048x16xf32, #tpu.memory_space<vmem>> -> memref<128x16xf32, #tpu.memory_space<vmem>>
      %dma_wait3A_2127 = arith.constant 0 : i32
      %dma_wait3A_2128 = tpu.memref_slice %arg6[%dma_wait3A_2123, %dma_wait3A_2127] : memref<16x128xi32, #tpu.memory_space<vmem>> -> memref<1x128xi32, #tpu.memory_space<vmem>>
      %dma_wait3A_2129 = tpu.memref_squeeze %dma_wait3A_2128 : memref<1x128xi32, #tpu.memory_space<vmem>> -> memref<128xi32, #tpu.memory_space<vmem>>
      %dma_wait3A_2130 = arith.constant 0 : i32
      %dma_wait3A_2131 = arith.constant 0 : i32
      %dma_wait3A_2132 = tpu.memref_slice %arg2[%select_n3A, %add3A_1830, %dma_wait3A_2130, %dma_wait3A_2131] : memref<8x128x2048x16xf32, #tpu.memory_space<hbm>> -> memref<1x1x2048x16xf32, #tpu.memory_space<hbm>>
      %dma_wait3A_2133 = tpu.memref_squeeze %dma_wait3A_2132 : memref<1x1x2048x16xf32, #tpu.memory_space<hbm>> -> memref<2048x16xf32, #tpu.memory_space<hbm>>
      %dma_wait3A_2134 = arith.constant 0 : i32
      %dma_wait3A_2135 = arith.constant 0 : i32
      %dma_wait3A_2136 = tpu.memref_slice %dma_wait3A_2133[%dma_wait3A_2134, %dma_wait3A_2135] : memref<2048x16xf32, #tpu.memory_space<hbm>> -> memref<2048x16xf32, #tpu.memory_space<hbm>>
      tpu.wait_indirect_dma semaphore(%arg10 : memref<!tpu.dma_semaphore, #tpu.memory_space<semaphore_mem>>) src(%dma_wait3A_2136 : memref<2048x16xf32, #tpu.memory_space<hbm>>) dst(%dma_wait3A_2126 : memref<128x16xf32, #tpu.memory_space<vmem>>)
      %dma_wait3A_2137 = arith.constant 6 : i32
      %dma_wait3A_2138 = arith.constant 768 : i32
      %dma_wait3A_2139 = arith.constant 0 : i32
      %dma_wait3A_2140 = tpu.memref_slice %arg8[%dma_wait3A_2138, %dma_wait3A_2139] : memref<2048x16xf32, #tpu.memory_space<vmem>> -> memref<128x16xf32, #tpu.memory_space<vmem>>
      %dma_wait3A_2141 = arith.constant 0 : i32
      %dma_wait3A_2142 = tpu.memref_slice %arg6[%dma_wait3A_2137, %dma_wait3A_2141] : memref<16x128xi32, #tpu.memory_space<vmem>> -> memref<1x128xi32, #tpu.memory_space<vmem>>
      %dma_wait3A_2143 = tpu.memref_squeeze %dma_wait3A_2142 : memref<1x128xi32, #tpu.memory_space<vmem>> -> memref<128xi32, #tpu.memory_space<vmem>>
      %dma_wait3A_2144 = arith.constant 0 : i32
      %dma_wait3A_2145 = arith.constant 0 : i32
      %dma_wait3A_2146 = tpu.memref_slice %arg2[%select_n3A, %add3A_1830, %dma_wait3A_2144, %dma_wait3A_2145] : memref<8x128x2048x16xf32, #tpu.memory_space<hbm>> -> memref<1x1x2048x16xf32, #tpu.memory_space<hbm>>
      %dma_wait3A_2147 = tpu.memref_squeeze %dma_wait3A_2146 : memref<1x1x2048x16xf32, #tpu.memory_space<hbm>> -> memref<2048x16xf32, #tpu.memory_space<hbm>>
      %dma_wait3A_2148 = arith.constant 0 : i32
      %dma_wait3A_2149 = arith.constant 0 : i32
      %dma_wait3A_2150 = tpu.memref_slice %dma_wait3A_2147[%dma_wait3A_2148, %dma_wait3A_2149] : memref<2048x16xf32, #tpu.memory_space<hbm>> -> memref<2048x16xf32, #tpu.memory_space<hbm>>
      tpu.wait_indirect_dma semaphore(%arg10 : memref<!tpu.dma_semaphore, #tpu.memory_space<semaphore_mem>>) src(%dma_wait3A_2150 : memref<2048x16xf32, #tpu.memory_space<hbm>>) dst(%dma_wait3A_2140 : memref<128x16xf32, #tpu.memory_space<vmem>>)
      %dma_wait3A_2151 = arith.constant 7 : i32
      %dma_wait3A_2152 = arith.constant 896 : i32
      %dma_wait3A_2153 = arith.constant 0 : i32
      %dma_wait3A_2154 = tpu.memref_slice %arg8[%dma_wait3A_2152, %dma_wait3A_2153] : memref<2048x16xf32, #tpu.memory_space<vmem>> -> memref<128x16xf32, #tpu.memory_space<vmem>>
      %dma_wait3A_2155 = arith.constant 0 : i32
      %dma_wait3A_2156 = tpu.memref_slice %arg6[%dma_wait3A_2151, %dma_wait3A_2155] : memref<16x128xi32, #tpu.memory_space<vmem>> -> memref<1x128xi32, #tpu.memory_space<vmem>>
      %dma_wait3A_2157 = tpu.memref_squeeze %dma_wait3A_2156 : memref<1x128xi32, #tpu.memory_space<vmem>> -> memref<128xi32, #tpu.memory_space<vmem>>
      %dma_wait3A_2158 = arith.constant 0 : i32
      %dma_wait3A_2159 = arith.constant 0 : i32
      %dma_wait3A_2160 = tpu.memref_slice %arg2[%select_n3A, %add3A_1830, %dma_wait3A_2158, %dma_wait3A_2159] : memref<8x128x2048x16xf32, #tpu.memory_space<hbm>> -> memref<1x1x2048x16xf32, #tpu.memory_space<hbm>>
      %dma_wait3A_2161 = tpu.memref_squeeze %dma_wait3A_2160 : memref<1x1x2048x16xf32, #tpu.memory_space<hbm>> -> memref<2048x16xf32, #tpu.memory_space<hbm>>
      %dma_wait3A_2162 = arith.constant 0 : i32
      %dma_wait3A_2163 = arith.constant 0 : i32
      %dma_wait3A_2164 = tpu.memref_slice %dma_wait3A_2161[%dma_wait3A_2162, %dma_wait3A_2163] : memref<2048x16xf32, #tpu.memory_space<hbm>> -> memref<2048x16xf32, #tpu.memory_space<hbm>>
      tpu.wait_indirect_dma semaphore(%arg10 : memref<!tpu.dma_semaphore, #tpu.memory_space<semaphore_mem>>) src(%dma_wait3A_2164 : memref<2048x16xf32, #tpu.memory_space<hbm>>) dst(%dma_wait3A_2154 : memref<128x16xf32, #tpu.memory_space<vmem>>)
      %dma_wait3A_2165 = arith.constant 8 : i32
      %dma_wait3A_2166 = arith.constant 1024 : i32
      %dma_wait3A_2167 = arith.constant 0 : i32
      %dma_wait3A_2168 = tpu.memref_slice %arg8[%dma_wait3A_2166, %dma_wait3A_2167] : memref<2048x16xf32, #tpu.memory_space<vmem>> -> memref<128x16xf32, #tpu.memory_space<vmem>>
      %dma_wait3A_2169 = arith.constant 0 : i32
      %dma_wait3A_2170 = tpu.memref_slice %arg6[%dma_wait3A_2165, %dma_wait3A_2169] : memref<16x128xi32, #tpu.memory_space<vmem>> -> memref<1x128xi32, #tpu.memory_space<vmem>>
      %dma_wait3A_2171 = tpu.memref_squeeze %dma_wait3A_2170 : memref<1x128xi32, #tpu.memory_space<vmem>> -> memref<128xi32, #tpu.memory_space<vmem>>
      %dma_wait3A_2172 = arith.constant 0 : i32
      %dma_wait3A_2173 = arith.constant 0 : i32
      %dma_wait3A_2174 = tpu.memref_slice %arg2[%select_n3A, %add3A_1830, %dma_wait3A_2172, %dma_wait3A_2173] : memref<8x128x2048x16xf32, #tpu.memory_space<hbm>> -> memref<1x1x2048x16xf32, #tpu.memory_space<hbm>>
      %dma_wait3A_2175 = tpu.memref_squeeze %dma_wait3A_2174 : memref<1x1x2048x16xf32, #tpu.memory_space<hbm>> -> memref<2048x16xf32, #tpu.memory_space<hbm>>
      %dma_wait3A_2176 = arith.constant 0 : i32
      %dma_wait3A_2177 = arith.constant 0 : i32
      %dma_wait3A_2178 = tpu.memref_slice %dma_wait3A_2175[%dma_wait3A_2176, %dma_wait3A_2177] : memref<2048x16xf32, #tpu.memory_space<hbm>> -> memref<2048x16xf32, #tpu.memory_space<hbm>>
      tpu.wait_indirect_dma semaphore(%arg10 : memref<!tpu.dma_semaphore, #tpu.memory_space<semaphore_mem>>) src(%dma_wait3A_2178 : memref<2048x16xf32, #tpu.memory_space<hbm>>) dst(%dma_wait3A_2168 : memref<128x16xf32, #tpu.memory_space<vmem>>)
      %dma_wait3A_2179 = arith.constant 9 : i32
      %dma_wait3A_2180 = arith.constant 1152 : i32
      %dma_wait3A_2181 = arith.constant 0 : i32
      %dma_wait3A_2182 = tpu.memref_slice %arg8[%dma_wait3A_2180, %dma_wait3A_2181] : memref<2048x16xf32, #tpu.memory_space<vmem>> -> memref<128x16xf32, #tpu.memory_space<vmem>>
      %dma_wait3A_2183 = arith.constant 0 : i32
      %dma_wait3A_2184 = tpu.memref_slice %arg6[%dma_wait3A_2179, %dma_wait3A_2183] : memref<16x128xi32, #tpu.memory_space<vmem>> -> memref<1x128xi32, #tpu.memory_space<vmem>>
      %dma_wait3A_2185 = tpu.memref_squeeze %dma_wait3A_2184 : memref<1x128xi32, #tpu.memory_space<vmem>> -> memref<128xi32, #tpu.memory_space<vmem>>
      %dma_wait3A_2186 = arith.constant 0 : i32
      %dma_wait3A_2187 = arith.constant 0 : i32
      %dma_wait3A_2188 = tpu.memref_slice %arg2[%select_n3A, %add3A_1830, %dma_wait3A_2186, %dma_wait3A_2187] : memref<8x128x2048x16xf32, #tpu.memory_space<hbm>> -> memref<1x1x2048x16xf32, #tpu.memory_space<hbm>>
      %dma_wait3A_2189 = tpu.memref_squeeze %dma_wait3A_2188 : memref<1x1x2048x16xf32, #tpu.memory_space<hbm>> -> memref<2048x16xf32, #tpu.memory_space<hbm>>
      %dma_wait3A_2190 = arith.constant 0 : i32
      %dma_wait3A_2191 = arith.constant 0 : i32
      %dma_wait3A_2192 = tpu.memref_slice %dma_wait3A_2189[%dma_wait3A_2190, %dma_wait3A_2191] : memref<2048x16xf32, #tpu.memory_space<hbm>> -> memref<2048x16xf32, #tpu.memory_space<hbm>>
      tpu.wait_indirect_dma semaphore(%arg10 : memref<!tpu.dma_semaphore, #tpu.memory_space<semaphore_mem>>) src(%dma_wait3A_2192 : memref<2048x16xf32, #tpu.memory_space<hbm>>) dst(%dma_wait3A_2182 : memref<128x16xf32, #tpu.memory_space<vmem>>)
      %dma_wait3A_2193 = arith.constant 10 : i32
      %dma_wait3A_2194 = arith.constant 1280 : i32
      %dma_wait3A_2195 = arith.constant 0 : i32
      %dma_wait3A_2196 = tpu.memref_slice %arg8[%dma_wait3A_2194, %dma_wait3A_2195] : memref<2048x16xf32, #tpu.memory_space<vmem>> -> memref<128x16xf32, #tpu.memory_space<vmem>>
      %dma_wait3A_2197 = arith.constant 0 : i32
      %dma_wait3A_2198 = tpu.memref_slice %arg6[%dma_wait3A_2193, %dma_wait3A_2197] : memref<16x128xi32, #tpu.memory_space<vmem>> -> memref<1x128xi32, #tpu.memory_space<vmem>>
      %dma_wait3A_2199 = tpu.memref_squeeze %dma_wait3A_2198 : memref<1x128xi32, #tpu.memory_space<vmem>> -> memref<128xi32, #tpu.memory_space<vmem>>
      %dma_wait3A_2200 = arith.constant 0 : i32
      %dma_wait3A_2201 = arith.constant 0 : i32
      %dma_wait3A_2202 = tpu.memref_slice %arg2[%select_n3A, %add3A_1830, %dma_wait3A_2200, %dma_wait3A_2201] : memref<8x128x2048x16xf32, #tpu.memory_space<hbm>> -> memref<1x1x2048x16xf32, #tpu.memory_space<hbm>>
      %dma_wait3A_2203 = tpu.memref_squeeze %dma_wait3A_2202 : memref<1x1x2048x16xf32, #tpu.memory_space<hbm>> -> memref<2048x16xf32, #tpu.memory_space<hbm>>
      %dma_wait3A_2204 = arith.constant 0 : i32
      %dma_wait3A_2205 = arith.constant 0 : i32
      %dma_wait3A_2206 = tpu.memref_slice %dma_wait3A_2203[%dma_wait3A_2204, %dma_wait3A_2205] : memref<2048x16xf32, #tpu.memory_space<hbm>> -> memref<2048x16xf32, #tpu.memory_space<hbm>>
      tpu.wait_indirect_dma semaphore(%arg10 : memref<!tpu.dma_semaphore, #tpu.memory_space<semaphore_mem>>) src(%dma_wait3A_2206 : memref<2048x16xf32, #tpu.memory_space<hbm>>) dst(%dma_wait3A_2196 : memref<128x16xf32, #tpu.memory_space<vmem>>)
      %dma_wait3A_2207 = arith.constant 11 : i32
      %dma_wait3A_2208 = arith.constant 1408 : i32
      %dma_wait3A_2209 = arith.constant 0 : i32
      %dma_wait3A_2210 = tpu.memref_slice %arg8[%dma_wait3A_2208, %dma_wait3A_2209] : memref<2048x16xf32, #tpu.memory_space<vmem>> -> memref<128x16xf32, #tpu.memory_space<vmem>>
      %dma_wait3A_2211 = arith.constant 0 : i32
      %dma_wait3A_2212 = tpu.memref_slice %arg6[%dma_wait3A_2207, %dma_wait3A_2211] : memref<16x128xi32, #tpu.memory_space<vmem>> -> memref<1x128xi32, #tpu.memory_space<vmem>>
      %dma_wait3A_2213 = tpu.memref_squeeze %dma_wait3A_2212 : memref<1x128xi32, #tpu.memory_space<vmem>> -> memref<128xi32, #tpu.memory_space<vmem>>
      %dma_wait3A_2214 = arith.constant 0 : i32
      %dma_wait3A_2215 = arith.constant 0 : i32
      %dma_wait3A_2216 = tpu.memref_slice %arg2[%select_n3A, %add3A_1830, %dma_wait3A_2214, %dma_wait3A_2215] : memref<8x128x2048x16xf32, #tpu.memory_space<hbm>> -> memref<1x1x2048x16xf32, #tpu.memory_space<hbm>>
      %dma_wait3A_2217 = tpu.memref_squeeze %dma_wait3A_2216 : memref<1x1x2048x16xf32, #tpu.memory_space<hbm>> -> memref<2048x16xf32, #tpu.memory_space<hbm>>
      %dma_wait3A_2218 = arith.constant 0 : i32
      %dma_wait3A_2219 = arith.constant 0 : i32
      %dma_wait3A_2220 = tpu.memref_slice %dma_wait3A_2217[%dma_wait3A_2218, %dma_wait3A_2219] : memref<2048x16xf32, #tpu.memory_space<hbm>> -> memref<2048x16xf32, #tpu.memory_space<hbm>>
      tpu.wait_indirect_dma semaphore(%arg10 : memref<!tpu.dma_semaphore, #tpu.memory_space<semaphore_mem>>) src(%dma_wait3A_2220 : memref<2048x16xf32, #tpu.memory_space<hbm>>) dst(%dma_wait3A_2210 : memref<128x16xf32, #tpu.memory_space<vmem>>)
      %dma_wait3A_2221 = arith.constant 12 : i32
      %dma_wait3A_2222 = arith.constant 1536 : i32
      %dma_wait3A_2223 = arith.constant 0 : i32
      %dma_wait3A_2224 = tpu.memref_slice %arg8[%dma_wait3A_2222, %dma_wait3A_2223] : memref<2048x16xf32, #tpu.memory_space<vmem>> -> memref<128x16xf32, #tpu.memory_space<vmem>>
      %dma_wait3A_2225 = arith.constant 0 : i32
      %dma_wait3A_2226 = tpu.memref_slice %arg6[%dma_wait3A_2221, %dma_wait3A_2225] : memref<16x128xi32, #tpu.memory_space<vmem>> -> memref<1x128xi32, #tpu.memory_space<vmem>>
      %dma_wait3A_2227 = tpu.memref_squeeze %dma_wait3A_2226 : memref<1x128xi32, #tpu.memory_space<vmem>> -> memref<128xi32, #tpu.memory_space<vmem>>
      %dma_wait3A_2228 = arith.constant 0 : i32
      %dma_wait3A_2229 = arith.constant 0 : i32
      %dma_wait3A_2230 = tpu.memref_slice %arg2[%select_n3A, %add3A_1830, %dma_wait3A_2228, %dma_wait3A_2229] : memref<8x128x2048x16xf32, #tpu.memory_space<hbm>> -> memref<1x1x2048x16xf32, #tpu.memory_space<hbm>>
      %dma_wait3A_2231 = tpu.memref_squeeze %dma_wait3A_2230 : memref<1x1x2048x16xf32, #tpu.memory_space<hbm>> -> memref<2048x16xf32, #tpu.memory_space<hbm>>
      %dma_wait3A_2232 = arith.constant 0 : i32
      %dma_wait3A_2233 = arith.constant 0 : i32
      %dma_wait3A_2234 = tpu.memref_slice %dma_wait3A_2231[%dma_wait3A_2232, %dma_wait3A_2233] : memref<2048x16xf32, #tpu.memory_space<hbm>> -> memref<2048x16xf32, #tpu.memory_space<hbm>>
      tpu.wait_indirect_dma semaphore(%arg10 : memref<!tpu.dma_semaphore, #tpu.memory_space<semaphore_mem>>) src(%dma_wait3A_2234 : memref<2048x16xf32, #tpu.memory_space<hbm>>) dst(%dma_wait3A_2224 : memref<128x16xf32, #tpu.memory_space<vmem>>)
      %dma_wait3A_2235 = arith.constant 13 : i32
      %dma_wait3A_2236 = arith.constant 1664 : i32
      %dma_wait3A_2237 = arith.constant 0 : i32
      %dma_wait3A_2238 = tpu.memref_slice %arg8[%dma_wait3A_2236, %dma_wait3A_2237] : memref<2048x16xf32, #tpu.memory_space<vmem>> -> memref<128x16xf32, #tpu.memory_space<vmem>>
      %dma_wait3A_2239 = arith.constant 0 : i32
      %dma_wait3A_2240 = tpu.memref_slice %arg6[%dma_wait3A_2235, %dma_wait3A_2239] : memref<16x128xi32, #tpu.memory_space<vmem>> -> memref<1x128xi32, #tpu.memory_space<vmem>>
      %dma_wait3A_2241 = tpu.memref_squeeze %dma_wait3A_2240 : memref<1x128xi32, #tpu.memory_space<vmem>> -> memref<128xi32, #tpu.memory_space<vmem>>
      %dma_wait3A_2242 = arith.constant 0 : i32
      %dma_wait3A_2243 = arith.constant 0 : i32
      %dma_wait3A_2244 = tpu.memref_slice %arg2[%select_n3A, %add3A_1830, %dma_wait3A_2242, %dma_wait3A_2243] : memref<8x128x2048x16xf32, #tpu.memory_space<hbm>> -> memref<1x1x2048x16xf32, #tpu.memory_space<hbm>>
      %dma_wait3A_2245 = tpu.memref_squeeze %dma_wait3A_2244 : memref<1x1x2048x16xf32, #tpu.memory_space<hbm>> -> memref<2048x16xf32, #tpu.memory_space<hbm>>
      %dma_wait3A_2246 = arith.constant 0 : i32
      %dma_wait3A_2247 = arith.constant 0 : i32
      %dma_wait3A_2248 = tpu.memref_slice %dma_wait3A_2245[%dma_wait3A_2246, %dma_wait3A_2247] : memref<2048x16xf32, #tpu.memory_space<hbm>> -> memref<2048x16xf32, #tpu.memory_space<hbm>>
      tpu.wait_indirect_dma semaphore(%arg10 : memref<!tpu.dma_semaphore, #tpu.memory_space<semaphore_mem>>) src(%dma_wait3A_2248 : memref<2048x16xf32, #tpu.memory_space<hbm>>) dst(%dma_wait3A_2238 : memref<128x16xf32, #tpu.memory_space<vmem>>)
      %dma_wait3A_2249 = arith.constant 14 : i32
      %dma_wait3A_2250 = arith.constant 1792 : i32
      %dma_wait3A_2251 = arith.constant 0 : i32
      %dma_wait3A_2252 = tpu.memref_slice %arg8[%dma_wait3A_2250, %dma_wait3A_2251] : memref<2048x16xf32, #tpu.memory_space<vmem>> -> memref<128x16xf32, #tpu.memory_space<vmem>>
      %dma_wait3A_2253 = arith.constant 0 : i32
      %dma_wait3A_2254 = tpu.memref_slice %arg6[%dma_wait3A_2249, %dma_wait3A_2253] : memref<16x128xi32, #tpu.memory_space<vmem>> -> memref<1x128xi32, #tpu.memory_space<vmem>>
      %dma_wait3A_2255 = tpu.memref_squeeze %dma_wait3A_2254 : memref<1x128xi32, #tpu.memory_space<vmem>> -> memref<128xi32, #tpu.memory_space<vmem>>
      %dma_wait3A_2256 = arith.constant 0 : i32
      %dma_wait3A_2257 = arith.constant 0 : i32
      %dma_wait3A_2258 = tpu.memref_slice %arg2[%select_n3A, %add3A_1830, %dma_wait3A_2256, %dma_wait3A_2257] : memref<8x128x2048x16xf32, #tpu.memory_space<hbm>> -> memref<1x1x2048x16xf32, #tpu.memory_space<hbm>>
      %dma_wait3A_2259 = tpu.memref_squeeze %dma_wait3A_2258 : memref<1x1x2048x16xf32, #tpu.memory_space<hbm>> -> memref<2048x16xf32, #tpu.memory_space<hbm>>
      %dma_wait3A_2260 = arith.constant 0 : i32
      %dma_wait3A_2261 = arith.constant 0 : i32
      %dma_wait3A_2262 = tpu.memref_slice %dma_wait3A_2259[%dma_wait3A_2260, %dma_wait3A_2261] : memref<2048x16xf32, #tpu.memory_space<hbm>> -> memref<2048x16xf32, #tpu.memory_space<hbm>>
      tpu.wait_indirect_dma semaphore(%arg10 : memref<!tpu.dma_semaphore, #tpu.memory_space<semaphore_mem>>) src(%dma_wait3A_2262 : memref<2048x16xf32, #tpu.memory_space<hbm>>) dst(%dma_wait3A_2252 : memref<128x16xf32, #tpu.memory_space<vmem>>)
      %dma_wait3A_2263 = arith.constant 15 : i32
      %dma_wait3A_2264 = arith.constant 1920 : i32
      %dma_wait3A_2265 = arith.constant 0 : i32
      %dma_wait3A_2266 = tpu.memref_slice %arg8[%dma_wait3A_2264, %dma_wait3A_2265] : memref<2048x16xf32, #tpu.memory_space<vmem>> -> memref<128x16xf32, #tpu.memory_space<vmem>>
      %dma_wait3A_2267 = arith.constant 0 : i32
      %dma_wait3A_2268 = tpu.memref_slice %arg6[%dma_wait3A_2263, %dma_wait3A_2267] : memref<16x128xi32, #tpu.memory_space<vmem>> -> memref<1x128xi32, #tpu.memory_space<vmem>>
      %dma_wait3A_2269 = tpu.memref_squeeze %dma_wait3A_2268 : memref<1x128xi32, #tpu.memory_space<vmem>> -> memref<128xi32, #tpu.memory_space<vmem>>
      %dma_wait3A_2270 = arith.constant 0 : i32
      %dma_wait3A_2271 = arith.constant 0 : i32
      %dma_wait3A_2272 = tpu.memref_slice %arg2[%select_n3A, %add3A_1830, %dma_wait3A_2270, %dma_wait3A_2271] : memref<8x128x2048x16xf32, #tpu.memory_space<hbm>> -> memref<1x1x2048x16xf32, #tpu.memory_space<hbm>>
      %dma_wait3A_2273 = tpu.memref_squeeze %dma_wait3A_2272 : memref<1x1x2048x16xf32, #tpu.memory_space<hbm>> -> memref<2048x16xf32, #tpu.memory_space<hbm>>
      %dma_wait3A_2274 = arith.constant 0 : i32
      %dma_wait3A_2275 = arith.constant 0 : i32
      %dma_wait3A_2276 = tpu.memref_slice %dma_wait3A_2273[%dma_wait3A_2274, %dma_wait3A_2275] : memref<2048x16xf32, #tpu.memory_space<hbm>> -> memref<2048x16xf32, #tpu.memory_space<hbm>>
      tpu.wait_indirect_dma semaphore(%arg10 : memref<!tpu.dma_semaphore, #tpu.memory_space<semaphore_mem>>) src(%dma_wait3A_2276 : memref<2048x16xf32, #tpu.memory_space<hbm>>) dst(%dma_wait3A_2266 : memref<128x16xf32, #tpu.memory_space<vmem>>)
      %scan3A_2277 = arith.constant 0 : i32
      %scan3A_2278 = arith.constant 0 : i32
      %scan3A_2279 = arith.constant 128 : i32
      %scan3A_2280 = arith.addi %scan3A_2278, %scan3A_2279 : i32
      %scan3A_2281 = arith.constant 1 : i32
      %scan3A_2282 = scf.for %scan3A_2285 = %scan3A_2278 to %scan3A_2280 step %scan3A_2281 iter_args(%scan3A_2286 = %scan3A_2277) -> (i32)  : i32 {
        %mul3A_2287 = arith.constant 16 : i32
        %mul3A_2288 = arith.muli %scan3A_2285, %mul3A_2287 : i32
        %iota3A = tpu.iota {dimensions = array<i32: 0>} : vector<16xi32>
        %add3A_2289 = vector.broadcast %mul3A_2288 : i32 to vector<16xi32>
        %add3A_2290 = arith.addi %add3A_2289, %iota3A : vector<16xi32>
        %mul3A_2291 = arith.constant 16 : i32
        %mul3A_2292 = arith.muli %scan3A_2285, %mul3A_2291 : i32
        %get3A_2293 = arith.index_cast %mul3A_2292 : i32 to index
        %get3A_2294 = tpu.vector_load %arg7[%get3A_2293] {strides = array<i32>} : memref<2048xi32, #tpu.memory_space<vmem>>, vector<16xi32>,
        %gather3A = tpu.vector_load_idx %arg8[%add3A_2290, %get3A_2294] : memref<2048x16xf32, #tpu.memory_space<vmem>>[vector<16xi32>, vector<16xi32>], vector<16xf32>,
        %mul3A_2295 = arith.constant 16 : i32
        %mul3A_2296 = arith.muli %scan3A_2285, %mul3A_2295 : i32
        %swap3A_2297 = arith.index_cast %mul3A_2296 : i32 to index
        %swap3A_2298 = tpu.vector_load %arg9[%swap3A_2297] {strides = array<i32>} : memref<2048xf32, #tpu.memory_space<vmem>>, vector<16xf32>,
        tpu.vector_store %arg9[%swap3A_2297], %gather3A {strides = array<i32>} : memref<2048xf32, #tpu.memory_space<vmem>>, vector<16xf32>,
        %scan3A_2299 = arith.constant 0 : i32
        scf.yield %scan3A_2299 : i32
      }
      %scan3A_2283 = arith.constant 128 : i32
      "tpu.region"() ({
        %run_scoped3A = tpu.sem_alloc : memref<!tpu.dma_semaphore, #tpu.memory_space<semaphore_mem>>
        %dma_start3A_2285 = arith.constant 0 : i32
        %dma_start3A_2286 = tpu.memref_slice %arg4[%select_n3A, %add3A_1830, %dma_start3A_2285] : memref<8x128x2048xf32, #tpu.memory_space<hbm>> -> memref<1x1x2048xf32, #tpu.memory_space<hbm>>
        %dma_start3A_2287 = tpu.memref_squeeze %dma_start3A_2286 : memref<1x1x2048xf32, #tpu.memory_space<hbm>> -> memref<2048xf32, #tpu.memory_space<hbm>>
        %dma_start3A_2288 = arith.constant 0 : i32
        %dma_start3A_2289 = tpu.memref_slice %arg4[%select_n3A, %add3A_1830, %dma_start3A_2288] : memref<8x128x2048xf32, #tpu.memory_space<hbm>> -> memref<1x1x2048xf32, #tpu.memory_space<hbm>>
        %dma_start3A_2290 = tpu.memref_squeeze %dma_start3A_2289 : memref<1x1x2048xf32, #tpu.memory_space<hbm>> -> memref<2048xf32, #tpu.memory_space<hbm>>
        tpu.enqueue_dma source(%arg9 : memref<2048xf32, #tpu.memory_space<vmem>>) target(%dma_start3A_2290 : memref<2048xf32, #tpu.memory_space<hbm>>) target_semaphore(%run_scoped3A : memref<!tpu.dma_semaphore, #tpu.memory_space<semaphore_mem>>)
        %dma_wait3A_2291 = arith.constant 0 : i32
        %dma_wait3A_2292 = tpu.memref_slice %arg4[%select_n3A, %add3A_1830, %dma_wait3A_2291] : memref<8x128x2048xf32, #tpu.memory_space<hbm>> -> memref<1x1x2048xf32, #tpu.memory_space<hbm>>
        %dma_wait3A_2293 = tpu.memref_squeeze %dma_wait3A_2292 : memref<1x1x2048xf32, #tpu.memory_space<hbm>> -> memref<2048xf32, #tpu.memory_space<hbm>>
        %dma_wait3A_2294 = arith.constant 0 : i32
        %dma_wait3A_2295 = tpu.memref_slice %arg4[%select_n3A, %add3A_1830, %dma_wait3A_2294] : memref<8x128x2048xf32, #tpu.memory_space<hbm>> -> memref<1x1x2048xf32, #tpu.memory_space<hbm>>
        %dma_wait3A_2296 = tpu.memref_squeeze %dma_wait3A_2295 : memref<1x1x2048xf32, #tpu.memory_space<hbm>> -> memref<2048xf32, #tpu.memory_space<hbm>>
        tpu.wait_dma2 semaphore(%run_scoped3A : memref<!tpu.dma_semaphore, #tpu.memory_space<semaphore_mem>>) src(%arg9 : memref<2048xf32, #tpu.memory_space<vmem>>) dst(%dma_wait3A_2296 : memref<2048xf32, #tpu.memory_space<hbm>>)
        tpu.yield
      }) : () -> ()
      %scan3A_2284 = arith.constant 0 : i32
      scf.yield %scan3A_2284 : i32
    }
    %scan3A_1827 = arith.constant 32 : i32
    return
  }
}

</mosaic_0001>

<sc_bundles>
// kernel: feat_gather_sc.3.cloned.1.call-start
scs
__scs_entry_jumppad:
0x0: {  	(pc) =	sbr.rel $0x88, $3  }
0x1: {  	(tag) =	ssettag $0x0;
	lr =	simm.s32 $0x1  }
0x2: {  	[smem:$0x3F9F] =	sst lr;
	_ =	strace $0xD0000000  }
0x3: {  	_ = 	snop  }
0x4: {  	_ = 	snop  }
0x5: {  	_ = 	snop  }
0x6: {  	_ = 	snop  }
0x7: {  	_ = 	snop  }
__scs_overlays_trampoline_lowered:
0x8: {  	[smem:$0x3FAE] =	sst s0  }
0x9: {  	[smem:$0x3FAF] =	sst s1  }
0xa: {  	[smem:$0x3FB0] =	sst s2  }
0xb: {  	[smem:$0x3FB1] =	sst s3  }
0xc: {  	[smem:$0x3FB2] =	sst s4  }
0xd: {  	[smem:$0x3FB3] =	sst s5  }
0xe: {  	[smem:$0x3FB4] =	sst s6  }
0xf: {  	[smem:$0x3FB5] =	sst s7  }
0x10: {  	[smem:$0x3FB6] =	sst s8  }
0x11: {  	[smem:$0x3FB7] =	sst s9;
	s0 =	simm.s32 @!p0 $0x0  }
0x12: {  	s1 =	sld [smem:$0x3F9D];
	s0 =	simm.s32 @p0 $0x1  }
0x13: {  	[smem:$0x3FB8] =	sst s0;
	s0 =	simm.s32 @!p1 $0x0  }
0x14: {  	s2 =	sld [smem:$0x3F9C];
	s0 =	simm.s32 @p1 $0x1  }
0x15: {  	[smem:$0x3FB9] =	sst s0;
	s0 =	simm.s32 @!p2 $0x0  }
0x16: {  	s3 =	sld [smem:$0x3FDB];
	s0 =	simm.s32 @p2 $0x1  }
0x17: {  	s4 =	simm.s32 $0x1BF5;
	[smem:$0x3FBB] =	sst s0  }
0x18: {  	s0 =	sld [smem:$0x3F9E];
	_ =	swait.ge [sflag:s4], $0x0  }
0x19: {  	s7 =	sld [smem:$0x3F9F]  }
0x1a: {  	s8 =	sadd.s32 $0xFFFFE003, lr  }
0x1b: {  	s9 =	sadd.s32 $0xFFFFFEF7, lr;
	s5 =	simm.s32 $0xFFFFFFFF;
	p2 =	slt.u32 s8, $0xFFFFF086  }
0x1c: {  	p1 =	slt.u32 s9, $0xF7A;
	s5 =	simm.s32 @!p2 $0x0  }
0x1d: {  	s5 =	simm.s32 @p1 $0x1;
	p0 =	seq.s32 s7, s2  }
0x1e: {  	s7 =	smul.u32 @!p0 $0xF7A, s2;
	p2 =	seq.s32 @!p0 s5, $0x0  }
0x1f: {  	s9 =	smul.u32 $0xF7A, s1;
	s8 =	simm.s32 @!p0 $0x1BF5;
	p2 =	por !p2, p0  }
0x20: {  	[sflag:s8] =	ssyncset.s32 @!p0 $0xFFFFF086;
	s6 =	sadd.s32 @!p0 s3, s7;
	s7 =	simm.s32 @!p0 $0x108  }
0x21: {  	s3 =	sadd.s32 s3, s9;
	s6 =	sadd.s32 @!p0 $0x88, s6;
	s7 =	simm.s32 @p2 $0x1082  }
0x22: {  	[simem:s7], [sflag:s8] =	dma.local @!p0 [hbm:s6], $0xF7A  }
0x23: {  	s9 =	sor.u32 $0xD0000000, s2;
	s6 =	simm.s32 $0x108;
	_ =	swait.ge @!p0 [sflag:s8], $0x0  }
0x24: {  	s3 =	sadd.s32 $0x88, s3;
	s6 =	simm.s32 @!p1 $0x1082;
	[sflag:s4] =	ssyncset.s32 $0xFFFFF086  }
0x25: {  	[simem:s6], [sflag:s4] =	dma.local [hbm:s3], $0xF7A  }
0x26: {  	[smem:$0x3F9F] =	sst s1;
	(tag) =	ssettag s2;
	_ =	strace s9  }
0x27: {  	s1 =	sld [smem:$0x3FAF]  }
0x28: {  	s2 =	sld [smem:$0x3FB0]  }
0x29: {  	s4 =	sld [smem:$0x3FB2]  }
0x2a: {  	p0 =	seq.s32 s5, $0x0;
	s5 =	sld [smem:$0x3FB3]  }
0x2b: {  	s6 =	sld [smem:$0x3FB4]  }
0x2c: {  	s7 =	sld [smem:$0x3FB5]  }
0x2d: {  	s3 =	simm.s32 $0x108;
	s8 =	sld [smem:$0x3FB6]  }
0x2e: {  	s3 =	simm.s32 @!p0 $0x1082;
	s9 =	sld [smem:$0x3FB7]  }
0x2f: {  	lr =	sadd.s32 s0, s3;
	s0 =	sld [smem:$0x3FAE]  }
0x30: {  	s3 =	sld [smem:$0x3FB1]  }
0x31: {  	[smem:$0x3FBA] =	sst s10  }
0x32: {  	s10 =	sld [smem:$0x3FB8];
	_ =	sdelay $0x3  }
0x33: {  	p0 =	seq.s32 s10, $0x1;
	s10 =	sld [smem:$0x3FBA];
	_ =	sdelay $0x3  }
0x34: {  	[smem:$0x3FBA] =	sst s10  }
0x35: {  	s10 =	sld [smem:$0x3FB9];
	_ =	sdelay $0x3  }
0x36: {  	p1 =	seq.s32 s10, $0x1;
	s10 =	sld [smem:$0x3FBA];
	_ =	sdelay $0x3  }
0x37: {  	[smem:$0x3FBA] =	sst s10  }
0x38: {  	s10 =	sld [smem:$0x3FBB]  }
0x39: {  	_ = 	snop;
	(pc) =	sbr.ind lr, $3  }
0x3a: {  	_ = 	snop  }
0x3b: {  	_ = 	snop  }
0x3c: {  	p2 =	seq.s32 s10, $0x1;
	s10 =	sld [smem:$0x3FBA]  }
0x3d: {  	_ =	shalt  }
0x3e: {  	_ =	shalt  }
0x3f: {  	_ =	shalt  }
0x40: {  	_ =	shalt  }
0x41: {  	_ =	shalt  }
0x42: {  	_ =	shalt  }
0x43: {  	_ =	shalt  }
0x44: {  	_ =	shalt  }
0x45: {  	_ =	shalt  }
0x46: {  	_ =	shalt  }
0x47: {  	_ =	shalt  }
0x48: {  	_ =	shalt  }
0x49: {  	_ =	shalt  }
0x4a: {  	_ =	shalt  }
0x4b: {  	_ =	shalt  }
0x4c: {  	_ =	shalt  }
0x4d: {  	_ =	shalt  }
0x4e: {  	_ =	shalt  }
0x4f: {  	_ =	shalt  }
0x50: {  	_ =	shalt  }
0x51: {  	_ =	shalt  }
0x52: {  	_ =	shalt  }
0x53: {  	_ =	shalt  }
0x54: {  	_ =	shalt  }
0x55: {  	_ =	shalt  }
0x56: {  	_ =	shalt  }
0x57: {  	_ =	shalt  }
0x58: {  	_ =	shalt  }
0x59: {  	_ =	shalt  }
0x5a: {  	_ =	shalt  }
0x5b: {  	_ =	shalt  }
0x5c: {  	_ =	shalt  }
0x5d: {  	_ =	shalt  }
0x5e: {  	_ =	shalt  }
0x5f: {  	_ =	shalt  }
0x60: {  	_ =	shalt  }
0x61: {  	_ =	shalt  }
0x62: {  	_ =	shalt  }
0x63: {  	_ =	shalt  }
0x64: {  	_ =	shalt  }
0x65: {  	_ =	shalt  }
0x66: {  	_ =	shalt  }
0x67: {  	_ =	shalt  }
0x68: {  	_ =	shalt  }
0x69: {  	_ =	shalt  }
0x6a: {  	_ =	shalt  }
0x6b: {  	_ =	shalt  }
0x6c: {  	_ =	shalt  }
0x6d: {  	_ =	shalt  }
0x6e: {  	_ =	shalt  }
0x6f: {  	_ =	shalt  }
0x70: {  	_ =	shalt  }
0x71: {  	_ =	shalt  }
0x72: {  	_ =	shalt  }
0x73: {  	_ =	shalt  }
0x74: {  	_ =	shalt  }
0x75: {  	_ =	shalt  }
0x76: {  	_ =	shalt  }
0x77: {  	_ =	shalt  }
0x78: {  	_ =	shalt  }
0x79: {  	_ =	shalt  }
0x7a: {  	_ =	shalt  }
0x7b: {  	_ =	shalt  }
0x7c: {  	_ =	shalt  }
0x7d: {  	_ =	shalt  }
0x7e: {  	_ =	shalt  }
0x7f: {  	_ =	shalt  }
0x80: {  	_ =	shalt  }
0x81: {  	_ =	shalt  }
0x82: {  	_ =	shalt  }
0x83: {  	_ =	shalt  }
0x84: {  	_ =	shalt  }
0x85: {  	_ =	shalt  }
0x86: {  	_ =	shalt  }
0x87: {  	_ =	shalt  }
.Lfunc_end0:
.L_simem_size_0:
called_computation.2_lowered:
.L_overlay_start_0:
0x88: {  	s2 =	sld [smem:$0x3FD9]  }
0x89: {  	s3 =	sld [smem:$0x3FFE];
	_ =	sdelay $0x1  }
0x8a: {  	s1 =	srdreg.scid  }
0x8b: {  	s0 =	sand.u32 $0x1, s1  }
0x8c: {  	s16 =	sshll.u32 s0, $0xA;
	s2 =	sadd.s32 s3, s2  }
0x8d: {  	s2 =	sadd.s32 s2, s16  }
0x8e: {  	[smem:$0x3FC6] =	sst s2  }
0x8f: {  	_ = 	snop  }
0x90: {  	(tm) =	ssettm $0x1  }
0x91: {  	s17 =	sld [smem:$0x3FFB];
	_ =	sdelay $0x3  }
0x92: {  	_ =	strace s17  }
0x93: {  	s2 =	sld [smem:$0x3FFC];
	_ =	sdelay $0x3  }
0x94: {  	_ =	strace s2  }
0x95: {  	s2 =	sld [smem:$0x3FFD];
	_ =	sdelay $0x3  }
0x96: {  	_ =	strace s2  }
0x97: {  	_ =	strace $0x8FFFFFFF  }
0x98: {  	s18 =	sld [smem:$0x3FDB];
	_ =	sdelay $0x1  }
0x99: {  	s19 =	simm.s32 $_scs_section_size  }
0x9a: {  	s4 =	simm.s32 $_size__tile_overlayer_lowered;
	s5 =	simm.s32 $_tile_overlayer_lowered  }
0x9b: {  	s22 =	simm.s32 $0x1BFF;
	s21 =	sshll.u32 s5, $0x1;
	s2 =	sadd.s32 s19, s18  }
0x9c: {  	s6 =	simm.s32 $0x0;
	s20 =	sshll.u32 s4, $0x1;
	s4 =	sadd.s32 s21, s2  }
0x9d: {  	[timem:s6], [sflag:s22] =	dma.local [hbm:s4], s20  }
0x9e: {  	_ =	swait.ge [sflag:s22], s20  }
0x9f: {  	s3 =	ssub.s32 $0x0, s20;
	[sflag:s22] =	ssyncset.done $0x0  }
0xa0: {  	[sflag:s22] =	ssyncadd.s32 s3;
	_ =	sdelay $0x1  }
0xa1: {  	s23 =	simm.s32 $0x1B8B  }
0xa2: {  	_ =	swait.ge [sflag:s23], $0x1  }
0xa3: {  	[sflag:s23] =	ssyncset.done $0x0  }
0xa4: {  	s25 =	simm.s32 $0x1B8E;
	s24 =	sld [smem:$0x3FFE];
	[sflag:s23] =	ssyncadd.s32 $0xFFFFFFFF  }
0xa5: {  	s26 =	simm.s32 $execute0_lowered;
	[smem:$0x3FD2] =	sst s25  }
0xa6: {  	s4 =	sshll.u32 s26, $0x1;
	_ =	strace $0x8000004C;
	[dreg:$0x1] =	wrdreg $0xFFFFFFFF  }
0xa7: {  	s28 =	simm.s32 $_size_execute0_lowered;
	s2 =	sadd.s32 s2, s4;
	[dreg:$0x0] =	wrdreg $0x0  }
0xa8: {  	s4 =	sshll.u32 s28, $0x1;
	[dreg:$0x2] =	wrdreg s2  }
0xa9: {  	[dreg:$0x3] =	wrdreg s4  }
0xaa: {  	[dreg:$0x4] =	wrdreg $0xC0  }
0xab: {  	_ =	task [dreg:s6], $0x5FFFF  }
0xac: {  	[dreg:$0x1] =	wrdreg $0xFFFFFFFF  }
0xad: {  	[dreg:$0x0] =	wrdreg $0x60  }
0xae: {  	[dreg:$0x2] =	wrdreg s24  }
0xaf: {  	[dreg:$0x3] =	wrdreg $0x9  }
0xb0: {  	_ =	task.clear_ibuf [dreg:s6], $0x4FFFF;
	_ =	strace $0x9000004C  }
0xb1: {  	s29 =	simm.s32 $0x9;
	_ =	strace $0x8000004E  }
0xb2: {  	_ =	swait.ge [sflag:s29], $0x1  }
0xb3: {  	[sflag:s29] =	ssyncadd.s32 $0xFFFFFFFF  }
0xb4: {  	_ =	strace $0x9000004E  }
0xb5: {  	_ =	sfence  }
0xb6: {  	s30 =	sld [smem:$0x0];
	_ =	sdelay $0x2  }
0xb7: {  	s31 =	sshll.u32 s1, $0xD;
	s1 =	sshrl.u32 s1, $0x2  }
0xb8: {  	s3 =	sand.u32 $0x4000, s31;
	s1 =	sadd.s32 s1, s30  }
0xb9: {  	s0 =	sor.u32 s3, s0;
	s1 =	sshll.u32 s1, $0x11  }
0xba: {  	s0 =	sor.u32 s1, s0  }
0xbb: {  	s0 =	sadd.s32 $0x8F2B, s0  }
0xbc: {  	[sflag:s0] =	ssyncadd.remote.s32 $0x1  }
0xbd: {  	_ =	sfence.sel $0xFFFF  }
0xbe: {  	[dreg:$0x0] =	wrdreg $0xFFFFFFFF;
	(pc) =	sbr.abs _section_cstart, $3  }
0xbf: {  	[dreg:$0x1] =	wrdreg $0xFFFFFFFF  }
0xc0: {  	_ =	task.clear_ibuf [dreg:s6], $0x2FFFF;
	_ =	strace $0x9FFFFFFF  }
0xc1: {  	(tm) =	ssettm $0x7FFFFFFF  }
tec
execute0_lowered:
.L_overlay_start_1:
0x0: {  	(tag) =	ssettag $0x1  }
0x1: {  	s0 =	srdreg.scid  }
0x2: {  	s2 =	stileid.u32;
	s5 =	rddreg [dreg:$0x0]  }
0x3: {  	s3 =	simm.s32 $0x1;
	s4 =	simm.s32 $0x0;
	s11 =	simm.s32 $0x2  }
0x4: {  	s12 =	simm.s32 $0x80;
	s14 =	simm.s32 $0x1800;
	s31 =	simm.s32 $0x5800  }
0x5: {  	s10 =	simm.s32 $0x6800;
	s13 =	simm.s32 $0xD80;
	s15 =	simm.s32 $0x7000  }
0x6: {  	s16 =	simm.s32 $0xE00;
	s17 =	simm.s32 $0x7800;
	s18 =	simm.s32 $0xE80  }
0x7: {  	s19 =	simm.s32 $0xF00;
	s20 =	simm.s32 $0x8800;
	s0 =	sand.u32 $0x1, s0  }
0x8: {  	s21 =	simm.s32 $0xF80;
	s22 =	simm.s32 $0x9000;
	s1 =	sshll.u32 s0, $0x4  }
0x9: {  	s23 =	simm.s32 $0x9800;
	s1 =	sor.u32 s2, s1;
	s2 =	sand.u32 $0x3, s2  }
0xa: {  	s25 =	simm.s32 $0x0;
	p0 =	seq.s32 s1, $0x0;
	p1 =	sne.s32 s2, $0x0  }
0xb: {  	[smem:$0x7FF] =	sst s4;
	s0 =	ssub.s32 $0x2, s0;
	p0 =	por !p1, !p0  }
0xc: {  	s4 =	simm.s32 $0x1;
	s29 =	sshrl.u32 s0, $0x1;
	p0 =	por !p0, !p0  }
0xd: {  	s1 =	sshrl.u32 s1, $0x2;
	s0 =	ssub.s32 s0, s29;
	s3 =	simm.s32 @!p0 $0x0  }
0xe: {  	_ =	strace $0x8000004D;
	s0 =	smax.u32 s0, $0x1;
	s1 =	ssub.s32 s1, s3  }
0xf: {  	[dreg:$0x3] =	wrdreg s0;
	s0 =	simm.s32 $0x6000;
	s6 =	sshll.u32 s1, $0x8  }
0x10: {  	s3 =	sadd.s32 $0x2000, s5;
	s8 =	sshll.u32 s1, $0x16;
	s6 =	sand.u32 $0x1FFFFF00, s6  }
0x11: {  	s9 =	sshll.u32 s1, $0x12;
	s1 =	simm.s32 $0xC80;
	s7 =	sadd.s32 s6, s5  }
0x12: {  	v0 =	vlaneseq.u32;
	s5 =	sadd.s32 $0x402000, s5;
	s6 =	sshll.u32 s2, $0x5;
	s30 =	sadd.s32 $0x2412A00, s7  }
0x13: {  	v0 =	vmul.u32 $0x10, v0;
	s2 =	simm.s32 $0x8000;
	s7 =	simm.s32 $0xD00;
	[dreg:$0x2] =	wrdreg s30  }
.LBB2_1:
0x14: {  	[dreg:$0x4] =	wrdreg s25  }
0x15: {  	s24 =	simm.s32 $0x0;
	s30 =	rddreg [dreg:$0x2]  }
0x16: {  	[tilespmem:s24], [sflag:$0x2] =	stream.linear.gather [hbm4b:s30+s24], $0x800, $0x38;
	[tilespmem:$0xA000] =	vst v63  }
0x17: {  	_ =	swait.ge [sflag:s11], $0x800  }
0x18: {  	[sflag:s11] =	ssyncset.done $0x0  }
0x19: {  	[sflag:s11] =	ssyncadd.s32 $0xFFFFF800  }
0x1a: {  	v1 =	vld [tilespmem:$0x0];
	_ =	sdelay $0x1  }
0x1b: {  	v2 =	vld [tilespmem:$0x10];
	_ =	sdelay $0x1  }
0x1c: {  	v3 =	vld [tilespmem:$0x20]  }
0x1d: {  	v4 =	vshrl.u32 v1, $0x4  }
0x1e: {  	v22 =	vld [tilespmem:$0x30];
	v1 =	vand.u32 $0xF, v1;
	[tilespmem:$0x800] =	vst v4  }
0x1f: {  	[tilespmem:$0x1000] =	vst v1;
	v1 =	vshrl.u32 v2, $0x4  }
0x20: {  	[tilespmem:$0x810] =	vst v1;
	v1 =	vand.u32 $0xF, v2;
	v2 =	vld [tilespmem:$0x40]  }
0x21: {  	[tilespmem:$0x1010] =	vst v1;
	v1 =	vshrl.u32 v3, $0x4  }
0x22: {  	[tilespmem:$0x820] =	vst v1;
	v1 =	vand.u32 $0xF, v3;
	v3 =	vld [tilespmem:$0x50]  }
0x23: {  	[tilespmem:$0x1020] =	vst v1;
	v1 =	vshrl.u32 v22, $0x4  }
0x24: {  	v23 =	vld [tilespmem:$0x60];
	[tilespmem:$0x830] =	vst v1;
	v1 =	vand.u32 $0xF, v22  }
0x25: {  	[tilespmem:$0x1030] =	vst v1;
	v1 =	vshrl.u32 v2, $0x4  }
0x26: {  	[tilespmem:$0x840] =	vst v1;
	v1 =	vand.u32 $0xF, v2;
	v2 =	vld [tilespmem:$0x70]  }
0x27: {  	[tilespmem:$0x1040] =	vst v1;
	v1 =	vshrl.u32 v3, $0x4  }
0x28: {  	[tilespmem:$0x850] =	vst v1;
	v1 =	vand.u32 $0xF, v3;
	v3 =	vld [tilespmem:$0x80]  }
0x29: {  	[tilespmem:$0x1050] =	vst v1;
	v1 =	vshrl.u32 v23, $0x4  }
0x2a: {  	v24 =	vld [tilespmem:$0x90];
	[tilespmem:$0x860] =	vst v1;
	v1 =	vand.u32 $0xF, v23  }
0x2b: {  	[tilespmem:$0x1060] =	vst v1;
	v1 =	vshrl.u32 v2, $0x4  }
0x2c: {  	[tilespmem:$0x870] =	vst v1;
	v1 =	vand.u32 $0xF, v2;
	v2 =	vld [tilespmem:$0xA0]  }
0x2d: {  	[tilespmem:$0x1070] =	vst v1;
	v1 =	vshrl.u32 v3, $0x4  }
0x2e: {  	[tilespmem:$0x880] =	vst v1;
	v1 =	vand.u32 $0xF, v3;
	v3 =	vld [tilespmem:$0xB0]  }
0x2f: {  	[tilespmem:$0x1080] =	vst v1;
	v1 =	vshrl.u32 v24, $0x4  }
0x30: {  	v25 =	vld [tilespmem:$0xC0];
	[tilespmem:$0x890] =	vst v1;
	v1 =	vand.u32 $0xF, v24  }
0x31: {  	[tilespmem:$0x1090] =	vst v1;
	v1 =	vshrl.u32 v2, $0x4  }
0x32: {  	[tilespmem:$0x8A0] =	vst v1;
	v1 =	vand.u32 $0xF, v2;
	v2 =	vld [tilespmem:$0xD0]  }
0x33: {  	[tilespmem:$0x10A0] =	vst v1;
	v1 =	vshrl.u32 v3, $0x4  }
0x34: {  	[tilespmem:$0x8B0] =	vst v1;
	v1 =	vand.u32 $0xF, v3;
	v3 =	vld [tilespmem:$0xE0]  }
0x35: {  	[tilespmem:$0x10B0] =	vst v1;
	v1 =	vshrl.u32 v25, $0x4  }
0x36: {  	v26 =	vld [tilespmem:$0xF0];
	[tilespmem:$0x8C0] =	vst v1;
	v1 =	vand.u32 $0xF, v25  }
0x37: {  	[tilespmem:$0x10C0] =	vst v1;
	v1 =	vshrl.u32 v2, $0x4  }
0x38: {  	[tilespmem:$0x8D0] =	vst v1;
	v1 =	vand.u32 $0xF, v2;
	v2 =	vld [tilespmem:$0x100]  }
0x39: {  	[tilespmem:$0x10D0] =	vst v1;
	v1 =	vshrl.u32 v3, $0x4  }
0x3a: {  	[tilespmem:$0x8E0] =	vst v1;
	v1 =	vand.u32 $0xF, v3;
	v3 =	vld [tilespmem:$0x110]  }
0x3b: {  	[tilespmem:$0x10E0] =	vst v1;
	v1 =	vshrl.u32 v26, $0x4  }
0x3c: {  	v27 =	vld [tilespmem:$0x120];
	[tilespmem:$0x8F0] =	vst v1;
	v1 =	vand.u32 $0xF, v26  }
0x3d: {  	[tilespmem:$0x10F0] =	vst v1;
	v1 =	vshrl.u32 v2, $0x4  }
0x3e: {  	[tilespmem:$0x900] =	vst v1;
	v1 =	vand.u32 $0xF, v2;
	v2 =	vld [tilespmem:$0x130]  }
0x3f: {  	[tilespmem:$0x1100] =	vst v1;
	v1 =	vshrl.u32 v3, $0x4  }
0x40: {  	[tilespmem:$0x910] =	vst v1;
	v1 =	vand.u32 $0xF, v3;
	v3 =	vld [tilespmem:$0x140]  }
0x41: {  	[tilespmem:$0x1110] =	vst v1;
	v1 =	vshrl.u32 v27, $0x4  }
0x42: {  	v28 =	vld [tilespmem:$0x150];
	[tilespmem:$0x920] =	vst v1;
	v1 =	vand.u32 $0xF, v27  }
0x43: {  	[tilespmem:$0x1120] =	vst v1;
	v1 =	vshrl.u32 v2, $0x4  }
0x44: {  	[tilespmem:$0x930] =	vst v1;
	v1 =	vand.u32 $0xF, v2;
	v2 =	vld [tilespmem:$0x160]  }
0x45: {  	[tilespmem:$0x1130] =	vst v1;
	v1 =	vshrl.u32 v3, $0x4  }
0x46: {  	[tilespmem:$0x940] =	vst v1;
	v1 =	vand.u32 $0xF, v3;
	v3 =	vld [tilespmem:$0x170]  }
0x47: {  	[tilespmem:$0x1140] =	vst v1;
	v1 =	vshrl.u32 v28, $0x4  }
0x48: {  	v29 =	vld [tilespmem:$0x180];
	[tilespmem:$0x950] =	vst v1;
	v1 =	vand.u32 $0xF, v28  }
0x49: {  	[tilespmem:$0x1150] =	vst v1;
	v1 =	vshrl.u32 v2, $0x4  }
0x4a: {  	[tilespmem:$0x960] =	vst v1;
	v1 =	vand.u32 $0xF, v2;
	v2 =	vld [tilespmem:$0x190]  }
0x4b: {  	[tilespmem:$0x1160] =	vst v1;
	v1 =	vshrl.u32 v3, $0x4  }
0x4c: {  	[tilespmem:$0x970] =	vst v1;
	v1 =	vand.u32 $0xF, v3;
	v3 =	vld [tilespmem:$0x1A0]  }
0x4d: {  	[tilespmem:$0x1170] =	vst v1;
	v1 =	vshrl.u32 v29, $0x4  }
0x4e: {  	v30 =	vld [tilespmem:$0x1B0];
	[tilespmem:$0x980] =	vst v1;
	v1 =	vand.u32 $0xF, v29  }
0x4f: {  	[tilespmem:$0x1180] =	vst v1;
	v1 =	vshrl.u32 v2, $0x4  }
0x50: {  	[tilespmem:$0x990] =	vst v1;
	v1 =	vand.u32 $0xF, v2;
	v2 =	vld [tilespmem:$0x1C0]  }
0x51: {  	[tilespmem:$0x1190] =	vst v1;
	v1 =	vshrl.u32 v3, $0x4  }
0x52: {  	[tilespmem:$0x9A0] =	vst v1;
	v1 =	vand.u32 $0xF, v3;
	v3 =	vld [tilespmem:$0x1D0]  }
0x53: {  	[tilespmem:$0x11A0] =	vst v1;
	v1 =	vshrl.u32 v30, $0x4  }
0x54: {  	v31 =	vld [tilespmem:$0x1E0];
	[tilespmem:$0x9B0] =	vst v1;
	v1 =	vand.u32 $0xF, v30  }
0x55: {  	[tilespmem:$0x11B0] =	vst v1;
	v1 =	vshrl.u32 v2, $0x4  }
0x56: {  	[tilespmem:$0x9C0] =	vst v1;
	v1 =	vand.u32 $0xF, v2;
	v2 =	vld [tilespmem:$0x1F0]  }
0x57: {  	[tilespmem:$0x11C0] =	vst v1;
	v1 =	vshrl.u32 v3, $0x4  }
0x58: {  	[tilespmem:$0x9D0] =	vst v1;
	v1 =	vand.u32 $0xF, v3;
	v3 =	vld [tilespmem:$0x200]  }
0x59: {  	[tilespmem:$0x11D0] =	vst v1;
	v1 =	vshrl.u32 v31, $0x4  }
0x5a: {  	v32 =	vld [tilespmem:$0x210];
	[tilespmem:$0x9E0] =	vst v1;
	v1 =	vand.u32 $0xF, v31  }
0x5b: {  	[tilespmem:$0x11E0] =	vst v1;
	v1 =	vshrl.u32 v2, $0x4  }
0x5c: {  	[tilespmem:$0x9F0] =	vst v1;
	v1 =	vand.u32 $0xF, v2;
	v2 =	vld [tilespmem:$0x220]  }
0x5d: {  	[tilespmem:$0x11F0] =	vst v1;
	v1 =	vshrl.u32 v3, $0x4  }
0x5e: {  	[tilespmem:$0xA00] =	vst v1;
	v1 =	vand.u32 $0xF, v3;
	v3 =	vld [tilespmem:$0x230]  }
0x5f: {  	[tilespmem:$0x1200] =	vst v1;
	v1 =	vshrl.u32 v32, $0x4  }
0x60: {  	v33 =	vld [tilespmem:$0x240];
	[tilespmem:$0xA10] =	vst v1;
	v1 =	vand.u32 $0xF, v32  }
0x61: {  	[tilespmem:$0x1210] =	vst v1;
	v1 =	vshrl.u32 v2, $0x4  }
0x62: {  	[tilespmem:$0xA20] =	vst v1;
	v1 =	vand.u32 $0xF, v2;
	v2 =	vld [tilespmem:$0x250]  }
0x63: {  	[tilespmem:$0x1220] =	vst v1;
	v1 =	vshrl.u32 v3, $0x4  }
0x64: {  	[tilespmem:$0xA30] =	vst v1;
	v1 =	vand.u32 $0xF, v3;
	v3 =	vld [tilespmem:$0x260]  }
0x65: {  	[tilespmem:$0x1230] =	vst v1;
	v1 =	vshrl.u32 v33, $0x4  }
0x66: {  	v34 =	vld [tilespmem:$0x270];
	[tilespmem:$0xA40] =	vst v1;
	v1 =	vand.u32 $0xF, v33  }
0x67: {  	[tilespmem:$0x1240] =	vst v1;
	v1 =	vshrl.u32 v2, $0x4  }
0x68: {  	[tilespmem:$0xA50] =	vst v1;
	v1 =	vand.u32 $0xF, v2;
	v2 =	vld [tilespmem:$0x280]  }
0x69: {  	[tilespmem:$0x1250] =	vst v1;
	v1 =	vshrl.u32 v3, $0x4  }
0x6a: {  	[tilespmem:$0xA60] =	vst v1;
	v1 =	vand.u32 $0xF, v3;
	v3 =	vld [tilespmem:$0x290]  }
0x6b: {  	[tilespmem:$0x1260] =	vst v1;
	v1 =	vshrl.u32 v34, $0x4  }
0x6c: {  	v35 =	vld [tilespmem:$0x2A0];
	[tilespmem:$0xA70] =	vst v1;
	v1 =	vand.u32 $0xF, v34  }
0x6d: {  	[tilespmem:$0x1270] =	vst v1;
	v1 =	vshrl.u32 v2, $0x4  }
0x6e: {  	[tilespmem:$0xA80] =	vst v1;
	v1 =	vand.u32 $0xF, v2;
	v2 =	vld [tilespmem:$0x2B0]  }
0x6f: {  	[tilespmem:$0x1280] =	vst v1;
	v1 =	vshrl.u32 v3, $0x4  }
0x70: {  	[tilespmem:$0xA90] =	vst v1;
	v1 =	vand.u32 $0xF, v3;
	v3 =	vld [tilespmem:$0x2C0]  }
0x71: {  	[tilespmem:$0x1290] =	vst v1;
	v1 =	vshrl.u32 v35, $0x4  }
0x72: {  	v36 =	vld [tilespmem:$0x2D0];
	[tilespmem:$0xAA0] =	vst v1;
	v1 =	vand.u32 $0xF, v35  }
0x73: {  	[tilespmem:$0x12A0] =	vst v1;
	v1 =	vshrl.u32 v2, $0x4  }
0x74: {  	[tilespmem:$0xAB0] =	vst v1;
	v1 =	vand.u32 $0xF, v2;
	v2 =	vld [tilespmem:$0x2E0]  }
0x75: {  	[tilespmem:$0x12B0] =	vst v1;
	v1 =	vshrl.u32 v3, $0x4  }
0x76: {  	[tilespmem:$0xAC0] =	vst v1;
	v1 =	vand.u32 $0xF, v3;
	v3 =	vld [tilespmem:$0x2F0]  }
0x77: {  	[tilespmem:$0x12C0] =	vst v1;
	v1 =	vshrl.u32 v36, $0x4  }
0x78: {  	v37 =	vld [tilespmem:$0x300];
	[tilespmem:$0xAD0] =	vst v1;
	v1 =	vand.u32 $0xF, v36  }
0x79: {  	[tilespmem:$0x12D0] =	vst v1;
	v1 =	vshrl.u32 v2, $0x4  }
0x7a: {  	[tilespmem:$0xAE0] =	vst v1;
	v1 =	vand.u32 $0xF, v2;
	v2 =	vld [tilespmem:$0x310]  }
0x7b: {  	[tilespmem:$0x12E0] =	vst v1;
	v1 =	vshrl.u32 v3, $0x4  }
0x7c: {  	[tilespmem:$0xAF0] =	vst v1;
	v1 =	vand.u32 $0xF, v3;
	v3 =	vld [tilespmem:$0x320]  }
0x7d: {  	[tilespmem:$0x12F0] =	vst v1;
	v1 =	vshrl.u32 v37, $0x4  }
0x7e: {  	v38 =	vld [tilespmem:$0x330];
	[tilespmem:$0xB00] =	vst v1;
	v1 =	vand.u32 $0xF, v37  }
0x7f: {  	[tilespmem:$0x1300] =	vst v1;
	v1 =	vshrl.u32 v2, $0x4  }
0x80: {  	[tilespmem:$0xB10] =	vst v1;
	v1 =	vand.u32 $0xF, v2;
	v2 =	vld [tilespmem:$0x340]  }
0x81: {  	[tilespmem:$0x1310] =	vst v1;
	v1 =	vshrl.u32 v3, $0x4  }
0x82: {  	[tilespmem:$0xB20] =	vst v1;
	v1 =	vand.u32 $0xF, v3;
	v3 =	vld [tilespmem:$0x350]  }
0x83: {  	[tilespmem:$0x1320] =	vst v1;
	v1 =	vshrl.u32 v38, $0x4  }
0x84: {  	v39 =	vld [tilespmem:$0x360];
	[tilespmem:$0xB30] =	vst v1;
	v1 =	vand.u32 $0xF, v38  }
0x85: {  	[tilespmem:$0x1330] =	vst v1;
	v1 =	vshrl.u32 v2, $0x4  }
0x86: {  	[tilespmem:$0xB40] =	vst v1;
	v1 =	vand.u32 $0xF, v2;
	v2 =	vld [tilespmem:$0x370]  }
0x87: {  	[tilespmem:$0x1340] =	vst v1;
	v1 =	vshrl.u32 v3, $0x4  }
0x88: {  	[tilespmem:$0xB50] =	vst v1;
	v1 =	vand.u32 $0xF, v3;
	v3 =	vld [tilespmem:$0x380]  }
0x89: {  	[tilespmem:$0x1350] =	vst v1;
	v1 =	vshrl.u32 v39, $0x4  }
0x8a: {  	v40 =	vld [tilespmem:$0x390];
	[tilespmem:$0xB60] =	vst v1;
	v1 =	vand.u32 $0xF, v39  }
0x8b: {  	[tilespmem:$0x1360] =	vst v1;
	v1 =	vshrl.u32 v2, $0x4  }
0x8c: {  	[tilespmem:$0xB70] =	vst v1;
	v1 =	vand.u32 $0xF, v2;
	v2 =	vld [tilespmem:$0x3A0]  }
0x8d: {  	[tilespmem:$0x1370] =	vst v1;
	v1 =	vshrl.u32 v3, $0x4  }
0x8e: {  	[tilespmem:$0xB80] =	vst v1;
	v1 =	vand.u32 $0xF, v3;
	v3 =	vld [tilespmem:$0x3B0]  }
0x8f: {  	[tilespmem:$0x1380] =	vst v1;
	v1 =	vshrl.u32 v40, $0x4  }
0x90: {  	v41 =	vld [tilespmem:$0x3C0];
	[tilespmem:$0xB90] =	vst v1;
	v1 =	vand.u32 $0xF, v40  }
0x91: {  	[tilespmem:$0x1390] =	vst v1;
	v1 =	vshrl.u32 v2, $0x4  }
0x92: {  	[tilespmem:$0xBA0] =	vst v1;
	v1 =	vand.u32 $0xF, v2;
	v2 =	vld [tilespmem:$0x3D0]  }
0x93: {  	[tilespmem:$0x13A0] =	vst v1;
	v1 =	vshrl.u32 v3, $0x4  }
0x94: {  	[tilespmem:$0xBB0] =	vst v1;
	v1 =	vand.u32 $0xF, v3;
	v3 =	vld [tilespmem:$0x3E0]  }
0x95: {  	[tilespmem:$0x13B0] =	vst v1;
	v1 =	vshrl.u32 v41, $0x4  }
0x96: {  	v42 =	vld [tilespmem:$0x3F0];
	[tilespmem:$0xBC0] =	vst v1;
	v1 =	vand.u32 $0xF, v41  }
0x97: {  	[tilespmem:$0x13C0] =	vst v1;
	v1 =	vshrl.u32 v2, $0x4  }
0x98: {  	[tilespmem:$0xBD0] =	vst v1;
	v1 =	vand.u32 $0xF, v2;
	v2 =	vld [tilespmem:$0x400]  }
0x99: {  	[tilespmem:$0x13D0] =	vst v1;
	v1 =	vshrl.u32 v3, $0x4  }
0x9a: {  	[tilespmem:$0xBE0] =	vst v1;
	v1 =	vand.u32 $0xF, v3;
	v3 =	vld [tilespmem:$0x410]  }
0x9b: {  	[tilespmem:$0x13E0] =	vst v1;
	v1 =	vshrl.u32 v42, $0x4  }
0x9c: {  	v43 =	vld [tilespmem:$0x420];
	[tilespmem:$0xBF0] =	vst v1;
	v1 =	vand.u32 $0xF, v42  }
0x9d: {  	[tilespmem:$0x13F0] =	vst v1;
	v1 =	vshrl.u32 v2, $0x4  }
0x9e: {  	[tilespmem:$0xC00] =	vst v1;
	v1 =	vand.u32 $0xF, v2;
	v2 =	vld [tilespmem:$0x430]  }
0x9f: {  	[tilespmem:$0x1400] =	vst v1;
	v1 =	vshrl.u32 v3, $0x4  }
0xa0: {  	[tilespmem:$0xC10] =	vst v1;
	v1 =	vand.u32 $0xF, v3;
	v3 =	vld [tilespmem:$0x440]  }
0xa1: {  	[tilespmem:$0x1410] =	vst v1;
	v1 =	vshrl.u32 v43, $0x4  }
0xa2: {  	v44 =	vld [tilespmem:$0x450];
	[tilespmem:$0xC20] =	vst v1;
	v1 =	vand.u32 $0xF, v43  }
0xa3: {  	[tilespmem:$0x1420] =	vst v1;
	v1 =	vshrl.u32 v2, $0x4  }
0xa4: {  	[tilespmem:$0xC30] =	vst v1;
	v1 =	vand.u32 $0xF, v2;
	v2 =	vld [tilespmem:$0x460]  }
0xa5: {  	[tilespmem:$0x1430] =	vst v1;
	v1 =	vshrl.u32 v3, $0x4  }
0xa6: {  	[tilespmem:$0xC40] =	vst v1;
	v1 =	vand.u32 $0xF, v3;
	v3 =	vld [tilespmem:$0x470]  }
0xa7: {  	[tilespmem:$0x1440] =	vst v1;
	v1 =	vshrl.u32 v44, $0x4  }
0xa8: {  	v45 =	vld [tilespmem:$0x480];
	[tilespmem:$0xC50] =	vst v1;
	v1 =	vand.u32 $0xF, v44  }
0xa9: {  	[tilespmem:$0x1450] =	vst v1;
	v1 =	vshrl.u32 v2, $0x4  }
0xaa: {  	[tilespmem:$0xC60] =	vst v1;
	v1 =	vand.u32 $0xF, v2;
	v2 =	vld [tilespmem:$0x490]  }
0xab: {  	[tilespmem:$0x1460] =	vst v1;
	v1 =	vshrl.u32 v3, $0x4  }
0xac: {  	[tilespmem:$0xC70] =	vst v1;
	v1 =	vand.u32 $0xF, v3;
	v3 =	vld [tilespmem:$0x4A0]  }
0xad: {  	[tilespmem:$0x1470] =	vst v1;
	v1 =	vshrl.u32 v45, $0x4  }
0xae: {  	v46 =	vld [tilespmem:$0x4B0];
	[tilespmem:$0xC80] =	vst v1;
	v1 =	vand.u32 $0xF, v45  }
0xaf: {  	[tilespmem:$0x1480] =	vst v1;
	v1 =	vshrl.u32 v2, $0x4  }
0xb0: {  	[tilespmem:$0xC90] =	vst v1;
	v1 =	vand.u32 $0xF, v2;
	v2 =	vld [tilespmem:$0x4C0]  }
0xb1: {  	[tilespmem:$0x1490] =	vst v1;
	v1 =	vshrl.u32 v3, $0x4  }
0xb2: {  	[tilespmem:$0xCA0] =	vst v1;
	v1 =	vand.u32 $0xF, v3;
	v3 =	vld [tilespmem:$0x4D0]  }
0xb3: {  	[tilespmem:$0x14A0] =	vst v1;
	v1 =	vshrl.u32 v46, $0x4  }
0xb4: {  	v47 =	vld [tilespmem:$0x4E0];
	[tilespmem:$0xCB0] =	vst v1;
	v1 =	vand.u32 $0xF, v46  }
0xb5: {  	[tilespmem:$0x14B0] =	vst v1;
	v1 =	vshrl.u32 v2, $0x4  }
0xb6: {  	[tilespmem:$0xCC0] =	vst v1;
	v1 =	vand.u32 $0xF, v2;
	v2 =	vld [tilespmem:$0x4F0]  }
0xb7: {  	[tilespmem:$0x14C0] =	vst v1;
	v1 =	vshrl.u32 v3, $0x4  }
0xb8: {  	[tilespmem:$0xCD0] =	vst v1;
	v1 =	vand.u32 $0xF, v3;
	v3 =	vld [tilespmem:$0x500]  }
0xb9: {  	[tilespmem:$0x14D0] =	vst v1;
	v1 =	vshrl.u32 v47, $0x4  }
0xba: {  	v48 =	vld [tilespmem:$0x510];
	[tilespmem:$0xCE0] =	vst v1;
	v1 =	vand.u32 $0xF, v47  }
0xbb: {  	[tilespmem:$0x14E0] =	vst v1;
	v1 =	vshrl.u32 v2, $0x4  }
0xbc: {  	[tilespmem:$0xCF0] =	vst v1;
	v1 =	vand.u32 $0xF, v2;
	v2 =	vld [tilespmem:$0x520]  }
0xbd: {  	[tilespmem:$0x14F0] =	vst v1;
	v1 =	vshrl.u32 v3, $0x4  }
0xbe: {  	[tilespmem:$0xD00] =	vst v1;
	v1 =	vand.u32 $0xF, v3;
	v3 =	vld [tilespmem:$0x530]  }
0xbf: {  	[tilespmem:$0x1500] =	vst v1;
	v1 =	vshrl.u32 v48, $0x4  }
0xc0: {  	v49 =	vld [tilespmem:$0x540];
	[tilespmem:$0xD10] =	vst v1;
	v1 =	vand.u32 $0xF, v48  }
0xc1: {  	[tilespmem:$0x1510] =	vst v1;
	v1 =	vshrl.u32 v2, $0x4  }
0xc2: {  	[tilespmem:$0xD20] =	vst v1;
	v1 =	vand.u32 $0xF, v2;
	v2 =	vld [tilespmem:$0x550]  }
0xc3: {  	[tilespmem:$0x1520] =	vst v1;
	v1 =	vshrl.u32 v3, $0x4  }
0xc4: {  	[tilespmem:$0xD30] =	vst v1;
	v1 =	vand.u32 $0xF, v3;
	v3 =	vld [tilespmem:$0x560]  }
0xc5: {  	[tilespmem:$0x1530] =	vst v1;
	v1 =	vshrl.u32 v49, $0x4  }
0xc6: {  	v50 =	vld [tilespmem:$0x570];
	[tilespmem:$0xD40] =	vst v1;
	v1 =	vand.u32 $0xF, v49  }
0xc7: {  	[tilespmem:$0x1540] =	vst v1;
	v1 =	vshrl.u32 v2, $0x4  }
0xc8: {  	[tilespmem:$0xD50] =	vst v1;
	v1 =	vand.u32 $0xF, v2;
	v2 =	vld [tilespmem:$0x580]  }
0xc9: {  	[tilespmem:$0x1550] =	vst v1;
	v1 =	vshrl.u32 v3, $0x4  }
0xca: {  	[tilespmem:$0xD60] =	vst v1;
	v1 =	vand.u32 $0xF, v3;
	v3 =	vld [tilespmem:$0x590]  }
0xcb: {  	[tilespmem:$0x1560] =	vst v1;
	v1 =	vshrl.u32 v50, $0x4  }
0xcc: {  	v51 =	vld [tilespmem:$0x5A0];
	[tilespmem:$0xD70] =	vst v1;
	v1 =	vand.u32 $0xF, v50  }
0xcd: {  	[tilespmem:$0x1570] =	vst v1;
	v1 =	vshrl.u32 v2, $0x4  }
0xce: {  	[tilespmem:$0xD80] =	vst v1;
	v1 =	vand.u32 $0xF, v2;
	v2 =	vld [tilespmem:$0x5B0]  }
0xcf: {  	[tilespmem:$0x1580] =	vst v1;
	v1 =	vshrl.u32 v3, $0x4  }
0xd0: {  	[tilespmem:$0xD90] =	vst v1;
	v1 =	vand.u32 $0xF, v3;
	v3 =	vld [tilespmem:$0x5C0]  }
0xd1: {  	[tilespmem:$0x1590] =	vst v1;
	v1 =	vshrl.u32 v51, $0x4  }
0xd2: {  	v52 =	vld [tilespmem:$0x5D0];
	[tilespmem:$0xDA0] =	vst v1;
	v1 =	vand.u32 $0xF, v51  }
0xd3: {  	[tilespmem:$0x15A0] =	vst v1;
	v1 =	vshrl.u32 v2, $0x4  }
0xd4: {  	[tilespmem:$0xDB0] =	vst v1;
	v1 =	vand.u32 $0xF, v2;
	v2 =	vld [tilespmem:$0x5E0]  }
0xd5: {  	[tilespmem:$0x15B0] =	vst v1;
	v1 =	vshrl.u32 v3, $0x4  }
0xd6: {  	[tilespmem:$0xDC0] =	vst v1;
	v1 =	vand.u32 $0xF, v3;
	v3 =	vld [tilespmem:$0x5F0]  }
0xd7: {  	[tilespmem:$0x15C0] =	vst v1;
	v1 =	vshrl.u32 v52, $0x4  }
0xd8: {  	v53 =	vld [tilespmem:$0x600];
	[tilespmem:$0xDD0] =	vst v1;
	v1 =	vand.u32 $0xF, v52  }
0xd9: {  	[tilespmem:$0x15D0] =	vst v1;
	v1 =	vshrl.u32 v2, $0x4  }
0xda: {  	[tilespmem:$0xDE0] =	vst v1;
	v1 =	vand.u32 $0xF, v2;
	v2 =	vld [tilespmem:$0x610]  }
0xdb: {  	[tilespmem:$0x15E0] =	vst v1;
	v1 =	vshrl.u32 v3, $0x4  }
0xdc: {  	[tilespmem:$0xDF0] =	vst v1;
	v1 =	vand.u32 $0xF, v3;
	v3 =	vld [tilespmem:$0x620]  }
0xdd: {  	[tilespmem:$0x15F0] =	vst v1;
	v1 =	vshrl.u32 v53, $0x4  }
0xde: {  	v54 =	vld [tilespmem:$0x630];
	[tilespmem:$0xE00] =	vst v1;
	v1 =	vand.u32 $0xF, v53  }
0xdf: {  	[tilespmem:$0x1600] =	vst v1;
	v1 =	vshrl.u32 v2, $0x4  }
0xe0: {  	[tilespmem:$0xE10] =	vst v1;
	v1 =	vand.u32 $0xF, v2;
	v2 =	vld [tilespmem:$0x640]  }
0xe1: {  	[tilespmem:$0x1610] =	vst v1;
	v1 =	vshrl.u32 v3, $0x4  }
0xe2: {  	[tilespmem:$0xE20] =	vst v1;
	v1 =	vand.u32 $0xF, v3;
	v3 =	vld [tilespmem:$0x650]  }
0xe3: {  	[tilespmem:$0x1620] =	vst v1;
	v1 =	vshrl.u32 v54, $0x4  }
0xe4: {  	v55 =	vld [tilespmem:$0x660];
	[tilespmem:$0xE30] =	vst v1;
	v1 =	vand.u32 $0xF, v54  }
0xe5: {  	[tilespmem:$0x1630] =	vst v1;
	v1 =	vshrl.u32 v2, $0x4  }
0xe6: {  	[tilespmem:$0xE40] =	vst v1;
	v1 =	vand.u32 $0xF, v2;
	v2 =	vld [tilespmem:$0x670]  }
0xe7: {  	[tilespmem:$0x1640] =	vst v1;
	v1 =	vshrl.u32 v3, $0x4  }
0xe8: {  	[tilespmem:$0xE50] =	vst v1;
	v1 =	vand.u32 $0xF, v3;
	v3 =	vld [tilespmem:$0x680]  }
0xe9: {  	[tilespmem:$0x1650] =	vst v1;
	v1 =	vshrl.u32 v55, $0x4  }
0xea: {  	v56 =	vld [tilespmem:$0x690];
	[tilespmem:$0xE60] =	vst v1;
	v1 =	vand.u32 $0xF, v55  }
0xeb: {  	[tilespmem:$0x1660] =	vst v1;
	v1 =	vshrl.u32 v2, $0x4  }
0xec: {  	[tilespmem:$0xE70] =	vst v1;
	v1 =	vand.u32 $0xF, v2;
	v2 =	vld [tilespmem:$0x6A0]  }
0xed: {  	[tilespmem:$0x1670] =	vst v1;
	v1 =	vshrl.u32 v3, $0x4  }
0xee: {  	[tilespmem:$0xE80] =	vst v1;
	v1 =	vand.u32 $0xF, v3;
	v3 =	vld [tilespmem:$0x6B0]  }
0xef: {  	[tilespmem:$0x1680] =	vst v1;
	v1 =	vshrl.u32 v56, $0x4  }
0xf0: {  	v57 =	vld [tilespmem:$0x6C0];
	[tilespmem:$0xE90] =	vst v1;
	v1 =	vand.u32 $0xF, v56  }
0xf1: {  	[tilespmem:$0x1690] =	vst v1;
	v1 =	vshrl.u32 v2, $0x4  }
0xf2: {  	[tilespmem:$0xEA0] =	vst v1;
	v1 =	vand.u32 $0xF, v2;
	v2 =	vld [tilespmem:$0x6D0]  }
0xf3: {  	[tilespmem:$0x16A0] =	vst v1;
	v1 =	vshrl.u32 v3, $0x4  }
0xf4: {  	[tilespmem:$0xEB0] =	vst v1;
	v1 =	vand.u32 $0xF, v3;
	v3 =	vld [tilespmem:$0x6E0]  }
0xf5: {  	[tilespmem:$0x16B0] =	vst v1;
	v1 =	vshrl.u32 v57, $0x4  }
0xf6: {  	v58 =	vld [tilespmem:$0x6F0];
	[tilespmem:$0xEC0] =	vst v1;
	v1 =	vand.u32 $0xF, v57  }
0xf7: {  	[tilespmem:$0x16C0] =	vst v1;
	v1 =	vshrl.u32 v2, $0x4  }
0xf8: {  	[tilespmem:$0xED0] =	vst v1;
	v1 =	vand.u32 $0xF, v2;
	v2 =	vld [tilespmem:$0x700]  }
0xf9: {  	[tilespmem:$0x16D0] =	vst v1;
	v1 =	vshrl.u32 v3, $0x4  }
0xfa: {  	[tilespmem:$0xEE0] =	vst v1;
	v1 =	vand.u32 $0xF, v3;
	v3 =	vld [tilespmem:$0x710]  }
0xfb: {  	[tilespmem:$0x16E0] =	vst v1;
	v1 =	vshrl.u32 v58, $0x4  }
0xfc: {  	v59 =	vld [tilespmem:$0x720];
	[tilespmem:$0xEF0] =	vst v1;
	v1 =	vand.u32 $0xF, v58  }
0xfd: {  	[tilespmem:$0x16F0] =	vst v1;
	v1 =	vshrl.u32 v2, $0x4  }
0xfe: {  	[tilespmem:$0xF00] =	vst v1;
	v1 =	vand.u32 $0xF, v2;
	v2 =	vld [tilespmem:$0x730]  }
0xff: {  	[tilespmem:$0x1700] =	vst v1;
	v1 =	vshrl.u32 v3, $0x4  }
0x100: {  	[tilespmem:$0xF10] =	vst v1;
	v1 =	vand.u32 $0xF, v3;
	v3 =	vld [tilespmem:$0x740]  }
0x101: {  	[tilespmem:$0x1710] =	vst v1;
	v1 =	vshrl.u32 v59, $0x4  }
0x102: {  	v60 =	vld [tilespmem:$0x750];
	[tilespmem:$0xF20] =	vst v1;
	v1 =	vand.u32 $0xF, v59  }
0x103: {  	[tilespmem:$0x1720] =	vst v1;
	v1 =	vshrl.u32 v2, $0x4  }
0x104: {  	[tilespmem:$0xF30] =	vst v1;
	v1 =	vand.u32 $0xF, v2;
	v2 =	vld [tilespmem:$0x760]  }
0x105: {  	[tilespmem:$0x1730] =	vst v1;
	v1 =	vshrl.u32 v3, $0x4  }
0x106: {  	[tilespmem:$0xF40] =	vst v1;
	v1 =	vand.u32 $0xF, v3;
	v3 =	vld [tilespmem:$0x770]  }
0x107: {  	[tilespmem:$0x1740] =	vst v1;
	v1 =	vshrl.u32 v60, $0x4  }
0x108: {  	v61 =	vld [tilespmem:$0x780];
	[tilespmem:$0xF50] =	vst v1;
	v1 =	vand.u32 $0xF, v60  }
0x109: {  	[tilespmem:$0x1750] =	vst v1;
	v1 =	vshrl.u32 v2, $0x4  }
0x10a: {  	[tilespmem:$0xF60] =	vst v1;
	v1 =	vand.u32 $0xF, v2;
	v2 =	vld [tilespmem:$0x790]  }
0x10b: {  	[tilespmem:$0x1760] =	vst v1;
	v1 =	vshrl.u32 v3, $0x4  }
0x10c: {  	[tilespmem:$0xF70] =	vst v1;
	v1 =	vand.u32 $0xF, v3;
	v3 =	vld [tilespmem:$0x7A0]  }
0x10d: {  	[tilespmem:$0x1770] =	vst v1;
	v1 =	vshrl.u32 v61, $0x4  }
0x10e: {  	v62 =	vld [tilespmem:$0x7B0];
	[tilespmem:$0xF80] =	vst v1;
	v1 =	vand.u32 $0xF, v61  }
0x10f: {  	[tilespmem:$0x1780] =	vst v1;
	v1 =	vshrl.u32 v2, $0x4  }
0x110: {  	[tilespmem:$0xF90] =	vst v1;
	v1 =	vand.u32 $0xF, v2;
	v2 =	vld [tilespmem:$0x7C0]  }
0x111: {  	[tilespmem:$0x1790] =	vst v1;
	v1 =	vshrl.u32 v3, $0x4  }
0x112: {  	[tilespmem:$0xFA0] =	vst v1;
	v1 =	vand.u32 $0xF, v3;
	v3 =	vld [tilespmem:$0x7D0]  }
0x113: {  	[tilespmem:$0x17A0] =	vst v1;
	v1 =	vshrl.u32 v62, $0x4  }
0x114: {  	v63 =	vld [tilespmem:$0x7E0];
	[tilespmem:$0xFB0] =	vst v1;
	v1 =	vand.u32 $0xF, v62  }
0x115: {  	[tilespmem:$0x17B0] =	vst v1;
	v1 =	vshrl.u32 v2, $0x4  }
0x116: {  	[tilespmem:$0xFC0] =	vst v1;
	v1 =	vand.u32 $0xF, v2;
	v2 =	vld [tilespmem:$0x7F0]  }
0x117: {  	[tilespmem:$0x17C0] =	vst v1;
	v1 =	vshrl.u32 v3, $0x4  }
0x118: {  	[tilespmem:$0xFD0] =	vst v1;
	v1 =	vand.u32 $0xF, v3  }
0x119: {  	[tilespmem:$0x17D0] =	vst v1;
	v1 =	vshrl.u32 v63, $0x4  }
0x11a: {  	[tilespmem:$0xFE0] =	vst v1;
	v1 =	vand.u32 $0xF, v63  }
0x11b: {  	[tilespmem:$0x17E0] =	vst v1;
	v1 =	vshrl.u32 v2, $0x4  }
0x11c: {  	[tilespmem:$0xFF0] =	vst v1;
	v1 =	vand.u32 $0xF, v2  }
0x11d: {  	s24 =	simm.s32 $0x0;
	[tilespmem:$0x17F0] =	vst v1  }
.LBB2_2:
0x11e: {  	s25 =	sadd.s32 s6, s24  }
0x11f: {  	s26 =	sshll.u32 s25, $0xF  }
0x120: {  	s26 =	sadd.s32 s8, s26  }
0x121: {  	s26 =	sshrl.u32 s26, $0x3  }
0x122: {  	s28 =	simm.s32 $0x800;
	s26 =	sadd.s32 s3, s26  }
0x123: {  	[tilespmem:s14], [sflag:$0x1] =	stream.indirect.gather [hbm4b:s26+s12], $0x10, s28, s12, $0xb8;
	[tilespmem:$0xA000] =	vst v63  }
0x124: {  	s29 =	simm.s32 $0x2000;
	s28 =	simm.s32 $0x880  }
0x125: {  	[tilespmem:s29], [sflag:$0x1] =	stream.indirect.gather [hbm4b:s26+s12], $0x10, s28, s12, $0xb8;
	[tilespmem:$0xA000] =	vst v63  }
0x126: {  	s28 =	simm.s32 $0x900;
	s29 =	simm.s32 $0x2800  }
0x127: {  	[tilespmem:s29], [sflag:$0x1] =	stream.indirect.gather [hbm4b:s26+s12], $0x10, s28, s12, $0xb8;
	[tilespmem:$0xA000] =	vst v63  }
0x128: {  	s28 =	simm.s32 $0x980;
	s29 =	simm.s32 $0x3000  }
0x129: {  	[tilespmem:s29], [sflag:$0x1] =	stream.indirect.gather [hbm4b:s26+s12], $0x10, s28, s12, $0xb8;
	[tilespmem:$0xA000] =	vst v63  }
0x12a: {  	s28 =	simm.s32 $0xA00;
	s29 =	simm.s32 $0x3800  }
0x12b: {  	[tilespmem:s29], [sflag:$0x1] =	stream.indirect.gather [hbm4b:s26+s12], $0x10, s28, s12, $0xb8;
	[tilespmem:$0xA000] =	vst v63  }
0x12c: {  	s28 =	simm.s32 $0xA80;
	s29 =	simm.s32 $0x4000  }
0x12d: {  	[tilespmem:s29], [sflag:$0x1] =	stream.indirect.gather [hbm4b:s26+s12], $0x10, s28, s12, $0xb8;
	[tilespmem:$0xA000] =	vst v63  }
0x12e: {  	s28 =	simm.s32 $0xB00;
	s29 =	simm.s32 $0x4800  }
0x12f: {  	[tilespmem:s29], [sflag:$0x1] =	stream.indirect.gather [hbm4b:s26+s12], $0x10, s28, s12, $0xb8;
	[tilespmem:$0xA000] =	vst v63  }
0x130: {  	s28 =	simm.s32 $0xB80;
	s29 =	simm.s32 $0x5000  }
0x131: {  	[tilespmem:s29], [sflag:$0x1] =	stream.indirect.gather [hbm4b:s26+s12], $0x10, s28, s12, $0xb8;
	[tilespmem:$0xA000] =	vst v63  }
0x132: {  	s28 =	simm.s32 $0xC00  }
0x133: {  	[tilespmem:s31], [sflag:$0x1] =	stream.indirect.gather [hbm4b:s26+s12], $0x10, s28, s12, $0xb8;
	[tilespmem:$0xA000] =	vst v63  }
0x134: {  	_ = 	snop  }
0x135: {  	[tilespmem:s0], [sflag:$0x1] =	stream.indirect.gather [hbm4b:s26+s12], $0x10, s1, s12, $0xb8;
	[tilespmem:$0xA000] =	vst v63  }
0x136: {  	_ = 	snop  }
0x137: {  	[tilespmem:s10], [sflag:$0x1] =	stream.indirect.gather [hbm4b:s26+s12], $0x10, s7, s12, $0xb8;
	[tilespmem:$0xA000] =	vst v63  }
0x138: {  	_ = 	snop  }
0x139: {  	[tilespmem:s15], [sflag:$0x1] =	stream.indirect.gather [hbm4b:s26+s12], $0x10, s13, s12, $0xb8;
	[tilespmem:$0xA000] =	vst v63  }
0x13a: {  	_ = 	snop  }
0x13b: {  	[tilespmem:s17], [sflag:$0x1] =	stream.indirect.gather [hbm4b:s26+s12], $0x10, s16, s12, $0xb8;
	[tilespmem:$0xA000] =	vst v63  }
0x13c: {  	_ = 	snop  }
0x13d: {  	[tilespmem:s2], [sflag:$0x1] =	stream.indirect.gather [hbm4b:s26+s12], $0x10, s18, s12, $0xb8;
	[tilespmem:$0xA000] =	vst v63  }
0x13e: {  	_ = 	snop  }
0x13f: {  	[tilespmem:s20], [sflag:$0x1] =	stream.indirect.gather [hbm4b:s26+s12], $0x10, s19, s12, $0xb8;
	[tilespmem:$0xA000] =	vst v63  }
0x140: {  	_ = 	snop  }
0x141: {  	[tilespmem:s22], [sflag:$0x1] =	stream.indirect.gather [hbm4b:s26+s12], $0x10, s21, s12, $0xb8;
	[tilespmem:$0xA000] =	vst v63  }
0x142: {  	_ =	swait.ge [sflag:s4], $0x800  }
0x143: {  	[sflag:s4] =	ssyncset.done $0x0  }
0x144: {  	[sflag:s4] =	ssyncadd.s32 $0xFFFFF800  }
0x145: {  	_ =	swait.ge [sflag:s4], $0x800  }
0x146: {  	[sflag:s4] =	ssyncset.done $0x0  }
0x147: {  	[sflag:s4] =	ssyncadd.s32 $0xFFFFF800  }
0x148: {  	_ =	swait.ge [sflag:s4], $0x800  }
0x149: {  	[sflag:s4] =	ssyncset.done $0x0  }
0x14a: {  	[sflag:s4] =	ssyncadd.s32 $0xFFFFF800  }
0x14b: {  	_ =	swait.ge [sflag:s4], $0x800  }
0x14c: {  	[sflag:s4] =	ssyncset.done $0x0  }
0x14d: {  	[sflag:s4] =	ssyncadd.s32 $0xFFFFF800  }
0x14e: {  	_ =	swait.ge [sflag:s4], $0x800  }
0x14f: {  	[sflag:s4] =	ssyncset.done $0x0  }
0x150: {  	[sflag:s4] =	ssyncadd.s32 $0xFFFFF800  }
0x151: {  	_ =	swait.ge [sflag:s4], $0x800  }
0x152: {  	[sflag:s4] =	ssyncset.done $0x0  }
0x153: {  	[sflag:s4] =	ssyncadd.s32 $0xFFFFF800  }
0x154: {  	_ =	swait.ge [sflag:s4], $0x800  }
0x155: {  	[sflag:s4] =	ssyncset.done $0x0  }
0x156: {  	[sflag:s4] =	ssyncadd.s32 $0xFFFFF800  }
0x157: {  	_ =	swait.ge [sflag:s4], $0x800  }
0x158: {  	[sflag:s4] =	ssyncset.done $0x0  }
0x159: {  	[sflag:s4] =	ssyncadd.s32 $0xFFFFF800  }
0x15a: {  	_ =	swait.ge [sflag:s4], $0x800  }
0x15b: {  	[sflag:s4] =	ssyncset.done $0x0  }
0x15c: {  	[sflag:s4] =	ssyncadd.s32 $0xFFFFF800  }
0x15d: {  	_ =	swait.ge [sflag:s4], $0x800  }
0x15e: {  	[sflag:s4] =	ssyncset.done $0x0  }
0x15f: {  	[sflag:s4] =	ssyncadd.s32 $0xFFFFF800  }
0x160: {  	_ =	swait.ge [sflag:s4], $0x800  }
0x161: {  	[sflag:s4] =	ssyncset.done $0x0  }
0x162: {  	[sflag:s4] =	ssyncadd.s32 $0xFFFFF800  }
0x163: {  	_ =	swait.ge [sflag:s4], $0x800  }
0x164: {  	[sflag:s4] =	ssyncset.done $0x0  }
0x165: {  	[sflag:s4] =	ssyncadd.s32 $0xFFFFF800  }
0x166: {  	_ =	swait.ge [sflag:s4], $0x800  }
0x167: {  	[sflag:s4] =	ssyncset.done $0x0  }
0x168: {  	[sflag:s4] =	ssyncadd.s32 $0xFFFFF800  }
0x169: {  	_ =	swait.ge [sflag:s4], $0x800  }
0x16a: {  	[sflag:s4] =	ssyncset.done $0x0  }
0x16b: {  	[sflag:s4] =	ssyncadd.s32 $0xFFFFF800  }
0x16c: {  	_ =	swait.ge [sflag:s4], $0x800  }
0x16d: {  	[sflag:s4] =	ssyncset.done $0x0  }
0x16e: {  	[sflag:s4] =	ssyncadd.s32 $0xFFFFF800  }
0x16f: {  	_ =	swait.ge [sflag:s4], $0x800  }
0x170: {  	[sflag:s4] =	ssyncset.done $0x0  }
0x171: {  	s26 =	simm.s32 $0x1000;
	[sflag:s4] =	ssyncadd.s32 $0xFFFFF800  }
0x172: {  	v1 =	vld [tilespmem:s26+$0x0];
	_ =	sdelay $0x1  }
0x173: {  	s26 =	simm.s32 $0x0  }
0x174: {  	v2 =	vmov s26  }
0x175: {  	v2 =	vshll.u32 v2, $0x4  }
0x176: {  	v2 =	vor.u32 v0, v2;
	v3 =	vand.u32 $0xFFFFFFF8, v1  }
0x177: {  	v1 =	vand.u32 $0x7, v1;
	v2 =	vadd.s32 v2, v3  }
0x178: {  	v1 =	vor.u32 v1, v2;
	_ =	sdelay $0x4  }
0x179: {  	v1 =	vld.idx.msk [tilespmem:v1+s14+$0x0], $0xffff;
	_ =	sdelay $0x3  }
0x17a: {  	s26 =	simm.s32 $0x9800  }
0x17b: {  	s28 =	simm.s32 $0x1010;
	[tilespmem:s26+$0x0] =	vst v1  }
0x17c: {  	s30 =	simm.s32 $0x20;
	s29 =	simm.s32 $0x10;
	v1 =	vld [tilespmem:s28+$0x0]  }
.LBB2_3:
0x17d: {  	p0 =	sne.s32 s30, $0x7F0;
	_ =	sdelay $0x1  }
0x17e: {  	v2 =	vmov s29;
	s29 =	smov.u32 s30  }
0x17f: {  	v2 =	vshll.u32 v2, $0x4  }
0x180: {  	v2 =	vor.u32 v0, v2;
	v3 =	vand.u32 $0xFFFFFFF8, v1  }
0x181: {  	v1 =	vand.u32 $0x7, v1;
	v2 =	vadd.s32 v2, v3  }
0x182: {  	v1 =	vor.u32 v1, v2;
	_ =	sdelay $0x4  }
0x183: {  	v1 =	vld.idx.msk [tilespmem:v1+s14+$0x0], $0xffff;
	_ =	sdelay $0x2  }
.Ltmp0:
0x184: {  	(pc) =	sbr.rel @p0 .LBB2_3-.Ltmp0, $4  }
0x185: {  	_ = 	snop  }
0x186: {  	s26 =	sadd.s32 $0x10, s26  }
0x187: {  	s28 =	sadd.s32 $0x10, s28;
	[tilespmem:s26+$0x0] =	vst v1  }
0x188: {  	s30 =	sadd.s32 $0x10, s30;
	v1 =	vld [tilespmem:s28+$0x0]  }
0x189: {  	_ =	sdelay $0x1  }
0x18a: {  	v2 =	vmov s29  }
0x18b: {  	v2 =	vshll.u32 v2, $0x4  }
0x18c: {  	v2 =	vor.u32 v0, v2;
	v3 =	vand.u32 $0xFFFFFFF8, v1  }
0x18d: {  	v1 =	vand.u32 $0x7, v1;
	v2 =	vadd.s32 v2, v3  }
0x18e: {  	v1 =	vor.u32 v1, v2;
	_ =	sdelay $0x4  }
0x18f: {  	v1 =	vld.idx.msk [tilespmem:v1+s14+$0x0], $0xffff;
	_ =	sdelay $0x1  }
0x190: {  	s25 =	sshll.u32 s25, $0xB  }
0x191: {  	s24 =	sadd.s32 $0x1, s24;
	s25 =	sadd.s32 s9, s25  }
0x192: {  	s26 =	sadd.s32 $0x10, s26;
	p0 =	sne.s32 s24, $0x20;
	s25 =	sshrl.u32 s25, $0x3  }
.Ltmp1:
0x193: {  	s30 =	simm.s32 $0x0;
	s25 =	sadd.s32 s5, s25;
	[tilespmem:s26+$0x0] =	vst v1;
	(pc) =	sbr.rel @p0 .LBB2_2-.Ltmp1, $4  }
0x194: {  	[hbm4b:s25+s30] =	stream.linear.scatter [tilespmem:s23], [sflag:$0x2], $0x800, $0x38;
	[tilespmem:$0xA000] =	vst v63  }
0x195: {  	_ =	swait.ge [sflag:s11], $0x800  }
0x196: {  	[sflag:s11] =	ssyncset.done $0x0  }
0x197: {  	[sflag:s11] =	ssyncadd.s32 $0xFFFFF800  }
0x198: {  	s25 =	rddreg [dreg:$0x4]  }
0x199: {  	s24 =	rddreg [dreg:$0x3];
	s25 =	sadd.s32 $0x1, s25  }
0x19a: {  	p0 =	sne.s32 s25, s24  }
.Ltmp2:
0x19b: {  	_ = 	snop;
	(pc) =	sbr.rel @p0 .LBB2_1-.Ltmp2, $1  }
0x19c: {  	_ =	sdelay $0x3  }
0x19d: {  	_ =	sfence.sel $0x180000  }
0x19e: {  	[bflag:$0x0] =	sbarrier.arrive $0xFFFF  }
0x19f: {  	_ =	strace $0x9000004D  }
0x1a0: {  	s0 =	stileid.u32;
	[bflag:$0x2] =	sbarrier.arrive $0xFFFF  }
0x1a1: {  	p0 =	sne.s32 s0, $0x0;
	s0 =	rddreg [dreg:$0x1]  }
0x1a2: {  	s0 =	sadd.s32 @!p0 $0x100000, s0  }
0x1a3: {  	[sflag:s0] =	ssyncadd.tile.s32 @!p0 $0x1;
	_ =	shalt  }
.Lfunc_end2:
_tile_overlayer_lowered:
.L_overlay_start_2:
0x1a4: {  	(tag) =	ssettag $0x2  }
0x1a5: {  	s0 =	rddreg [dreg:$0x0];
	s2 =	stileid.u32  }
0x1a6: {  	s1 =	rddreg [dreg:$0x1];
	p0 =	sne.s32 s2, $0x0  }
0x1a7: {  	s3 =	rddreg [dreg:$0x2];
	[bflag:$0x3] =	sbarrier.arrive $0xFFFF;
	s2 =	simm.s32 @!p0 $0x1C02  }
0x1a8: {  	[timem:s3], [sflag:s2] =	dma.local @!p0 [hbm:s0], s1  }
0x1a9: {  	s0 =	simm.s32 @!p0 $0x2  }
0x1aa: {  	_ =	swait.ge @!p0 [sflag:s0], s1  }
0x1ab: {  	s1 =	ssub.s32 @!p0 $0x0, s1;
	[sflag:s0] =	ssyncset.done @!p0 $0x0  }
0x1ac: {  	[sflag:s0] =	ssyncadd.s32 @!p0 s1  }
0x1ad: {  	[bflag:$0x3] =	sbarrier.arrive $0xFFFF  }
0x1ae: {  	_ =	shalt  }

// kernel: fps_sc.3.cloned.1.call-start
scs
__scs_entry_jumppad:
0x0: {  	(pc) =	sbr.rel $0x88, $3  }
0x1: {  	(tag) =	ssettag $0x0;
	lr =	simm.s32 $0x1  }
0x2: {  	[smem:$0x3F9F] =	sst lr;
	_ =	strace $0xD0000000  }
0x3: {  	_ = 	snop  }
0x4: {  	_ = 	snop  }
0x5: {  	_ = 	snop  }
0x6: {  	_ = 	snop  }
0x7: {  	_ = 	snop  }
__scs_overlays_trampoline_lowered:
0x8: {  	[smem:$0x3FAE] =	sst s0  }
0x9: {  	[smem:$0x3FAF] =	sst s1  }
0xa: {  	[smem:$0x3FB0] =	sst s2  }
0xb: {  	[smem:$0x3FB1] =	sst s3  }
0xc: {  	[smem:$0x3FB2] =	sst s4  }
0xd: {  	[smem:$0x3FB3] =	sst s5  }
0xe: {  	[smem:$0x3FB4] =	sst s6  }
0xf: {  	[smem:$0x3FB5] =	sst s7  }
0x10: {  	[smem:$0x3FB6] =	sst s8  }
0x11: {  	[smem:$0x3FB7] =	sst s9;
	s0 =	simm.s32 @!p0 $0x0  }
0x12: {  	s1 =	sld [smem:$0x3F9D];
	s0 =	simm.s32 @p0 $0x1  }
0x13: {  	[smem:$0x3FB8] =	sst s0;
	s0 =	simm.s32 @!p1 $0x0  }
0x14: {  	s2 =	sld [smem:$0x3F9C];
	s0 =	simm.s32 @p1 $0x1  }
0x15: {  	[smem:$0x3FB9] =	sst s0;
	s0 =	simm.s32 @!p2 $0x0  }
0x16: {  	s3 =	sld [smem:$0x3FDB];
	s0 =	simm.s32 @p2 $0x1  }
0x17: {  	s4 =	simm.s32 $0x1BF5;
	[smem:$0x3FBB] =	sst s0  }
0x18: {  	s0 =	sld [smem:$0x3F9E];
	_ =	swait.ge [sflag:s4], $0x0  }
0x19: {  	s7 =	sld [smem:$0x3F9F]  }
0x1a: {  	s8 =	sadd.s32 $0xFFFFE003, lr  }
0x1b: {  	s9 =	sadd.s32 $0xFFFFFEF7, lr;
	s5 =	simm.s32 $0xFFFFFFFF;
	p2 =	slt.u32 s8, $0xFFFFF086  }
0x1c: {  	p1 =	slt.u32 s9, $0xF7A;
	s5 =	simm.s32 @!p2 $0x0  }
0x1d: {  	s5 =	simm.s32 @p1 $0x1;
	p0 =	seq.s32 s7, s2  }
0x1e: {  	s7 =	smul.u32 @!p0 $0xF7A, s2;
	p2 =	seq.s32 @!p0 s5, $0x0  }
0x1f: {  	s9 =	smul.u32 $0xF7A, s1;
	s8 =	simm.s32 @!p0 $0x1BF5;
	p2 =	por !p2, p0  }
0x20: {  	[sflag:s8] =	ssyncset.s32 @!p0 $0xFFFFF086;
	s6 =	sadd.s32 @!p0 s3, s7;
	s7 =	simm.s32 @!p0 $0x108  }
0x21: {  	s3 =	sadd.s32 s3, s9;
	s6 =	sadd.s32 @!p0 $0x88, s6;
	s7 =	simm.s32 @p2 $0x1082  }
0x22: {  	[simem:s7], [sflag:s8] =	dma.local @!p0 [hbm:s6], $0xF7A  }
0x23: {  	s9 =	sor.u32 $0xD0000000, s2;
	s6 =	simm.s32 $0x108;
	_ =	swait.ge @!p0 [sflag:s8], $0x0  }
0x24: {  	s3 =	sadd.s32 $0x88, s3;
	s6 =	simm.s32 @!p1 $0x1082;
	[sflag:s4] =	ssyncset.s32 $0xFFFFF086  }
0x25: {  	[simem:s6], [sflag:s4] =	dma.local [hbm:s3], $0xF7A  }
0x26: {  	[smem:$0x3F9F] =	sst s1;
	(tag) =	ssettag s2;
	_ =	strace s9  }
0x27: {  	s1 =	sld [smem:$0x3FAF]  }
0x28: {  	s2 =	sld [smem:$0x3FB0]  }
0x29: {  	s4 =	sld [smem:$0x3FB2]  }
0x2a: {  	p0 =	seq.s32 s5, $0x0;
	s5 =	sld [smem:$0x3FB3]  }
0x2b: {  	s6 =	sld [smem:$0x3FB4]  }
0x2c: {  	s7 =	sld [smem:$0x3FB5]  }
0x2d: {  	s3 =	simm.s32 $0x108;
	s8 =	sld [smem:$0x3FB6]  }
0x2e: {  	s3 =	simm.s32 @!p0 $0x1082;
	s9 =	sld [smem:$0x3FB7]  }
0x2f: {  	lr =	sadd.s32 s0, s3;
	s0 =	sld [smem:$0x3FAE]  }
0x30: {  	s3 =	sld [smem:$0x3FB1]  }
0x31: {  	[smem:$0x3FBA] =	sst s10  }
0x32: {  	s10 =	sld [smem:$0x3FB8];
	_ =	sdelay $0x3  }
0x33: {  	p0 =	seq.s32 s10, $0x1;
	s10 =	sld [smem:$0x3FBA];
	_ =	sdelay $0x3  }
0x34: {  	[smem:$0x3FBA] =	sst s10  }
0x35: {  	s10 =	sld [smem:$0x3FB9];
	_ =	sdelay $0x3  }
0x36: {  	p1 =	seq.s32 s10, $0x1;
	s10 =	sld [smem:$0x3FBA];
	_ =	sdelay $0x3  }
0x37: {  	[smem:$0x3FBA] =	sst s10  }
0x38: {  	s10 =	sld [smem:$0x3FBB]  }
0x39: {  	_ = 	snop;
	(pc) =	sbr.ind lr, $3  }
0x3a: {  	_ = 	snop  }
0x3b: {  	_ = 	snop  }
0x3c: {  	p2 =	seq.s32 s10, $0x1;
	s10 =	sld [smem:$0x3FBA]  }
0x3d: {  	_ =	shalt  }
0x3e: {  	_ =	shalt  }
0x3f: {  	_ =	shalt  }
0x40: {  	_ =	shalt  }
0x41: {  	_ =	shalt  }
0x42: {  	_ =	shalt  }
0x43: {  	_ =	shalt  }
0x44: {  	_ =	shalt  }
0x45: {  	_ =	shalt  }
0x46: {  	_ =	shalt  }
0x47: {  	_ =	shalt  }
0x48: {  	_ =	shalt  }
0x49: {  	_ =	shalt  }
0x4a: {  	_ =	shalt  }
0x4b: {  	_ =	shalt  }
0x4c: {  	_ =	shalt  }
0x4d: {  	_ =	shalt  }
0x4e: {  	_ =	shalt  }
0x4f: {  	_ =	shalt  }
0x50: {  	_ =	shalt  }
0x51: {  	_ =	shalt  }
0x52: {  	_ =	shalt  }
0x53: {  	_ =	shalt  }
0x54: {  	_ =	shalt  }
0x55: {  	_ =	shalt  }
0x56: {  	_ =	shalt  }
0x57: {  	_ =	shalt  }
0x58: {  	_ =	shalt  }
0x59: {  	_ =	shalt  }
0x5a: {  	_ =	shalt  }
0x5b: {  	_ =	shalt  }
0x5c: {  	_ =	shalt  }
0x5d: {  	_ =	shalt  }
0x5e: {  	_ =	shalt  }
0x5f: {  	_ =	shalt  }
0x60: {  	_ =	shalt  }
0x61: {  	_ =	shalt  }
0x62: {  	_ =	shalt  }
0x63: {  	_ =	shalt  }
0x64: {  	_ =	shalt  }
0x65: {  	_ =	shalt  }
0x66: {  	_ =	shalt  }
0x67: {  	_ =	shalt  }
0x68: {  	_ =	shalt  }
0x69: {  	_ =	shalt  }
0x6a: {  	_ =	shalt  }
0x6b: {  	_ =	shalt  }
0x6c: {  	_ =	shalt  }
0x6d: {  	_ =	shalt  }
0x6e: {  	_ =	shalt  }
0x6f: {  	_ =	shalt  }
0x70: {  	_ =	shalt  }
0x71: {  	_ =	shalt  }
0x72: {  	_ =	shalt  }
0x73: {  	_ =	shalt  }
0x74: {  	_ =	shalt  }
0x75: {  	_ =	shalt  }
0x76: {  	_ =	shalt  }
0x77: {  	_ =	shalt  }
0x78: {  	_ =	shalt  }
0x79: {  	_ =	shalt  }
0x7a: {  	_ =	shalt  }
0x7b: {  	_ =	shalt  }
0x7c: {  	_ =	shalt  }
0x7d: {  	_ =	shalt  }
0x7e: {  	_ =	shalt  }
0x7f: {  	_ =	shalt  }
0x80: {  	_ =	shalt  }
0x81: {  	_ =	shalt  }
0x82: {  	_ =	shalt  }
0x83: {  	_ =	shalt  }
0x84: {  	_ =	shalt  }
0x85: {  	_ =	shalt  }
0x86: {  	_ =	shalt  }
0x87: {  	_ =	shalt  }
.Lfunc_end0:
.L_simem_size_0:
called_computation.1_lowered:
.L_overlay_start_0:
0x88: {  	s2 =	sld [smem:$0x3FD9]  }
0x89: {  	s3 =	sld [smem:$0x3FFE];
	_ =	sdelay $0x1  }
0x8a: {  	s1 =	srdreg.scid  }
0x8b: {  	s0 =	sand.u32 $0x1, s1  }
0x8c: {  	s15 =	sshll.u32 s0, $0xA;
	s2 =	sadd.s32 s3, s2  }
0x8d: {  	s2 =	sadd.s32 s2, s15  }
0x8e: {  	[smem:$0x3FC6] =	sst s2  }
0x8f: {  	_ = 	snop  }
0x90: {  	s2 =	sld [smem:$0x3FD0];
	_ =	sdelay $0x2  }
0x91: {  	s5 =	simm.s32 $0xB;
	s16 =	simm.s32 $0x10  }
0x92: {  	[smem:s16], [sflag:s5] =	dma.local [hbm:s2], $0x1  }
0x93: {  	_ =	swait.eq [sflag:s5], $0x1  }
0x94: {  	s17 =	sld [smem:$0x10];
	[sflag:s5] =	ssyncset.done $0x0  }
0x95: {  	s4 =	sld [smem:$0x11];
	[sflag:s5] =	ssyncadd.s32 $0xFFFFFFFF  }
0x96: {  	s18 =	sld [smem:$0x12];
	(tm) =	ssettm $0x1  }
0x97: {  	s19 =	sld [smem:$0x3FFB];
	_ =	sdelay $0x3  }
0x98: {  	_ =	strace s19  }
0x99: {  	s2 =	sld [smem:$0x3FFC];
	_ =	sdelay $0x3  }
0x9a: {  	_ =	strace s2  }
0x9b: {  	s2 =	sld [smem:$0x3FFD];
	_ =	sdelay $0x3  }
0x9c: {  	_ =	strace s2  }
0x9d: {  	_ =	strace $0x8FFFFFFF  }
0x9e: {  	s20 =	sld [smem:$0x3FDB];
	_ =	sdelay $0x1  }
0x9f: {  	s6 =	simm.s32 $_scs_section_size  }
0xa0: {  	s7 =	simm.s32 $_size__tile_overlayer_lowered;
	s8 =	simm.s32 $_tile_overlayer_lowered  }
0xa1: {  	s9 =	simm.s32 $0x1BFF;
	s21 =	sshll.u32 s8, $0x1;
	s6 =	sadd.s32 s6, s20  }
0xa2: {  	s22 =	simm.s32 $0x0;
	s7 =	sshll.u32 s7, $0x1;
	s8 =	sadd.s32 s21, s6  }
0xa3: {  	[timem:s22], [sflag:s9] =	dma.local [hbm:s8], s7  }
0xa4: {  	_ =	swait.ge [sflag:s9], s7  }
0xa5: {  	s7 =	ssub.s32 $0x0, s7;
	[sflag:s9] =	ssyncset.done $0x0  }
0xa6: {  	[sflag:s9] =	ssyncadd.s32 s7;
	_ =	sdelay $0x1  }
0xa7: {  	s23 =	simm.s32 $0x1B8B  }
0xa8: {  	_ =	swait.ge [sflag:s23], $0x1  }
0xa9: {  	[sflag:s23] =	ssyncset.done $0x0  }
0xaa: {  	[sflag:s23] =	ssyncadd.s32 $0xFFFFFFFF  }
0xab: {  	s7 =	sld [smem:$0x0]  }
0xac: {  	s8 =	sand.u32 $0xFFFFFFFE, s1  }
0xad: {  	p0 =	sne.s32 s1, s8  }
0xae: {  	s8 =	sshll.u32 @p0 s8, $0xE  }
0xaf: {  	s8 =	sadd.s32 @p0 $0x11B8D, s8;
	s9 =	sshll.u32 @p0 s7, $0x11  }
0xb0: {  	s8 =	sor.u32 @p0 s9, s8  }
0xb1: {  	[sflag:s8] =	ssyncadd.remote.s32 @p0 $0x1;
	_ =	sdelay $0x1  }
0xb2: {  	s8 =	simm.s32 @p0 $0x1B8D  }
0xb3: {  	_ =	swait.eq @p0 [sflag:s8], $0x1  }
0xb4: {  	[sflag:s8] =	ssyncadd.s32 @p0 $0xFFFFFFFF  }
0xb5: {  	s9 =	sshll.u32 @!p0 s1, $0xE  }
0xb6: {  	s9 =	sor.u32 @!p0 $0x4000, s9;
	s8 =	simm.s32 @!p0 $0x1B8D  }
0xb7: {  	s7 =	sshll.u32 @!p0 s7, $0x11;
	s9 =	sadd.s32 @!p0 $0x11B8D, s9;
	_ =	swait.eq @!p0 [sflag:s8], $0x1  }
0xb8: {  	s7 =	sor.u32 @!p0 s7, s9;
	[sflag:s8] =	ssyncadd.s32 @!p0 $0xFFFFFFFF  }
0xb9: {  	s25 =	simm.s32 $0x1B8E;
	s24 =	sld [smem:$0x3FFE];
	[sflag:s7] =	ssyncadd.remote.s32 @!p0 $0x1  }
0xba: {  	s26 =	simm.s32 $execute0_lowered;
	[smem:$0x3FD2] =	sst s25  }
0xbb: {  	s8 =	sshll.u32 s26, $0x1;
	_ =	strace $0x80000049;
	[dreg:$0x1] =	wrdreg $0xFFFFFFFF  }
0xbc: {  	s28 =	simm.s32 $_size_execute0_lowered;
	s6 =	sadd.s32 s6, s8;
	[dreg:$0x0] =	wrdreg $0x0  }
0xbd: {  	s8 =	sshll.u32 s28, $0x1;
	[dreg:$0x2] =	wrdreg s6  }
0xbe: {  	[dreg:$0x3] =	wrdreg s8  }
0xbf: {  	[dreg:$0x4] =	wrdreg $0xC0  }
0xc0: {  	_ =	task [dreg:s22], $0x5FFFF  }
0xc1: {  	[dreg:$0x1] =	wrdreg $0xFFFFFFFF  }
0xc2: {  	[dreg:$0x0] =	wrdreg $0x60  }
0xc3: {  	[dreg:$0x2] =	wrdreg s4  }
0xc4: {  	[dreg:$0x3] =	wrdreg s24  }
0xc5: {  	[dreg:$0x4] =	wrdreg s18  }
0xc6: {  	[dreg:$0x5] =	wrdreg s17  }
0xc7: {  	[dreg:$0x6] =	wrdreg $0xA0600  }
0xc8: {  	[dreg:$0x7] =	wrdreg $0xA  }
0xc9: {  	_ =	task.clear_ibuf [dreg:s22], $0x8FFFF;
	_ =	strace $0x90000049  }
0xca: {  	s29 =	simm.s32 $0xA;
	_ =	strace $0x8000004B  }
0xcb: {  	_ =	swait.ge [sflag:s29], $0x1  }
0xcc: {  	[sflag:s29] =	ssyncadd.s32 $0xFFFFFFFF  }
0xcd: {  	_ =	strace $0x9000004B  }
0xce: {  	_ =	sfence  }
0xcf: {  	s30 =	sld [smem:$0x0];
	_ =	sdelay $0x2  }
0xd0: {  	s31 =	sshll.u32 s1, $0xD;
	s1 =	sshrl.u32 s1, $0x2  }
0xd1: {  	s4 =	sand.u32 $0x4000, s31;
	s1 =	sadd.s32 s1, s30  }
0xd2: {  	s0 =	sor.u32 s4, s0;
	s1 =	sshll.u32 s1, $0x11  }
0xd3: {  	s0 =	sor.u32 s1, s0  }
0xd4: {  	s0 =	sadd.s32 $0x8F2B, s0  }
0xd5: {  	[sflag:s0] =	ssyncadd.remote.s32 $0x1  }
0xd6: {  	_ =	sfence.sel $0xFFFF  }
0xd7: {  	[dreg:$0x0] =	wrdreg $0xFFFFFFFF;
	(pc) =	sbr.abs _section_cstart, $3  }
0xd8: {  	[dreg:$0x1] =	wrdreg $0xFFFFFFFF  }
0xd9: {  	_ =	task.clear_ibuf [dreg:s22], $0x2FFFF;
	_ =	strace $0x9FFFFFFF  }
0xda: {  	(tm) =	ssettm $0x7FFFFFFF  }
0xdb: {  	_ =	shalt  }
tec
execute0_lowered:
.L_overlay_start_1:
0x0: {  	(tag) =	ssettag $0x1  }
0x1: {  	s0 =	rddreg [dreg:$0x0]  }
0x2: {  	s2 =	rddreg [dreg:$0x1]  }
0x3: {  	s1 =	srdreg.scid;
	s5 =	rddreg [dreg:$0x2]  }
0x4: {  	s14 =	stileid.u32;
	s7 =	rddreg [dreg:$0x3]  }
0x5: {  	s4 =	simm.s32 $0x0;
	s1 =	sand.u32 $0x1, s1;
	s6 =	sshrl.u32 s14, $0x2  }
0x6: {  	s8 =	sand.u32 $0x3, s14;
	[smem:$0x7FF] =	sst s4;
	s29 =	sshll.u32 s14, $0x6  }
0x7: {  	s14 =	simm.s32 $0x1;
	s3 =	sshll.u32 s1, $0x2;
	s1 =	ssub.s32 $0x2, s1  }
0x8: {  	_ =	strace $0x8000004A;
	s9 =	sor.u32 s6, s3;
	s13 =	sshrl.u32 s1, $0x1  }
0x9: {  	s10 =	sshll.u32 s9, $0xF;
	s12 =	sshll.u32 s9, $0x1;
	s9 =	sshll.u32 s9, $0x8  }
0xa: {  	s3 =	sshll.u32 s8, $0xD;
	s1 =	ssub.s32 s1, s13;
	s5 =	sadd.s32 s5, s9  }
0xb: {  	s10 =	sor.u32 s3, s10;
	s31 =	sadd.s32 s7, s9;
	[dreg:$0xb] =	wrdreg s5  }
0xc: {  	s12 =	sadd.s32 s12, s2;
	s1 =	smax.u32 s1, $0x1;
	[dreg:$0xc] =	wrdreg s31  }
0xd: {  	s10 =	sshrl.u32 s10, $0x3;
	s28 =	sadd.s32 $0x2412000, s12;
	[dreg:$0xe] =	wrdreg s1  }
0xe: {  	s11 =	sadd.s32 s10, s2;
	s0 =	sadd.s32 s0, s10;
	[dreg:$0x9] =	wrdreg s28  }
0xf: {  	p0 =	sne.s32 s8, $0x0;
	[dreg:$0x6] =	wrdreg s0;
	s25 =	sadd.s32 $0x240A000, s11  }
0x10: {  	s2 =	sadd.s32 s9, s2;
	s26 =	sadd.s32 $0x2402000, s11;
	[dreg:$0x7] =	wrdreg s25  }
0x11: {  	s18 =	sshrl.u32 s29, $0x2;
	s30 =	sadd.s32 $0x2412A00, s2;
	[dreg:$0x8] =	wrdreg s26  }
0x12: {  	v0 =	vimm.f32 $+Inf;
	vm0 =	vmmov $0x1;
	v1 =	vlaneseq.u32;
	s6 =	sshll.u32 s6, $0x8;
	s2 =	sadd.s32 $0x2412200, s2;
	[dreg:$0xa] =	wrdreg s30  }
0x13: {  	vm1 =	vcmask $0x1310;
	vm2 =	vcmask $0x3F10;
	vm3 =	vcmask $0x3F0C;
	s20 =	sshrl.u32 s6, $0x2;
	[dreg:$0xd] =	wrdreg s2;
	s2 =	simm.s32 $0x0  }
.LBB2_1:
0x14: {  	[dreg:$0xf] =	wrdreg s2  }
0x15: {  	s0 =	rddreg [dreg:$0x6]  }
0x16: {  	[tilespmem:s4], [sflag:$0x1] =	stream.linear.gather [hbm4b:s0+s4], $0x2000, $0x38;
	[tilespmem:$0xA080] =	vst v63  }
0x17: {  	_ =	swait.ge [sflag:s14], $0x2000  }
0x18: {  	[sflag:s14] =	ssyncset.done $0x0  }
0x19: {  	s1 =	simm.s32 $0x2000;
	s26 =	rddreg [dreg:$0x7];
	[sflag:s14] =	ssyncadd.s32 $0xFFFFE000  }
0x1a: {  	[tilespmem:s1], [sflag:$0x1] =	stream.linear.gather [hbm4b:s26+s4], $0x2000, $0x38;
	[tilespmem:$0xA080] =	vst v63  }
0x1b: {  	_ =	swait.ge [sflag:s14], $0x2000  }
0x1c: {  	[sflag:s14] =	ssyncset.done $0x0  }
0x1d: {  	s29 =	simm.s32 $0x4000;
	s28 =	rddreg [dreg:$0x8];
	[sflag:s14] =	ssyncadd.s32 $0xFFFFE000  }
0x1e: {  	[tilespmem:s29], [sflag:$0x1] =	stream.linear.gather [hbm4b:s28+s4], $0x2000, $0x38;
	[tilespmem:$0xA080] =	vst v63  }
0x1f: {  	_ =	swait.ge [sflag:s14], $0x2000  }
0x20: {  	[sflag:s14] =	ssyncset.done $0x0  }
0x21: {  	s31 =	simm.s32 $0x8000;
	s30 =	rddreg [dreg:$0x9];
	[sflag:s14] =	ssyncadd.s32 $0xFFFFE000  }
0x22: {  	[tilespmem:s31], [sflag:$0x1] =	stream.linear.gather [hbm4b:s30+s4], $0x10, $0x38;
	[tilespmem:$0xA080] =	vst v63  }
0x23: {  	_ =	swait.ge [sflag:s14], $0x10  }
0x24: {  	[sflag:s14] =	ssyncset.done $0x0  }
0x25: {  	s0 =	simm.s32 $0x40;
	s1 =	simm.s32 $0x0;
	[sflag:s14] =	ssyncadd.s32 $0xFFFFFFF0  }
.LBB2_2:
0x26: {  	p1 =	sne.s32 s0, $0x7FC0;
	[tilespmem:s1+$0x6000] =	vst v0;
	s1 =	smov.u32 s0;
	s0 =	sadd.s32 $0x40, s0  }
.Ltmp0:
0x27: {  	(pc) =	sbr.rel @p1 .LBB2_2-.Ltmp0, $2  }
0x28: {  	_ =	sdelay $0x2  }
0x29: {  	s1 =	sshra.s32 s1, $0x2  }
0x2a: {  	[tilespmem:s1+$0x6000] =	vst v0  }
0x2b: {  	v2 =	vld [tilespmem:$0x8000];
	_ =	sdelay $0x4  }
0x2c: {  	(v2sf) =	vpush v2, $0x0  }
0x2d: {  	(v2sf) =	vpush v2, $0x1  }
0x2e: {  	(v2sf) =	vpush v2, $0x2;
	_ =	sdelay $0xc  }
0x2f: {  	v3 =	vbroadcast v2, $0x1;
	v4 =	vbroadcast v2, $0x2;
	s0 =	spop (v2sf)  }
0x30: {  	v5 =	vimm.s32 $0x0;
	s1 =	spop (v2sf)  }
0x31: {  	s23 =	simm.s32 $0x1;
	v2 =	vnsel vm0, $0x0, v2;
	v3 =	vnsel vm0, $0x0, v3;
	v0 =	vnsel vm0, $0x0, v4;
	s2 =	spop (v2sf)  }
.LBB2_4:
0x32: {  	[tilespmem:$0x1FFC0] =	vst v5  }
0x33: {  	[tilespmem:$0x1FFD0] =	vst v0  }
0x34: {  	[tilespmem:$0x1FFE0] =	vst v3  }
0x35: {  	[tilespmem:$0x1FFF0] =	vst v2;
	s5 =	simm.s32 $0x2040  }
0x36: {  	s7 =	simm.s32 $0x40;
	v8 =	vld [tilespmem:s5+$0xFFFFFFC0]  }
0x37: {  	v10 =	vld [tilespmem:s7+$0xFFFFFFC0]  }
0x38: {  	s17 =	simm.s32 $0x4040  }
0x39: {  	v11 =	vld [tilespmem:s17+$0xFFFFFFC0];
	_ =	sdelay $0x1  }
0x3a: {  	v9 =	vmov s0;
	v7 =	vmov s1  }
0x3b: {  	v12 =	vsub.f32 v8, v7;
	v10 =	vsub.f32 v10, v9  }
0x3c: {  	v8 =	vmov s2  }
0x3d: {  	s24 =	simm.s32 $0x6040;
	v11 =	vsub.f32 v11, v8;
	v12 =	vmul.f32 v12, v12;
	v10 =	vmul.f32 v10, v10  }
0x3e: {  	v14 =	vld [tilespmem:s24+$0xFFFFFFC0]  }
0x3f: {  	v11 =	vmul.f32 v11, v11;
	v10 =	vadd.f32 v12, v10;
	_ =	sdelay $0x1  }
0x40: {  	v10 =	vadd.f32 v11, v10;
	_ =	sdelay $0x1  }
0x41: {  	v12 =	vmin.f32 v14, v10  }
0x42: {  	[tilespmem:s24+$0xFFFFFFC0] =	vst v12  }
0x43: {  	v10 =	vld [tilespmem:s7+$0xFFFFFFD0]  }
0x44: {  	v11 =	vld [tilespmem:s5+$0xFFFFFFD0];
	_ =	sdelay $0x1  }
0x45: {  	v14 =	vld [tilespmem:s17+$0xFFFFFFD0];
	_ =	sdelay $0x2  }
0x46: {  	v10 =	vsub.f32 v10, v9;
	v11 =	vsub.f32 v11, v7;
	_ =	sdelay $0x1  }
0x47: {  	v14 =	vsub.f32 v14, v8;
	v10 =	vmul.f32 v10, v10;
	v11 =	vmul.f32 v11, v11  }
0x48: {  	v15 =	vld [tilespmem:s24+$0xFFFFFFD0]  }
0x49: {  	s29 =	simm.s32 $0x20C0;
	v14 =	vmul.f32 v14, v14;
	v10 =	vadd.f32 v11, v10  }
0x4a: {  	s0 =	simm.s32 $0xC0;
	v11 =	vld [tilespmem:s29+$0xFFFFFFC0]  }
0x4b: {  	v10 =	vadd.f32 v14, v10;
	v14 =	vld [tilespmem:s0+$0xFFFFFFC0]  }
0x4c: {  	s28 =	simm.s32 $0x40C0  }
0x4d: {  	v16 =	vld [tilespmem:s28+$0xFFFFFFC0];
	v17 =	vmin.f32 v15, v10  }
0x4e: {  	[tilespmem:s24+$0xFFFFFFD0] =	vst v17  }
0x4f: {  	v10 =	vld [tilespmem:s7+$0xFFFFFFE0]  }
0x50: {  	v11 =	vsub.f32 v11, v7;
	v15 =	vld [tilespmem:s5+$0xFFFFFFE0];
	v14 =	vsub.f32 v14, v9;
	_ =	sdelay $0x1  }
0x51: {  	s25 =	simm.s32 $0x60C0;
	v16 =	vsub.f32 v16, v8;
	v18 =	vld [tilespmem:s17+$0xFFFFFFE0];
	v11 =	vmul.f32 v11, v11;
	v14 =	vmul.f32 v14, v14  }
0x52: {  	v19 =	vld [tilespmem:s25+$0xFFFFFFC0]  }
0x53: {  	v16 =	vmul.f32 v16, v16;
	v11 =	vadd.f32 v11, v14  }
0x54: {  	v10 =	vsub.f32 v10, v9;
	v14 =	vsub.f32 v15, v7  }
0x55: {  	v11 =	vadd.f32 v16, v11  }
0x56: {  	v15 =	vmul.f32 v10, v10;
	v16 =	vsub.f32 v18, v8;
	v14 =	vmul.f32 v14, v14  }
0x57: {  	v18 =	vld [tilespmem:s24+$0xFFFFFFE0];
	v19 =	vmin.f32 v19, v11  }
0x58: {  	v11 =	vmul.f32 v16, v16;
	v14 =	vadd.f32 v14, v15;
	[tilespmem:s25+$0xFFFFFFC0] =	vst v19  }
0x59: {  	v15 =	vld [tilespmem:s0+$0xFFFFFFD0]  }
0x5a: {  	v11 =	vadd.f32 v11, v14;
	v16 =	vld [tilespmem:s29+$0xFFFFFFD0];
	_ =	sdelay $0x1  }
0x5b: {  	v14 =	vmin.f32 v18, v11;
	v11 =	vld [tilespmem:s28+$0xFFFFFFD0]  }
0x5c: {  	[tilespmem:s24+$0xFFFFFFE0] =	vst v14  }
0x5d: {  	v18 =	vld [tilespmem:s7+$0xFFFFFFF0]  }
0x5e: {  	v20 =	vld [tilespmem:s5+$0xFFFFFFF0];
	v15 =	vsub.f32 v15, v9;
	v16 =	vsub.f32 v16, v7  }
0x5f: {  	v21 =	vld [tilespmem:s17+$0xFFFFFFF0]  }
0x60: {  	v11 =	vsub.f32 v11, v8;
	v15 =	vmul.f32 v15, v15;
	v16 =	vmul.f32 v16, v16  }
0x61: {  	v22 =	vld [tilespmem:s25+$0xFFFFFFD0]  }
0x62: {  	v11 =	vmul.f32 v11, v11;
	v15 =	vadd.f32 v16, v15  }
0x63: {  	s31 =	simm.s32 $0x2140;
	v16 =	vsub.f32 v18, v9;
	v18 =	vsub.f32 v20, v7  }
0x64: {  	v20 =	vsub.f32 v21, v8;
	v21 =	vld [tilespmem:s31+$0xFFFFFFC0];
	v11 =	vadd.f32 v11, v15  }
0x65: {  	s1 =	simm.s32 $0x140;
	v15 =	vld [tilespmem:s24+$0xFFFFFFF0];
	v16 =	vmul.f32 v16, v16;
	v18 =	vmul.f32 v18, v18  }
0x66: {  	s30 =	simm.s32 $0x4140;
	v22 =	vmin.f32 v22, v11;
	v11 =	vld [tilespmem:s1+$0xFFFFFFC0]  }
0x67: {  	v16 =	vadd.f32 v18, v16;
	v18 =	vmul.f32 v20, v20;
	v20 =	vld [tilespmem:s30+$0xFFFFFFC0];
	[tilespmem:s25+$0xFFFFFFD0] =	vst v22  }
0x68: {  	v23 =	vld [tilespmem:s0+$0xFFFFFFE0]  }
0x69: {  	v16 =	vadd.f32 v18, v16;
	v18 =	vld [tilespmem:s29+$0xFFFFFFE0];
	_ =	sdelay $0x1  }
0x6a: {  	v24 =	vld [tilespmem:s28+$0xFFFFFFE0];
	v16 =	vmin.f32 v15, v16;
	v15 =	vsub.f32 v21, v7;
	v11 =	vsub.f32 v11, v9  }
0x6b: {  	s26 =	simm.s32 $0x6140;
	v0 =	vimm.s32 $0x0  }
0x6c: {  	s10 =	simm.s32 $0x0;
	v25 =	vld [tilespmem:s26+$0xFFFFFFC0];
	[tilespmem:s24+$0xFFFFFFF0] =	vst v16;
	v20 =	vsub.f32 v20, v8;
	v15 =	vmul.f32 v15, v15;
	v11 =	vmul.f32 v11, v11  }
0x6d: {  	s6 =	simm.s32 $0x80;
	v29 =	vor.u32 s10, v1;
	v21 =	vld [tilespmem:s7+$0x0];
	v23 =	vsub.f32 v23, v9;
	v18 =	vsub.f32 v18, v7  }
0x6e: {  	v30 =	vor.u32 s6, v1;
	v26 =	vld [tilespmem:s5+$0x0];
	v20 =	vmul.f32 v20, v20;
	v11 =	vadd.f32 v15, v11  }
0x6f: {  	s13 =	simm.s32 $0x90;
	s15 =	simm.s32 $0x100;
	v27 =	vld [tilespmem:s25+$0xFFFFFFE0];
	v24 =	vsub.f32 v24, v8;
	v23 =	vmul.f32 v23, v23;
	v18 =	vmul.f32 v18, v18  }
0x70: {  	v32 =	vor.u32 s13, v1;
	v34 =	vor.u32 s15, v1;
	v28 =	vld [tilespmem:s17+$0x0];
	v20 =	vadd.f32 v20, v11  }
0x71: {  	v15 =	vimm.f32 $-Inf;
	v24 =	vmul.f32 v24, v24;
	v18 =	vadd.f32 v18, v23  }
0x72: {  	vm4 =	vgt.f32 v12, v15;
	v21 =	vsub.f32 v21, v9;
	v20 =	vmin.f32 v25, v20  }
0x73: {  	s9 =	simm.s32 $0x50;
	v23 =	vsel vm4, v12, v15;
	v12 =	vsub.f32 v26, v7;
	v18 =	vadd.f32 v24, v18;
	v24 =	vld [tilespmem:s24+$0x0];
	[tilespmem:s26+$0xFFFFFFC0] =	vst v20  }
0x74: {  	v56 =	vor.u32 s9, v1;
	v25 =	vsel vm4, v29, v0;
	v21 =	vmul.f32 v21, v21;
	v26 =	vld [tilespmem:s1+$0xFFFFFFD0]  }
0x75: {  	s21 =	simm.s32 $0x110;
	v29 =	vmul.f32 v12, v12;
	v12 =	vmin.f32 v27, v18;
	v18 =	vld [tilespmem:s31+$0xFFFFFFD0];
	v27 =	vsub.f32 v28, v8  }
0x76: {  	v57 =	vor.u32 s21, v1;
	vm5 =	vgt.f32 v19, v23;
	vm4 =	vgt.f32 v17, v15;
	v31 =	vld [tilespmem:s30+$0xFFFFFFD0];
	[tilespmem:s25+$0xFFFFFFE0] =	vst v12  }
0x77: {  	s11 =	simm.s32 $0x10;
	v19 =	vsel vm5, v19, v23;
	v21 =	vadd.f32 v29, v21;
	v29 =	vld [tilespmem:s0+$0xFFFFFFF0];
	v27 =	vmul.f32 v27, v27  }
0x78: {  	s12 =	simm.s32 $0x30;
	v17 =	vsel vm4, v17, v15;
	v23 =	vsel vm5, v30, v25;
	v28 =	vor.u32 s11, v1;
	v25 =	vld [tilespmem:s29+$0xFFFFFFF0]  }
0x79: {  	v30 =	vor.u32 s12, v1;
	v28 =	vsel vm4, v28, v0;
	v21 =	vadd.f32 v27, v21  }
0x7a: {  	vm4 =	vgt.f32 v22, v17;
	v27 =	vld [tilespmem:s28+$0xFFFFFFF0];
	v26 =	vsub.f32 v26, v9;
	v18 =	vsub.f32 v18, v7  }
0x7b: {  	vm5 =	vgt.f32 v16, v15;
	v22 =	vsel vm4, v22, v17;
	v17 =	vmin.f32 v24, v21  }
0x7c: {  	v21 =	vld [tilespmem:s26+$0xFFFFFFD0];
	v24 =	vsub.f32 v31, v8;
	v26 =	vmul.f32 v26, v26;
	v18 =	vmul.f32 v18, v18;
	[tilespmem:s24+$0x0] =	vst v17  }
0x7d: {  	v31 =	vsel vm5, v16, v15;
	v16 =	vsub.f32 v29, v9;
	v25 =	vsub.f32 v25, v7;
	v29 =	vld [tilespmem:s5+$0x10]  }
0x7e: {  	v30 =	vsel vm5, v30, v0;
	v24 =	vmul.f32 v24, v24;
	v33 =	vld [tilespmem:s7+$0x10];
	v18 =	vadd.f32 v18, v26  }
0x7f: {  	v26 =	vsub.f32 v27, v8;
	v16 =	vmul.f32 v16, v16;
	v25 =	vmul.f32 v25, v25;
	v27 =	vld [tilespmem:s17+$0x10]  }
0x80: {  	s16 =	simm.s32 $0x20;
	v32 =	vsel vm4, v32, v28;
	vm4 =	vgt.f32 v20, v19;
	v18 =	vadd.f32 v24, v18;
	v24 =	vld [tilespmem:s25+$0xFFFFFFF0]  }
0x81: {  	s6 =	simm.s32 $0x41C0;
	v35 =	vld [tilespmem:s24+$0x10];
	v28 =	vor.u32 s16, v1;
	v16 =	vadd.f32 v25, v16;
	v25 =	vmul.f32 v26, v26  }
0x82: {  	s8 =	simm.s32 $0x21C0;
	s10 =	simm.s32 $0xB0;
	v26 =	vsel vm4, v20, v19;
	v19 =	vld [tilespmem:s6+$0xFFFFFFC0];
	v21 =	vmin.f32 v21, v18;
	v18 =	vsub.f32 v29, v7  }
0x83: {  	s9 =	simm.s32 $0x1C0;
	v29 =	vld [tilespmem:s8+$0xFFFFFFC0];
	v16 =	vadd.f32 v25, v16;
	v20 =	vsub.f32 v33, v9;
	v25 =	vor.u32 s10, v1  }
0x84: {  	v38 =	vld [tilespmem:s9+$0xFFFFFFC0];
	v33 =	vimm.s32 $0x0;
	[tilespmem:s26+$0xFFFFFFD0] =	vst v21;
	v27 =	vsub.f32 v27, v8;
	v18 =	vmul.f32 v18, v18  }
0x85: {  	s19 =	simm.s32 $0x40;
	v36 =	vld [tilespmem:s1+$0xFFFFFFE0];
	v24 =	vmin.f32 v24, v16;
	v16 =	vmul.f32 v20, v20;
	v20 =	vsel vm4, v34, v23  }
0x86: {  	v37 =	vld [tilespmem:s30+$0xFFFFFFE0];
	v23 =	vor.u32 s19, v1;
	vm4 =	vgt.f32 v17, v15;
	v27 =	vmul.f32 v27, v27;
	[tilespmem:s25+$0xFFFFFFF0] =	vst v24  }
0x87: {  	v19 =	vsub.f32 v19, v8;
	v17 =	vsel vm4, v17, v15;
	v39 =	vld [tilespmem:s0+$0x0];
	v16 =	vadd.f32 v18, v16  }
0x88: {  	v18 =	vsel vm4, v23, v0;
	vm4 =	vgt.f32 v21, v22;
	v23 =	vld [tilespmem:s31+$0xFFFFFFE0];
	v29 =	vsub.f32 v29, v7  }
0x89: {  	vm5 =	vgt.f32 v24, v31;
	v40 =	vld [tilespmem:s29+$0x0];
	v27 =	vadd.f32 v27, v16;
	v16 =	vsel vm4, v21, v22  }
0x8a: {  	v21 =	vsel vm5, v24, v31;
	v22 =	vsub.f32 v36, v9;
	v24 =	vmul.f32 v29, v29  }
0x8b: {  	s22 =	simm.s32 $0x180;
	v13 =	vld [tilespmem:s24+$0x20];
	s2 =	simm.s32 $0x61C0;
	v29 =	vsub.f32 v38, v9;
	v31 =	vsub.f32 v37, v8;
	v27 =	vmin.f32 v35, v27  }
0x8c: {  	v58 =	vld [tilespmem:s2+$0xFFFFFFC0];
	v19 =	vmul.f32 v19, v19;
	v36 =	vor.u32 s22, v1;
	v22 =	vmul.f32 v22, v22;
	[tilespmem:s24+$0x10] =	vst v27  }
0x8d: {  	v29 =	vmul.f32 v29, v29;
	v31 =	vmul.f32 v31, v31;
	v59 =	vsub.f32 v23, v7;
	v61 =	vld [tilespmem:s7+$0x20]  }
0x8e: {  	v60 =	vsub.f32 v39, v9;
	v62 =	vsub.f32 v40, v7;
	v23 =	vsel vm5, v25, v30;
	v63 =	vld [tilespmem:s5+$0x20]  }
0x8f: {  	vm5 =	vgt.f32 v27, v15;
	v41 =	vld [tilespmem:s17+$0x20];
	v29 =	vadd.f32 v24, v29;
	v30 =	vmul.f32 v59, v59  }
0x90: {  	v42 =	vld [tilespmem:s26+$0xFFFFFFE0];
	v25 =	vsel vm4, v57, v32;
	vm4 =	vgt.f32 v14, v15;
	v24 =	vsel vm5, v27, v15  }
0x91: {  	v10 =	vld [tilespmem:s25+$0x20];
	v37 =	vmul.f32 v60, v60;
	v19 =	vadd.f32 v19, v29;
	v27 =	vadd.f32 v30, v22  }
0x92: {  	v11 =	vld [tilespmem:s26+$0x20];
	v39 =	vmul.f32 v62, v62;
	v22 =	vsel vm5, v56, v0;
	v29 =	vsub.f32 v61, v9  }
0x93: {  	v35 =	vld [tilespmem:s28+$0x0];
	v38 =	vmin.f32 v58, v19;
	v27 =	vadd.f32 v31, v27;
	v30 =	vsub.f32 v63, v7  }
0x94: {  	v32 =	vld [tilespmem:s24+$0x30];
	v19 =	vimm.f32 $-Inf;
	v40 =	vsub.f32 v41, v8;
	v41 =	vmul.f32 v29, v29  }
0x95: {  	s13 =	simm.s32 $0xF0;
	s12 =	simm.s32 $0x170;
	s11 =	simm.s32 $0x1F0;
	v31 =	vld [tilespmem:s2+$0x20];
	v34 =	vmin.f32 v42, v27;
	v42 =	vadd.f32 v39, v37;
	v43 =	vmul.f32 v30, v30  }
0x96: {  	s10 =	simm.s32 $0x61C0;
	s19 =	simm.s32 $0x18;
	s22 =	simm.s32 $0x70;
	[tilespmem:s2+$0xFFFFFFC0] =	vst v38;
	v29 =	vimm.f32 $-Inf;
	v39 =	vld [tilespmem:s25+$0x0];
	v30 =	vimm.s32 $0x0;
	v27 =	vimm.s32 $0x0  }
.LBB2_5:
0x97: {  	s19 =	sadd.s32 $0x8, s19;
	vm5 =	vgt.f32 v38, v26;
	v37 =	vld [tilespmem:s2+$0xFFFFFFD0];
	v15 =	vsel vm4, v14, v15;
	v33 =	vsel vm4, v28, v33;
	v14 =	vmovc v12  }
0x98: {  	v40 =	vmul.f32 v40, v40;
	v12 =	vmovc v34;
	p1 =	slt.u32 s19, $0x1F8;
	v26 =	vsel vm5, v38, v26;
	v38 =	vld [tilespmem:s9+$0xFFFFFFD0];
	v28 =	vadd.f32 v43, v41  }
0x99: {  	s21 =	sadd.s32 $0xFFFFFFF0, s22;
	v20 =	vsel vm5, v36, v20;
	v41 =	vld [tilespmem:s8+$0xFFFFFFD0];
	v34 =	vsub.f32 v35, v8  }
0x9a: {  	s15 =	sadd.s32 $0xFFFFFFB0, s13;
	s16 =	sadd.s32 $0xFFFFFFE0, s13;
	v36 =	vor.u32 s22, v1;
	s22 =	smov.u32 s13;
	v43 =	vld [tilespmem:s6+$0xFFFFFFD0];
	[tilespmem:s26+$0xFFFFFFE0] =	vst v12;
	v35 =	vadd.f32 v40, v28;
	v40 =	vor.u32 s21, v1  }
0x9b: {  	s13 =	smov.u32 s12;
	s21 =	sadd.s32 $0xFFFFFFC0, s12;
	v28 =	vor.u32 s15, v1;
	s15 =	sadd.s32 $0xFFFFFFD0, s22;
	v44 =	vld [tilespmem:s1+$0xFFFFFFF0];
	v45 =	vmul.f32 v34, v34;
	v34 =	vor.u32 s16, v1  }
0x9c: {  	s12 =	smov.u32 s11;
	s16 =	sadd.s32 $0xFFFFFFA0, s11;
	v47 =	vor.u32 s21, v1;
	v48 =	vor.u32 s15, v1;
	v46 =	vld [tilespmem:s31+$0xFFFFFFF0];
	v49 =	vmin.f32 v13, v35;
	v13 =	vmovc v10;
	v10 =	vmovc v11  }
0x9d: {  	v35 =	vor.u32 s16, v1;
	v11 =	vmovc v31;
	v50 =	vld [tilespmem:s30+$0xFFFFFFF0];
	v42 =	vadd.f32 v45, v42;
	[tilespmem:s24+$0x20] =	vst v49;
	vm4 =	vgt.f32 v49, v29  }
0x9e: {  	v31 =	vsub.f32 v38, v9;
	v38 =	vsub.f32 v41, v7;
	v29 =	vsel vm4, v49, v29;
	v41 =	vld [tilespmem:s7+$0x30];
	s7 =	smov.u32 s0;
	s0 =	smov.u32 s1;
	s1 =	smov.u32 s9  }
0x9f: {  	v30 =	vsel vm4, v40, v30;
	v43 =	vsub.f32 v43, v8;
	v39 =	vmin.f32 v39, v42;
	v40 =	vld [tilespmem:s5+$0x30];
	s5 =	smov.u32 s29;
	s29 =	smov.u32 s31;
	s31 =	smov.u32 s8  }
0xa0: {  	v31 =	vmul.f32 v31, v31;
	v38 =	vmul.f32 v38, v38;
	v42 =	vsub.f32 v44, v9;
	[tilespmem:s25+$0x0] =	vst v39;
	v44 =	vld [tilespmem:s17+$0x30];
	s17 =	smov.u32 s28;
	s28 =	smov.u32 s30;
	s30 =	smov.u32 s6  }
0xa1: {  	vm4 =	vgt.f32 v39, v17;
	v43 =	vmul.f32 v43, v43;
	v45 =	vsub.f32 v46, v7;
	v46 =	vld [tilespmem:s5+$0x10]  }
0xa2: {  	v31 =	vadd.f32 v38, v31;
	v38 =	vsub.f32 v50, v8;
	v42 =	vmul.f32 v42, v42;
	v49 =	vld [tilespmem:s7+$0x10]  }
0xa3: {  	v17 =	vsel vm4, v39, v17;
	v45 =	vmul.f32 v45, v45;
	v39 =	vld [tilespmem:s17+$0x10];
	v41 =	vsub.f32 v41, v9  }
0xa4: {  	v18 =	vsel vm4, v48, v18;
	v31 =	vadd.f32 v43, v31;
	v43 =	vld [tilespmem:s26+$0xFFFFFFF0];
	v40 =	vsub.f32 v40, v7  }
0xa5: {  	s6 =	sadd.s32 $0x80, s6;
	v38 =	vmul.f32 v38, v38;
	v42 =	vadd.f32 v45, v42;
	v45 =	vld [tilespmem:s25+$0x10];
	v44 =	vsub.f32 v44, v8  }
0xa6: {  	s8 =	sadd.s32 $0x80, s8;
	v41 =	vmul.f32 v41, v41;
	v48 =	vld [tilespmem:s6+$0xFFFFFFC0];
	v31 =	vmin.f32 v37, v31;
	v37 =	vsub.f32 v46, v7  }
0xa7: {  	v40 =	vmul.f32 v40, v40;
	v46 =	vld [tilespmem:s8+$0xFFFFFFC0];
	[tilespmem:s2+$0xFFFFFFD0] =	vst v31;
	v38 =	vadd.f32 v38, v42;
	v42 =	vsub.f32 v49, v9  }
0xa8: {  	vm4 =	vgt.f32 v31, v16;
	v44 =	vmul.f32 v44, v44;
	v49 =	vld [tilespmem:s9+$0xFFFFFFE0];
	v39 =	vsub.f32 v39, v8  }
0xa9: {  	s9 =	sadd.s32 $0x80, s9;
	v37 =	vmul.f32 v37, v37;
	v50 =	vld [tilespmem:s30+$0xFFFFFFE0];
	v38 =	vmin.f32 v43, v38;
	v42 =	vmul.f32 v42, v42  }
0xaa: {  	v16 =	vsel vm4, v31, v16;
	v31 =	vadd.f32 v40, v41;
	v43 =	vld [tilespmem:s9+$0xFFFFFFC0];
	[tilespmem:s26+$0xFFFFFFF0] =	vst v38;
	vm5 =	vgt.f32 v38, v21  }
0xab: {  	v39 =	vmul.f32 v39, v39;
	v40 =	vsub.f32 v48, v8;
	v41 =	vld [tilespmem:s0+$0x0];
	v37 =	vadd.f32 v37, v42  }
0xac: {  	v31 =	vadd.f32 v44, v31;
	v21 =	vsel vm5, v38, v21;
	v42 =	vsub.f32 v46, v7;
	v46 =	vld [tilespmem:s31+$0xFFFFFFE0]  }
0xad: {  	v23 =	vsel vm5, v47, v23;
	v38 =	vsub.f32 v49, v9;
	v44 =	vld [tilespmem:s29+$0x0];
	v37 =	vadd.f32 v39, v37  }
0xae: {  	v31 =	vmin.f32 v32, v31;
	v40 =	vmul.f32 v40, v40;
	v39 =	vmul.f32 v42, v42  }
0xaf: {  	s2 =	sadd.s32 $0x80, s2;
	vm5 =	vgt.f32 v31, v19;
	v32 =	vmul.f32 v38, v38;
	v37 =	vmin.f32 v45, v37;
	[tilespmem:s24+$0x30] =	vst v31;
	s24 =	smov.u32 s25;
	s25 =	smov.u32 s26  }
0xb0: {  	v19 =	vsel vm5, v31, v19;
	v38 =	vsub.f32 v43, v9;
	v43 =	vsub.f32 v50, v8;
	s26 =	smov.u32 s10;
	s10 =	smov.u32 s2;
	v42 =	vld [tilespmem:s2+$0xFFFFFFC0];
	[tilespmem:s24+$0x10] =	vst v37  }
0xb1: {  	v27 =	vsel vm5, v36, v27;
	v41 =	vsub.f32 v41, v9;
	v31 =	vsub.f32 v46, v7;
	v45 =	vld [tilespmem:s7+$0x20]  }
0xb2: {  	v36 =	vmul.f32 v38, v38;
	v38 =	vmul.f32 v43, v43;
	v43 =	vsub.f32 v44, v7;
	v44 =	vld [tilespmem:s5+$0x20]  }
0xb3: {  	vm5 =	vgt.f32 v37, v24;
	v47 =	vmul.f32 v41, v41;
	v46 =	vmul.f32 v31, v31;
	v41 =	vld [tilespmem:s17+$0x20]  }
0xb4: {  	s11 =	sadd.s32 $0x80, s11;
	v24 =	vsel vm5, v37, v24;
	v36 =	vadd.f32 v39, v36;
	v39 =	vld [tilespmem:s26+$0xFFFFFFE0];
	v43 =	vmul.f32 v43, v43  }
.Ltmp1:
0xb5: {  	s15 =	sadd.s32 $0xFFFFFF90, s11;
	v25 =	vsel vm4, v35, v25;
	v22 =	vsel vm5, v34, v22;
	v31 =	vld [tilespmem:s2+$0x20];
	v32 =	vadd.f32 v46, v32;
	(pc) =	sbr.rel @p1 .LBB2_5-.Ltmp1, $4  }
0xb6: {  	v34 =	vadd.f32 v40, v36;
	v36 =	vor.u32 s15, v1;
	v37 =	vsub.f32 v45, v9  }
0xb7: {  	vm4 =	vgt.f32 v14, v15;
	v45 =	vadd.f32 v38, v32;
	v35 =	vld [tilespmem:s28+$0x0];
	v44 =	vsub.f32 v44, v7  }
0xb8: {  	v38 =	vmin.f32 v42, v34;
	v40 =	vsub.f32 v41, v8;
	v41 =	vmul.f32 v37, v37;
	v32 =	vld [tilespmem:s24+$0x30]  }
0xb9: {  	v42 =	vadd.f32 v43, v47;
	[tilespmem:s2+$0xFFFFFFC0] =	vst v38;
	v34 =	vmin.f32 v39, v45;
	v39 =	vld [tilespmem:s25+$0x0];
	v43 =	vmul.f32 v44, v44  }
0xba: {  	v37 =	vld [tilespmem:s9+$0xFFFFFFD0]  }
0xbb: {  	v44 =	vld [tilespmem:s8+$0xFFFFFFD0];
	_ =	sdelay $0x1  }
0xbc: {  	v45 =	vld [tilespmem:s6+$0xFFFFFFD0];
	_ =	sdelay $0x2  }
0xbd: {  	v37 =	vsub.f32 v37, v9;
	v44 =	vsub.f32 v44, v7;
	_ =	sdelay $0x1  }
0xbe: {  	v45 =	vsub.f32 v45, v8;
	v37 =	vmul.f32 v37, v37;
	v44 =	vmul.f32 v44, v44  }
0xbf: {  	v46 =	vld [tilespmem:s2+$0xFFFFFFD0]  }
0xc0: {  	[tilespmem:s26+$0xFFFFFFE0] =	vst v34;
	v45 =	vmul.f32 v45, v45;
	v37 =	vadd.f32 v44, v37  }
0xc1: {  	v59 =	vld [tilespmem:s1+$0xFFFFFFF0]  }
0xc2: {  	v47 =	vld [tilespmem:s31+$0xFFFFFFF0];
	v37 =	vadd.f32 v45, v37;
	_ =	sdelay $0x1  }
0xc3: {  	v60 =	vld [tilespmem:s30+$0xFFFFFFF0];
	v35 =	vsub.f32 v35, v8;
	v37 =	vmin.f32 v46, v37  }
0xc4: {  	[tilespmem:s2+$0xFFFFFFD0] =	vst v37  }
0xc5: {  	v35 =	vmul.f32 v35, v35;
	v61 =	vld [tilespmem:s9+$0xFFFFFFE0]  }
0xc6: {  	v47 =	vsub.f32 v47, v7;
	v44 =	vsub.f32 v59, v9;
	v48 =	vld [tilespmem:s8+$0xFFFFFFE0]  }
0xc7: {  	v35 =	vadd.f32 v35, v42  }
0xc8: {  	v62 =	vsub.f32 v60, v8;
	v63 =	vmul.f32 v47, v47;
	v44 =	vmul.f32 v44, v44;
	v52 =	vld [tilespmem:s6+$0xFFFFFFE0]  }
0xc9: {  	v49 =	vld [tilespmem:s26+$0xFFFFFFF0]  }
0xca: {  	v39 =	vmin.f32 v39, v35;
	v42 =	vmul.f32 v62, v62;
	v53 =	vadd.f32 v63, v44  }
0xcb: {  	[tilespmem:s25+$0x0] =	vst v39;
	v54 =	vsub.f32 v61, v9;
	v55 =	vsub.f32 v48, v7  }
0xcc: {  	v56 =	vld [tilespmem:s29+$0x10];
	v35 =	vadd.f32 v42, v53  }
0xcd: {  	v57 =	vld [tilespmem:s0+$0x10];
	v47 =	vsub.f32 v52, v8;
	v44 =	vmul.f32 v54, v54;
	v45 =	vmul.f32 v55, v55  }
0xce: {  	v58 =	vld [tilespmem:s10+$0xFFFFFFE0];
	v42 =	vmin.f32 v49, v35  }
0xcf: {  	v59 =	vld [tilespmem:s28+$0x10];
	[tilespmem:s26+$0xFFFFFFF0] =	vst v42;
	v47 =	vmul.f32 v47, v47;
	v44 =	vadd.f32 v45, v44  }
0xd0: {  	v60 =	vld [tilespmem:s1+$0x0]  }
0xd1: {  	v50 =	vld [tilespmem:s31+$0x0];
	v44 =	vadd.f32 v47, v44  }
0xd2: {  	v62 =	vld [tilespmem:s30+$0x0]  }
0xd3: {  	v46 =	vsub.f32 v56, v7;
	v35 =	vmin.f32 v58, v44  }
0xd4: {  	v61 =	vsub.f32 v57, v9;
	[tilespmem:s10+$0xFFFFFFE0] =	vst v35  }
0xd5: {  	v46 =	vmul.f32 v46, v46;
	v45 =	vsub.f32 v60, v9;
	v56 =	vld [tilespmem:s9+$0xFFFFFFF0]  }
0xd6: {  	v55 =	vsub.f32 v59, v8;
	v50 =	vsub.f32 v50, v7;
	v47 =	vmul.f32 v61, v61;
	v51 =	vld [tilespmem:s8+$0xFFFFFFF0]  }
0xd7: {  	v63 =	vld [tilespmem:s25+$0x10];
	v48 =	vsub.f32 v62, v8;
	v45 =	vmul.f32 v45, v45  }
0xd8: {  	v57 =	vmul.f32 v50, v50;
	v46 =	vadd.f32 v46, v47;
	v44 =	vmul.f32 v55, v55;
	v53 =	vld [tilespmem:s6+$0xFFFFFFF0]  }
0xd9: {  	v40 =	vmul.f32 v40, v40;
	vm5 =	vgt.f32 v38, v26;
	v41 =	vadd.f32 v43, v41;
	v58 =	vld [tilespmem:s26+$0x0]  }
0xda: {  	v60 =	vmul.f32 v48, v48;
	v59 =	vadd.f32 v57, v45;
	v44 =	vadd.f32 v44, v46  }
0xdb: {  	v5 =	vsel vm4, v14, v15;
	v61 =	vsub.f32 v56, v9;
	v62 =	vsub.f32 v51, v7  }
0xdc: {  	v41 =	vadd.f32 v40, v41;
	v40 =	vadd.f32 v60, v59;
	v50 =	vmin.f32 v63, v44  }
0xdd: {  	v49 =	vld [tilespmem:s10+$0xFFFFFFF0];
	[tilespmem:s25+$0x10] =	vst v50;
	v63 =	vsub.f32 v53, v8;
	v43 =	vmul.f32 v61, v61;
	v44 =	vmul.f32 v62, v62  }
0xde: {  	s19 =	sadd.s32 $0xFFFFFFC0, s12;
	v26 =	vsel vm5, v38, v26;
	v59 =	vmin.f32 v13, v41;
	v40 =	vmin.f32 v58, v40;
	v55 =	vld [tilespmem:s0+$0x20]  }
0xdf: {  	v57 =	vld [tilespmem:s29+$0x20];
	[tilespmem:s26+$0x0] =	vst v40;
	v56 =	vor.u32 s19, v1;
	s19 =	sadd.s32 $0xFFFFFFB0, s12;
	v51 =	vmul.f32 v63, v63;
	v44 =	vadd.f32 v44, v43  }
0xe0: {  	v20 =	vsel vm5, v36, v20;
	vm6 =	vgt.f32 v37, v16;
	[tilespmem:s24+$0x20] =	vst v59;
	v13 =	vld [tilespmem:s31+$0x10];
	v0 =	vor.u32 s19, v1  }
0xe1: {  	v16 =	vsel vm6, v37, v16;
	vm5 =	vgt.f32 v42, v21;
	v61 =	vld [tilespmem:s1+$0x10];
	[tilespmem:$0x1FFB0] =	vst v0;
	v44 =	vadd.f32 v51, v44  }
0xe2: {  	s15 =	sadd.s32 $0xFFFFFFF0, s22;
	s16 =	sadd.s32 $0xFFFFFFB0, s13;
	v2 =	vsel vm4, v28, v33;
	vm15 =	vgt.f32 v16, v26;
	v21 =	vsel vm5, v42, v21;
	v62 =	vld [tilespmem:s30+$0x10]  }
0xe3: {  	v54 =	vor.u32 s15, v1;
	v45 =	vor.u32 s16, v1;
	s16 =	sadd.s32 $0xFFFFFFF0, s13;
	v15 =	vld [tilespmem:s28+$0x20];
	v49 =	vmin.f32 v49, v44  }
0xe4: {  	v48 =	vor.u32 s22, v1;
	s22 =	sadd.s32 $0xFFFFFFA0, s11;
	v47 =	vor.u32 s16, v1;
	v14 =	vsub.f32 v55, v9;
	[tilespmem:s10+$0xFFFFFFF0] =	vst v49  }
0xe5: {  	v60 =	vor.u32 s22, v1;
	s22 =	sadd.s32 $0xFFFFFFC0, s11;
	v28 =	vsub.f32 v57, v7;
	v13 =	vsub.f32 v13, v7;
	v55 =	vld [tilespmem:s9+$0x0]  }
0xe6: {  	v41 =	vor.u32 s22, v1;
	v52 =	vmul.f32 v14, v14;
	v33 =	vsub.f32 v61, v9;
	v38 =	vld [tilespmem:s8+$0x0]  }
0xe7: {  	vm4 =	vgt.f32 v59, v29;
	v28 =	vmul.f32 v28, v28;
	v13 =	vmul.f32 v13, v13  }
0xe8: {  	v62 =	vsub.f32 v62, v8;
	v6 =	vsub.f32 v15, v8;
	v3 =	vmul.f32 v33, v33;
	v4 =	vld [tilespmem:s6+$0x0]  }
0xe9: {  	v25 =	vsel vm6, v60, v25;
	v29 =	vsel vm4, v59, v29;
	v61 =	vadd.f32 v28, v52;
	v15 =	vld [tilespmem:s26+$0x10]  }
0xea: {  	v63 =	vld [tilespmem:s7+$0x30];
	v62 =	vmul.f32 v62, v62;
	v6 =	vmul.f32 v6, v6;
	v13 =	vadd.f32 v13, v3  }
0xeb: {  	v30 =	vsel vm4, v54, v30;
	v57 =	vld [tilespmem:s5+$0x30];
	v0 =	vsub.f32 v55, v9;
	v52 =	vsub.f32 v38, v7  }
0xec: {  	vm4 =	vgt.f32 v39, v17;
	v6 =	vadd.f32 v6, v61;
	v13 =	vadd.f32 v62, v13  }
0xed: {  	v28 =	vld [tilespmem:s17+$0x30];
	v4 =	vsub.f32 v4, v8;
	v0 =	vmul.f32 v0, v0;
	v52 =	vmul.f32 v52, v52  }
0xee: {  	s21 =	sadd.s32 $0xFFFFFFD0, s13;
	vm14 =	vlt.s32 v25, v20;
	v6 =	vmin.f32 v10, v6;
	v13 =	vmin.f32 v15, v13;
	v15 =	vld [tilespmem:s10+$0x0]  }
0xef: {  	v58 =	vor.u32 s21, v1;
	[tilespmem:s25+$0x20] =	vst v6;
	v4 =	vmul.f32 v4, v4;
	v0 =	vadd.f32 v52, v0  }
0xf0: {  	s21 =	sadd.s32 $0xFFFFFFE0, s12;
	v17 =	vsel vm4, v39, v17;
	v57 =	vsub.f32 v57, v7;
	v62 =	vsub.f32 v63, v9;
	v36 =	vld [tilespmem:s0+$0x30]  }
0xf1: {  	v46 =	vor.u32 s21, v1;
	v18 =	vsel vm4, v58, v18;
	[tilespmem:s26+$0x10] =	vst v13;
	v59 =	vld [tilespmem:s29+$0x30];
	v0 =	vadd.f32 v4, v0  }
0xf2: {  	s15 =	sadd.s32 $0xFFFFFFE0, s13;
	v57 =	vmul.f32 v57, v57;
	v28 =	vsub.f32 v28, v8;
	v52 =	vmul.f32 v62, v62;
	v62 =	vld [tilespmem:s1+$0x20]  }
0xf3: {  	v53 =	vor.u32 s15, v1;
	v23 =	vsel vm5, v56, v23;
	v4 =	vld [tilespmem:s31+$0x20];
	v0 =	vmin.f32 v15, v0  }
0xf4: {  	vm5 =	vgt.f32 v50, v24;
	v63 =	vmul.f32 v28, v28;
	v52 =	vadd.f32 v57, v52;
	v15 =	vld [tilespmem:s30+$0x20];
	[tilespmem:s10+$0x0] =	vst v0  }
0xf5: {  	v24 =	vsel vm5, v50, v24;
	v22 =	vsel vm5, v53, v22;
	vm5 =	vgt.f32 v12, v5;
	v28 =	vld [tilespmem:s8+$0x10]  }
0xf6: {  	v5 =	vsel vm5, v12, v5;
	v2 =	vsel vm5, v45, v2;
	v10 =	vadd.f32 v63, v52;
	v58 =	vld [tilespmem:s9+$0x10]  }
0xf7: {  	vm5 =	vgt.f32 v40, v17;
	v36 =	vsub.f32 v36, v9;
	v50 =	vsub.f32 v59, v7;
	v63 =	vld [tilespmem:s28+$0x30]  }
0xf8: {  	v57 =	vsub.f32 v62, v9;
	v10 =	vmin.f32 v32, v10;
	v62 =	vld [tilespmem:s6+$0x10];
	v4 =	vsub.f32 v4, v7  }
0xf9: {  	v36 =	vmul.f32 v36, v36;
	v39 =	vmul.f32 v50, v50;
	vm4 =	vgt.f32 v10, v19  }
0xfa: {  	v32 =	vmul.f32 v57, v57;
	v4 =	vmul.f32 v4, v4;
	v15 =	vsub.f32 v15, v8  }
0xfb: {  	v27 =	vsel vm4, v48, v27;
	v28 =	vsub.f32 v28, v7;
	v48 =	vsub.f32 v58, v9  }
0xfc: {  	v56 =	vsub.f32 v63, v8;
	v4 =	vadd.f32 v4, v32;
	v15 =	vmul.f32 v15, v15  }
0xfd: {  	v54 =	vld [tilespmem:s10+$0x10];
	v53 =	vsub.f32 v62, v8;
	v32 =	vmul.f32 v48, v48;
	v28 =	vmul.f32 v28, v28  }
0xfe: {  	v43 =	vor.u32 s13, v1;
	v61 =	vld [tilespmem:s25+$0x30];
	v36 =	vadd.f32 v39, v36;
	v4 =	vadd.f32 v15, v4  }
0xff: {  	s15 =	sadd.s32 $0xFFFFFFD0, s12;
	v58 =	vmul.f32 v56, v56;
	v57 =	vmul.f32 v53, v53;
	v28 =	vadd.f32 v28, v32  }
0x100: {  	v17 =	vsel vm5, v40, v17;
	v51 =	vor.u32 s15, v1;
	v4 =	vmin.f32 v11, v4  }
0x101: {  	v14 =	vor.u32 s12, v1;
	v11 =	vadd.f32 v58, v36;
	[tilespmem:s26+$0x20] =	vst v4;
	v28 =	vadd.f32 v57, v28  }
0x102: {  	v18 =	vsel vm5, v51, v18;
	vm5 =	veq.f32 v16, v26;
	v19 =	vsel vm4, v10, v19;
	v60 =	vld [tilespmem:s1+$0x30]  }
0x103: {  	vm4 =	vgt.f32 v49, v21;
	v62 =	vld [tilespmem:s31+$0x30];
	v11 =	vmin.f32 v61, v11;
	v15 =	vmin.f32 v54, v28  }
0x104: {  	v21 =	vsel vm4, v49, v21;
	v23 =	vsel vm4, v41, v23;
	v45 =	vld [tilespmem:s30+$0x30];
	vm4 =	vgt.f32 v11, v19;
	[tilespmem:s10+$0x10] =	vst v15  }
0x105: {  	s16 =	sadd.s32 $0xFFFFFFF0, s12;
	v19 =	vsel vm4, v11, v19;
	v27 =	vsel vm4, v43, v27;
	vm4 =	vgt.f32 v13, v24;
	v40 =	vld [tilespmem:s9+$0x20]  }
0x106: {  	s19 =	sadd.s32 $0xFFFFFFB0, s11;
	v44 =	vor.u32 s16, v1;
	vm5 =	vmand vm5, vm14;
	v22 =	vsel vm4, v46, v22;
	v46 =	vld [tilespmem:$0x1FFB0]  }
0x107: {  	s22 =	sadd.s32 $0xFFFFFFD0, s11;
	v33 =	vor.u32 s19, v1;
	vm5 =	vmor vm15, vm5;
	vm13 =	vgt.f32 v6, v29;
	v42 =	vld [tilespmem:s8+$0x20]  }
0x108: {  	v16 =	vsel vm5, v16, v26;
	v55 =	vor.u32 s22, v1;
	v6 =	vsel vm13, v6, v29  }
0x109: {  	v63 =	vsel vm13, v47, v30;
	v13 =	vsel vm4, v13, v24;
	vm4 =	vgt.f32 v34, v5;
	v47 =	vld [tilespmem:s6+$0x20]  }
0x10a: {  	v5 =	vsel vm4, v34, v5;
	v48 =	vsub.f32 v62, v7;
	v52 =	vsub.f32 v45, v8  }
0x10b: {  	v2 =	vsel vm4, v46, v2;
	vm4 =	vgt.f32 v4, v6;
	v50 =	vsub.f32 v40, v9  }
0x10c: {  	v51 =	vsub.f32 v42, v7;
	v4 =	vsel vm4, v4, v6;
	v6 =	vsub.f32 v60, v9  }
0x10d: {  	vm9 =	vgt.f32 v35, v5;
	v12 =	vmul.f32 v48, v48;
	v29 =	vmul.f32 v50, v50  }
0x10e: {  	v53 =	vsub.f32 v47, v8;
	v30 =	vmul.f32 v51, v51;
	v6 =	vmul.f32 v6, v6  }
0x10f: {  	v56 =	vsel vm5, v25, v20;
	v5 =	vsel vm9, v35, v5;
	v34 =	vmul.f32 v52, v52  }
0x110: {  	v59 =	vld [tilespmem:s26+$0x30];
	v54 =	vadd.f32 v30, v29;
	v6 =	vadd.f32 v12, v6;
	v12 =	vmul.f32 v53, v53  }
0x111: {  	vm5 =	veq.f32 v5, v16;
	vm10 =	vgt.f32 v5, v16;
	v2 =	vsel vm9, v33, v2  }
0x112: {  	v49 =	vsel vm4, v44, v63;
	vm6 =	vlt.s32 v2, v56;
	v12 =	vadd.f32 v12, v54  }
0x113: {  	vm4 =	vgt.f32 v0, v17;
	vm5 =	vmand vm5, vm6;
	v6 =	vadd.f32 v34, v6  }
0x114: {  	v0 =	vsel vm4, v0, v17;
	vm5 =	vmor vm10, vm5;
	v12 =	vmin.f32 v31, v12  }
0x115: {  	v18 =	vsel vm4, v55, v18;
	v2 =	vsel vm5, v2, v56;
	v6 =	vmin.f32 v59, v6;
	[tilespmem:s10+$0x20] =	vst v12  }
0x116: {  	v5 =	vsel vm5, v5, v16;
	vm5 =	vlt.s32 v23, v2;
	vm4 =	vgt.f32 v6, v19;
	v58 =	vld [tilespmem:s9+$0x30]  }
0x117: {  	v59 =	vld [tilespmem:s8+$0x30];
	v19 =	vsel vm4, v6, v19;
	v14 =	vsel vm4, v14, v27;
	vm4 =	veq.f32 v21, v5  }
0x118: {  	s21 =	sadd.s32 $0xFFFFFFE0, s11;
	v60 =	vld [tilespmem:s6+$0x30];
	vm4 =	vmand vm4, vm5;
	vm5 =	vgt.f32 v21, v5  }
0x119: {  	s5 =	sadd.s32 $0xFFFFFFF0, s11;
	v3 =	vor.u32 s21, v1;
	vm11 =	vgt.f32 v15, v13;
	vm4 =	vmor vm5, vm4  }
0x11a: {  	v38 =	vor.u32 s5, v1;
	v13 =	vsel vm11, v15, v13;
	v5 =	vsel vm4, v21, v5  }
0x11b: {  	v3 =	vsel vm11, v3, v22;
	v2 =	vsel vm4, v23, v2;
	vm4 =	veq.f32 v0, v5  }
0x11c: {  	vm5 =	vlt.s32 v18, v2;
	v61 =	vsub.f32 v58, v9;
	v7 =	vsub.f32 v59, v7  }
0x11d: {  	vm12 =	vgt.f32 v0, v5;
	v62 =	vsub.f32 v60, v8;
	vm4 =	vmand vm4, vm5  }
0x11e: {  	vm4 =	vmor vm12, vm4;
	v9 =	vmul.f32 v61, v61;
	v7 =	vmul.f32 v7, v7  }
0x11f: {  	v57 =	vld [tilespmem:s10+$0x30];
	v8 =	vmul.f32 v62, v62;
	v0 =	vsel vm4, v0, v5;
	v2 =	vsel vm4, v18, v2  }
0x120: {  	vm4 =	veq.f32 v13, v0;
	vm5 =	vlt.s32 v3, v2;
	v5 =	vadd.f32 v7, v9  }
0x121: {  	vm13 =	vgt.f32 v12, v4;
	vm4 =	vmand vm4, vm5;
	vm5 =	vgt.f32 v13, v0  }
0x122: {  	v4 =	vsel vm13, v12, v4;
	vm4 =	vmor vm5, vm4;
	v5 =	vadd.f32 v8, v5  }
0x123: {  	v7 =	vsel vm13, v38, v49;
	v0 =	vsel vm4, v13, v0;
	v2 =	vsel vm4, v3, v2  }
0x124: {  	vm4 =	veq.f32 v4, v0;
	vm5 =	vlt.s32 v7, v2;
	v3 =	vmin.f32 v57, v5  }
0x125: {  	vm4 =	vmand vm4, vm5;
	vm5 =	vgt.f32 v4, v0;
	vm14 =	vgt.f32 v3, v19  }
0x126: {  	v5 =	vor.u32 s11, v1;
	vm4 =	vmor vm5, vm4;
	v63 =	vsel vm14, v3, v19  }
0x127: {  	v5 =	vsel vm14, v5, v14;
	v0 =	vsel vm4, v4, v0;
	v2 =	vsel vm4, v7, v2  }
0x128: {  	vm4 =	veq.f32 v63, v0;
	vm5 =	vlt.s32 v5, v2  }
0x129: {  	vm15 =	vgt.f32 v63, v0;
	vm4 =	vmand vm4, vm5  }
0x12a: {  	vm4 =	vmor vm15, vm4  }
0x12b: {  	v0 =	vsel vm4, v63, v0  }
0x12c: {  	(xrf0) =	vmax.scan.msk.f32 $0xffff, v0;
	_ =	sdelay $0x5  }
0x12d: {  	v4, _, _ =	vpop (xrf0)  }
0x12e: {  	v4 =	vbroadcast v4, $0xF  }
0x12f: {  	v2 =	vsel vm4, v5, v2  }
0x130: {  	vm4 =	veq.f32 v0, v4;
	v0 =	vxor.u32 $0x80000000, v2  }
0x131: {  	v0 =	vnsel vm4, $0xFFFFFFFF, v0  }
0x132: {  	(xrf0) =	vmin.scan.msk.u32 $0xffff, v0;
	_ =	sdelay $0x5  }
0x133: {  	v0, _, _ =	vpop (xrf0)  }
0x134: {  	(v2sf) =	vpush v0, $0xF;
	_ =	sdelay $0xe  }
0x135: {  	s6 =	spop (v2sf)  }
0x136: {  	s0 =	sxor.u32 $0x80000000, s6  }
0x137: {  	v0 =	vmov s0  }
0x138: {  	[tilespmem:s24+$0x30] =	vst v10  }
0x139: {  	[tilespmem:s25+$0x30] =	vst v11  }
0x13a: {  	[tilespmem:s26+$0x30] =	vst v6  }
0x13b: {  	s7 =	simm.s32 $0x4000;
	[tilespmem:s10+$0x30] =	vst v3  }
0x13c: {  	s8 =	simm.s32 $0x2000;
	v2 =	vld.idx.msk [tilespmem:v0+s7+$0x0], $0xffff  }
0x13d: {  	v3 =	vld.idx.msk [tilespmem:v0+s8+$0x0], $0xffff  }
0x13e: {  	v0 =	vld.idx.msk [tilespmem:v0+s4+$0x0], $0xffff;
	_ =	sdelay $0x2  }
0x13f: {  	v2 =	vbroadcast v2, $0x0  }
0x140: {  	v3 =	vbroadcast v3, $0x0  }
0x141: {  	s0 =	sadd.s32 s3, s0;
	v0 =	vbroadcast v0, $0x0;
	v2 =	vnsel vm1, $0x0, v2  }
0x142: {  	s0 =	scvt.s32.f32 s0;
	v2 =	vsel vm2, v2, v3  }
0x143: {  	s9 =	sshll.u32 s23, $0x8;
	vm4 =	veq.s32 v1, $0x1;
	v0 =	vsel vm3, v2, v0  }
0x144: {  	s11 =	rddreg [dreg:$0x4];
	s10 =	sand.u32 $0x100, s9;
	v0 =	vsel vm4, s0, v0  }
0x145: {  	s0 =	sadd.s32 s10, s11;
	v0 =	vsel vm0, v4, v0  }
0x146: {  	s12 =	simm.s32 $0x8010;
	s1 =	sadd.s32 s18, s0;
	[tilespmem:$0x8010] =	vst v0  }
0x147: {  	[spmem:s1] =	stream.linear.scatter [tilespmem:s12], [sflag:$0x1], $0x10, $0x38;
	[tilespmem:$0xA080] =	vst v63  }
0x148: {  	_ =	swait.ge [sflag:s14], $0x10  }
0x149: {  	[sflag:s14] =	ssyncset.done $0x0  }
0x14a: {  	[sflag:s14] =	ssyncadd.s32 $0xFFFFFFF0  }
0x14b: {  	s13 =	simm.s32 $0x8020;
	s0 =	sadd.s32 s20, s0;
	[bflag:$0x0] =	sbarrier.arrive $0xFFFF  }
0x14c: {  	[tilespmem:s13], [sflag:$0x1] =	stream.linear.gather [spmem:s0], $0x40, $0x38;
	[tilespmem:$0xA080] =	vst v63  }
0x14d: {  	_ =	swait.ge [sflag:s14], $0x40  }
0x14e: {  	[sflag:s14] =	ssyncset.done $0x0  }
0x14f: {  	[sflag:s14] =	ssyncadd.s32 $0xFFFFFFC0  }
0x150: {  	v0 =	vld [tilespmem:$0x8020]  }
0x151: {  	v2 =	vld [tilespmem:$0x8030];
	_ =	sdelay $0x3  }
0x152: {  	(v2sf) =	vpush v0, $0x0  }
0x153: {  	(v2sf) =	vpush v2, $0x0  }
0x154: {  	(v2sf) =	vpush v0, $0x1  }
0x155: {  	(v2sf) =	vpush v2, $0x1;
	_ =	sdelay $0xb  }
0x156: {  	s15 =	spop (v2sf)  }
0x157: {  	s16 =	spop (v2sf)  }
0x158: {  	s17 =	spop (v2sf)  }
0x159: {  	s19 =	spop (v2sf)  }
0x15a: {  	p1 =	slt.f32 s19, s17  }
0x15b: {  	v3 =	vld [tilespmem:$0x8040];
	p2 =	seq.f32 s16, s15  }
0x15c: {  	p3 =	sgt.f32 s16, s15;
	v4 =	vpsel p1, v2, v0  }
0x15d: {  	v0 =	vpsel p2, v4, v0  }
0x15e: {  	v0 =	vpsel p3, v2, v0  }
0x15f: {  	(v2sf) =	vpush v0, $0x0  }
0x160: {  	(v2sf) =	vpush v3, $0x0  }
0x161: {  	(v2sf) =	vpush v0, $0x1  }
0x162: {  	(v2sf) =	vpush v3, $0x1;
	_ =	sdelay $0xb  }
0x163: {  	s21 =	spop (v2sf)  }
0x164: {  	s22 =	spop (v2sf)  }
0x165: {  	s24 =	spop (v2sf)  }
0x166: {  	s25 =	spop (v2sf)  }
0x167: {  	p4 =	slt.f32 s25, s24  }
0x168: {  	v2 =	vld [tilespmem:$0x8050];
	p5 =	seq.f32 s22, s21  }
0x169: {  	p6 =	sgt.f32 s22, s21;
	v4 =	vpsel p4, v3, v0  }
0x16a: {  	v0 =	vpsel p5, v4, v0  }
0x16b: {  	v0 =	vpsel p6, v3, v0  }
0x16c: {  	(v2sf) =	vpush v0, $0x0  }
0x16d: {  	(v2sf) =	vpush v2, $0x0  }
0x16e: {  	(v2sf) =	vpush v0, $0x1  }
0x16f: {  	(v2sf) =	vpush v2, $0x1;
	_ =	sdelay $0xb  }
0x170: {  	s26 =	spop (v2sf)  }
0x171: {  	s28 =	spop (v2sf)  }
0x172: {  	s29 =	spop (v2sf)  }
0x173: {  	s30 =	spop (v2sf)  }
0x174: {  	p4 =	slt.f32 s30, s29  }
0x175: {  	p5 =	seq.f32 s28, s26  }
0x176: {  	p6 =	sgt.f32 s28, s26;
	v3 =	vpsel p4, v2, v0  }
0x177: {  	v0 =	vpsel p5, v3, v0  }
0x178: {  	v0 =	vpsel p6, v2, v0  }
0x179: {  	(v2sf) =	vpush v0, $0x1;
	_ =	sdelay $0x2  }
0x17a: {  	v4 =	vld [tilespmem:$0x1FFF0];
	(v2sf) =	vpush v0, $0x2  }
0x17b: {  	s1 =	sand.u32 $0xF, s23;
	(v2sf) =	vpush v0, $0x3  }
0x17c: {  	v2 =	vmov s1;
	(v2sf) =	vpush v0, $0x4  }
0x17d: {  	vm4 =	veq.s32 v2, v1;
	v2 =	vbroadcast v0, $0x2;
	_ =	sdelay $0x1  }
0x17e: {  	v2 =	vsel vm4, v2, v4;
	v4 =	vld [tilespmem:$0x1FFE0];
	_ =	sdelay $0x2  }
0x17f: {  	v3 =	vbroadcast v0, $0x3  }
0x180: {  	v5 =	vld [tilespmem:$0x1FFC0];
	p1 =	sne.s32 @!p0 s1, $0xF  }
0x181: {  	p1 =	por p1, p0;
	v3 =	vsel vm4, v3, v4;
	v4 =	vld [tilespmem:$0x1FFD0]  }
0x182: {  	s2 =	sand.u32 @!p1 $0x7F0, s23;
	s23 =	sadd.s32 $0x1, s23  }
0x183: {  	p2 =	sne.s32 s23, $0x800;
	s31 =	spop (v2sf)  }
.Ltmp2:
0x184: {  	v0 =	vbroadcast v0, $0x4;
	s0 =	scvt.f32.s32 s31;
	(pc) =	sbr.rel @p2 .LBB2_4-.Ltmp2, $4  }
0x185: {  	[tilespmem:s2+$0x8860] =	vst @!p1 v2  }
0x186: {  	[tilespmem:s2+$0x9060] =	vst @!p1 v3;
	v0 =	vsel vm4, v0, v4;
	v5 =	vsel vm4, s0, v5;
	s0 =	spop (v2sf)  }
0x187: {  	[tilespmem:s2+$0x9860] =	vst @!p1 v0;
	s1 =	spop (v2sf)  }
0x188: {  	[tilespmem:s2+$0x8060] =	vst @!p1 v5;
	s2 =	spop (v2sf)  }
0x189: {  	s0 =	simm.s32 @!p0 $0x0;
	s1 =	simm.s32 @!p0 $0x8060;
	s2 =	rddreg [dreg:$0xa]  }
0x18a: {  	[hbm4b:s2+s0] =	stream.linear.scatter @!p0 [tilespmem:s1], [sflag:$0x1], $0x800, $0x38;
	[tilespmem:$0xA080] =	vst v63  }
0x18b: {  	s1 =	simm.s32 @!p0 $0x1  }
0x18c: {  	_ =	swait.ge @!p0 [sflag:s1], $0x800  }
0x18d: {  	[sflag:s1] =	ssyncset.done @!p0 $0x0  }
0x18e: {  	s2 =	simm.s32 @!p0 $0x8860;
	s5 =	rddreg [dreg:$0xb];
	[sflag:s1] =	ssyncadd.s32 @!p0 $0xFFFFF800  }
0x18f: {  	[hbm4b:s5+s0] =	stream.linear.scatter @!p0 [tilespmem:s2], [sflag:$0x1], $0x800, $0x38;
	[tilespmem:$0xA080] =	vst v63  }
0x190: {  	_ =	swait.ge @!p0 [sflag:s1], $0x800  }
0x191: {  	[sflag:s1] =	ssyncset.done @!p0 $0x0  }
0x192: {  	s2 =	simm.s32 @!p0 $0x9060;
	s5 =	rddreg [dreg:$0xc];
	[sflag:s1] =	ssyncadd.s32 @!p0 $0xFFFFF800  }
0x193: {  	[hbm4b:s5+s0] =	stream.linear.scatter @!p0 [tilespmem:s2], [sflag:$0x1], $0x800, $0x38;
	[tilespmem:$0xA080] =	vst v63  }
0x194: {  	_ =	swait.ge @!p0 [sflag:s1], $0x800  }
0x195: {  	[sflag:s1] =	ssyncset.done @!p0 $0x0  }
0x196: {  	s2 =	simm.s32 @!p0 $0x9860;
	s5 =	rddreg [dreg:$0xd];
	[sflag:s1] =	ssyncadd.s32 @!p0 $0xFFFFF800  }
0x197: {  	[hbm4b:s5+s0] =	stream.linear.scatter @!p0 [tilespmem:s2], [sflag:$0x1], $0x800, $0x38;
	[tilespmem:$0xA080] =	vst v63  }
0x198: {  	_ =	swait.ge @!p0 [sflag:s1], $0x800  }
0x199: {  	s30 =	rddreg [dreg:$0xf]  }
0x19a: {  	s31 =	rddreg [dreg:$0xe];
	s2 =	sadd.s32 $0x1, s30  }
0x19b: {  	p1 =	sne.s32 s2, s31  }
.Ltmp3:
0x19c: {  	_ = 	snop;
	(pc) =	sbr.rel @p1 .LBB2_1-.Ltmp3, $3  }
0x19d: {  	_ =	sdelay $0x1  }
0x19e: {  	[sflag:s1] =	ssyncset.done @!p0 $0x0  }
0x19f: {  	v0 =	vimm.f32 $+Inf;
	[sflag:s1] =	ssyncadd.s32 @!p0 $0xFFFFF800  }
0x1a0: {  	_ =	sfence.sel $0x180000  }
0x1a1: {  	[bflag:$0x0] =	sbarrier.arrive $0xFFFF  }
0x1a2: {  	_ =	strace $0x9000004A  }
0x1a3: {  	s0 =	stileid.u32;
	[bflag:$0x2] =	sbarrier.arrive $0xFFFF  }
0x1a4: {  	p0 =	sne.s32 s0, $0x0;
	s0 =	rddreg [dreg:$0x5]  }
0x1a5: {  	s0 =	sadd.s32 @!p0 $0x100000, s0  }
0x1a6: {  	[sflag:s0] =	ssyncadd.tile.s32 @!p0 $0x1;
	_ =	shalt  }
.Lfunc_end2:
_tile_overlayer_lowered:
.L_overlay_start_2:
0x1a7: {  	(tag) =	ssettag $0x2  }
0x1a8: {  	s0 =	rddreg [dreg:$0x0];
	s2 =	stileid.u32  }
0x1a9: {  	s1 =	rddreg [dreg:$0x1];
	p0 =	sne.s32 s2, $0x0  }
0x1aa: {  	s3 =	rddreg [dreg:$0x2];
	[bflag:$0x3] =	sbarrier.arrive $0xFFFF;
	s2 =	simm.s32 @!p0 $0x1C01  }
0x1ab: {  	[timem:s3], [sflag:s2] =	dma.local @!p0 [hbm:s0], s1  }
0x1ac: {  	s0 =	simm.s32 @!p0 $0x1  }
0x1ad: {  	_ =	swait.ge @!p0 [sflag:s0], s1  }
0x1ae: {  	s1 =	ssub.s32 @!p0 $0x0, s1;
	[sflag:s0] =	ssyncset.done @!p0 $0x0  }
0x1af: {  	[sflag:s0] =	ssyncadd.s32 @!p0 s1  }
0x1b0: {  	[bflag:$0x3] =	sbarrier.arrive $0xFFFF  }
0x1b1: {  	_ =	shalt  }

// kernel: sparse-core-data-format-call.cloned.1.call-start
scs
called_computation_lowered:
.L_overlay_start_0:
0x0: {  	s1 =	sld [smem:$0x3FD9]  }
0x1: {  	s2 =	sld [smem:$0x3FFE];
	_ =	sdelay $0x1  }
0x2: {  	s3 =	srdreg.scid  }
0x3: {  	s0 =	sand.u32 $0x1, s3  }
0x4: {  	s17 =	sshll.u32 s0, $0xA;
	s1 =	sadd.s32 s2, s1  }
0x5: {  	s1 =	sadd.s32 s1, s17  }
0x6: {  	[smem:$0x3FC6] =	sst s1  }
0x7: {  	_ = 	snop  }
0x8: {  	(tm) =	ssettm $0x1  }
0x9: {  	s18 =	sld [smem:$0x3FFB];
	_ =	sdelay $0x3  }
0xa: {  	_ =	strace s18  }
0xb: {  	s1 =	sld [smem:$0x3FFC];
	_ =	sdelay $0x3  }
0xc: {  	_ =	strace s1  }
0xd: {  	s1 =	sld [smem:$0x3FFD];
	_ =	sdelay $0x3  }
0xe: {  	_ =	strace s1  }
0xf: {  	_ =	strace $0x8FFFFFFF  }
0x10: {  	s19 =	sld [smem:$0x3FDB];
	_ =	sdelay $0x1  }
0x11: {  	s20 =	simm.s32 $_scs_section_size  }
0x12: {  	s4 =	simm.s32 $_size__tile_overlayer_lowered;
	s5 =	simm.s32 $_tile_overlayer_lowered  }
0x13: {  	s23 =	simm.s32 $0x1BFF;
	s22 =	sshll.u32 s5, $0x1;
	s1 =	sadd.s32 s20, s19  }
0x14: {  	s6 =	simm.s32 $0x0;
	s21 =	sshll.u32 s4, $0x1;
	s4 =	sadd.s32 s22, s1  }
0x15: {  	[timem:s6], [sflag:s23] =	dma.local [hbm:s4], s21  }
0x16: {  	_ =	swait.ge [sflag:s23], s21  }
0x17: {  	s2 =	ssub.s32 $0x0, s21;
	[sflag:s23] =	ssyncset.done $0x0  }
0x18: {  	[sflag:s23] =	ssyncadd.s32 s2;
	_ =	sdelay $0x1  }
0x19: {  	s24 =	simm.s32 $0x1B8B  }
0x1a: {  	_ =	swait.ge [sflag:s24], $0x1  }
0x1b: {  	[sflag:s24] =	ssyncset.done $0x0  }
0x1c: {  	s26 =	simm.s32 $0x1B8E;
	s25 =	sld [smem:$0x3FFE];
	[sflag:s24] =	ssyncadd.s32 $0xFFFFFFFF  }
0x1d: {  	s27 =	simm.s32 $execute0_lowered;
	[smem:$0x3FD2] =	sst s26  }
0x1e: {  	s4 =	sshll.u32 s27, $0x1;
	_ =	strace $0x80000046;
	[dreg:$0x1] =	wrdreg $0xFFFFFFFF  }
0x1f: {  	s28 =	simm.s32 $_size_execute0_lowered;
	s1 =	sadd.s32 s1, s4;
	[dreg:$0x0] =	wrdreg $0x0  }
0x20: {  	s4 =	sshll.u32 s28, $0x1;
	[dreg:$0x2] =	wrdreg s1  }
0x21: {  	[dreg:$0x3] =	wrdreg s4  }
0x22: {  	[dreg:$0x4] =	wrdreg $0xC0  }
0x23: {  	_ =	task [dreg:s6], $0x5FFFF  }
0x24: {  	[dreg:$0x1] =	wrdreg $0xFFFFFFFF  }
0x25: {  	[dreg:$0x0] =	wrdreg $0x60  }
0x26: {  	[dreg:$0x2] =	wrdreg s25  }
0x27: {  	[dreg:$0x3] =	wrdreg $0x9  }
0x28: {  	_ =	task.clear_ibuf [dreg:s6], $0x4FFFF;
	_ =	strace $0x90000046  }
0x29: {  	s29 =	simm.s32 $0x9;
	_ =	strace $0x80000048  }
0x2a: {  	_ =	swait.ge [sflag:s29], $0x1  }
0x2b: {  	[sflag:s29] =	ssyncadd.s32 $0xFFFFFFFF  }
0x2c: {  	_ =	strace $0x90000048  }
0x2d: {  	_ =	sfence  }
0x2e: {  	s30 =	sld [smem:$0x0];
	_ =	sdelay $0x2  }
0x2f: {  	s31 =	sshll.u32 s3, $0xD;
	s3 =	sshrl.u32 s3, $0x2  }
0x30: {  	s2 =	sand.u32 $0x4000, s31;
	s1 =	sadd.s32 s3, s30  }
0x31: {  	s0 =	sor.u32 s2, s0;
	s1 =	sshll.u32 s1, $0x11  }
0x32: {  	s0 =	sor.u32 s1, s0  }
0x33: {  	s0 =	sadd.s32 $0x8F2B, s0  }
0x34: {  	[sflag:s0] =	ssyncadd.remote.s32 $0x1  }
0x35: {  	_ =	sfence.sel $0xFFFF  }
0x36: {  	[dreg:$0x0] =	wrdreg $0xFFFFFFFF;
	(pc) =	sbr.abs _section_cstart, $3  }
0x37: {  	[dreg:$0x1] =	wrdreg $0xFFFFFFFF  }
0x38: {  	_ =	task.clear_ibuf [dreg:s6], $0x2FFFF;
	_ =	strace $0x9FFFFFFF  }
0x39: {  	(tm) =	ssettm $0x7FFFFFFF  }
tec
execute0_lowered:
.L_overlay_start_1:
0x0: {  	(tag) =	ssettag $0x1  }
0x1: {  	s1 =	rddreg [dreg:$0x0]  }
0x2: {  	s0 =	rddreg [dreg:$0x1]  }
0x3: {  	_ =	strace $0x80000047;
	s4 =	srdreg.scid;
	s6 =	simm.s32 $0x2  }
0x4: {  	s11 =	simm.s32 $0x0;
	p0 =	por $0x0, $0x0;
	s7 =	simm.s32 $0x40000  }
.Ltmp0:
0x5: {  	s12 =	simm.s32 $0x0;
	s10 =	simm.s32 $0x0;
	(pc) =	sbr.rel .LBB1_1-.Ltmp0, $4  }
0x6: {  	s2 =	sadd.s32 $0x2000, s1;
	s3 =	sadd.s32 $0x402000, s1;
	s5 =	sshll.u32 s4, $0x4  }
0x7: {  	s1 =	stileid.u32;
	s4 =	simm.s32 $0x1;
	s5 =	sand.u32 $0x10, s5  }
0x8: {  	s8 =	simm.s32 $0x0;
	[sflag:s4] =	ssyncpa.u1 $0x0;
	s5 =	sor.u32 s1, s5  }
0x9: {  	[sflag:s6] =	ssyncpa.u1 $0x0;
	s6 =	simm.s32 $0x10;
	s9 =	smov.u32 s5  }
.LBB1_7:
0xa: {  	s13 =	sadd.s32 $0x20, s9  }
0xb: {  	s11 =	sadd.s32 $0x8, s10;
	s15 =	smov.u32 s10;
	p2 =	sgt.s32 s13, $0x7FF  }
0xc: {  	p1 =	slt.u32 s8, $0x2;
	s15 =	smov.u32 @p2 s11  }
0xd: {  	s8 =	sadd.s32 $0x1, s8;
	s13 =	smov.u32 @p2 s5;
	p2 =	sgt.s32 s15, $0x7  }
0xe: {  	s15 =	simm.s32 @p2 $0x0;
	p2 =	sne.s32 s8, $0x42  }
.Ltmp1:
0xf: {  	_ = 	snop;
	(pc) =	sbr.rel @!p2 .LBB1_8-.Ltmp1, $4  }
0x10: {  	s14 =	simm.s32 @!p1 $0x2  }
0x11: {  	s12 =	smov.u32 s10;
	_ =	swait.ge @!p1 [sflag:s14], $0x4000  }
0x12: {  	p0 =	por !p0, !p0;
	s11 =	smov.u32 s9;
	[sflag:s14] =	ssyncset.done @!p1 $0x0  }
0x13: {  	s9 =	smov.u32 s13;
	[sflag:s14] =	ssyncadd.s32 @!p1 $0xFFFFC000;
	s10 =	smov.u32 s15  }
.LBB1_1:
0x14: {  	p1 =	sgt.u32 s8, $0x3F  }
0x15: {  	s13 =	sxor.u32 @!p1 $0xFFFFFFFF, s8;
	s14 =	sshll.u32 @!p1 s10, $0x13;
	s15 =	sshll.u32 @!p1 s9, $0x8  }
0x16: {  	s16 =	simm.s32 @!p1 $0x400000;
	s13 =	sshll.u32 @!p1 s13, $0xE;
	s14 =	sadd.s32 @!p1 s2, s14  }
0x17: {  	s13 =	sand.u32 @!p1 $0x4000, s13;
	s14 =	sadd.s32 @!p1 s15, s14;
	s15 =	simm.s32 @!p1 $0x800  }
0x18: {  	[tilespmem:s13], [sflag:$0x1] =	stream.strided.gather @!p1 [hbm4b:s14+s15], $0x4000, s16, s15, $0x38;
	[tilespmem:$0x10800] =	vst v63  }
0x19: {  	p1 =	seq.s32 s8, $0x0  }
0x1a: {  	p2 =	seq.s32 @!p1 s8, $0x41  }
0x1b: {  	p1 =	por p1, p2  }
.Ltmp2:
0x1c: {  	_ = 	snop;
	(pc) =	sbr.rel @p1 .LBB1_7-.Ltmp2, $1  }
0x1d: {  	_ =	sdelay $0x3  }
0x1e: {  	s14 =	simm.s32 $0x1;
	s15 =	sand.u32 $0x1, s8  }
0x1f: {  	_ =	swait.ge [sflag:s4], $0x4000;
	s14 =	simm.s32 @!p0 $0x0;
	s16 =	smul.u32 $0x11000, s15  }
0x20: {  	[sflag:s4] =	ssyncset.done $0x0;
	s13 =	smul.u32 $0x11000, s14  }
0x21: {  	s14 =	sshll.u32 s14, $0xE;
	[sflag:s4] =	ssyncadd.s32 $0xFFFFC000  }
0x22: {  	s15 =	sor.u32 $0x40, s14;
	s31 =	sshrl.u32 s16, $0x2;
	s13 =	sshrl.u32 s13, $0x2  }
0x23: {  	s16 =	simm.s32 $0x0;
	s14 =	sor.u32 $0x8000, s31;
	s13 =	sor.u32 $0x8000, s13  }
.LBB1_3:
0x24: {  	v0 =	vld [tilespmem:s15+$0x30]  }
0x25: {  	v1 =	vld [tilespmem:s15+$0xFFFFFFD0]  }
0x26: {  	v5 =	vld [tilespmem:s15+$0xFFFFFFE0]  }
0x27: {  	v6 =	vld [tilespmem:s15+$0xFFFFFFF0]  }
0x28: {  	s17 =	sadd.s32 $0x0, s13;
	v2 =	vld [tilespmem:s15+$0x0]  }
0x29: {  	v3 =	vld [tilespmem:s15+$0x10];
	[tilespmem:s17+$0x770 ss:$0x11] =	vst.msk $0xffff, v0  }
0x2a: {  	v4 =	vld [tilespmem:s15+$0x20];
	[tilespmem:s17+$0x110 ss:$0x11] =	vst.msk $0xffff, v1  }
0x2b: {  	s18 =	sadd.s32 $0x80, s15;
	v0 =	vld [tilespmem:s15+$0xFFFFFFC0];
	[tilespmem:s17+$0x220 ss:$0x11] =	vst.msk $0xffff, v5  }
0x2c: {  	s19 =	simm.s32 $0x4;
	s20 =	simm.s32 $0x8;
	v1 =	vld [tilespmem:s18+$0x30];
	[tilespmem:s17+$0x330 ss:$0x11] =	vst.msk $0xffff, v6  }
.LBB1_4:
0x2d: {  	p1 =	sne.s32 s20, $0x3C;
	v5 =	vld [tilespmem:s18+$0xFFFFFFD0];
	[tilespmem:s17+$0x440 ss:$0x11] =	vst.msk $0xffff, v2  }
0x2e: {  	v6 =	vld [tilespmem:s18+$0xFFFFFFE0];
	[tilespmem:s17+$0x550 ss:$0x11] =	vst.msk $0xffff, v3  }
0x2f: {  	s21 =	sshra.s32 s19, $0x2;
	s19 =	smov.u32 s20;
	v7 =	vld [tilespmem:s18+$0xFFFFFFF0];
	[tilespmem:s17+$0x660 ss:$0x11] =	vst.msk $0xffff, v4  }
.Ltmp3:
0x30: {  	v2 =	vld [tilespmem:s18+$0x0];
	[tilespmem:s17+$0x0 ss:$0x11] =	vst.msk $0xffff, v0;
	s17 =	sadd.s32 s21, s13;
	(pc) =	sbr.rel @p1 .LBB1_4-.Ltmp3, $4  }
0x31: {  	v3 =	vld [tilespmem:s18+$0x10];
	[tilespmem:s17+$0x770 ss:$0x11] =	vst.msk $0xffff, v1  }
0x32: {  	[tilespmem:s17+$0x110 ss:$0x11] =	vst.msk $0xffff, v5;
	v4 =	vld [tilespmem:s18+$0x20]  }
0x33: {  	v0 =	vld [tilespmem:s18+$0xFFFFFFC0];
	[tilespmem:s17+$0x220 ss:$0x11] =	vst.msk $0xffff, v6;
	s18 =	sadd.s32 $0x80, s18  }
0x34: {  	s20 =	sadd.s32 $0x4, s20;
	v1 =	vld [tilespmem:s18+$0x30];
	[tilespmem:s17+$0x330 ss:$0x11] =	vst.msk $0xffff, v7  }
0x35: {  	v5 =	vld [tilespmem:s18+$0xFFFFFFD0];
	[tilespmem:s17+$0x440 ss:$0x11] =	vst.msk $0xffff, v2  }
0x36: {  	v58 =	vld [tilespmem:s18+$0xFFFFFFE0];
	[tilespmem:s17+$0x550 ss:$0x11] =	vst.msk $0xffff, v3  }
0x37: {  	s19 =	sshra.s32 s19, $0x2;
	v59 =	vld [tilespmem:s18+$0xFFFFFFF0];
	[tilespmem:s17+$0x660 ss:$0x11] =	vst.msk $0xffff, v4  }
0x38: {  	v60 =	vld [tilespmem:s18+$0x0];
	s19 =	sadd.s32 s19, s13;
	[tilespmem:s17+$0x0 ss:$0x11] =	vst.msk $0xffff, v0  }
0x39: {  	v61 =	vld [tilespmem:s18+$0x10];
	[tilespmem:s19+$0x770 ss:$0x11] =	vst.msk $0xffff, v1  }
0x3a: {  	v62 =	vld [tilespmem:s18+$0x20];
	s16 =	sadd.s32 $0x1, s16;
	[tilespmem:s19+$0x110 ss:$0x11] =	vst.msk $0xffff, v5  }
0x3b: {  	v63 =	vld [tilespmem:s18+$0xFFFFFFC0];
	p1 =	sne.s32 s16, $0x8;
	[tilespmem:s19+$0x220 ss:$0x11] =	vst.msk $0xffff, v58  }
.Ltmp4:
0x3c: {  	[tilespmem:s19+$0x330 ss:$0x11] =	vst.msk $0xffff, v59;
	(pc) =	sbr.rel @p1 .LBB1_3-.Ltmp4, $4  }
0x3d: {  	[tilespmem:s19+$0x440 ss:$0x11] =	vst.msk $0xffff, v60  }
0x3e: {  	[tilespmem:s19+$0x550 ss:$0x11] =	vst.msk $0xffff, v61  }
0x3f: {  	[tilespmem:s19+$0x660 ss:$0x11] =	vst.msk $0xffff, v62  }
0x40: {  	s15 =	sadd.s32 $0x800, s15;
	s13 =	sadd.s32 $0x880, s13;
	[tilespmem:s19+$0x0 ss:$0x11] =	vst.msk $0xffff, v63  }
.Ltmp5:
0x41: {  	(pc) =	sbr.rel .LBB1_7-.Ltmp5, $4  }
0x42: {  	s12 =	sshll.u32 s12, $0x16;
	s11 =	sshll.u32 s11, $0x4  }
0x43: {  	s11 =	sand.u32 $0x7FF0, s11;
	s12 =	sadd.s32 s3, s12  }
0x44: {  	s11 =	sadd.s32 s11, s12  }
0x45: {  	[hbm4b:s11+s6] =	stream.strided.scatter [tilespmem:s14], [sflag:$0x2], $0x4000, s7, s6, $0x8;
	[tilespmem:$0x10800] =	vst v63  }
.LBB1_8:
0x46: {  	_ =	sfence.sel $0x180000  }
0x47: {  	s2 =	simm.s32 $0x1;
	[bflag:$0x0] =	sbarrier.arrive $0xFFFF  }
0x48: {  	s31 =	simm.s32 $0x2;
	[sflag:s2] =	ssyncpa.u1 $0x1  }
0x49: {  	[sflag:s31] =	ssyncpa.u1 $0x1  }
0x4a: {  	p0 =	sne.s32 s1, $0x0;
	_ =	strace $0x90000047  }
0x4b: {  	s0 =	sadd.s32 @!p0 $0x100000, s0;
	[bflag:$0x2] =	sbarrier.arrive $0xFFFF  }
0x4c: {  	[sflag:s0] =	ssyncadd.tile.s32 @!p0 $0x1;
	_ =	shalt  }
.Lfunc_end1:
_tile_overlayer_lowered:
.L_overlay_start_2:
0x4d: {  	(tag) =	ssettag $0x2  }
0x4e: {  	s0 =	rddreg [dreg:$0x0];
	s2 =	stileid.u32  }
0x4f: {  	s1 =	rddreg [dreg:$0x1];
	p0 =	sne.s32 s2, $0x0  }
0x50: {  	s3 =	rddreg [dreg:$0x2];
	[bflag:$0x3] =	sbarrier.arrive $0xFFFF;
	s2 =	simm.s32 @!p0 $0x1C01  }
0x51: {  	[timem:s3], [sflag:s2] =	dma.local @!p0 [hbm:s0], s1  }
0x52: {  	s0 =	simm.s32 @!p0 $0x1  }
0x53: {  	_ =	swait.ge @!p0 [sflag:s0], s1  }
0x54: {  	s1 =	ssub.s32 @!p0 $0x0, s1;
	[sflag:s0] =	ssyncset.done @!p0 $0x0  }
0x55: {  	[sflag:s0] =	ssyncadd.s32 @!p0 s1  }
0x56: {  	[bflag:$0x3] =	sbarrier.arrive $0xFFFF  }
0x57: {  	_ =	shalt  }

</sc_bundles>
